<compile_context>
chip_gen: v7x
topology: tpu7x:2x2x1
jax: 0.10.2.dev20260603
libtpu: 0.0.44.dev20260713+nightly
codegen_flags: <defaults>
</compile_context>

<pallas_src>
import functools

import jax
import jax.numpy as jnp
from jax import lax
from jax.experimental import pallas as pl
from jax.experimental.pallas import tpu as pltpu
from jax.experimental.pallas import tpu_sc as plsc

_EMB = 64
_NEIGH = 30
_NP = 32
_NC, _NS = 2, 16
_NW = _NC * _NS
_CHUNK = 128
_GROUP = 2
_GR = _GROUP * _CHUNK


def _sc_gather(cat_table, rel_idx, ent_idx, n_rows):
    rows_per_w = n_rows // _NW
    chunks_per_w = rows_per_w // _CHUNK
    n_groups = chunks_per_w // _GROUP
    mesh = plsc.VectorSubcoreMesh(core_axis_name="c", subcore_axis_name="s")
    out_t = [jax.ShapeDtypeStruct((n_rows, 2 * _EMB), jnp.float32)] * 2

    @functools.partial(
        pl.kernel,
        out_type=out_t,
        mesh=mesh,
        scratch_types=[
            pltpu.VMEM((chunks_per_w, _CHUNK), jnp.int32),
            pltpu.VMEM((2 * _GR, 2 * _EMB), jnp.float32),
            pltpu.SemaphoreType.DMA,
            pltpu.SemaphoreType.DMA,
        ],
    )
    def gather_k(tab_hbm, rel_hbm, ent_hbm, o_rel, o_ent, idx_v, rows_v, gsem, wsem):
        wid = lax.axis_index("s") * _NC + lax.axis_index("c")
        base = wid * rows_per_w

        def fire(g, half):
            return [
                pltpu.async_copy(
                    tab_hbm.at[idx_v.at[g * _GROUP + j]],
                    rows_v.at[pl.ds(half + j * _CHUNK, _CHUNK)],
                    gsem,
                )
                for j in range(_GROUP)
            ]

        phase = wid * (n_groups // _NW)

        def rot(t):
            return lax.rem(phase + t, n_groups)

        for idx_hbm, out in ((rel_hbm, o_rel), (ent_hbm, o_ent)):
            pltpu.sync_copy(idx_hbm.at[wid], idx_v)
            for t in (0, 1):
                half = t * _GR
                g = rot(t)
                for h in fire(g, half):
                    h.wait()
                pltpu.async_copy(rows_v.at[pl.ds(half, _GR)],
                                 out.at[pl.ds(base + g * _GR, _GR)], wsem)

            def gbody(t, _):
                half = (t % 2) * _GR
                src = rows_v.at[pl.ds(half, _GR)]
                pltpu.make_async_copy(
                    src, out.at[pl.ds(base + rot(t - 2) * _GR, _GR)], wsem).wait()
                for h in fire(rot(t), half):
                    h.wait()
                pltpu.async_copy(src, out.at[pl.ds(base + rot(t) * _GR, _GR)], wsem)
                return 0

            lax.fori_loop(2, n_groups, gbody, 0)
            for t in (n_groups - 2, n_groups - 1):
                half = (t % 2) * _GR
                pltpu.make_async_copy(
                    rows_v.at[pl.ds(half, _GR)],
                    out.at[pl.ds(base + rot(t) * _GR, _GR)], wsem).wait()

    return gather_k(cat_table, rel_idx, ent_idx)


def _attn_body(catr_ref, cate_ref, p_ref, q_ref, bcat_ref, ucm_ref, ucv_ref,
               ubm_ref, ubv_ref, om_ref, ov_ref, *, bb):
    n = bb * _NP
    d2 = 2 * _EMB
    cate = cate_ref[...]
    h = jnp.tanh(
        jnp.dot(catr_ref[...], p_ref[...],
                preferred_element_type=jnp.float32)
        + jnp.dot(cate, q_ref[...], preferred_element_type=jnp.float32)
        + bcat_ref[...])
    h3 = h.reshape(bb, _NP, d2)
    lm = jnp.sum(h3 * ucm_ref[...].reshape(1, 1, d2), axis=-1) + ubm_ref[0, 0]
    lv = jnp.sum(h3 * ucv_ref[...].reshape(1, 1, d2), axis=-1) + ubv_ref[0, 0]
    pad = lax.broadcasted_iota(jnp.int32, (bb, _NP), 1) >= _NEIGH
    lm = jnp.where(pad, -1e30, lm)
    lv = jnp.where(pad, -1e30, lv)
    am = jnp.exp(lm - jnp.max(lm, axis=-1, keepdims=True))
    am = am / jnp.sum(am, axis=-1, keepdims=True)
    av = jnp.exp(lv - jnp.max(lv, axis=-1, keepdims=True))
    av = av / jnp.sum(av, axis=-1, keepdims=True)
    e3 = cate.reshape(bb, _NP, d2)[:, :, :_EMB]
    om_ref[...] = jnp.tanh(jnp.sum(am[:, :, None] * e3, axis=1))
    ov_ref[...] = jnp.tanh(jnp.sum(av[:, :, None] * e3, axis=1))


def _tc_attn(catr, cate, Wm, bm, um, ubm, Wv, bv, uv, ubv, b):
    bb = 256
    grid = (b // bb,)
    d2 = 2 * _EMB
    z = jnp.zeros((_EMB, _EMB), jnp.float32)
    p = jnp.concatenate(
        [jnp.concatenate([Wm[:_EMB], z], axis=1),
         jnp.concatenate([z, Wv[:_EMB]], axis=1)], axis=0)
    q = jnp.concatenate(
        [jnp.concatenate([Wm[_EMB:], z], axis=1),
         jnp.concatenate([z, Wv[_EMB:]], axis=1)], axis=0)
    bcat = jnp.concatenate([bm, bv]).reshape(1, d2)
    zu = jnp.zeros((_EMB,), jnp.float32)
    ucm = jnp.concatenate([um[:, 0], zu]).reshape(1, d2)
    ucv = jnp.concatenate([zu, uv[:, 0]]).reshape(1, d2)

    row_spec = pl.BlockSpec((bb * _NP, d2), lambda i: (i, 0))
    full = lambda shape: pl.BlockSpec(shape, lambda i: (0,) * len(shape))
    out_spec = pl.BlockSpec((bb, _EMB), lambda i: (i, 0))
    return pl.pallas_call(
        functools.partial(_attn_body, bb=bb),
        grid=grid,
        in_specs=[row_spec, row_spec,
                  full((d2, d2)), full((d2, d2)), full((1, d2)),
                  full((1, d2)), full((1, d2)),
                  full((1, 1)), full((1, 1))],
        out_specs=[out_spec, out_spec],
        out_shape=[jax.ShapeDtypeStruct((b, _EMB), jnp.float32)] * 2,
    )(catr, cate, p, q, bcat, ucm, ucv,
      ubm.reshape(1, 1), ubv.reshape(1, 1))


def kernel(connections, num_neighbors, emb_mean, emb_var,
           Wm, bm, um, ubm, Wv, bv, uv, ubv):
    b = connections.shape[0]
    cat_table = jnp.concatenate([emb_mean, emb_var], axis=1)
    padded = jnp.pad(connections[:, :, :2], ((0, 0), (0, _NP - _NEIGH), (0, 0)),
                     mode="edge")
    n_slabs = 4
    bs = b // n_slabs
    n_rows = bs * _NP
    chunks_per_w = n_rows // (_NW * _CHUNK)
    outs = []
    for s in range(n_slabs):
        pad_s = padded[s * bs:(s + 1) * bs]
        rel = pad_s[:, :, 0].reshape(_NW, chunks_per_w, _CHUNK)
        ent = pad_s[:, :, 1].reshape(_NW, chunks_per_w, _CHUNK)
        catr, cate = _sc_gather(cat_table, rel, ent, n_rows)
        outs.append(_tc_attn(catr, cate, Wm, bm, um, ubm, Wv, bv, uv, ubv, bs))
    return (jnp.concatenate([o[0] for o in outs]),
            jnp.concatenate([o[1] for o in outs]))

# --- scband reference (transcript-rebuilt; emitter-appended) ---
"""Pipeline reference for scband-gmucp-51754355916881 (READ-ONLY COPY).

The authoritative reference and input builder live on the scoring server;
editing this copy changes nothing except your own understanding.
"""

import jax, jax.numpy as jnp
import numpy as np

EMB_DIM = 64
NUM_SYMBOLS = 100000
B = 16384
NEIGH = 30


def setup_inputs(seed: int = 0) -> dict:
    key = jax.random.key(seed)
    ks = jax.random.split(key, 12)
    connections = jax.random.randint(ks[0], (B, NEIGH, 3), 0, NUM_SYMBOLS, dtype=jnp.int32)
    num_neighbors = jnp.ones((B,), dtype=jnp.float32)
    emb_mean = jax.random.normal(ks[1], (NUM_SYMBOLS + 1, EMB_DIM), dtype=jnp.float32) * 0.02
    emb_mean = emb_mean.at[NUM_SYMBOLS].set(0.0)  # padding_idx row
    emb_var = jax.random.normal(ks[2], (NUM_SYMBOLS + 1, EMB_DIM), dtype=jnp.float32) * 0.02
    emb_var = emb_var.at[NUM_SYMBOLS].set(0.0)
    Wm = jax.random.normal(ks[3], (2 * EMB_DIM, EMB_DIM), dtype=jnp.float32) * (1.0 / np.sqrt(2 * EMB_DIM))
    bm = jnp.zeros((EMB_DIM,), dtype=jnp.float32)
    um = jax.random.normal(ks[4], (EMB_DIM, 1), dtype=jnp.float32) * (1.0 / np.sqrt(EMB_DIM))
    ubm = jnp.zeros((1,), dtype=jnp.float32)
    Wv = jax.random.normal(ks[5], (2 * EMB_DIM, EMB_DIM), dtype=jnp.float32) * (1.0 / np.sqrt(2 * EMB_DIM))
    bv = jnp.zeros((EMB_DIM,), dtype=jnp.float32)
    uv = jax.random.normal(ks[6], (EMB_DIM, 1), dtype=jnp.float32) * (1.0 / np.sqrt(EMB_DIM))
    ubv = jnp.zeros((1,), dtype=jnp.float32)
    return {"connections": connections, "num_neighbors": num_neighbors,
            "emb_mean": emb_mean, "emb_var": emb_var,
            "Wm": Wm, "bm": bm, "um": um, "ubm": ubm,
            "Wv": Wv, "bv": bv, "uv": uv, "ubv": ubv}


def reference(connections, num_neighbors, emb_mean, emb_var, Wm, bm, um, ubm, Wv, bv, uv, ubv):
    # GMUCp.neighbor_encoder (eval mode: dropout = identity)
    relations = connections[:, :, 0]
    entities = connections[:, :, 1]
    # gathers from symbol embedding tables
    rel_embeds_mean = jnp.take(emb_mean, relations, axis=0)  # (B, 30, d)
    ent_embeds_mean = jnp.take(emb_mean, entities, axis=0)
    concat_mean = jnp.concatenate([rel_embeds_mean, ent_embeds_mean], axis=-1)  # (B, 30, 2d)
    rel_embeds_var = jnp.take(emb_var, relations, axis=0)
    ent_embeds_var = jnp.take(emb_var, entities, axis=0)
    concat_var = jnp.concatenate([rel_embeds_var, ent_embeds_var], axis=-1)
    # mean branch attention
    out_mean = jnp.tanh(concat_mean @ Wm + bm)  # (B, 30, d)
    att_w_mean = out_mean @ um + ubm            # (B, 30, 1)
    att_w_mean = jax.nn.softmax(att_w_mean, axis=1).reshape(B, 1, NEIGH)
    out_mean = jnp.einsum('bij,bjd->bid', att_w_mean, ent_embeds_mean).reshape(B, EMB_DIM)
    # var branch attention (note: original code bmm's with ent_embeds_MEAN)
    out_var = jnp.tanh(concat_var @ Wv + bv)
    att_w_var = out_var @ uv + ubv
    att_w_var = jax.nn.softmax(att_w_var, axis=1).reshape(B, 1, NEIGH)
    out_var = jnp.einsum('bij,bjd->bid', att_w_var, ent_embeds_mean).reshape(B, EMB_DIM)
    return (jnp.tanh(out_mean), jnp.tanh(out_var))

if __name__ == "__main__":
    import jax
    _d = setup_inputs()
    print(jax.jit(kernel)(*tuple(_d.values())))

</pallas_src>

<mosaic_0001>
#map = affine_map<(d0, d1) -> (0, 0)>
#map1 = affine_map<(d0, d1) -> (0, 0, 0)>
module attributes {stable_mosaic.version = 14 : i64} {
  func.func @gather_k(%arg0: i32, %arg1: i32, %arg2: memref<100001x128xf32, #tpu.memory_space<hbm>>, %arg3: memref<32x32x128xi32, #tpu.memory_space<hbm>>, %arg4: memref<32x32x128xi32, #tpu.memory_space<hbm>>, %arg5: memref<131072x128xf32, #tpu.memory_space<hbm>>, %arg6: memref<131072x128xf32, #tpu.memory_space<hbm>>, %arg7: memref<32x128xi32, #tpu.memory_space<vmem>>, %arg8: memref<512x128xf32, #tpu.memory_space<vmem>>, %arg9: memref<!tpu.dma_semaphore, #tpu.memory_space<semaphore_mem>>, %arg10: memref<!tpu.dma_semaphore, #tpu.memory_space<semaphore_mem>>) attributes {dimension_semantics = [#tpu.dimension_semantics<core_parallel>, #tpu.dimension_semantics<subcore_parallel>], iteration_bounds = array<i64: 2, 16>, scalar_prefetch = 0 : i64, scratch_operands = 4 : i64, tpu.core_type = #tpu.core_type<sc_vector_subcore>, window_params = [{transform_indices = #map}, {transform_indices = #map1}, {transform_indices = #map1}, {transform_indices = #map}, {transform_indices = #map}]} {
    %mul3A = arith.constant 2 : i32
    %mul3A_0 = arith.muli %arg1, %mul3A : i32
    %add3A = arith.addi %mul3A_0, %arg0 : i32
    %mul3A_1 = arith.constant 4096 : i32
    %mul3A_2 = arith.muli %add3A, %mul3A_1 : i32
    %mul3A_3 = arith.constant 0 : i32
    %mul3A_4 = arith.muli %add3A, %mul3A_3 : i32
    "tpu.region"() ({
      %run_scoped3A = tpu.sem_alloc : memref<!tpu.dma_semaphore, #tpu.memory_space<semaphore_mem>>
      %dma_start3A_327 = arith.constant 0 : i32
      %dma_start3A_328 = arith.constant 0 : i32
      %dma_start3A_329 = tpu.memref_slice %arg3[%add3A, %dma_start3A_327, %dma_start3A_328] : memref<32x32x128xi32, #tpu.memory_space<hbm>> -> memref<1x32x128xi32, #tpu.memory_space<hbm>>
      %dma_start3A_330 = tpu.memref_squeeze %dma_start3A_329 : memref<1x32x128xi32, #tpu.memory_space<hbm>> -> memref<32x128xi32, #tpu.memory_space<hbm>>
      %dma_start3A_331 = arith.constant 0 : i32
      %dma_start3A_332 = arith.constant 0 : i32
      %dma_start3A_333 = tpu.memref_slice %arg3[%add3A, %dma_start3A_331, %dma_start3A_332] : memref<32x32x128xi32, #tpu.memory_space<hbm>> -> memref<1x32x128xi32, #tpu.memory_space<hbm>>
      %dma_start3A_334 = tpu.memref_squeeze %dma_start3A_333 : memref<1x32x128xi32, #tpu.memory_space<hbm>> -> memref<32x128xi32, #tpu.memory_space<hbm>>
      tpu.enqueue_dma source(%dma_start3A_334 : memref<32x128xi32, #tpu.memory_space<hbm>>) target(%arg7 : memref<32x128xi32, #tpu.memory_space<vmem>>) target_semaphore(%run_scoped3A : memref<!tpu.dma_semaphore, #tpu.memory_space<semaphore_mem>>)
      %dma_wait3A_335 = arith.constant 0 : i32
      %dma_wait3A_336 = arith.constant 0 : i32
      %dma_wait3A_337 = tpu.memref_slice %arg3[%add3A, %dma_wait3A_335, %dma_wait3A_336] : memref<32x32x128xi32, #tpu.memory_space<hbm>> -> memref<1x32x128xi32, #tpu.memory_space<hbm>>
      %dma_wait3A_338 = tpu.memref_squeeze %dma_wait3A_337 : memref<1x32x128xi32, #tpu.memory_space<hbm>> -> memref<32x128xi32, #tpu.memory_space<hbm>>
      %dma_wait3A_339 = arith.constant 0 : i32
      %dma_wait3A_340 = arith.constant 0 : i32
      %dma_wait3A_341 = tpu.memref_slice %arg3[%add3A, %dma_wait3A_339, %dma_wait3A_340] : memref<32x32x128xi32, #tpu.memory_space<hbm>> -> memref<1x32x128xi32, #tpu.memory_space<hbm>>
      %dma_wait3A_342 = tpu.memref_squeeze %dma_wait3A_341 : memref<1x32x128xi32, #tpu.memory_space<hbm>> -> memref<32x128xi32, #tpu.memory_space<hbm>>
      tpu.wait_dma2 semaphore(%run_scoped3A : memref<!tpu.dma_semaphore, #tpu.memory_space<semaphore_mem>>) src(%dma_wait3A_342 : memref<32x128xi32, #tpu.memory_space<hbm>>) dst(%arg7 : memref<32x128xi32, #tpu.memory_space<vmem>>)
      tpu.yield
    }) : () -> ()
    %add3A_5 = arith.constant 0 : i32
    %add3A_6 = arith.addi %mul3A_4, %add3A_5 : i32
    %rem3A = arith.constant 16 : i32
    %rem3A_7 = arith.remsi %add3A_6, %rem3A : i32
    %mul3A_8 = arith.constant 2 : i32
    %mul3A_9 = arith.muli %rem3A_7, %mul3A_8 : i32
    %add3A_10 = arith.constant 0 : i32
    %add3A_11 = arith.addi %mul3A_9, %add3A_10 : i32
    %dma_start3A = arith.constant 0 : i32
    %dma_start3A_12 = arith.constant 0 : i32
    %dma_start3A_13 = tpu.memref_slice %arg8[%dma_start3A, %dma_start3A_12] : memref<512x128xf32, #tpu.memory_space<vmem>> -> memref<128x128xf32, #tpu.memory_space<vmem>>
    %dma_start3A_14 = arith.constant 0 : i32
    %dma_start3A_15 = tpu.memref_slice %arg7[%add3A_11, %dma_start3A_14] : memref<32x128xi32, #tpu.memory_space<vmem>> -> memref<1x128xi32, #tpu.memory_space<vmem>>
    %dma_start3A_16 = tpu.memref_squeeze %dma_start3A_15 : memref<1x128xi32, #tpu.memory_space<vmem>> -> memref<128xi32, #tpu.memory_space<vmem>>
    %dma_start3A_17 = arith.constant 0 : i32
    %dma_start3A_18 = arith.constant 0 : i32
    %dma_start3A_19 = tpu.memref_slice %arg2[%dma_start3A_17, %dma_start3A_18] : memref<100001x128xf32, #tpu.memory_space<hbm>> -> memref<100001x128xf32, #tpu.memory_space<hbm>>
    tpu.enqueue_indirect_dma source(%dma_start3A_19 : memref<100001x128xf32, #tpu.memory_space<hbm>>) target(%dma_start3A_13 : memref<128x128xf32, #tpu.memory_space<vmem>>) offsets(%dma_start3A_16 : memref<128xi32, #tpu.memory_space<vmem>>) semaphore(%arg9 : memref<!tpu.dma_semaphore, #tpu.memory_space<semaphore_mem>>)
    %mul3A_20 = arith.constant 2 : i32
    %mul3A_21 = arith.muli %rem3A_7, %mul3A_20 : i32
    %add3A_22 = arith.constant 1 : i32
    %add3A_23 = arith.addi %mul3A_21, %add3A_22 : i32
    %dma_start3A_24 = arith.constant 128 : i32
    %dma_start3A_25 = arith.constant 0 : i32
    %dma_start3A_26 = tpu.memref_slice %arg8[%dma_start3A_24, %dma_start3A_25] : memref<512x128xf32, #tpu.memory_space<vmem>> -> memref<128x128xf32, #tpu.memory_space<vmem>>
    %dma_start3A_27 = arith.constant 0 : i32
    %dma_start3A_28 = tpu.memref_slice %arg7[%add3A_23, %dma_start3A_27] : memref<32x128xi32, #tpu.memory_space<vmem>> -> memref<1x128xi32, #tpu.memory_space<vmem>>
    %dma_start3A_29 = tpu.memref_squeeze %dma_start3A_28 : memref<1x128xi32, #tpu.memory_space<vmem>> -> memref<128xi32, #tpu.memory_space<vmem>>
    %dma_start3A_30 = arith.constant 0 : i32
    %dma_start3A_31 = arith.constant 0 : i32
    %dma_start3A_32 = tpu.memref_slice %arg2[%dma_start3A_30, %dma_start3A_31] : memref<100001x128xf32, #tpu.memory_space<hbm>> -> memref<100001x128xf32, #tpu.memory_space<hbm>>
    tpu.enqueue_indirect_dma source(%dma_start3A_32 : memref<100001x128xf32, #tpu.memory_space<hbm>>) target(%dma_start3A_26 : memref<128x128xf32, #tpu.memory_space<vmem>>) offsets(%dma_start3A_29 : memref<128xi32, #tpu.memory_space<vmem>>) semaphore(%arg9 : memref<!tpu.dma_semaphore, #tpu.memory_space<semaphore_mem>>)
    %dma_wait3A = arith.constant 0 : i32
    %dma_wait3A_33 = arith.constant 0 : i32
    %dma_wait3A_34 = tpu.memref_slice %arg8[%dma_wait3A, %dma_wait3A_33] : memref<512x128xf32, #tpu.memory_space<vmem>> -> memref<128x128xf32, #tpu.memory_space<vmem>>
    %dma_wait3A_35 = arith.constant 0 : i32
    %dma_wait3A_36 = tpu.memref_slice %arg7[%add3A_11, %dma_wait3A_35] : memref<32x128xi32, #tpu.memory_space<vmem>> -> memref<1x128xi32, #tpu.memory_space<vmem>>
    %dma_wait3A_37 = tpu.memref_squeeze %dma_wait3A_36 : memref<1x128xi32, #tpu.memory_space<vmem>> -> memref<128xi32, #tpu.memory_space<vmem>>
    %dma_wait3A_38 = arith.constant 0 : i32
    %dma_wait3A_39 = arith.constant 0 : i32
    %dma_wait3A_40 = tpu.memref_slice %arg2[%dma_wait3A_38, %dma_wait3A_39] : memref<100001x128xf32, #tpu.memory_space<hbm>> -> memref<100001x128xf32, #tpu.memory_space<hbm>>
    tpu.wait_indirect_dma semaphore(%arg9 : memref<!tpu.dma_semaphore, #tpu.memory_space<semaphore_mem>>) src(%dma_wait3A_40 : memref<100001x128xf32, #tpu.memory_space<hbm>>) dst(%dma_wait3A_34 : memref<128x128xf32, #tpu.memory_space<vmem>>)
    %dma_wait3A_41 = arith.constant 128 : i32
    %dma_wait3A_42 = arith.constant 0 : i32
    %dma_wait3A_43 = tpu.memref_slice %arg8[%dma_wait3A_41, %dma_wait3A_42] : memref<512x128xf32, #tpu.memory_space<vmem>> -> memref<128x128xf32, #tpu.memory_space<vmem>>
    %dma_wait3A_44 = arith.constant 0 : i32
    %dma_wait3A_45 = tpu.memref_slice %arg7[%add3A_23, %dma_wait3A_44] : memref<32x128xi32, #tpu.memory_space<vmem>> -> memref<1x128xi32, #tpu.memory_space<vmem>>
    %dma_wait3A_46 = tpu.memref_squeeze %dma_wait3A_45 : memref<1x128xi32, #tpu.memory_space<vmem>> -> memref<128xi32, #tpu.memory_space<vmem>>
    %dma_wait3A_47 = arith.constant 0 : i32
    %dma_wait3A_48 = arith.constant 0 : i32
    %dma_wait3A_49 = tpu.memref_slice %arg2[%dma_wait3A_47, %dma_wait3A_48] : memref<100001x128xf32, #tpu.memory_space<hbm>> -> memref<100001x128xf32, #tpu.memory_space<hbm>>
    tpu.wait_indirect_dma semaphore(%arg9 : memref<!tpu.dma_semaphore, #tpu.memory_space<semaphore_mem>>) src(%dma_wait3A_49 : memref<100001x128xf32, #tpu.memory_space<hbm>>) dst(%dma_wait3A_43 : memref<128x128xf32, #tpu.memory_space<vmem>>)
    %mul3A_50 = arith.constant 256 : i32
    %mul3A_51 = arith.muli %rem3A_7, %mul3A_50 : i32
    %add3A_52 = arith.addi %mul3A_2, %mul3A_51 : i32
    %dma_start3A_53 = arith.constant 0 : i32
    %dma_start3A_54 = arith.constant 0 : i32
    %dma_start3A_55 = tpu.memref_slice %arg8[%dma_start3A_53, %dma_start3A_54] : memref<512x128xf32, #tpu.memory_space<vmem>> -> memref<256x128xf32, #tpu.memory_space<vmem>>
    %dma_start3A_56 = arith.constant 0 : i32
    %dma_start3A_57 = tpu.memref_slice %arg5[%add3A_52, %dma_start3A_56] : memref<131072x128xf32, #tpu.memory_space<hbm>> -> memref<256x128xf32, #tpu.memory_space<hbm>>
    %dma_start3A_58 = arith.constant 0 : i32
    %dma_start3A_59 = tpu.memref_slice %arg5[%add3A_52, %dma_start3A_58] : memref<131072x128xf32, #tpu.memory_space<hbm>> -> memref<256x128xf32, #tpu.memory_space<hbm>>
    %dma_start3A_60 = arith.constant 0 : i32
    %dma_start3A_61 = arith.constant 0 : i32
    %dma_start3A_62 = tpu.memref_slice %arg8[%dma_start3A_60, %dma_start3A_61] : memref<512x128xf32, #tpu.memory_space<vmem>> -> memref<256x128xf32, #tpu.memory_space<vmem>>
    tpu.enqueue_dma source(%dma_start3A_62 : memref<256x128xf32, #tpu.memory_space<vmem>>) target(%dma_start3A_59 : memref<256x128xf32, #tpu.memory_space<hbm>>) target_semaphore(%arg10 : memref<!tpu.dma_semaphore, #tpu.memory_space<semaphore_mem>>)
    %add3A_63 = arith.constant 1 : i32
    %add3A_64 = arith.addi %mul3A_4, %add3A_63 : i32
    %rem3A_65 = arith.constant 16 : i32
    %rem3A_66 = arith.remsi %add3A_64, %rem3A_65 : i32
    %mul3A_67 = arith.constant 2 : i32
    %mul3A_68 = arith.muli %rem3A_66, %mul3A_67 : i32
    %add3A_69 = arith.constant 0 : i32
    %add3A_70 = arith.addi %mul3A_68, %add3A_69 : i32
    %dma_start3A_71 = arith.constant 256 : i32
    %dma_start3A_72 = arith.constant 0 : i32
    %dma_start3A_73 = tpu.memref_slice %arg8[%dma_start3A_71, %dma_start3A_72] : memref<512x128xf32, #tpu.memory_space<vmem>> -> memref<128x128xf32, #tpu.memory_space<vmem>>
    %dma_start3A_74 = arith.constant 0 : i32
    %dma_start3A_75 = tpu.memref_slice %arg7[%add3A_70, %dma_start3A_74] : memref<32x128xi32, #tpu.memory_space<vmem>> -> memref<1x128xi32, #tpu.memory_space<vmem>>
    %dma_start3A_76 = tpu.memref_squeeze %dma_start3A_75 : memref<1x128xi32, #tpu.memory_space<vmem>> -> memref<128xi32, #tpu.memory_space<vmem>>
    %dma_start3A_77 = arith.constant 0 : i32
    %dma_start3A_78 = arith.constant 0 : i32
    %dma_start3A_79 = tpu.memref_slice %arg2[%dma_start3A_77, %dma_start3A_78] : memref<100001x128xf32, #tpu.memory_space<hbm>> -> memref<100001x128xf32, #tpu.memory_space<hbm>>
    tpu.enqueue_indirect_dma source(%dma_start3A_79 : memref<100001x128xf32, #tpu.memory_space<hbm>>) target(%dma_start3A_73 : memref<128x128xf32, #tpu.memory_space<vmem>>) offsets(%dma_start3A_76 : memref<128xi32, #tpu.memory_space<vmem>>) semaphore(%arg9 : memref<!tpu.dma_semaphore, #tpu.memory_space<semaphore_mem>>)
    %mul3A_80 = arith.constant 2 : i32
    %mul3A_81 = arith.muli %rem3A_66, %mul3A_80 : i32
    %add3A_82 = arith.constant 1 : i32
    %add3A_83 = arith.addi %mul3A_81, %add3A_82 : i32
    %dma_start3A_84 = arith.constant 384 : i32
    %dma_start3A_85 = arith.constant 0 : i32
    %dma_start3A_86 = tpu.memref_slice %arg8[%dma_start3A_84, %dma_start3A_85] : memref<512x128xf32, #tpu.memory_space<vmem>> -> memref<128x128xf32, #tpu.memory_space<vmem>>
    %dma_start3A_87 = arith.constant 0 : i32
    %dma_start3A_88 = tpu.memref_slice %arg7[%add3A_83, %dma_start3A_87] : memref<32x128xi32, #tpu.memory_space<vmem>> -> memref<1x128xi32, #tpu.memory_space<vmem>>
    %dma_start3A_89 = tpu.memref_squeeze %dma_start3A_88 : memref<1x128xi32, #tpu.memory_space<vmem>> -> memref<128xi32, #tpu.memory_space<vmem>>
    %dma_start3A_90 = arith.constant 0 : i32
    %dma_start3A_91 = arith.constant 0 : i32
    %dma_start3A_92 = tpu.memref_slice %arg2[%dma_start3A_90, %dma_start3A_91] : memref<100001x128xf32, #tpu.memory_space<hbm>> -> memref<100001x128xf32, #tpu.memory_space<hbm>>
    tpu.enqueue_indirect_dma source(%dma_start3A_92 : memref<100001x128xf32, #tpu.memory_space<hbm>>) target(%dma_start3A_86 : memref<128x128xf32, #tpu.memory_space<vmem>>) offsets(%dma_start3A_89 : memref<128xi32, #tpu.memory_space<vmem>>) semaphore(%arg9 : memref<!tpu.dma_semaphore, #tpu.memory_space<semaphore_mem>>)
    %dma_wait3A_93 = arith.constant 256 : i32
    %dma_wait3A_94 = arith.constant 0 : i32
    %dma_wait3A_95 = tpu.memref_slice %arg8[%dma_wait3A_93, %dma_wait3A_94] : memref<512x128xf32, #tpu.memory_space<vmem>> -> memref<128x128xf32, #tpu.memory_space<vmem>>
    %dma_wait3A_96 = arith.constant 0 : i32
    %dma_wait3A_97 = tpu.memref_slice %arg7[%add3A_70, %dma_wait3A_96] : memref<32x128xi32, #tpu.memory_space<vmem>> -> memref<1x128xi32, #tpu.memory_space<vmem>>
    %dma_wait3A_98 = tpu.memref_squeeze %dma_wait3A_97 : memref<1x128xi32, #tpu.memory_space<vmem>> -> memref<128xi32, #tpu.memory_space<vmem>>
    %dma_wait3A_99 = arith.constant 0 : i32
    %dma_wait3A_100 = arith.constant 0 : i32
    %dma_wait3A_101 = tpu.memref_slice %arg2[%dma_wait3A_99, %dma_wait3A_100] : memref<100001x128xf32, #tpu.memory_space<hbm>> -> memref<100001x128xf32, #tpu.memory_space<hbm>>
    tpu.wait_indirect_dma semaphore(%arg9 : memref<!tpu.dma_semaphore, #tpu.memory_space<semaphore_mem>>) src(%dma_wait3A_101 : memref<100001x128xf32, #tpu.memory_space<hbm>>) dst(%dma_wait3A_95 : memref<128x128xf32, #tpu.memory_space<vmem>>)
    %dma_wait3A_102 = arith.constant 384 : i32
    %dma_wait3A_103 = arith.constant 0 : i32
    %dma_wait3A_104 = tpu.memref_slice %arg8[%dma_wait3A_102, %dma_wait3A_103] : memref<512x128xf32, #tpu.memory_space<vmem>> -> memref<128x128xf32, #tpu.memory_space<vmem>>
    %dma_wait3A_105 = arith.constant 0 : i32
    %dma_wait3A_106 = tpu.memref_slice %arg7[%add3A_83, %dma_wait3A_105] : memref<32x128xi32, #tpu.memory_space<vmem>> -> memref<1x128xi32, #tpu.memory_space<vmem>>
    %dma_wait3A_107 = tpu.memref_squeeze %dma_wait3A_106 : memref<1x128xi32, #tpu.memory_space<vmem>> -> memref<128xi32, #tpu.memory_space<vmem>>
    %dma_wait3A_108 = arith.constant 0 : i32
    %dma_wait3A_109 = arith.constant 0 : i32
    %dma_wait3A_110 = tpu.memref_slice %arg2[%dma_wait3A_108, %dma_wait3A_109] : memref<100001x128xf32, #tpu.memory_space<hbm>> -> memref<100001x128xf32, #tpu.memory_space<hbm>>
    tpu.wait_indirect_dma semaphore(%arg9 : memref<!tpu.dma_semaphore, #tpu.memory_space<semaphore_mem>>) src(%dma_wait3A_110 : memref<100001x128xf32, #tpu.memory_space<hbm>>) dst(%dma_wait3A_104 : memref<128x128xf32, #tpu.memory_space<vmem>>)
    %mul3A_111 = arith.constant 256 : i32
    %mul3A_112 = arith.muli %rem3A_66, %mul3A_111 : i32
    %add3A_113 = arith.addi %mul3A_2, %mul3A_112 : i32
    %dma_start3A_114 = arith.constant 256 : i32
    %dma_start3A_115 = arith.constant 0 : i32
    %dma_start3A_116 = tpu.memref_slice %arg8[%dma_start3A_114, %dma_start3A_115] : memref<512x128xf32, #tpu.memory_space<vmem>> -> memref<256x128xf32, #tpu.memory_space<vmem>>
    %dma_start3A_117 = arith.constant 0 : i32
    %dma_start3A_118 = tpu.memref_slice %arg5[%add3A_113, %dma_start3A_117] : memref<131072x128xf32, #tpu.memory_space<hbm>> -> memref<256x128xf32, #tpu.memory_space<hbm>>
    %dma_start3A_119 = arith.constant 0 : i32
    %dma_start3A_120 = tpu.memref_slice %arg5[%add3A_113, %dma_start3A_119] : memref<131072x128xf32, #tpu.memory_space<hbm>> -> memref<256x128xf32, #tpu.memory_space<hbm>>
    %dma_start3A_121 = arith.constant 256 : i32
    %dma_start3A_122 = arith.constant 0 : i32
    %dma_start3A_123 = tpu.memref_slice %arg8[%dma_start3A_121, %dma_start3A_122] : memref<512x128xf32, #tpu.memory_space<vmem>> -> memref<256x128xf32, #tpu.memory_space<vmem>>
    tpu.enqueue_dma source(%dma_start3A_123 : memref<256x128xf32, #tpu.memory_space<vmem>>) target(%dma_start3A_120 : memref<256x128xf32, #tpu.memory_space<hbm>>) target_semaphore(%arg10 : memref<!tpu.dma_semaphore, #tpu.memory_space<semaphore_mem>>)
    %scan3A = arith.constant 0 : i32
    %scan3A_124 = arith.constant 2 : i32
    %scan3A_125 = arith.constant 14 : i32
    %scan3A_126 = arith.addi %scan3A_124, %scan3A_125 : i32
    %scan3A_127 = arith.constant 1 : i32
    %scan3A_128 = scf.for %scan3A_327 = %scan3A_124 to %scan3A_126 step %scan3A_127 iter_args(%scan3A_328 = %scan3A) -> (i32)  : i32 {
      %jit3A = arith.constant 2 : i32
      %eq3A = arith.constant 0 : i32
      %eq3A_329 = arith.cmpi eq, %jit3A, %eq3A : i32
      %jit3A_330 = arith.constant 1 : i32
      %select_n3A = arith.select %eq3A_329, %jit3A_330, %jit3A : i32
      %rem3A_331 = arith.remsi %scan3A_327, %select_n3A : i32
      %ne3A = arith.constant 0 : i32
      %ne3A_332 = arith.cmpi ne, %rem3A_331, %ne3A : i32
      %lt3A = arith.constant 0 : i32
      %lt3A_333 = arith.cmpi slt, %rem3A_331, %lt3A : i32
      %lt3A_334 = arith.constant 0 : i32
      %lt3A_335 = arith.cmpi slt, %select_n3A, %lt3A_334 : i32
      %ne3A_336 = arith.xori %lt3A_333, %lt3A_335 : i1
      %and3A = arith.andi %ne3A_336, %ne3A_332 : i1
      %add3A_337 = arith.addi %rem3A_331, %select_n3A : i32
      %select_n3A_338 = arith.select %and3A, %add3A_337, %rem3A_331 : i32
      %mul3A_339 = arith.constant 256 : i32
      %mul3A_340 = arith.muli %select_n3A_338, %mul3A_339 : i32
      %sub3A = arith.constant 2 : i32
      %sub3A_341 = arith.subi %scan3A_327, %sub3A : i32
      %add3A_342 = arith.addi %mul3A_4, %sub3A_341 : i32
      %rem3A_343 = arith.constant 16 : i32
      %rem3A_344 = arith.remsi %add3A_342, %rem3A_343 : i32
      %mul3A_345 = arith.constant 256 : i32
      %mul3A_346 = arith.muli %rem3A_344, %mul3A_345 : i32
      %add3A_347 = arith.addi %mul3A_2, %mul3A_346 : i32
      %dma_wait3A_348 = arith.constant 0 : i32
      %dma_wait3A_349 = tpu.memref_slice %arg8[%mul3A_340, %dma_wait3A_348] : memref<512x128xf32, #tpu.memory_space<vmem>> -> memref<256x128xf32, #tpu.memory_space<vmem>>
      %dma_wait3A_350 = arith.constant 0 : i32
      %dma_wait3A_351 = tpu.memref_slice %arg5[%add3A_347, %dma_wait3A_350] : memref<131072x128xf32, #tpu.memory_space<hbm>> -> memref<256x128xf32, #tpu.memory_space<hbm>>
      %dma_wait3A_352 = arith.constant 0 : i32
      %dma_wait3A_353 = tpu.memref_slice %arg5[%add3A_347, %dma_wait3A_352] : memref<131072x128xf32, #tpu.memory_space<hbm>> -> memref<256x128xf32, #tpu.memory_space<hbm>>
      %dma_wait3A_354 = arith.constant 0 : i32
      %dma_wait3A_355 = tpu.memref_slice %arg8[%mul3A_340, %dma_wait3A_354] : memref<512x128xf32, #tpu.memory_space<vmem>> -> memref<256x128xf32, #tpu.memory_space<vmem>>
      tpu.wait_dma2 semaphore(%arg10 : memref<!tpu.dma_semaphore, #tpu.memory_space<semaphore_mem>>) src(%dma_wait3A_355 : memref<256x128xf32, #tpu.memory_space<vmem>>) dst(%dma_wait3A_353 : memref<256x128xf32, #tpu.memory_space<hbm>>)
      %add3A_356 = arith.addi %mul3A_4, %scan3A_327 : i32
      %rem3A_357 = arith.constant 16 : i32
      %rem3A_358 = arith.remsi %add3A_356, %rem3A_357 : i32
      %mul3A_359 = arith.constant 2 : i32
      %mul3A_360 = arith.muli %rem3A_358, %mul3A_359 : i32
      %add3A_361 = arith.constant 0 : i32
      %add3A_362 = arith.addi %mul3A_360, %add3A_361 : i32
      %add3A_363 = arith.constant 0 : i32
      %add3A_364 = arith.addi %mul3A_340, %add3A_363 : i32
      %dma_start3A_365 = arith.constant 0 : i32
      %dma_start3A_366 = tpu.memref_slice %arg8[%add3A_364, %dma_start3A_365] : memref<512x128xf32, #tpu.memory_space<vmem>> -> memref<128x128xf32, #tpu.memory_space<vmem>>
      %dma_start3A_367 = arith.constant 0 : i32
      %dma_start3A_368 = tpu.memref_slice %arg7[%add3A_362, %dma_start3A_367] : memref<32x128xi32, #tpu.memory_space<vmem>> -> memref<1x128xi32, #tpu.memory_space<vmem>>
      %dma_start3A_369 = tpu.memref_squeeze %dma_start3A_368 : memref<1x128xi32, #tpu.memory_space<vmem>> -> memref<128xi32, #tpu.memory_space<vmem>>
      %dma_start3A_370 = arith.constant 0 : i32
      %dma_start3A_371 = arith.constant 0 : i32
      %dma_start3A_372 = tpu.memref_slice %arg2[%dma_start3A_370, %dma_start3A_371] : memref<100001x128xf32, #tpu.memory_space<hbm>> -> memref<100001x128xf32, #tpu.memory_space<hbm>>
      tpu.enqueue_indirect_dma source(%dma_start3A_372 : memref<100001x128xf32, #tpu.memory_space<hbm>>) target(%dma_start3A_366 : memref<128x128xf32, #tpu.memory_space<vmem>>) offsets(%dma_start3A_369 : memref<128xi32, #tpu.memory_space<vmem>>) semaphore(%arg9 : memref<!tpu.dma_semaphore, #tpu.memory_space<semaphore_mem>>)
      %mul3A_373 = arith.constant 2 : i32
      %mul3A_374 = arith.muli %rem3A_358, %mul3A_373 : i32
      %add3A_375 = arith.constant 1 : i32
      %add3A_376 = arith.addi %mul3A_374, %add3A_375 : i32
      %add3A_377 = arith.constant 128 : i32
      %add3A_378 = arith.addi %mul3A_340, %add3A_377 : i32
      %dma_start3A_379 = arith.constant 0 : i32
      %dma_start3A_380 = tpu.memref_slice %arg8[%add3A_378, %dma_start3A_379] : memref<512x128xf32, #tpu.memory_space<vmem>> -> memref<128x128xf32, #tpu.memory_space<vmem>>
      %dma_start3A_381 = arith.constant 0 : i32
      %dma_start3A_382 = tpu.memref_slice %arg7[%add3A_376, %dma_start3A_381] : memref<32x128xi32, #tpu.memory_space<vmem>> -> memref<1x128xi32, #tpu.memory_space<vmem>>
      %dma_start3A_383 = tpu.memref_squeeze %dma_start3A_382 : memref<1x128xi32, #tpu.memory_space<vmem>> -> memref<128xi32, #tpu.memory_space<vmem>>
      %dma_start3A_384 = arith.constant 0 : i32
      %dma_start3A_385 = arith.constant 0 : i32
      %dma_start3A_386 = tpu.memref_slice %arg2[%dma_start3A_384, %dma_start3A_385] : memref<100001x128xf32, #tpu.memory_space<hbm>> -> memref<100001x128xf32, #tpu.memory_space<hbm>>
      tpu.enqueue_indirect_dma source(%dma_start3A_386 : memref<100001x128xf32, #tpu.memory_space<hbm>>) target(%dma_start3A_380 : memref<128x128xf32, #tpu.memory_space<vmem>>) offsets(%dma_start3A_383 : memref<128xi32, #tpu.memory_space<vmem>>) semaphore(%arg9 : memref<!tpu.dma_semaphore, #tpu.memory_space<semaphore_mem>>)
      %dma_wait3A_387 = arith.constant 0 : i32
      %dma_wait3A_388 = tpu.memref_slice %arg8[%add3A_364, %dma_wait3A_387] : memref<512x128xf32, #tpu.memory_space<vmem>> -> memref<128x128xf32, #tpu.memory_space<vmem>>
      %dma_wait3A_389 = arith.constant 0 : i32
      %dma_wait3A_390 = tpu.memref_slice %arg7[%add3A_362, %dma_wait3A_389] : memref<32x128xi32, #tpu.memory_space<vmem>> -> memref<1x128xi32, #tpu.memory_space<vmem>>
      %dma_wait3A_391 = tpu.memref_squeeze %dma_wait3A_390 : memref<1x128xi32, #tpu.memory_space<vmem>> -> memref<128xi32, #tpu.memory_space<vmem>>
      %dma_wait3A_392 = arith.constant 0 : i32
      %dma_wait3A_393 = arith.constant 0 : i32
      %dma_wait3A_394 = tpu.memref_slice %arg2[%dma_wait3A_392, %dma_wait3A_393] : memref<100001x128xf32, #tpu.memory_space<hbm>> -> memref<100001x128xf32, #tpu.memory_space<hbm>>
      tpu.wait_indirect_dma semaphore(%arg9 : memref<!tpu.dma_semaphore, #tpu.memory_space<semaphore_mem>>) src(%dma_wait3A_394 : memref<100001x128xf32, #tpu.memory_space<hbm>>) dst(%dma_wait3A_388 : memref<128x128xf32, #tpu.memory_space<vmem>>)
      %dma_wait3A_395 = arith.constant 0 : i32
      %dma_wait3A_396 = tpu.memref_slice %arg8[%add3A_378, %dma_wait3A_395] : memref<512x128xf32, #tpu.memory_space<vmem>> -> memref<128x128xf32, #tpu.memory_space<vmem>>
      %dma_wait3A_397 = arith.constant 0 : i32
      %dma_wait3A_398 = tpu.memref_slice %arg7[%add3A_376, %dma_wait3A_397] : memref<32x128xi32, #tpu.memory_space<vmem>> -> memref<1x128xi32, #tpu.memory_space<vmem>>
      %dma_wait3A_399 = tpu.memref_squeeze %dma_wait3A_398 : memref<1x128xi32, #tpu.memory_space<vmem>> -> memref<128xi32, #tpu.memory_space<vmem>>
      %dma_wait3A_400 = arith.constant 0 : i32
      %dma_wait3A_401 = arith.constant 0 : i32
      %dma_wait3A_402 = tpu.memref_slice %arg2[%dma_wait3A_400, %dma_wait3A_401] : memref<100001x128xf32, #tpu.memory_space<hbm>> -> memref<100001x128xf32, #tpu.memory_space<hbm>>
      tpu.wait_indirect_dma semaphore(%arg9 : memref<!tpu.dma_semaphore, #tpu.memory_space<semaphore_mem>>) src(%dma_wait3A_402 : memref<100001x128xf32, #tpu.memory_space<hbm>>) dst(%dma_wait3A_396 : memref<128x128xf32, #tpu.memory_space<vmem>>)
      %add3A_403 = arith.addi %mul3A_4, %scan3A_327 : i32
      %rem3A_404 = arith.constant 16 : i32
      %rem3A_405 = arith.remsi %add3A_403, %rem3A_404 : i32
      %mul3A_406 = arith.constant 256 : i32
      %mul3A_407 = arith.muli %rem3A_405, %mul3A_406 : i32
      %add3A_408 = arith.addi %mul3A_2, %mul3A_407 : i32
      %dma_start3A_409 = arith.constant 0 : i32
      %dma_start3A_410 = tpu.memref_slice %arg8[%mul3A_340, %dma_start3A_409] : memref<512x128xf32, #tpu.memory_space<vmem>> -> memref<256x128xf32, #tpu.memory_space<vmem>>
      %dma_start3A_411 = arith.constant 0 : i32
      %dma_start3A_412 = tpu.memref_slice %arg5[%add3A_408, %dma_start3A_411] : memref<131072x128xf32, #tpu.memory_space<hbm>> -> memref<256x128xf32, #tpu.memory_space<hbm>>
      %dma_start3A_413 = arith.constant 0 : i32
      %dma_start3A_414 = tpu.memref_slice %arg5[%add3A_408, %dma_start3A_413] : memref<131072x128xf32, #tpu.memory_space<hbm>> -> memref<256x128xf32, #tpu.memory_space<hbm>>
      %dma_start3A_415 = arith.constant 0 : i32
      %dma_start3A_416 = tpu.memref_slice %arg8[%mul3A_340, %dma_start3A_415] : memref<512x128xf32, #tpu.memory_space<vmem>> -> memref<256x128xf32, #tpu.memory_space<vmem>>
      tpu.enqueue_dma source(%dma_start3A_416 : memref<256x128xf32, #tpu.memory_space<vmem>>) target(%dma_start3A_414 : memref<256x128xf32, #tpu.memory_space<hbm>>) target_semaphore(%arg10 : memref<!tpu.dma_semaphore, #tpu.memory_space<semaphore_mem>>)
      %scan3A_417 = arith.constant 0 : i32
      scf.yield %scan3A_417 : i32
    }
    %scan3A_129 = arith.constant 14 : i32
    %add3A_130 = arith.constant 14 : i32
    %add3A_131 = arith.addi %mul3A_4, %add3A_130 : i32
    %rem3A_132 = arith.constant 16 : i32
    %rem3A_133 = arith.remsi %add3A_131, %rem3A_132 : i32
    %mul3A_134 = arith.constant 256 : i32
    %mul3A_135 = arith.muli %rem3A_133, %mul3A_134 : i32
    %add3A_136 = arith.addi %mul3A_2, %mul3A_135 : i32
    %dma_wait3A_137 = arith.constant 0 : i32
    %dma_wait3A_138 = arith.constant 0 : i32
    %dma_wait3A_139 = tpu.memref_slice %arg8[%dma_wait3A_137, %dma_wait3A_138] : memref<512x128xf32, #tpu.memory_space<vmem>> -> memref<256x128xf32, #tpu.memory_space<vmem>>
    %dma_wait3A_140 = arith.constant 0 : i32
    %dma_wait3A_141 = tpu.memref_slice %arg5[%add3A_136, %dma_wait3A_140] : memref<131072x128xf32, #tpu.memory_space<hbm>> -> memref<256x128xf32, #tpu.memory_space<hbm>>
    %dma_wait3A_142 = arith.constant 0 : i32
    %dma_wait3A_143 = tpu.memref_slice %arg5[%add3A_136, %dma_wait3A_142] : memref<131072x128xf32, #tpu.memory_space<hbm>> -> memref<256x128xf32, #tpu.memory_space<hbm>>
    %dma_wait3A_144 = arith.constant 0 : i32
    %dma_wait3A_145 = arith.constant 0 : i32
    %dma_wait3A_146 = tpu.memref_slice %arg8[%dma_wait3A_144, %dma_wait3A_145] : memref<512x128xf32, #tpu.memory_space<vmem>> -> memref<256x128xf32, #tpu.memory_space<vmem>>
    tpu.wait_dma2 semaphore(%arg10 : memref<!tpu.dma_semaphore, #tpu.memory_space<semaphore_mem>>) src(%dma_wait3A_146 : memref<256x128xf32, #tpu.memory_space<vmem>>) dst(%dma_wait3A_143 : memref<256x128xf32, #tpu.memory_space<hbm>>)
    %add3A_147 = arith.constant 15 : i32
    %add3A_148 = arith.addi %mul3A_4, %add3A_147 : i32
    %rem3A_149 = arith.constant 16 : i32
    %rem3A_150 = arith.remsi %add3A_148, %rem3A_149 : i32
    %mul3A_151 = arith.constant 256 : i32
    %mul3A_152 = arith.muli %rem3A_150, %mul3A_151 : i32
    %add3A_153 = arith.addi %mul3A_2, %mul3A_152 : i32
    %dma_wait3A_154 = arith.constant 256 : i32
    %dma_wait3A_155 = arith.constant 0 : i32
    %dma_wait3A_156 = tpu.memref_slice %arg8[%dma_wait3A_154, %dma_wait3A_155] : memref<512x128xf32, #tpu.memory_space<vmem>> -> memref<256x128xf32, #tpu.memory_space<vmem>>
    %dma_wait3A_157 = arith.constant 0 : i32
    %dma_wait3A_158 = tpu.memref_slice %arg5[%add3A_153, %dma_wait3A_157] : memref<131072x128xf32, #tpu.memory_space<hbm>> -> memref<256x128xf32, #tpu.memory_space<hbm>>
    %dma_wait3A_159 = arith.constant 0 : i32
    %dma_wait3A_160 = tpu.memref_slice %arg5[%add3A_153, %dma_wait3A_159] : memref<131072x128xf32, #tpu.memory_space<hbm>> -> memref<256x128xf32, #tpu.memory_space<hbm>>
    %dma_wait3A_161 = arith.constant 256 : i32
    %dma_wait3A_162 = arith.constant 0 : i32
    %dma_wait3A_163 = tpu.memref_slice %arg8[%dma_wait3A_161, %dma_wait3A_162] : memref<512x128xf32, #tpu.memory_space<vmem>> -> memref<256x128xf32, #tpu.memory_space<vmem>>
    tpu.wait_dma2 semaphore(%arg10 : memref<!tpu.dma_semaphore, #tpu.memory_space<semaphore_mem>>) src(%dma_wait3A_163 : memref<256x128xf32, #tpu.memory_space<vmem>>) dst(%dma_wait3A_160 : memref<256x128xf32, #tpu.memory_space<hbm>>)
    "tpu.region"() ({
      %run_scoped3A = tpu.sem_alloc : memref<!tpu.dma_semaphore, #tpu.memory_space<semaphore_mem>>
      %dma_start3A_327 = arith.constant 0 : i32
      %dma_start3A_328 = arith.constant 0 : i32
      %dma_start3A_329 = tpu.memref_slice %arg4[%add3A, %dma_start3A_327, %dma_start3A_328] : memref<32x32x128xi32, #tpu.memory_space<hbm>> -> memref<1x32x128xi32, #tpu.memory_space<hbm>>
      %dma_start3A_330 = tpu.memref_squeeze %dma_start3A_329 : memref<1x32x128xi32, #tpu.memory_space<hbm>> -> memref<32x128xi32, #tpu.memory_space<hbm>>
      %dma_start3A_331 = arith.constant 0 : i32
      %dma_start3A_332 = arith.constant 0 : i32
      %dma_start3A_333 = tpu.memref_slice %arg4[%add3A, %dma_start3A_331, %dma_start3A_332] : memref<32x32x128xi32, #tpu.memory_space<hbm>> -> memref<1x32x128xi32, #tpu.memory_space<hbm>>
      %dma_start3A_334 = tpu.memref_squeeze %dma_start3A_333 : memref<1x32x128xi32, #tpu.memory_space<hbm>> -> memref<32x128xi32, #tpu.memory_space<hbm>>
      tpu.enqueue_dma source(%dma_start3A_334 : memref<32x128xi32, #tpu.memory_space<hbm>>) target(%arg7 : memref<32x128xi32, #tpu.memory_space<vmem>>) target_semaphore(%run_scoped3A : memref<!tpu.dma_semaphore, #tpu.memory_space<semaphore_mem>>)
      %dma_wait3A_335 = arith.constant 0 : i32
      %dma_wait3A_336 = arith.constant 0 : i32
      %dma_wait3A_337 = tpu.memref_slice %arg4[%add3A, %dma_wait3A_335, %dma_wait3A_336] : memref<32x32x128xi32, #tpu.memory_space<hbm>> -> memref<1x32x128xi32, #tpu.memory_space<hbm>>
      %dma_wait3A_338 = tpu.memref_squeeze %dma_wait3A_337 : memref<1x32x128xi32, #tpu.memory_space<hbm>> -> memref<32x128xi32, #tpu.memory_space<hbm>>
      %dma_wait3A_339 = arith.constant 0 : i32
      %dma_wait3A_340 = arith.constant 0 : i32
      %dma_wait3A_341 = tpu.memref_slice %arg4[%add3A, %dma_wait3A_339, %dma_wait3A_340] : memref<32x32x128xi32, #tpu.memory_space<hbm>> -> memref<1x32x128xi32, #tpu.memory_space<hbm>>
      %dma_wait3A_342 = tpu.memref_squeeze %dma_wait3A_341 : memref<1x32x128xi32, #tpu.memory_space<hbm>> -> memref<32x128xi32, #tpu.memory_space<hbm>>
      tpu.wait_dma2 semaphore(%run_scoped3A : memref<!tpu.dma_semaphore, #tpu.memory_space<semaphore_mem>>) src(%dma_wait3A_342 : memref<32x128xi32, #tpu.memory_space<hbm>>) dst(%arg7 : memref<32x128xi32, #tpu.memory_space<vmem>>)
      tpu.yield
    }) : () -> ()
    %add3A_164 = arith.constant 0 : i32
    %add3A_165 = arith.addi %mul3A_4, %add3A_164 : i32
    %rem3A_166 = arith.constant 16 : i32
    %rem3A_167 = arith.remsi %add3A_165, %rem3A_166 : i32
    %mul3A_168 = arith.constant 2 : i32
    %mul3A_169 = arith.muli %rem3A_167, %mul3A_168 : i32
    %add3A_170 = arith.constant 0 : i32
    %add3A_171 = arith.addi %mul3A_169, %add3A_170 : i32
    %dma_start3A_172 = arith.constant 0 : i32
    %dma_start3A_173 = arith.constant 0 : i32
    %dma_start3A_174 = tpu.memref_slice %arg8[%dma_start3A_172, %dma_start3A_173] : memref<512x128xf32, #tpu.memory_space<vmem>> -> memref<128x128xf32, #tpu.memory_space<vmem>>
    %dma_start3A_175 = arith.constant 0 : i32
    %dma_start3A_176 = tpu.memref_slice %arg7[%add3A_171, %dma_start3A_175] : memref<32x128xi32, #tpu.memory_space<vmem>> -> memref<1x128xi32, #tpu.memory_space<vmem>>
    %dma_start3A_177 = tpu.memref_squeeze %dma_start3A_176 : memref<1x128xi32, #tpu.memory_space<vmem>> -> memref<128xi32, #tpu.memory_space<vmem>>
    %dma_start3A_178 = arith.constant 0 : i32
    %dma_start3A_179 = arith.constant 0 : i32
    %dma_start3A_180 = tpu.memref_slice %arg2[%dma_start3A_178, %dma_start3A_179] : memref<100001x128xf32, #tpu.memory_space<hbm>> -> memref<100001x128xf32, #tpu.memory_space<hbm>>
    tpu.enqueue_indirect_dma source(%dma_start3A_180 : memref<100001x128xf32, #tpu.memory_space<hbm>>) target(%dma_start3A_174 : memref<128x128xf32, #tpu.memory_space<vmem>>) offsets(%dma_start3A_177 : memref<128xi32, #tpu.memory_space<vmem>>) semaphore(%arg9 : memref<!tpu.dma_semaphore, #tpu.memory_space<semaphore_mem>>)
    %mul3A_181 = arith.constant 2 : i32
    %mul3A_182 = arith.muli %rem3A_167, %mul3A_181 : i32
    %add3A_183 = arith.constant 1 : i32
    %add3A_184 = arith.addi %mul3A_182, %add3A_183 : i32
    %dma_start3A_185 = arith.constant 128 : i32
    %dma_start3A_186 = arith.constant 0 : i32
    %dma_start3A_187 = tpu.memref_slice %arg8[%dma_start3A_185, %dma_start3A_186] : memref<512x128xf32, #tpu.memory_space<vmem>> -> memref<128x128xf32, #tpu.memory_space<vmem>>
    %dma_start3A_188 = arith.constant 0 : i32
    %dma_start3A_189 = tpu.memref_slice %arg7[%add3A_184, %dma_start3A_188] : memref<32x128xi32, #tpu.memory_space<vmem>> -> memref<1x128xi32, #tpu.memory_space<vmem>>
    %dma_start3A_190 = tpu.memref_squeeze %dma_start3A_189 : memref<1x128xi32, #tpu.memory_space<vmem>> -> memref<128xi32, #tpu.memory_space<vmem>>
    %dma_start3A_191 = arith.constant 0 : i32
    %dma_start3A_192 = arith.constant 0 : i32
    %dma_start3A_193 = tpu.memref_slice %arg2[%dma_start3A_191, %dma_start3A_192] : memref<100001x128xf32, #tpu.memory_space<hbm>> -> memref<100001x128xf32, #tpu.memory_space<hbm>>
    tpu.enqueue_indirect_dma source(%dma_start3A_193 : memref<100001x128xf32, #tpu.memory_space<hbm>>) target(%dma_start3A_187 : memref<128x128xf32, #tpu.memory_space<vmem>>) offsets(%dma_start3A_190 : memref<128xi32, #tpu.memory_space<vmem>>) semaphore(%arg9 : memref<!tpu.dma_semaphore, #tpu.memory_space<semaphore_mem>>)
    %dma_wait3A_194 = arith.constant 0 : i32
    %dma_wait3A_195 = arith.constant 0 : i32
    %dma_wait3A_196 = tpu.memref_slice %arg8[%dma_wait3A_194, %dma_wait3A_195] : memref<512x128xf32, #tpu.memory_space<vmem>> -> memref<128x128xf32, #tpu.memory_space<vmem>>
    %dma_wait3A_197 = arith.constant 0 : i32
    %dma_wait3A_198 = tpu.memref_slice %arg7[%add3A_171, %dma_wait3A_197] : memref<32x128xi32, #tpu.memory_space<vmem>> -> memref<1x128xi32, #tpu.memory_space<vmem>>
    %dma_wait3A_199 = tpu.memref_squeeze %dma_wait3A_198 : memref<1x128xi32, #tpu.memory_space<vmem>> -> memref<128xi32, #tpu.memory_space<vmem>>
    %dma_wait3A_200 = arith.constant 0 : i32
    %dma_wait3A_201 = arith.constant 0 : i32
    %dma_wait3A_202 = tpu.memref_slice %arg2[%dma_wait3A_200, %dma_wait3A_201] : memref<100001x128xf32, #tpu.memory_space<hbm>> -> memref<100001x128xf32, #tpu.memory_space<hbm>>
    tpu.wait_indirect_dma semaphore(%arg9 : memref<!tpu.dma_semaphore, #tpu.memory_space<semaphore_mem>>) src(%dma_wait3A_202 : memref<100001x128xf32, #tpu.memory_space<hbm>>) dst(%dma_wait3A_196 : memref<128x128xf32, #tpu.memory_space<vmem>>)
    %dma_wait3A_203 = arith.constant 128 : i32
    %dma_wait3A_204 = arith.constant 0 : i32
    %dma_wait3A_205 = tpu.memref_slice %arg8[%dma_wait3A_203, %dma_wait3A_204] : memref<512x128xf32, #tpu.memory_space<vmem>> -> memref<128x128xf32, #tpu.memory_space<vmem>>
    %dma_wait3A_206 = arith.constant 0 : i32
    %dma_wait3A_207 = tpu.memref_slice %arg7[%add3A_184, %dma_wait3A_206] : memref<32x128xi32, #tpu.memory_space<vmem>> -> memref<1x128xi32, #tpu.memory_space<vmem>>
    %dma_wait3A_208 = tpu.memref_squeeze %dma_wait3A_207 : memref<1x128xi32, #tpu.memory_space<vmem>> -> memref<128xi32, #tpu.memory_space<vmem>>
    %dma_wait3A_209 = arith.constant 0 : i32
    %dma_wait3A_210 = arith.constant 0 : i32
    %dma_wait3A_211 = tpu.memref_slice %arg2[%dma_wait3A_209, %dma_wait3A_210] : memref<100001x128xf32, #tpu.memory_space<hbm>> -> memref<100001x128xf32, #tpu.memory_space<hbm>>
    tpu.wait_indirect_dma semaphore(%arg9 : memref<!tpu.dma_semaphore, #tpu.memory_space<semaphore_mem>>) src(%dma_wait3A_211 : memref<100001x128xf32, #tpu.memory_space<hbm>>) dst(%dma_wait3A_205 : memref<128x128xf32, #tpu.memory_space<vmem>>)
    %mul3A_212 = arith.constant 256 : i32
    %mul3A_213 = arith.muli %rem3A_167, %mul3A_212 : i32
    %add3A_214 = arith.addi %mul3A_2, %mul3A_213 : i32
    %dma_start3A_215 = arith.constant 0 : i32
    %dma_start3A_216 = arith.constant 0 : i32
    %dma_start3A_217 = tpu.memref_slice %arg8[%dma_start3A_215, %dma_start3A_216] : memref<512x128xf32, #tpu.memory_space<vmem>> -> memref<256x128xf32, #tpu.memory_space<vmem>>
    %dma_start3A_218 = arith.constant 0 : i32
    %dma_start3A_219 = tpu.memref_slice %arg6[%add3A_214, %dma_start3A_218] : memref<131072x128xf32, #tpu.memory_space<hbm>> -> memref<256x128xf32, #tpu.memory_space<hbm>>
    %dma_start3A_220 = arith.constant 0 : i32
    %dma_start3A_221 = tpu.memref_slice %arg6[%add3A_214, %dma_start3A_220] : memref<131072x128xf32, #tpu.memory_space<hbm>> -> memref<256x128xf32, #tpu.memory_space<hbm>>
    %dma_start3A_222 = arith.constant 0 : i32
    %dma_start3A_223 = arith.constant 0 : i32
    %dma_start3A_224 = tpu.memref_slice %arg8[%dma_start3A_222, %dma_start3A_223] : memref<512x128xf32, #tpu.memory_space<vmem>> -> memref<256x128xf32, #tpu.memory_space<vmem>>
    tpu.enqueue_dma source(%dma_start3A_224 : memref<256x128xf32, #tpu.memory_space<vmem>>) target(%dma_start3A_221 : memref<256x128xf32, #tpu.memory_space<hbm>>) target_semaphore(%arg10 : memref<!tpu.dma_semaphore, #tpu.memory_space<semaphore_mem>>)
    %add3A_225 = arith.constant 1 : i32
    %add3A_226 = arith.addi %mul3A_4, %add3A_225 : i32
    %rem3A_227 = arith.constant 16 : i32
    %rem3A_228 = arith.remsi %add3A_226, %rem3A_227 : i32
    %mul3A_229 = arith.constant 2 : i32
    %mul3A_230 = arith.muli %rem3A_228, %mul3A_229 : i32
    %add3A_231 = arith.constant 0 : i32
    %add3A_232 = arith.addi %mul3A_230, %add3A_231 : i32
    %dma_start3A_233 = arith.constant 256 : i32
    %dma_start3A_234 = arith.constant 0 : i32
    %dma_start3A_235 = tpu.memref_slice %arg8[%dma_start3A_233, %dma_start3A_234] : memref<512x128xf32, #tpu.memory_space<vmem>> -> memref<128x128xf32, #tpu.memory_space<vmem>>
    %dma_start3A_236 = arith.constant 0 : i32
    %dma_start3A_237 = tpu.memref_slice %arg7[%add3A_232, %dma_start3A_236] : memref<32x128xi32, #tpu.memory_space<vmem>> -> memref<1x128xi32, #tpu.memory_space<vmem>>
    %dma_start3A_238 = tpu.memref_squeeze %dma_start3A_237 : memref<1x128xi32, #tpu.memory_space<vmem>> -> memref<128xi32, #tpu.memory_space<vmem>>
    %dma_start3A_239 = arith.constant 0 : i32
    %dma_start3A_240 = arith.constant 0 : i32
    %dma_start3A_241 = tpu.memref_slice %arg2[%dma_start3A_239, %dma_start3A_240] : memref<100001x128xf32, #tpu.memory_space<hbm>> -> memref<100001x128xf32, #tpu.memory_space<hbm>>
    tpu.enqueue_indirect_dma source(%dma_start3A_241 : memref<100001x128xf32, #tpu.memory_space<hbm>>) target(%dma_start3A_235 : memref<128x128xf32, #tpu.memory_space<vmem>>) offsets(%dma_start3A_238 : memref<128xi32, #tpu.memory_space<vmem>>) semaphore(%arg9 : memref<!tpu.dma_semaphore, #tpu.memory_space<semaphore_mem>>)
    %mul3A_242 = arith.constant 2 : i32
    %mul3A_243 = arith.muli %rem3A_228, %mul3A_242 : i32
    %add3A_244 = arith.constant 1 : i32
    %add3A_245 = arith.addi %mul3A_243, %add3A_244 : i32
    %dma_start3A_246 = arith.constant 384 : i32
    %dma_start3A_247 = arith.constant 0 : i32
    %dma_start3A_248 = tpu.memref_slice %arg8[%dma_start3A_246, %dma_start3A_247] : memref<512x128xf32, #tpu.memory_space<vmem>> -> memref<128x128xf32, #tpu.memory_space<vmem>>
    %dma_start3A_249 = arith.constant 0 : i32
    %dma_start3A_250 = tpu.memref_slice %arg7[%add3A_245, %dma_start3A_249] : memref<32x128xi32, #tpu.memory_space<vmem>> -> memref<1x128xi32, #tpu.memory_space<vmem>>
    %dma_start3A_251 = tpu.memref_squeeze %dma_start3A_250 : memref<1x128xi32, #tpu.memory_space<vmem>> -> memref<128xi32, #tpu.memory_space<vmem>>
    %dma_start3A_252 = arith.constant 0 : i32
    %dma_start3A_253 = arith.constant 0 : i32
    %dma_start3A_254 = tpu.memref_slice %arg2[%dma_start3A_252, %dma_start3A_253] : memref<100001x128xf32, #tpu.memory_space<hbm>> -> memref<100001x128xf32, #tpu.memory_space<hbm>>
    tpu.enqueue_indirect_dma source(%dma_start3A_254 : memref<100001x128xf32, #tpu.memory_space<hbm>>) target(%dma_start3A_248 : memref<128x128xf32, #tpu.memory_space<vmem>>) offsets(%dma_start3A_251 : memref<128xi32, #tpu.memory_space<vmem>>) semaphore(%arg9 : memref<!tpu.dma_semaphore, #tpu.memory_space<semaphore_mem>>)
    %dma_wait3A_255 = arith.constant 256 : i32
    %dma_wait3A_256 = arith.constant 0 : i32
    %dma_wait3A_257 = tpu.memref_slice %arg8[%dma_wait3A_255, %dma_wait3A_256] : memref<512x128xf32, #tpu.memory_space<vmem>> -> memref<128x128xf32, #tpu.memory_space<vmem>>
    %dma_wait3A_258 = arith.constant 0 : i32
    %dma_wait3A_259 = tpu.memref_slice %arg7[%add3A_232, %dma_wait3A_258] : memref<32x128xi32, #tpu.memory_space<vmem>> -> memref<1x128xi32, #tpu.memory_space<vmem>>
    %dma_wait3A_260 = tpu.memref_squeeze %dma_wait3A_259 : memref<1x128xi32, #tpu.memory_space<vmem>> -> memref<128xi32, #tpu.memory_space<vmem>>
    %dma_wait3A_261 = arith.constant 0 : i32
    %dma_wait3A_262 = arith.constant 0 : i32
    %dma_wait3A_263 = tpu.memref_slice %arg2[%dma_wait3A_261, %dma_wait3A_262] : memref<100001x128xf32, #tpu.memory_space<hbm>> -> memref<100001x128xf32, #tpu.memory_space<hbm>>
    tpu.wait_indirect_dma semaphore(%arg9 : memref<!tpu.dma_semaphore, #tpu.memory_space<semaphore_mem>>) src(%dma_wait3A_263 : memref<100001x128xf32, #tpu.memory_space<hbm>>) dst(%dma_wait3A_257 : memref<128x128xf32, #tpu.memory_space<vmem>>)
    %dma_wait3A_264 = arith.constant 384 : i32
    %dma_wait3A_265 = arith.constant 0 : i32
    %dma_wait3A_266 = tpu.memref_slice %arg8[%dma_wait3A_264, %dma_wait3A_265] : memref<512x128xf32, #tpu.memory_space<vmem>> -> memref<128x128xf32, #tpu.memory_space<vmem>>
    %dma_wait3A_267 = arith.constant 0 : i32
    %dma_wait3A_268 = tpu.memref_slice %arg7[%add3A_245, %dma_wait3A_267] : memref<32x128xi32, #tpu.memory_space<vmem>> -> memref<1x128xi32, #tpu.memory_space<vmem>>
    %dma_wait3A_269 = tpu.memref_squeeze %dma_wait3A_268 : memref<1x128xi32, #tpu.memory_space<vmem>> -> memref<128xi32, #tpu.memory_space<vmem>>
    %dma_wait3A_270 = arith.constant 0 : i32
    %dma_wait3A_271 = arith.constant 0 : i32
    %dma_wait3A_272 = tpu.memref_slice %arg2[%dma_wait3A_270, %dma_wait3A_271] : memref<100001x128xf32, #tpu.memory_space<hbm>> -> memref<100001x128xf32, #tpu.memory_space<hbm>>
    tpu.wait_indirect_dma semaphore(%arg9 : memref<!tpu.dma_semaphore, #tpu.memory_space<semaphore_mem>>) src(%dma_wait3A_272 : memref<100001x128xf32, #tpu.memory_space<hbm>>) dst(%dma_wait3A_266 : memref<128x128xf32, #tpu.memory_space<vmem>>)
    %mul3A_273 = arith.constant 256 : i32
    %mul3A_274 = arith.muli %rem3A_228, %mul3A_273 : i32
    %add3A_275 = arith.addi %mul3A_2, %mul3A_274 : i32
    %dma_start3A_276 = arith.constant 256 : i32
    %dma_start3A_277 = arith.constant 0 : i32
    %dma_start3A_278 = tpu.memref_slice %arg8[%dma_start3A_276, %dma_start3A_277] : memref<512x128xf32, #tpu.memory_space<vmem>> -> memref<256x128xf32, #tpu.memory_space<vmem>>
    %dma_start3A_279 = arith.constant 0 : i32
    %dma_start3A_280 = tpu.memref_slice %arg6[%add3A_275, %dma_start3A_279] : memref<131072x128xf32, #tpu.memory_space<hbm>> -> memref<256x128xf32, #tpu.memory_space<hbm>>
    %dma_start3A_281 = arith.constant 0 : i32
    %dma_start3A_282 = tpu.memref_slice %arg6[%add3A_275, %dma_start3A_281] : memref<131072x128xf32, #tpu.memory_space<hbm>> -> memref<256x128xf32, #tpu.memory_space<hbm>>
    %dma_start3A_283 = arith.constant 256 : i32
    %dma_start3A_284 = arith.constant 0 : i32
    %dma_start3A_285 = tpu.memref_slice %arg8[%dma_start3A_283, %dma_start3A_284] : memref<512x128xf32, #tpu.memory_space<vmem>> -> memref<256x128xf32, #tpu.memory_space<vmem>>
    tpu.enqueue_dma source(%dma_start3A_285 : memref<256x128xf32, #tpu.memory_space<vmem>>) target(%dma_start3A_282 : memref<256x128xf32, #tpu.memory_space<hbm>>) target_semaphore(%arg10 : memref<!tpu.dma_semaphore, #tpu.memory_space<semaphore_mem>>)
    %scan3A_286 = arith.constant 0 : i32
    %scan3A_287 = arith.constant 2 : i32
    %scan3A_288 = arith.constant 14 : i32
    %scan3A_289 = arith.addi %scan3A_287, %scan3A_288 : i32
    %scan3A_290 = arith.constant 1 : i32
    %scan3A_291 = scf.for %scan3A_327 = %scan3A_287 to %scan3A_289 step %scan3A_290 iter_args(%scan3A_328 = %scan3A_286) -> (i32)  : i32 {
      %jit3A = arith.constant 2 : i32
      %eq3A = arith.constant 0 : i32
      %eq3A_329 = arith.cmpi eq, %jit3A, %eq3A : i32
      %jit3A_330 = arith.constant 1 : i32
      %select_n3A = arith.select %eq3A_329, %jit3A_330, %jit3A : i32
      %rem3A_331 = arith.remsi %scan3A_327, %select_n3A : i32
      %ne3A = arith.constant 0 : i32
      %ne3A_332 = arith.cmpi ne, %rem3A_331, %ne3A : i32
      %lt3A = arith.constant 0 : i32
      %lt3A_333 = arith.cmpi slt, %rem3A_331, %lt3A : i32
      %lt3A_334 = arith.constant 0 : i32
      %lt3A_335 = arith.cmpi slt, %select_n3A, %lt3A_334 : i32
      %ne3A_336 = arith.xori %lt3A_333, %lt3A_335 : i1
      %and3A = arith.andi %ne3A_336, %ne3A_332 : i1
      %add3A_337 = arith.addi %rem3A_331, %select_n3A : i32
      %select_n3A_338 = arith.select %and3A, %add3A_337, %rem3A_331 : i32
      %mul3A_339 = arith.constant 256 : i32
      %mul3A_340 = arith.muli %select_n3A_338, %mul3A_339 : i32
      %sub3A = arith.constant 2 : i32
      %sub3A_341 = arith.subi %scan3A_327, %sub3A : i32
      %add3A_342 = arith.addi %mul3A_4, %sub3A_341 : i32
      %rem3A_343 = arith.constant 16 : i32
      %rem3A_344 = arith.remsi %add3A_342, %rem3A_343 : i32
      %mul3A_345 = arith.constant 256 : i32
      %mul3A_346 = arith.muli %rem3A_344, %mul3A_345 : i32
      %add3A_347 = arith.addi %mul3A_2, %mul3A_346 : i32
      %dma_wait3A_348 = arith.constant 0 : i32
      %dma_wait3A_349 = tpu.memref_slice %arg8[%mul3A_340, %dma_wait3A_348] : memref<512x128xf32, #tpu.memory_space<vmem>> -> memref<256x128xf32, #tpu.memory_space<vmem>>
      %dma_wait3A_350 = arith.constant 0 : i32
      %dma_wait3A_351 = tpu.memref_slice %arg6[%add3A_347, %dma_wait3A_350] : memref<131072x128xf32, #tpu.memory_space<hbm>> -> memref<256x128xf32, #tpu.memory_space<hbm>>
      %dma_wait3A_352 = arith.constant 0 : i32
      %dma_wait3A_353 = tpu.memref_slice %arg6[%add3A_347, %dma_wait3A_352] : memref<131072x128xf32, #tpu.memory_space<hbm>> -> memref<256x128xf32, #tpu.memory_space<hbm>>
      %dma_wait3A_354 = arith.constant 0 : i32
      %dma_wait3A_355 = tpu.memref_slice %arg8[%mul3A_340, %dma_wait3A_354] : memref<512x128xf32, #tpu.memory_space<vmem>> -> memref<256x128xf32, #tpu.memory_space<vmem>>
      tpu.wait_dma2 semaphore(%arg10 : memref<!tpu.dma_semaphore, #tpu.memory_space<semaphore_mem>>) src(%dma_wait3A_355 : memref<256x128xf32, #tpu.memory_space<vmem>>) dst(%dma_wait3A_353 : memref<256x128xf32, #tpu.memory_space<hbm>>)
      %add3A_356 = arith.addi %mul3A_4, %scan3A_327 : i32
      %rem3A_357 = arith.constant 16 : i32
      %rem3A_358 = arith.remsi %add3A_356, %rem3A_357 : i32
      %mul3A_359 = arith.constant 2 : i32
      %mul3A_360 = arith.muli %rem3A_358, %mul3A_359 : i32
      %add3A_361 = arith.constant 0 : i32
      %add3A_362 = arith.addi %mul3A_360, %add3A_361 : i32
      %add3A_363 = arith.constant 0 : i32
      %add3A_364 = arith.addi %mul3A_340, %add3A_363 : i32
      %dma_start3A_365 = arith.constant 0 : i32
      %dma_start3A_366 = tpu.memref_slice %arg8[%add3A_364, %dma_start3A_365] : memref<512x128xf32, #tpu.memory_space<vmem>> -> memref<128x128xf32, #tpu.memory_space<vmem>>
      %dma_start3A_367 = arith.constant 0 : i32
      %dma_start3A_368 = tpu.memref_slice %arg7[%add3A_362, %dma_start3A_367] : memref<32x128xi32, #tpu.memory_space<vmem>> -> memref<1x128xi32, #tpu.memory_space<vmem>>
      %dma_start3A_369 = tpu.memref_squeeze %dma_start3A_368 : memref<1x128xi32, #tpu.memory_space<vmem>> -> memref<128xi32, #tpu.memory_space<vmem>>
      %dma_start3A_370 = arith.constant 0 : i32
      %dma_start3A_371 = arith.constant 0 : i32
      %dma_start3A_372 = tpu.memref_slice %arg2[%dma_start3A_370, %dma_start3A_371] : memref<100001x128xf32, #tpu.memory_space<hbm>> -> memref<100001x128xf32, #tpu.memory_space<hbm>>
      tpu.enqueue_indirect_dma source(%dma_start3A_372 : memref<100001x128xf32, #tpu.memory_space<hbm>>) target(%dma_start3A_366 : memref<128x128xf32, #tpu.memory_space<vmem>>) offsets(%dma_start3A_369 : memref<128xi32, #tpu.memory_space<vmem>>) semaphore(%arg9 : memref<!tpu.dma_semaphore, #tpu.memory_space<semaphore_mem>>)
      %mul3A_373 = arith.constant 2 : i32
      %mul3A_374 = arith.muli %rem3A_358, %mul3A_373 : i32
      %add3A_375 = arith.constant 1 : i32
      %add3A_376 = arith.addi %mul3A_374, %add3A_375 : i32
      %add3A_377 = arith.constant 128 : i32
      %add3A_378 = arith.addi %mul3A_340, %add3A_377 : i32
      %dma_start3A_379 = arith.constant 0 : i32
      %dma_start3A_380 = tpu.memref_slice %arg8[%add3A_378, %dma_start3A_379] : memref<512x128xf32, #tpu.memory_space<vmem>> -> memref<128x128xf32, #tpu.memory_space<vmem>>
      %dma_start3A_381 = arith.constant 0 : i32
      %dma_start3A_382 = tpu.memref_slice %arg7[%add3A_376, %dma_start3A_381] : memref<32x128xi32, #tpu.memory_space<vmem>> -> memref<1x128xi32, #tpu.memory_space<vmem>>
      %dma_start3A_383 = tpu.memref_squeeze %dma_start3A_382 : memref<1x128xi32, #tpu.memory_space<vmem>> -> memref<128xi32, #tpu.memory_space<vmem>>
      %dma_start3A_384 = arith.constant 0 : i32
      %dma_start3A_385 = arith.constant 0 : i32
      %dma_start3A_386 = tpu.memref_slice %arg2[%dma_start3A_384, %dma_start3A_385] : memref<100001x128xf32, #tpu.memory_space<hbm>> -> memref<100001x128xf32, #tpu.memory_space<hbm>>
      tpu.enqueue_indirect_dma source(%dma_start3A_386 : memref<100001x128xf32, #tpu.memory_space<hbm>>) target(%dma_start3A_380 : memref<128x128xf32, #tpu.memory_space<vmem>>) offsets(%dma_start3A_383 : memref<128xi32, #tpu.memory_space<vmem>>) semaphore(%arg9 : memref<!tpu.dma_semaphore, #tpu.memory_space<semaphore_mem>>)
      %dma_wait3A_387 = arith.constant 0 : i32
      %dma_wait3A_388 = tpu.memref_slice %arg8[%add3A_364, %dma_wait3A_387] : memref<512x128xf32, #tpu.memory_space<vmem>> -> memref<128x128xf32, #tpu.memory_space<vmem>>
      %dma_wait3A_389 = arith.constant 0 : i32
      %dma_wait3A_390 = tpu.memref_slice %arg7[%add3A_362, %dma_wait3A_389] : memref<32x128xi32, #tpu.memory_space<vmem>> -> memref<1x128xi32, #tpu.memory_space<vmem>>
      %dma_wait3A_391 = tpu.memref_squeeze %dma_wait3A_390 : memref<1x128xi32, #tpu.memory_space<vmem>> -> memref<128xi32, #tpu.memory_space<vmem>>
      %dma_wait3A_392 = arith.constant 0 : i32
      %dma_wait3A_393 = arith.constant 0 : i32
      %dma_wait3A_394 = tpu.memref_slice %arg2[%dma_wait3A_392, %dma_wait3A_393] : memref<100001x128xf32, #tpu.memory_space<hbm>> -> memref<100001x128xf32, #tpu.memory_space<hbm>>
      tpu.wait_indirect_dma semaphore(%arg9 : memref<!tpu.dma_semaphore, #tpu.memory_space<semaphore_mem>>) src(%dma_wait3A_394 : memref<100001x128xf32, #tpu.memory_space<hbm>>) dst(%dma_wait3A_388 : memref<128x128xf32, #tpu.memory_space<vmem>>)
      %dma_wait3A_395 = arith.constant 0 : i32
      %dma_wait3A_396 = tpu.memref_slice %arg8[%add3A_378, %dma_wait3A_395] : memref<512x128xf32, #tpu.memory_space<vmem>> -> memref<128x128xf32, #tpu.memory_space<vmem>>
      %dma_wait3A_397 = arith.constant 0 : i32
      %dma_wait3A_398 = tpu.memref_slice %arg7[%add3A_376, %dma_wait3A_397] : memref<32x128xi32, #tpu.memory_space<vmem>> -> memref<1x128xi32, #tpu.memory_space<vmem>>
      %dma_wait3A_399 = tpu.memref_squeeze %dma_wait3A_398 : memref<1x128xi32, #tpu.memory_space<vmem>> -> memref<128xi32, #tpu.memory_space<vmem>>
      %dma_wait3A_400 = arith.constant 0 : i32
      %dma_wait3A_401 = arith.constant 0 : i32
      %dma_wait3A_402 = tpu.memref_slice %arg2[%dma_wait3A_400, %dma_wait3A_401] : memref<100001x128xf32, #tpu.memory_space<hbm>> -> memref<100001x128xf32, #tpu.memory_space<hbm>>
      tpu.wait_indirect_dma semaphore(%arg9 : memref<!tpu.dma_semaphore, #tpu.memory_space<semaphore_mem>>) src(%dma_wait3A_402 : memref<100001x128xf32, #tpu.memory_space<hbm>>) dst(%dma_wait3A_396 : memref<128x128xf32, #tpu.memory_space<vmem>>)
      %add3A_403 = arith.addi %mul3A_4, %scan3A_327 : i32
      %rem3A_404 = arith.constant 16 : i32
      %rem3A_405 = arith.remsi %add3A_403, %rem3A_404 : i32
      %mul3A_406 = arith.constant 256 : i32
      %mul3A_407 = arith.muli %rem3A_405, %mul3A_406 : i32
      %add3A_408 = arith.addi %mul3A_2, %mul3A_407 : i32
      %dma_start3A_409 = arith.constant 0 : i32
      %dma_start3A_410 = tpu.memref_slice %arg8[%mul3A_340, %dma_start3A_409] : memref<512x128xf32, #tpu.memory_space<vmem>> -> memref<256x128xf32, #tpu.memory_space<vmem>>
      %dma_start3A_411 = arith.constant 0 : i32
      %dma_start3A_412 = tpu.memref_slice %arg6[%add3A_408, %dma_start3A_411] : memref<131072x128xf32, #tpu.memory_space<hbm>> -> memref<256x128xf32, #tpu.memory_space<hbm>>
      %dma_start3A_413 = arith.constant 0 : i32
      %dma_start3A_414 = tpu.memref_slice %arg6[%add3A_408, %dma_start3A_413] : memref<131072x128xf32, #tpu.memory_space<hbm>> -> memref<256x128xf32, #tpu.memory_space<hbm>>
      %dma_start3A_415 = arith.constant 0 : i32
      %dma_start3A_416 = tpu.memref_slice %arg8[%mul3A_340, %dma_start3A_415] : memref<512x128xf32, #tpu.memory_space<vmem>> -> memref<256x128xf32, #tpu.memory_space<vmem>>
      tpu.enqueue_dma source(%dma_start3A_416 : memref<256x128xf32, #tpu.memory_space<vmem>>) target(%dma_start3A_414 : memref<256x128xf32, #tpu.memory_space<hbm>>) target_semaphore(%arg10 : memref<!tpu.dma_semaphore, #tpu.memory_space<semaphore_mem>>)
      %scan3A_417 = arith.constant 0 : i32
      scf.yield %scan3A_417 : i32
    }
    %scan3A_292 = arith.constant 14 : i32
    %add3A_293 = arith.constant 14 : i32
    %add3A_294 = arith.addi %mul3A_4, %add3A_293 : i32
    %rem3A_295 = arith.constant 16 : i32
    %rem3A_296 = arith.remsi %add3A_294, %rem3A_295 : i32
    %mul3A_297 = arith.constant 256 : i32
    %mul3A_298 = arith.muli %rem3A_296, %mul3A_297 : i32
    %add3A_299 = arith.addi %mul3A_2, %mul3A_298 : i32
    %dma_wait3A_300 = arith.constant 0 : i32
    %dma_wait3A_301 = arith.constant 0 : i32
    %dma_wait3A_302 = tpu.memref_slice %arg8[%dma_wait3A_300, %dma_wait3A_301] : memref<512x128xf32, #tpu.memory_space<vmem>> -> memref<256x128xf32, #tpu.memory_space<vmem>>
    %dma_wait3A_303 = arith.constant 0 : i32
    %dma_wait3A_304 = tpu.memref_slice %arg6[%add3A_299, %dma_wait3A_303] : memref<131072x128xf32, #tpu.memory_space<hbm>> -> memref<256x128xf32, #tpu.memory_space<hbm>>
    %dma_wait3A_305 = arith.constant 0 : i32
    %dma_wait3A_306 = tpu.memref_slice %arg6[%add3A_299, %dma_wait3A_305] : memref<131072x128xf32, #tpu.memory_space<hbm>> -> memref<256x128xf32, #tpu.memory_space<hbm>>
    %dma_wait3A_307 = arith.constant 0 : i32
    %dma_wait3A_308 = arith.constant 0 : i32
    %dma_wait3A_309 = tpu.memref_slice %arg8[%dma_wait3A_307, %dma_wait3A_308] : memref<512x128xf32, #tpu.memory_space<vmem>> -> memref<256x128xf32, #tpu.memory_space<vmem>>
    tpu.wait_dma2 semaphore(%arg10 : memref<!tpu.dma_semaphore, #tpu.memory_space<semaphore_mem>>) src(%dma_wait3A_309 : memref<256x128xf32, #tpu.memory_space<vmem>>) dst(%dma_wait3A_306 : memref<256x128xf32, #tpu.memory_space<hbm>>)
    %add3A_310 = arith.constant 15 : i32
    %add3A_311 = arith.addi %mul3A_4, %add3A_310 : i32
    %rem3A_312 = arith.constant 16 : i32
    %rem3A_313 = arith.remsi %add3A_311, %rem3A_312 : i32
    %mul3A_314 = arith.constant 256 : i32
    %mul3A_315 = arith.muli %rem3A_313, %mul3A_314 : i32
    %add3A_316 = arith.addi %mul3A_2, %mul3A_315 : i32
    %dma_wait3A_317 = arith.constant 256 : i32
    %dma_wait3A_318 = arith.constant 0 : i32
    %dma_wait3A_319 = tpu.memref_slice %arg8[%dma_wait3A_317, %dma_wait3A_318] : memref<512x128xf32, #tpu.memory_space<vmem>> -> memref<256x128xf32, #tpu.memory_space<vmem>>
    %dma_wait3A_320 = arith.constant 0 : i32
    %dma_wait3A_321 = tpu.memref_slice %arg6[%add3A_316, %dma_wait3A_320] : memref<131072x128xf32, #tpu.memory_space<hbm>> -> memref<256x128xf32, #tpu.memory_space<hbm>>
    %dma_wait3A_322 = arith.constant 0 : i32
    %dma_wait3A_323 = tpu.memref_slice %arg6[%add3A_316, %dma_wait3A_322] : memref<131072x128xf32, #tpu.memory_space<hbm>> -> memref<256x128xf32, #tpu.memory_space<hbm>>
    %dma_wait3A_324 = arith.constant 256 : i32
    %dma_wait3A_325 = arith.constant 0 : i32
    %dma_wait3A_326 = tpu.memref_slice %arg8[%dma_wait3A_324, %dma_wait3A_325] : memref<512x128xf32, #tpu.memory_space<vmem>> -> memref<256x128xf32, #tpu.memory_space<vmem>>
    tpu.wait_dma2 semaphore(%arg10 : memref<!tpu.dma_semaphore, #tpu.memory_space<semaphore_mem>>) src(%dma_wait3A_326 : memref<256x128xf32, #tpu.memory_space<vmem>>) dst(%dma_wait3A_323 : memref<256x128xf32, #tpu.memory_space<hbm>>)
    return
  }
}

#map = affine_map<(d0, d1) -> (0, 0)>
#map1 = affine_map<(d0, d1) -> (0, 0, 0)>
module attributes {stable_mosaic.version = 14 : i64} {
  func.func @gather_k(%arg0: i32, %arg1: i32, %arg2: memref<100001x128xf32, #tpu.memory_space<hbm>>, %arg3: memref<32x32x128xi32, #tpu.memory_space<hbm>>, %arg4: memref<32x32x128xi32, #tpu.memory_space<hbm>>, %arg5: memref<131072x128xf32, #tpu.memory_space<hbm>>, %arg6: memref<131072x128xf32, #tpu.memory_space<hbm>>, %arg7: memref<32x128xi32, #tpu.memory_space<vmem>>, %arg8: memref<512x128xf32, #tpu.memory_space<vmem>>, %arg9: memref<!tpu.dma_semaphore, #tpu.memory_space<semaphore_mem>>, %arg10: memref<!tpu.dma_semaphore, #tpu.memory_space<semaphore_mem>>) attributes {dimension_semantics = [#tpu.dimension_semantics<core_parallel>, #tpu.dimension_semantics<subcore_parallel>], iteration_bounds = array<i64: 2, 16>, scalar_prefetch = 0 : i64, scratch_operands = 4 : i64, tpu.core_type = #tpu.core_type<sc_vector_subcore>, window_params = [{transform_indices = #map}, {transform_indices = #map1}, {transform_indices = #map1}, {transform_indices = #map}, {transform_indices = #map}]} {
    %mul3A = arith.constant 2 : i32
    %mul3A_0 = arith.muli %arg1, %mul3A : i32
    %add3A = arith.addi %mul3A_0, %arg0 : i32
    %mul3A_1 = arith.constant 4096 : i32
    %mul3A_2 = arith.muli %add3A, %mul3A_1 : i32
    %mul3A_3 = arith.constant 0 : i32
    %mul3A_4 = arith.muli %add3A, %mul3A_3 : i32
    "tpu.region"() ({
      %run_scoped3A = tpu.sem_alloc : memref<!tpu.dma_semaphore, #tpu.memory_space<semaphore_mem>>
      %dma_start3A_327 = arith.constant 0 : i32
      %dma_start3A_328 = arith.constant 0 : i32
      %dma_start3A_329 = tpu.memref_slice %arg3[%add3A, %dma_start3A_327, %dma_start3A_328] : memref<32x32x128xi32, #tpu.memory_space<hbm>> -> memref<1x32x128xi32, #tpu.memory_space<hbm>>
      %dma_start3A_330 = tpu.memref_squeeze %dma_start3A_329 : memref<1x32x128xi32, #tpu.memory_space<hbm>> -> memref<32x128xi32, #tpu.memory_space<hbm>>
      %dma_start3A_331 = arith.constant 0 : i32
      %dma_start3A_332 = arith.constant 0 : i32
      %dma_start3A_333 = tpu.memref_slice %arg3[%add3A, %dma_start3A_331, %dma_start3A_332] : memref<32x32x128xi32, #tpu.memory_space<hbm>> -> memref<1x32x128xi32, #tpu.memory_space<hbm>>
      %dma_start3A_334 = tpu.memref_squeeze %dma_start3A_333 : memref<1x32x128xi32, #tpu.memory_space<hbm>> -> memref<32x128xi32, #tpu.memory_space<hbm>>
      tpu.enqueue_dma source(%dma_start3A_334 : memref<32x128xi32, #tpu.memory_space<hbm>>) target(%arg7 : memref<32x128xi32, #tpu.memory_space<vmem>>) target_semaphore(%run_scoped3A : memref<!tpu.dma_semaphore, #tpu.memory_space<semaphore_mem>>)
      %dma_wait3A_335 = arith.constant 0 : i32
      %dma_wait3A_336 = arith.constant 0 : i32
      %dma_wait3A_337 = tpu.memref_slice %arg3[%add3A, %dma_wait3A_335, %dma_wait3A_336] : memref<32x32x128xi32, #tpu.memory_space<hbm>> -> memref<1x32x128xi32, #tpu.memory_space<hbm>>
      %dma_wait3A_338 = tpu.memref_squeeze %dma_wait3A_337 : memref<1x32x128xi32, #tpu.memory_space<hbm>> -> memref<32x128xi32, #tpu.memory_space<hbm>>
      %dma_wait3A_339 = arith.constant 0 : i32
      %dma_wait3A_340 = arith.constant 0 : i32
      %dma_wait3A_341 = tpu.memref_slice %arg3[%add3A, %dma_wait3A_339, %dma_wait3A_340] : memref<32x32x128xi32, #tpu.memory_space<hbm>> -> memref<1x32x128xi32, #tpu.memory_space<hbm>>
      %dma_wait3A_342 = tpu.memref_squeeze %dma_wait3A_341 : memref<1x32x128xi32, #tpu.memory_space<hbm>> -> memref<32x128xi32, #tpu.memory_space<hbm>>
      tpu.wait_dma2 semaphore(%run_scoped3A : memref<!tpu.dma_semaphore, #tpu.memory_space<semaphore_mem>>) src(%dma_wait3A_342 : memref<32x128xi32, #tpu.memory_space<hbm>>) dst(%arg7 : memref<32x128xi32, #tpu.memory_space<vmem>>)
      tpu.yield
    }) : () -> ()
    %add3A_5 = arith.constant 0 : i32
    %add3A_6 = arith.addi %mul3A_4, %add3A_5 : i32
    %rem3A = arith.constant 16 : i32
    %rem3A_7 = arith.remsi %add3A_6, %rem3A : i32
    %mul3A_8 = arith.constant 2 : i32
    %mul3A_9 = arith.muli %rem3A_7, %mul3A_8 : i32
    %add3A_10 = arith.constant 0 : i32
    %add3A_11 = arith.addi %mul3A_9, %add3A_10 : i32
    %dma_start3A = arith.constant 0 : i32
    %dma_start3A_12 = arith.constant 0 : i32
    %dma_start3A_13 = tpu.memref_slice %arg8[%dma_start3A, %dma_start3A_12] : memref<512x128xf32, #tpu.memory_space<vmem>> -> memref<128x128xf32, #tpu.memory_space<vmem>>
    %dma_start3A_14 = arith.constant 0 : i32
    %dma_start3A_15 = tpu.memref_slice %arg7[%add3A_11, %dma_start3A_14] : memref<32x128xi32, #tpu.memory_space<vmem>> -> memref<1x128xi32, #tpu.memory_space<vmem>>
    %dma_start3A_16 = tpu.memref_squeeze %dma_start3A_15 : memref<1x128xi32, #tpu.memory_space<vmem>> -> memref<128xi32, #tpu.memory_space<vmem>>
    %dma_start3A_17 = arith.constant 0 : i32
    %dma_start3A_18 = arith.constant 0 : i32
    %dma_start3A_19 = tpu.memref_slice %arg2[%dma_start3A_17, %dma_start3A_18] : memref<100001x128xf32, #tpu.memory_space<hbm>> -> memref<100001x128xf32, #tpu.memory_space<hbm>>
    tpu.enqueue_indirect_dma source(%dma_start3A_19 : memref<100001x128xf32, #tpu.memory_space<hbm>>) target(%dma_start3A_13 : memref<128x128xf32, #tpu.memory_space<vmem>>) offsets(%dma_start3A_16 : memref<128xi32, #tpu.memory_space<vmem>>) semaphore(%arg9 : memref<!tpu.dma_semaphore, #tpu.memory_space<semaphore_mem>>)
    %mul3A_20 = arith.constant 2 : i32
    %mul3A_21 = arith.muli %rem3A_7, %mul3A_20 : i32
    %add3A_22 = arith.constant 1 : i32
    %add3A_23 = arith.addi %mul3A_21, %add3A_22 : i32
    %dma_start3A_24 = arith.constant 128 : i32
    %dma_start3A_25 = arith.constant 0 : i32
    %dma_start3A_26 = tpu.memref_slice %arg8[%dma_start3A_24, %dma_start3A_25] : memref<512x128xf32, #tpu.memory_space<vmem>> -> memref<128x128xf32, #tpu.memory_space<vmem>>
    %dma_start3A_27 = arith.constant 0 : i32
    %dma_start3A_28 = tpu.memref_slice %arg7[%add3A_23, %dma_start3A_27] : memref<32x128xi32, #tpu.memory_space<vmem>> -> memref<1x128xi32, #tpu.memory_space<vmem>>
    %dma_start3A_29 = tpu.memref_squeeze %dma_start3A_28 : memref<1x128xi32, #tpu.memory_space<vmem>> -> memref<128xi32, #tpu.memory_space<vmem>>
    %dma_start3A_30 = arith.constant 0 : i32
    %dma_start3A_31 = arith.constant 0 : i32
    %dma_start3A_32 = tpu.memref_slice %arg2[%dma_start3A_30, %dma_start3A_31] : memref<100001x128xf32, #tpu.memory_space<hbm>> -> memref<100001x128xf32, #tpu.memory_space<hbm>>
    tpu.enqueue_indirect_dma source(%dma_start3A_32 : memref<100001x128xf32, #tpu.memory_space<hbm>>) target(%dma_start3A_26 : memref<128x128xf32, #tpu.memory_space<vmem>>) offsets(%dma_start3A_29 : memref<128xi32, #tpu.memory_space<vmem>>) semaphore(%arg9 : memref<!tpu.dma_semaphore, #tpu.memory_space<semaphore_mem>>)
    %dma_wait3A = arith.constant 0 : i32
    %dma_wait3A_33 = arith.constant 0 : i32
    %dma_wait3A_34 = tpu.memref_slice %arg8[%dma_wait3A, %dma_wait3A_33] : memref<512x128xf32, #tpu.memory_space<vmem>> -> memref<128x128xf32, #tpu.memory_space<vmem>>
    %dma_wait3A_35 = arith.constant 0 : i32
    %dma_wait3A_36 = tpu.memref_slice %arg7[%add3A_11, %dma_wait3A_35] : memref<32x128xi32, #tpu.memory_space<vmem>> -> memref<1x128xi32, #tpu.memory_space<vmem>>
    %dma_wait3A_37 = tpu.memref_squeeze %dma_wait3A_36 : memref<1x128xi32, #tpu.memory_space<vmem>> -> memref<128xi32, #tpu.memory_space<vmem>>
    %dma_wait3A_38 = arith.constant 0 : i32
    %dma_wait3A_39 = arith.constant 0 : i32
    %dma_wait3A_40 = tpu.memref_slice %arg2[%dma_wait3A_38, %dma_wait3A_39] : memref<100001x128xf32, #tpu.memory_space<hbm>> -> memref<100001x128xf32, #tpu.memory_space<hbm>>
    tpu.wait_indirect_dma semaphore(%arg9 : memref<!tpu.dma_semaphore, #tpu.memory_space<semaphore_mem>>) src(%dma_wait3A_40 : memref<100001x128xf32, #tpu.memory_space<hbm>>) dst(%dma_wait3A_34 : memref<128x128xf32, #tpu.memory_space<vmem>>)
    %dma_wait3A_41 = arith.constant 128 : i32
    %dma_wait3A_42 = arith.constant 0 : i32
    %dma_wait3A_43 = tpu.memref_slice %arg8[%dma_wait3A_41, %dma_wait3A_42] : memref<512x128xf32, #tpu.memory_space<vmem>> -> memref<128x128xf32, #tpu.memory_space<vmem>>
    %dma_wait3A_44 = arith.constant 0 : i32
    %dma_wait3A_45 = tpu.memref_slice %arg7[%add3A_23, %dma_wait3A_44] : memref<32x128xi32, #tpu.memory_space<vmem>> -> memref<1x128xi32, #tpu.memory_space<vmem>>
    %dma_wait3A_46 = tpu.memref_squeeze %dma_wait3A_45 : memref<1x128xi32, #tpu.memory_space<vmem>> -> memref<128xi32, #tpu.memory_space<vmem>>
    %dma_wait3A_47 = arith.constant 0 : i32
    %dma_wait3A_48 = arith.constant 0 : i32
    %dma_wait3A_49 = tpu.memref_slice %arg2[%dma_wait3A_47, %dma_wait3A_48] : memref<100001x128xf32, #tpu.memory_space<hbm>> -> memref<100001x128xf32, #tpu.memory_space<hbm>>
    tpu.wait_indirect_dma semaphore(%arg9 : memref<!tpu.dma_semaphore, #tpu.memory_space<semaphore_mem>>) src(%dma_wait3A_49 : memref<100001x128xf32, #tpu.memory_space<hbm>>) dst(%dma_wait3A_43 : memref<128x128xf32, #tpu.memory_space<vmem>>)
    %mul3A_50 = arith.constant 256 : i32
    %mul3A_51 = arith.muli %rem3A_7, %mul3A_50 : i32
    %add3A_52 = arith.addi %mul3A_2, %mul3A_51 : i32
    %dma_start3A_53 = arith.constant 0 : i32
    %dma_start3A_54 = arith.constant 0 : i32
    %dma_start3A_55 = tpu.memref_slice %arg8[%dma_start3A_53, %dma_start3A_54] : memref<512x128xf32, #tpu.memory_space<vmem>> -> memref<256x128xf32, #tpu.memory_space<vmem>>
    %dma_start3A_56 = arith.constant 0 : i32
    %dma_start3A_57 = tpu.memref_slice %arg5[%add3A_52, %dma_start3A_56] : memref<131072x128xf32, #tpu.memory_space<hbm>> -> memref<256x128xf32, #tpu.memory_space<hbm>>
    %dma_start3A_58 = arith.constant 0 : i32
    %dma_start3A_59 = tpu.memref_slice %arg5[%add3A_52, %dma_start3A_58] : memref<131072x128xf32, #tpu.memory_space<hbm>> -> memref<256x128xf32, #tpu.memory_space<hbm>>
    %dma_start3A_60 = arith.constant 0 : i32
    %dma_start3A_61 = arith.constant 0 : i32
    %dma_start3A_62 = tpu.memref_slice %arg8[%dma_start3A_60, %dma_start3A_61] : memref<512x128xf32, #tpu.memory_space<vmem>> -> memref<256x128xf32, #tpu.memory_space<vmem>>
    tpu.enqueue_dma source(%dma_start3A_62 : memref<256x128xf32, #tpu.memory_space<vmem>>) target(%dma_start3A_59 : memref<256x128xf32, #tpu.memory_space<hbm>>) target_semaphore(%arg10 : memref<!tpu.dma_semaphore, #tpu.memory_space<semaphore_mem>>)
    %add3A_63 = arith.constant 1 : i32
    %add3A_64 = arith.addi %mul3A_4, %add3A_63 : i32
    %rem3A_65 = arith.constant 16 : i32
    %rem3A_66 = arith.remsi %add3A_64, %rem3A_65 : i32
    %mul3A_67 = arith.constant 2 : i32
    %mul3A_68 = arith.muli %rem3A_66, %mul3A_67 : i32
    %add3A_69 = arith.constant 0 : i32
    %add3A_70 = arith.addi %mul3A_68, %add3A_69 : i32
    %dma_start3A_71 = arith.constant 256 : i32
    %dma_start3A_72 = arith.constant 0 : i32
    %dma_start3A_73 = tpu.memref_slice %arg8[%dma_start3A_71, %dma_start3A_72] : memref<512x128xf32, #tpu.memory_space<vmem>> -> memref<128x128xf32, #tpu.memory_space<vmem>>
    %dma_start3A_74 = arith.constant 0 : i32
    %dma_start3A_75 = tpu.memref_slice %arg7[%add3A_70, %dma_start3A_74] : memref<32x128xi32, #tpu.memory_space<vmem>> -> memref<1x128xi32, #tpu.memory_space<vmem>>
    %dma_start3A_76 = tpu.memref_squeeze %dma_start3A_75 : memref<1x128xi32, #tpu.memory_space<vmem>> -> memref<128xi32, #tpu.memory_space<vmem>>
    %dma_start3A_77 = arith.constant 0 : i32
    %dma_start3A_78 = arith.constant 0 : i32
    %dma_start3A_79 = tpu.memref_slice %arg2[%dma_start3A_77, %dma_start3A_78] : memref<100001x128xf32, #tpu.memory_space<hbm>> -> memref<100001x128xf32, #tpu.memory_space<hbm>>
    tpu.enqueue_indirect_dma source(%dma_start3A_79 : memref<100001x128xf32, #tpu.memory_space<hbm>>) target(%dma_start3A_73 : memref<128x128xf32, #tpu.memory_space<vmem>>) offsets(%dma_start3A_76 : memref<128xi32, #tpu.memory_space<vmem>>) semaphore(%arg9 : memref<!tpu.dma_semaphore, #tpu.memory_space<semaphore_mem>>)
    %mul3A_80 = arith.constant 2 : i32
    %mul3A_81 = arith.muli %rem3A_66, %mul3A_80 : i32
    %add3A_82 = arith.constant 1 : i32
    %add3A_83 = arith.addi %mul3A_81, %add3A_82 : i32
    %dma_start3A_84 = arith.constant 384 : i32
    %dma_start3A_85 = arith.constant 0 : i32
    %dma_start3A_86 = tpu.memref_slice %arg8[%dma_start3A_84, %dma_start3A_85] : memref<512x128xf32, #tpu.memory_space<vmem>> -> memref<128x128xf32, #tpu.memory_space<vmem>>
    %dma_start3A_87 = arith.constant 0 : i32
    %dma_start3A_88 = tpu.memref_slice %arg7[%add3A_83, %dma_start3A_87] : memref<32x128xi32, #tpu.memory_space<vmem>> -> memref<1x128xi32, #tpu.memory_space<vmem>>
    %dma_start3A_89 = tpu.memref_squeeze %dma_start3A_88 : memref<1x128xi32, #tpu.memory_space<vmem>> -> memref<128xi32, #tpu.memory_space<vmem>>
    %dma_start3A_90 = arith.constant 0 : i32
    %dma_start3A_91 = arith.constant 0 : i32
    %dma_start3A_92 = tpu.memref_slice %arg2[%dma_start3A_90, %dma_start3A_91] : memref<100001x128xf32, #tpu.memory_space<hbm>> -> memref<100001x128xf32, #tpu.memory_space<hbm>>
    tpu.enqueue_indirect_dma source(%dma_start3A_92 : memref<100001x128xf32, #tpu.memory_space<hbm>>) target(%dma_start3A_86 : memref<128x128xf32, #tpu.memory_space<vmem>>) offsets(%dma_start3A_89 : memref<128xi32, #tpu.memory_space<vmem>>) semaphore(%arg9 : memref<!tpu.dma_semaphore, #tpu.memory_space<semaphore_mem>>)
    %dma_wait3A_93 = arith.constant 256 : i32
    %dma_wait3A_94 = arith.constant 0 : i32
    %dma_wait3A_95 = tpu.memref_slice %arg8[%dma_wait3A_93, %dma_wait3A_94] : memref<512x128xf32, #tpu.memory_space<vmem>> -> memref<128x128xf32, #tpu.memory_space<vmem>>
    %dma_wait3A_96 = arith.constant 0 : i32
    %dma_wait3A_97 = tpu.memref_slice %arg7[%add3A_70, %dma_wait3A_96] : memref<32x128xi32, #tpu.memory_space<vmem>> -> memref<1x128xi32, #tpu.memory_space<vmem>>
    %dma_wait3A_98 = tpu.memref_squeeze %dma_wait3A_97 : memref<1x128xi32, #tpu.memory_space<vmem>> -> memref<128xi32, #tpu.memory_space<vmem>>
    %dma_wait3A_99 = arith.constant 0 : i32
    %dma_wait3A_100 = arith.constant 0 : i32
    %dma_wait3A_101 = tpu.memref_slice %arg2[%dma_wait3A_99, %dma_wait3A_100] : memref<100001x128xf32, #tpu.memory_space<hbm>> -> memref<100001x128xf32, #tpu.memory_space<hbm>>
    tpu.wait_indirect_dma semaphore(%arg9 : memref<!tpu.dma_semaphore, #tpu.memory_space<semaphore_mem>>) src(%dma_wait3A_101 : memref<100001x128xf32, #tpu.memory_space<hbm>>) dst(%dma_wait3A_95 : memref<128x128xf32, #tpu.memory_space<vmem>>)
    %dma_wait3A_102 = arith.constant 384 : i32
    %dma_wait3A_103 = arith.constant 0 : i32
    %dma_wait3A_104 = tpu.memref_slice %arg8[%dma_wait3A_102, %dma_wait3A_103] : memref<512x128xf32, #tpu.memory_space<vmem>> -> memref<128x128xf32, #tpu.memory_space<vmem>>
    %dma_wait3A_105 = arith.constant 0 : i32
    %dma_wait3A_106 = tpu.memref_slice %arg7[%add3A_83, %dma_wait3A_105] : memref<32x128xi32, #tpu.memory_space<vmem>> -> memref<1x128xi32, #tpu.memory_space<vmem>>
    %dma_wait3A_107 = tpu.memref_squeeze %dma_wait3A_106 : memref<1x128xi32, #tpu.memory_space<vmem>> -> memref<128xi32, #tpu.memory_space<vmem>>
    %dma_wait3A_108 = arith.constant 0 : i32
    %dma_wait3A_109 = arith.constant 0 : i32
    %dma_wait3A_110 = tpu.memref_slice %arg2[%dma_wait3A_108, %dma_wait3A_109] : memref<100001x128xf32, #tpu.memory_space<hbm>> -> memref<100001x128xf32, #tpu.memory_space<hbm>>
    tpu.wait_indirect_dma semaphore(%arg9 : memref<!tpu.dma_semaphore, #tpu.memory_space<semaphore_mem>>) src(%dma_wait3A_110 : memref<100001x128xf32, #tpu.memory_space<hbm>>) dst(%dma_wait3A_104 : memref<128x128xf32, #tpu.memory_space<vmem>>)
    %mul3A_111 = arith.constant 256 : i32
    %mul3A_112 = arith.muli %rem3A_66, %mul3A_111 : i32
    %add3A_113 = arith.addi %mul3A_2, %mul3A_112 : i32
    %dma_start3A_114 = arith.constant 256 : i32
    %dma_start3A_115 = arith.constant 0 : i32
    %dma_start3A_116 = tpu.memref_slice %arg8[%dma_start3A_114, %dma_start3A_115] : memref<512x128xf32, #tpu.memory_space<vmem>> -> memref<256x128xf32, #tpu.memory_space<vmem>>
    %dma_start3A_117 = arith.constant 0 : i32
    %dma_start3A_118 = tpu.memref_slice %arg5[%add3A_113, %dma_start3A_117] : memref<131072x128xf32, #tpu.memory_space<hbm>> -> memref<256x128xf32, #tpu.memory_space<hbm>>
    %dma_start3A_119 = arith.constant 0 : i32
    %dma_start3A_120 = tpu.memref_slice %arg5[%add3A_113, %dma_start3A_119] : memref<131072x128xf32, #tpu.memory_space<hbm>> -> memref<256x128xf32, #tpu.memory_space<hbm>>
    %dma_start3A_121 = arith.constant 256 : i32
    %dma_start3A_122 = arith.constant 0 : i32
    %dma_start3A_123 = tpu.memref_slice %arg8[%dma_start3A_121, %dma_start3A_122] : memref<512x128xf32, #tpu.memory_space<vmem>> -> memref<256x128xf32, #tpu.memory_space<vmem>>
    tpu.enqueue_dma source(%dma_start3A_123 : memref<256x128xf32, #tpu.memory_space<vmem>>) target(%dma_start3A_120 : memref<256x128xf32, #tpu.memory_space<hbm>>) target_semaphore(%arg10 : memref<!tpu.dma_semaphore, #tpu.memory_space<semaphore_mem>>)
    %scan3A = arith.constant 0 : i32
    %scan3A_124 = arith.constant 2 : i32
    %scan3A_125 = arith.constant 14 : i32
    %scan3A_126 = arith.addi %scan3A_124, %scan3A_125 : i32
    %scan3A_127 = arith.constant 1 : i32
    %scan3A_128 = scf.for %scan3A_327 = %scan3A_124 to %scan3A_126 step %scan3A_127 iter_args(%scan3A_328 = %scan3A) -> (i32)  : i32 {
      %jit3A = arith.constant 2 : i32
      %eq3A = arith.constant 0 : i32
      %eq3A_329 = arith.cmpi eq, %jit3A, %eq3A : i32
      %jit3A_330 = arith.constant 1 : i32
      %select_n3A = arith.select %eq3A_329, %jit3A_330, %jit3A : i32
      %rem3A_331 = arith.remsi %scan3A_327, %select_n3A : i32
      %ne3A = arith.constant 0 : i32
      %ne3A_332 = arith.cmpi ne, %rem3A_331, %ne3A : i32
      %lt3A = arith.constant 0 : i32
      %lt3A_333 = arith.cmpi slt, %rem3A_331, %lt3A : i32
      %lt3A_334 = arith.constant 0 : i32
      %lt3A_335 = arith.cmpi slt, %select_n3A, %lt3A_334 : i32
      %ne3A_336 = arith.xori %lt3A_333, %lt3A_335 : i1
      %and3A = arith.andi %ne3A_336, %ne3A_332 : i1
      %add3A_337 = arith.addi %rem3A_331, %select_n3A : i32
      %select_n3A_338 = arith.select %and3A, %add3A_337, %rem3A_331 : i32
      %mul3A_339 = arith.constant 256 : i32
      %mul3A_340 = arith.muli %select_n3A_338, %mul3A_339 : i32
      %sub3A = arith.constant 2 : i32
      %sub3A_341 = arith.subi %scan3A_327, %sub3A : i32
      %add3A_342 = arith.addi %mul3A_4, %sub3A_341 : i32
      %rem3A_343 = arith.constant 16 : i32
      %rem3A_344 = arith.remsi %add3A_342, %rem3A_343 : i32
      %mul3A_345 = arith.constant 256 : i32
      %mul3A_346 = arith.muli %rem3A_344, %mul3A_345 : i32
      %add3A_347 = arith.addi %mul3A_2, %mul3A_346 : i32
      %dma_wait3A_348 = arith.constant 0 : i32
      %dma_wait3A_349 = tpu.memref_slice %arg8[%mul3A_340, %dma_wait3A_348] : memref<512x128xf32, #tpu.memory_space<vmem>> -> memref<256x128xf32, #tpu.memory_space<vmem>>
      %dma_wait3A_350 = arith.constant 0 : i32
      %dma_wait3A_351 = tpu.memref_slice %arg5[%add3A_347, %dma_wait3A_350] : memref<131072x128xf32, #tpu.memory_space<hbm>> -> memref<256x128xf32, #tpu.memory_space<hbm>>
      %dma_wait3A_352 = arith.constant 0 : i32
      %dma_wait3A_353 = tpu.memref_slice %arg5[%add3A_347, %dma_wait3A_352] : memref<131072x128xf32, #tpu.memory_space<hbm>> -> memref<256x128xf32, #tpu.memory_space<hbm>>
      %dma_wait3A_354 = arith.constant 0 : i32
      %dma_wait3A_355 = tpu.memref_slice %arg8[%mul3A_340, %dma_wait3A_354] : memref<512x128xf32, #tpu.memory_space<vmem>> -> memref<256x128xf32, #tpu.memory_space<vmem>>
      tpu.wait_dma2 semaphore(%arg10 : memref<!tpu.dma_semaphore, #tpu.memory_space<semaphore_mem>>) src(%dma_wait3A_355 : memref<256x128xf32, #tpu.memory_space<vmem>>) dst(%dma_wait3A_353 : memref<256x128xf32, #tpu.memory_space<hbm>>)
      %add3A_356 = arith.addi %mul3A_4, %scan3A_327 : i32
      %rem3A_357 = arith.constant 16 : i32
      %rem3A_358 = arith.remsi %add3A_356, %rem3A_357 : i32
      %mul3A_359 = arith.constant 2 : i32
      %mul3A_360 = arith.muli %rem3A_358, %mul3A_359 : i32
      %add3A_361 = arith.constant 0 : i32
      %add3A_362 = arith.addi %mul3A_360, %add3A_361 : i32
      %add3A_363 = arith.constant 0 : i32
      %add3A_364 = arith.addi %mul3A_340, %add3A_363 : i32
      %dma_start3A_365 = arith.constant 0 : i32
      %dma_start3A_366 = tpu.memref_slice %arg8[%add3A_364, %dma_start3A_365] : memref<512x128xf32, #tpu.memory_space<vmem>> -> memref<128x128xf32, #tpu.memory_space<vmem>>
      %dma_start3A_367 = arith.constant 0 : i32
      %dma_start3A_368 = tpu.memref_slice %arg7[%add3A_362, %dma_start3A_367] : memref<32x128xi32, #tpu.memory_space<vmem>> -> memref<1x128xi32, #tpu.memory_space<vmem>>
      %dma_start3A_369 = tpu.memref_squeeze %dma_start3A_368 : memref<1x128xi32, #tpu.memory_space<vmem>> -> memref<128xi32, #tpu.memory_space<vmem>>
      %dma_start3A_370 = arith.constant 0 : i32
      %dma_start3A_371 = arith.constant 0 : i32
      %dma_start3A_372 = tpu.memref_slice %arg2[%dma_start3A_370, %dma_start3A_371] : memref<100001x128xf32, #tpu.memory_space<hbm>> -> memref<100001x128xf32, #tpu.memory_space<hbm>>
      tpu.enqueue_indirect_dma source(%dma_start3A_372 : memref<100001x128xf32, #tpu.memory_space<hbm>>) target(%dma_start3A_366 : memref<128x128xf32, #tpu.memory_space<vmem>>) offsets(%dma_start3A_369 : memref<128xi32, #tpu.memory_space<vmem>>) semaphore(%arg9 : memref<!tpu.dma_semaphore, #tpu.memory_space<semaphore_mem>>)
      %mul3A_373 = arith.constant 2 : i32
      %mul3A_374 = arith.muli %rem3A_358, %mul3A_373 : i32
      %add3A_375 = arith.constant 1 : i32
      %add3A_376 = arith.addi %mul3A_374, %add3A_375 : i32
      %add3A_377 = arith.constant 128 : i32
      %add3A_378 = arith.addi %mul3A_340, %add3A_377 : i32
      %dma_start3A_379 = arith.constant 0 : i32
      %dma_start3A_380 = tpu.memref_slice %arg8[%add3A_378, %dma_start3A_379] : memref<512x128xf32, #tpu.memory_space<vmem>> -> memref<128x128xf32, #tpu.memory_space<vmem>>
      %dma_start3A_381 = arith.constant 0 : i32
      %dma_start3A_382 = tpu.memref_slice %arg7[%add3A_376, %dma_start3A_381] : memref<32x128xi32, #tpu.memory_space<vmem>> -> memref<1x128xi32, #tpu.memory_space<vmem>>
      %dma_start3A_383 = tpu.memref_squeeze %dma_start3A_382 : memref<1x128xi32, #tpu.memory_space<vmem>> -> memref<128xi32, #tpu.memory_space<vmem>>
      %dma_start3A_384 = arith.constant 0 : i32
      %dma_start3A_385 = arith.constant 0 : i32
      %dma_start3A_386 = tpu.memref_slice %arg2[%dma_start3A_384, %dma_start3A_385] : memref<100001x128xf32, #tpu.memory_space<hbm>> -> memref<100001x128xf32, #tpu.memory_space<hbm>>
      tpu.enqueue_indirect_dma source(%dma_start3A_386 : memref<100001x128xf32, #tpu.memory_space<hbm>>) target(%dma_start3A_380 : memref<128x128xf32, #tpu.memory_space<vmem>>) offsets(%dma_start3A_383 : memref<128xi32, #tpu.memory_space<vmem>>) semaphore(%arg9 : memref<!tpu.dma_semaphore, #tpu.memory_space<semaphore_mem>>)
      %dma_wait3A_387 = arith.constant 0 : i32
      %dma_wait3A_388 = tpu.memref_slice %arg8[%add3A_364, %dma_wait3A_387] : memref<512x128xf32, #tpu.memory_space<vmem>> -> memref<128x128xf32, #tpu.memory_space<vmem>>
      %dma_wait3A_389 = arith.constant 0 : i32
      %dma_wait3A_390 = tpu.memref_slice %arg7[%add3A_362, %dma_wait3A_389] : memref<32x128xi32, #tpu.memory_space<vmem>> -> memref<1x128xi32, #tpu.memory_space<vmem>>
      %dma_wait3A_391 = tpu.memref_squeeze %dma_wait3A_390 : memref<1x128xi32, #tpu.memory_space<vmem>> -> memref<128xi32, #tpu.memory_space<vmem>>
      %dma_wait3A_392 = arith.constant 0 : i32
      %dma_wait3A_393 = arith.constant 0 : i32
      %dma_wait3A_394 = tpu.memref_slice %arg2[%dma_wait3A_392, %dma_wait3A_393] : memref<100001x128xf32, #tpu.memory_space<hbm>> -> memref<100001x128xf32, #tpu.memory_space<hbm>>
      tpu.wait_indirect_dma semaphore(%arg9 : memref<!tpu.dma_semaphore, #tpu.memory_space<semaphore_mem>>) src(%dma_wait3A_394 : memref<100001x128xf32, #tpu.memory_space<hbm>>) dst(%dma_wait3A_388 : memref<128x128xf32, #tpu.memory_space<vmem>>)
      %dma_wait3A_395 = arith.constant 0 : i32
      %dma_wait3A_396 = tpu.memref_slice %arg8[%add3A_378, %dma_wait3A_395] : memref<512x128xf32, #tpu.memory_space<vmem>> -> memref<128x128xf32, #tpu.memory_space<vmem>>
      %dma_wait3A_397 = arith.constant 0 : i32
      %dma_wait3A_398 = tpu.memref_slice %arg7[%add3A_376, %dma_wait3A_397] : memref<32x128xi32, #tpu.memory_space<vmem>> -> memref<1x128xi32, #tpu.memory_space<vmem>>
      %dma_wait3A_399 = tpu.memref_squeeze %dma_wait3A_398 : memref<1x128xi32, #tpu.memory_space<vmem>> -> memref<128xi32, #tpu.memory_space<vmem>>
      %dma_wait3A_400 = arith.constant 0 : i32
      %dma_wait3A_401 = arith.constant 0 : i32
      %dma_wait3A_402 = tpu.memref_slice %arg2[%dma_wait3A_400, %dma_wait3A_401] : memref<100001x128xf32, #tpu.memory_space<hbm>> -> memref<100001x128xf32, #tpu.memory_space<hbm>>
      tpu.wait_indirect_dma semaphore(%arg9 : memref<!tpu.dma_semaphore, #tpu.memory_space<semaphore_mem>>) src(%dma_wait3A_402 : memref<100001x128xf32, #tpu.memory_space<hbm>>) dst(%dma_wait3A_396 : memref<128x128xf32, #tpu.memory_space<vmem>>)
      %add3A_403 = arith.addi %mul3A_4, %scan3A_327 : i32
      %rem3A_404 = arith.constant 16 : i32
      %rem3A_405 = arith.remsi %add3A_403, %rem3A_404 : i32
      %mul3A_406 = arith.constant 256 : i32
      %mul3A_407 = arith.muli %rem3A_405, %mul3A_406 : i32
      %add3A_408 = arith.addi %mul3A_2, %mul3A_407 : i32
      %dma_start3A_409 = arith.constant 0 : i32
      %dma_start3A_410 = tpu.memref_slice %arg8[%mul3A_340, %dma_start3A_409] : memref<512x128xf32, #tpu.memory_space<vmem>> -> memref<256x128xf32, #tpu.memory_space<vmem>>
      %dma_start3A_411 = arith.constant 0 : i32
      %dma_start3A_412 = tpu.memref_slice %arg5[%add3A_408, %dma_start3A_411] : memref<131072x128xf32, #tpu.memory_space<hbm>> -> memref<256x128xf32, #tpu.memory_space<hbm>>
      %dma_start3A_413 = arith.constant 0 : i32
      %dma_start3A_414 = tpu.memref_slice %arg5[%add3A_408, %dma_start3A_413] : memref<131072x128xf32, #tpu.memory_space<hbm>> -> memref<256x128xf32, #tpu.memory_space<hbm>>
      %dma_start3A_415 = arith.constant 0 : i32
      %dma_start3A_416 = tpu.memref_slice %arg8[%mul3A_340, %dma_start3A_415] : memref<512x128xf32, #tpu.memory_space<vmem>> -> memref<256x128xf32, #tpu.memory_space<vmem>>
      tpu.enqueue_dma source(%dma_start3A_416 : memref<256x128xf32, #tpu.memory_space<vmem>>) target(%dma_start3A_414 : memref<256x128xf32, #tpu.memory_space<hbm>>) target_semaphore(%arg10 : memref<!tpu.dma_semaphore, #tpu.memory_space<semaphore_mem>>)
      %scan3A_417 = arith.constant 0 : i32
      scf.yield %scan3A_417 : i32
    }
    %scan3A_129 = arith.constant 14 : i32
    %add3A_130 = arith.constant 14 : i32
    %add3A_131 = arith.addi %mul3A_4, %add3A_130 : i32
    %rem3A_132 = arith.constant 16 : i32
    %rem3A_133 = arith.remsi %add3A_131, %rem3A_132 : i32
    %mul3A_134 = arith.constant 256 : i32
    %mul3A_135 = arith.muli %rem3A_133, %mul3A_134 : i32
    %add3A_136 = arith.addi %mul3A_2, %mul3A_135 : i32
    %dma_wait3A_137 = arith.constant 0 : i32
    %dma_wait3A_138 = arith.constant 0 : i32
    %dma_wait3A_139 = tpu.memref_slice %arg8[%dma_wait3A_137, %dma_wait3A_138] : memref<512x128xf32, #tpu.memory_space<vmem>> -> memref<256x128xf32, #tpu.memory_space<vmem>>
    %dma_wait3A_140 = arith.constant 0 : i32
    %dma_wait3A_141 = tpu.memref_slice %arg5[%add3A_136, %dma_wait3A_140] : memref<131072x128xf32, #tpu.memory_space<hbm>> -> memref<256x128xf32, #tpu.memory_space<hbm>>
    %dma_wait3A_142 = arith.constant 0 : i32
    %dma_wait3A_143 = tpu.memref_slice %arg5[%add3A_136, %dma_wait3A_142] : memref<131072x128xf32, #tpu.memory_space<hbm>> -> memref<256x128xf32, #tpu.memory_space<hbm>>
    %dma_wait3A_144 = arith.constant 0 : i32
    %dma_wait3A_145 = arith.constant 0 : i32
    %dma_wait3A_146 = tpu.memref_slice %arg8[%dma_wait3A_144, %dma_wait3A_145] : memref<512x128xf32, #tpu.memory_space<vmem>> -> memref<256x128xf32, #tpu.memory_space<vmem>>
    tpu.wait_dma2 semaphore(%arg10 : memref<!tpu.dma_semaphore, #tpu.memory_space<semaphore_mem>>) src(%dma_wait3A_146 : memref<256x128xf32, #tpu.memory_space<vmem>>) dst(%dma_wait3A_143 : memref<256x128xf32, #tpu.memory_space<hbm>>)
    %add3A_147 = arith.constant 15 : i32
    %add3A_148 = arith.addi %mul3A_4, %add3A_147 : i32
    %rem3A_149 = arith.constant 16 : i32
    %rem3A_150 = arith.remsi %add3A_148, %rem3A_149 : i32
    %mul3A_151 = arith.constant 256 : i32
    %mul3A_152 = arith.muli %rem3A_150, %mul3A_151 : i32
    %add3A_153 = arith.addi %mul3A_2, %mul3A_152 : i32
    %dma_wait3A_154 = arith.constant 256 : i32
    %dma_wait3A_155 = arith.constant 0 : i32
    %dma_wait3A_156 = tpu.memref_slice %arg8[%dma_wait3A_154, %dma_wait3A_155] : memref<512x128xf32, #tpu.memory_space<vmem>> -> memref<256x128xf32, #tpu.memory_space<vmem>>
    %dma_wait3A_157 = arith.constant 0 : i32
    %dma_wait3A_158 = tpu.memref_slice %arg5[%add3A_153, %dma_wait3A_157] : memref<131072x128xf32, #tpu.memory_space<hbm>> -> memref<256x128xf32, #tpu.memory_space<hbm>>
    %dma_wait3A_159 = arith.constant 0 : i32
    %dma_wait3A_160 = tpu.memref_slice %arg5[%add3A_153, %dma_wait3A_159] : memref<131072x128xf32, #tpu.memory_space<hbm>> -> memref<256x128xf32, #tpu.memory_space<hbm>>
    %dma_wait3A_161 = arith.constant 256 : i32
    %dma_wait3A_162 = arith.constant 0 : i32
    %dma_wait3A_163 = tpu.memref_slice %arg8[%dma_wait3A_161, %dma_wait3A_162] : memref<512x128xf32, #tpu.memory_space<vmem>> -> memref<256x128xf32, #tpu.memory_space<vmem>>
    tpu.wait_dma2 semaphore(%arg10 : memref<!tpu.dma_semaphore, #tpu.memory_space<semaphore_mem>>) src(%dma_wait3A_163 : memref<256x128xf32, #tpu.memory_space<vmem>>) dst(%dma_wait3A_160 : memref<256x128xf32, #tpu.memory_space<hbm>>)
    "tpu.region"() ({
      %run_scoped3A = tpu.sem_alloc : memref<!tpu.dma_semaphore, #tpu.memory_space<semaphore_mem>>
      %dma_start3A_327 = arith.constant 0 : i32
      %dma_start3A_328 = arith.constant 0 : i32
      %dma_start3A_329 = tpu.memref_slice %arg4[%add3A, %dma_start3A_327, %dma_start3A_328] : memref<32x32x128xi32, #tpu.memory_space<hbm>> -> memref<1x32x128xi32, #tpu.memory_space<hbm>>
      %dma_start3A_330 = tpu.memref_squeeze %dma_start3A_329 : memref<1x32x128xi32, #tpu.memory_space<hbm>> -> memref<32x128xi32, #tpu.memory_space<hbm>>
      %dma_start3A_331 = arith.constant 0 : i32
      %dma_start3A_332 = arith.constant 0 : i32
      %dma_start3A_333 = tpu.memref_slice %arg4[%add3A, %dma_start3A_331, %dma_start3A_332] : memref<32x32x128xi32, #tpu.memory_space<hbm>> -> memref<1x32x128xi32, #tpu.memory_space<hbm>>
      %dma_start3A_334 = tpu.memref_squeeze %dma_start3A_333 : memref<1x32x128xi32, #tpu.memory_space<hbm>> -> memref<32x128xi32, #tpu.memory_space<hbm>>
      tpu.enqueue_dma source(%dma_start3A_334 : memref<32x128xi32, #tpu.memory_space<hbm>>) target(%arg7 : memref<32x128xi32, #tpu.memory_space<vmem>>) target_semaphore(%run_scoped3A : memref<!tpu.dma_semaphore, #tpu.memory_space<semaphore_mem>>)
      %dma_wait3A_335 = arith.constant 0 : i32
      %dma_wait3A_336 = arith.constant 0 : i32
      %dma_wait3A_337 = tpu.memref_slice %arg4[%add3A, %dma_wait3A_335, %dma_wait3A_336] : memref<32x32x128xi32, #tpu.memory_space<hbm>> -> memref<1x32x128xi32, #tpu.memory_space<hbm>>
      %dma_wait3A_338 = tpu.memref_squeeze %dma_wait3A_337 : memref<1x32x128xi32, #tpu.memory_space<hbm>> -> memref<32x128xi32, #tpu.memory_space<hbm>>
      %dma_wait3A_339 = arith.constant 0 : i32
      %dma_wait3A_340 = arith.constant 0 : i32
      %dma_wait3A_341 = tpu.memref_slice %arg4[%add3A, %dma_wait3A_339, %dma_wait3A_340] : memref<32x32x128xi32, #tpu.memory_space<hbm>> -> memref<1x32x128xi32, #tpu.memory_space<hbm>>
      %dma_wait3A_342 = tpu.memref_squeeze %dma_wait3A_341 : memref<1x32x128xi32, #tpu.memory_space<hbm>> -> memref<32x128xi32, #tpu.memory_space<hbm>>
      tpu.wait_dma2 semaphore(%run_scoped3A : memref<!tpu.dma_semaphore, #tpu.memory_space<semaphore_mem>>) src(%dma_wait3A_342 : memref<32x128xi32, #tpu.memory_space<hbm>>) dst(%arg7 : memref<32x128xi32, #tpu.memory_space<vmem>>)
      tpu.yield
    }) : () -> ()
    %add3A_164 = arith.constant 0 : i32
    %add3A_165 = arith.addi %mul3A_4, %add3A_164 : i32
    %rem3A_166 = arith.constant 16 : i32
    %rem3A_167 = arith.remsi %add3A_165, %rem3A_166 : i32
    %mul3A_168 = arith.constant 2 : i32
    %mul3A_169 = arith.muli %rem3A_167, %mul3A_168 : i32
    %add3A_170 = arith.constant 0 : i32
    %add3A_171 = arith.addi %mul3A_169, %add3A_170 : i32
    %dma_start3A_172 = arith.constant 0 : i32
    %dma_start3A_173 = arith.constant 0 : i32
    %dma_start3A_174 = tpu.memref_slice %arg8[%dma_start3A_172, %dma_start3A_173] : memref<512x128xf32, #tpu.memory_space<vmem>> -> memref<128x128xf32, #tpu.memory_space<vmem>>
    %dma_start3A_175 = arith.constant 0 : i32
    %dma_start3A_176 = tpu.memref_slice %arg7[%add3A_171, %dma_start3A_175] : memref<32x128xi32, #tpu.memory_space<vmem>> -> memref<1x128xi32, #tpu.memory_space<vmem>>
    %dma_start3A_177 = tpu.memref_squeeze %dma_start3A_176 : memref<1x128xi32, #tpu.memory_space<vmem>> -> memref<128xi32, #tpu.memory_space<vmem>>
    %dma_start3A_178 = arith.constant 0 : i32
    %dma_start3A_179 = arith.constant 0 : i32
    %dma_start3A_180 = tpu.memref_slice %arg2[%dma_start3A_178, %dma_start3A_179] : memref<100001x128xf32, #tpu.memory_space<hbm>> -> memref<100001x128xf32, #tpu.memory_space<hbm>>
    tpu.enqueue_indirect_dma source(%dma_start3A_180 : memref<100001x128xf32, #tpu.memory_space<hbm>>) target(%dma_start3A_174 : memref<128x128xf32, #tpu.memory_space<vmem>>) offsets(%dma_start3A_177 : memref<128xi32, #tpu.memory_space<vmem>>) semaphore(%arg9 : memref<!tpu.dma_semaphore, #tpu.memory_space<semaphore_mem>>)
    %mul3A_181 = arith.constant 2 : i32
    %mul3A_182 = arith.muli %rem3A_167, %mul3A_181 : i32
    %add3A_183 = arith.constant 1 : i32
    %add3A_184 = arith.addi %mul3A_182, %add3A_183 : i32
    %dma_start3A_185 = arith.constant 128 : i32
    %dma_start3A_186 = arith.constant 0 : i32
    %dma_start3A_187 = tpu.memref_slice %arg8[%dma_start3A_185, %dma_start3A_186] : memref<512x128xf32, #tpu.memory_space<vmem>> -> memref<128x128xf32, #tpu.memory_space<vmem>>
    %dma_start3A_188 = arith.constant 0 : i32
    %dma_start3A_189 = tpu.memref_slice %arg7[%add3A_184, %dma_start3A_188] : memref<32x128xi32, #tpu.memory_space<vmem>> -> memref<1x128xi32, #tpu.memory_space<vmem>>
    %dma_start3A_190 = tpu.memref_squeeze %dma_start3A_189 : memref<1x128xi32, #tpu.memory_space<vmem>> -> memref<128xi32, #tpu.memory_space<vmem>>
    %dma_start3A_191 = arith.constant 0 : i32
    %dma_start3A_192 = arith.constant 0 : i32
    %dma_start3A_193 = tpu.memref_slice %arg2[%dma_start3A_191, %dma_start3A_192] : memref<100001x128xf32, #tpu.memory_space<hbm>> -> memref<100001x128xf32, #tpu.memory_space<hbm>>
    tpu.enqueue_indirect_dma source(%dma_start3A_193 : memref<100001x128xf32, #tpu.memory_space<hbm>>) target(%dma_start3A_187 : memref<128x128xf32, #tpu.memory_space<vmem>>) offsets(%dma_start3A_190 : memref<128xi32, #tpu.memory_space<vmem>>) semaphore(%arg9 : memref<!tpu.dma_semaphore, #tpu.memory_space<semaphore_mem>>)
    %dma_wait3A_194 = arith.constant 0 : i32
    %dma_wait3A_195 = arith.constant 0 : i32
    %dma_wait3A_196 = tpu.memref_slice %arg8[%dma_wait3A_194, %dma_wait3A_195] : memref<512x128xf32, #tpu.memory_space<vmem>> -> memref<128x128xf32, #tpu.memory_space<vmem>>
    %dma_wait3A_197 = arith.constant 0 : i32
    %dma_wait3A_198 = tpu.memref_slice %arg7[%add3A_171, %dma_wait3A_197] : memref<32x128xi32, #tpu.memory_space<vmem>> -> memref<1x128xi32, #tpu.memory_space<vmem>>
    %dma_wait3A_199 = tpu.memref_squeeze %dma_wait3A_198 : memref<1x128xi32, #tpu.memory_space<vmem>> -> memref<128xi32, #tpu.memory_space<vmem>>
    %dma_wait3A_200 = arith.constant 0 : i32
    %dma_wait3A_201 = arith.constant 0 : i32
    %dma_wait3A_202 = tpu.memref_slice %arg2[%dma_wait3A_200, %dma_wait3A_201] : memref<100001x128xf32, #tpu.memory_space<hbm>> -> memref<100001x128xf32, #tpu.memory_space<hbm>>
    tpu.wait_indirect_dma semaphore(%arg9 : memref<!tpu.dma_semaphore, #tpu.memory_space<semaphore_mem>>) src(%dma_wait3A_202 : memref<100001x128xf32, #tpu.memory_space<hbm>>) dst(%dma_wait3A_196 : memref<128x128xf32, #tpu.memory_space<vmem>>)
    %dma_wait3A_203 = arith.constant 128 : i32
    %dma_wait3A_204 = arith.constant 0 : i32
    %dma_wait3A_205 = tpu.memref_slice %arg8[%dma_wait3A_203, %dma_wait3A_204] : memref<512x128xf32, #tpu.memory_space<vmem>> -> memref<128x128xf32, #tpu.memory_space<vmem>>
    %dma_wait3A_206 = arith.constant 0 : i32
    %dma_wait3A_207 = tpu.memref_slice %arg7[%add3A_184, %dma_wait3A_206] : memref<32x128xi32, #tpu.memory_space<vmem>> -> memref<1x128xi32, #tpu.memory_space<vmem>>
    %dma_wait3A_208 = tpu.memref_squeeze %dma_wait3A_207 : memref<1x128xi32, #tpu.memory_space<vmem>> -> memref<128xi32, #tpu.memory_space<vmem>>
    %dma_wait3A_209 = arith.constant 0 : i32
    %dma_wait3A_210 = arith.constant 0 : i32
    %dma_wait3A_211 = tpu.memref_slice %arg2[%dma_wait3A_209, %dma_wait3A_210] : memref<100001x128xf32, #tpu.memory_space<hbm>> -> memref<100001x128xf32, #tpu.memory_space<hbm>>
    tpu.wait_indirect_dma semaphore(%arg9 : memref<!tpu.dma_semaphore, #tpu.memory_space<semaphore_mem>>) src(%dma_wait3A_211 : memref<100001x128xf32, #tpu.memory_space<hbm>>) dst(%dma_wait3A_205 : memref<128x128xf32, #tpu.memory_space<vmem>>)
    %mul3A_212 = arith.constant 256 : i32
    %mul3A_213 = arith.muli %rem3A_167, %mul3A_212 : i32
    %add3A_214 = arith.addi %mul3A_2, %mul3A_213 : i32
    %dma_start3A_215 = arith.constant 0 : i32
    %dma_start3A_216 = arith.constant 0 : i32
    %dma_start3A_217 = tpu.memref_slice %arg8[%dma_start3A_215, %dma_start3A_216] : memref<512x128xf32, #tpu.memory_space<vmem>> -> memref<256x128xf32, #tpu.memory_space<vmem>>
    %dma_start3A_218 = arith.constant 0 : i32
    %dma_start3A_219 = tpu.memref_slice %arg6[%add3A_214, %dma_start3A_218] : memref<131072x128xf32, #tpu.memory_space<hbm>> -> memref<256x128xf32, #tpu.memory_space<hbm>>
    %dma_start3A_220 = arith.constant 0 : i32
    %dma_start3A_221 = tpu.memref_slice %arg6[%add3A_214, %dma_start3A_220] : memref<131072x128xf32, #tpu.memory_space<hbm>> -> memref<256x128xf32, #tpu.memory_space<hbm>>
    %dma_start3A_222 = arith.constant 0 : i32
    %dma_start3A_223 = arith.constant 0 : i32
    %dma_start3A_224 = tpu.memref_slice %arg8[%dma_start3A_222, %dma_start3A_223] : memref<512x128xf32, #tpu.memory_space<vmem>> -> memref<256x128xf32, #tpu.memory_space<vmem>>
    tpu.enqueue_dma source(%dma_start3A_224 : memref<256x128xf32, #tpu.memory_space<vmem>>) target(%dma_start3A_221 : memref<256x128xf32, #tpu.memory_space<hbm>>) target_semaphore(%arg10 : memref<!tpu.dma_semaphore, #tpu.memory_space<semaphore_mem>>)
    %add3A_225 = arith.constant 1 : i32
    %add3A_226 = arith.addi %mul3A_4, %add3A_225 : i32
    %rem3A_227 = arith.constant 16 : i32
    %rem3A_228 = arith.remsi %add3A_226, %rem3A_227 : i32
    %mul3A_229 = arith.constant 2 : i32
    %mul3A_230 = arith.muli %rem3A_228, %mul3A_229 : i32
    %add3A_231 = arith.constant 0 : i32
    %add3A_232 = arith.addi %mul3A_230, %add3A_231 : i32
    %dma_start3A_233 = arith.constant 256 : i32
    %dma_start3A_234 = arith.constant 0 : i32
    %dma_start3A_235 = tpu.memref_slice %arg8[%dma_start3A_233, %dma_start3A_234] : memref<512x128xf32, #tpu.memory_space<vmem>> -> memref<128x128xf32, #tpu.memory_space<vmem>>
    %dma_start3A_236 = arith.constant 0 : i32
    %dma_start3A_237 = tpu.memref_slice %arg7[%add3A_232, %dma_start3A_236] : memref<32x128xi32, #tpu.memory_space<vmem>> -> memref<1x128xi32, #tpu.memory_space<vmem>>
    %dma_start3A_238 = tpu.memref_squeeze %dma_start3A_237 : memref<1x128xi32, #tpu.memory_space<vmem>> -> memref<128xi32, #tpu.memory_space<vmem>>
    %dma_start3A_239 = arith.constant 0 : i32
    %dma_start3A_240 = arith.constant 0 : i32
    %dma_start3A_241 = tpu.memref_slice %arg2[%dma_start3A_239, %dma_start3A_240] : memref<100001x128xf32, #tpu.memory_space<hbm>> -> memref<100001x128xf32, #tpu.memory_space<hbm>>
    tpu.enqueue_indirect_dma source(%dma_start3A_241 : memref<100001x128xf32, #tpu.memory_space<hbm>>) target(%dma_start3A_235 : memref<128x128xf32, #tpu.memory_space<vmem>>) offsets(%dma_start3A_238 : memref<128xi32, #tpu.memory_space<vmem>>) semaphore(%arg9 : memref<!tpu.dma_semaphore, #tpu.memory_space<semaphore_mem>>)
    %mul3A_242 = arith.constant 2 : i32
    %mul3A_243 = arith.muli %rem3A_228, %mul3A_242 : i32
    %add3A_244 = arith.constant 1 : i32
    %add3A_245 = arith.addi %mul3A_243, %add3A_244 : i32
    %dma_start3A_246 = arith.constant 384 : i32
    %dma_start3A_247 = arith.constant 0 : i32
    %dma_start3A_248 = tpu.memref_slice %arg8[%dma_start3A_246, %dma_start3A_247] : memref<512x128xf32, #tpu.memory_space<vmem>> -> memref<128x128xf32, #tpu.memory_space<vmem>>
    %dma_start3A_249 = arith.constant 0 : i32
    %dma_start3A_250 = tpu.memref_slice %arg7[%add3A_245, %dma_start3A_249] : memref<32x128xi32, #tpu.memory_space<vmem>> -> memref<1x128xi32, #tpu.memory_space<vmem>>
    %dma_start3A_251 = tpu.memref_squeeze %dma_start3A_250 : memref<1x128xi32, #tpu.memory_space<vmem>> -> memref<128xi32, #tpu.memory_space<vmem>>
    %dma_start3A_252 = arith.constant 0 : i32
    %dma_start3A_253 = arith.constant 0 : i32
    %dma_start3A_254 = tpu.memref_slice %arg2[%dma_start3A_252, %dma_start3A_253] : memref<100001x128xf32, #tpu.memory_space<hbm>> -> memref<100001x128xf32, #tpu.memory_space<hbm>>
    tpu.enqueue_indirect_dma source(%dma_start3A_254 : memref<100001x128xf32, #tpu.memory_space<hbm>>) target(%dma_start3A_248 : memref<128x128xf32, #tpu.memory_space<vmem>>) offsets(%dma_start3A_251 : memref<128xi32, #tpu.memory_space<vmem>>) semaphore(%arg9 : memref<!tpu.dma_semaphore, #tpu.memory_space<semaphore_mem>>)
    %dma_wait3A_255 = arith.constant 256 : i32
    %dma_wait3A_256 = arith.constant 0 : i32
    %dma_wait3A_257 = tpu.memref_slice %arg8[%dma_wait3A_255, %dma_wait3A_256] : memref<512x128xf32, #tpu.memory_space<vmem>> -> memref<128x128xf32, #tpu.memory_space<vmem>>
    %dma_wait3A_258 = arith.constant 0 : i32
    %dma_wait3A_259 = tpu.memref_slice %arg7[%add3A_232, %dma_wait3A_258] : memref<32x128xi32, #tpu.memory_space<vmem>> -> memref<1x128xi32, #tpu.memory_space<vmem>>
    %dma_wait3A_260 = tpu.memref_squeeze %dma_wait3A_259 : memref<1x128xi32, #tpu.memory_space<vmem>> -> memref<128xi32, #tpu.memory_space<vmem>>
    %dma_wait3A_261 = arith.constant 0 : i32
    %dma_wait3A_262 = arith.constant 0 : i32
    %dma_wait3A_263 = tpu.memref_slice %arg2[%dma_wait3A_261, %dma_wait3A_262] : memref<100001x128xf32, #tpu.memory_space<hbm>> -> memref<100001x128xf32, #tpu.memory_space<hbm>>
    tpu.wait_indirect_dma semaphore(%arg9 : memref<!tpu.dma_semaphore, #tpu.memory_space<semaphore_mem>>) src(%dma_wait3A_263 : memref<100001x128xf32, #tpu.memory_space<hbm>>) dst(%dma_wait3A_257 : memref<128x128xf32, #tpu.memory_space<vmem>>)
    %dma_wait3A_264 = arith.constant 384 : i32
    %dma_wait3A_265 = arith.constant 0 : i32
    %dma_wait3A_266 = tpu.memref_slice %arg8[%dma_wait3A_264, %dma_wait3A_265] : memref<512x128xf32, #tpu.memory_space<vmem>> -> memref<128x128xf32, #tpu.memory_space<vmem>>
    %dma_wait3A_267 = arith.constant 0 : i32
    %dma_wait3A_268 = tpu.memref_slice %arg7[%add3A_245, %dma_wait3A_267] : memref<32x128xi32, #tpu.memory_space<vmem>> -> memref<1x128xi32, #tpu.memory_space<vmem>>
    %dma_wait3A_269 = tpu.memref_squeeze %dma_wait3A_268 : memref<1x128xi32, #tpu.memory_space<vmem>> -> memref<128xi32, #tpu.memory_space<vmem>>
    %dma_wait3A_270 = arith.constant 0 : i32
    %dma_wait3A_271 = arith.constant 0 : i32
    %dma_wait3A_272 = tpu.memref_slice %arg2[%dma_wait3A_270, %dma_wait3A_271] : memref<100001x128xf32, #tpu.memory_space<hbm>> -> memref<100001x128xf32, #tpu.memory_space<hbm>>
    tpu.wait_indirect_dma semaphore(%arg9 : memref<!tpu.dma_semaphore, #tpu.memory_space<semaphore_mem>>) src(%dma_wait3A_272 : memref<100001x128xf32, #tpu.memory_space<hbm>>) dst(%dma_wait3A_266 : memref<128x128xf32, #tpu.memory_space<vmem>>)
    %mul3A_273 = arith.constant 256 : i32
    %mul3A_274 = arith.muli %rem3A_228, %mul3A_273 : i32
    %add3A_275 = arith.addi %mul3A_2, %mul3A_274 : i32
    %dma_start3A_276 = arith.constant 256 : i32
    %dma_start3A_277 = arith.constant 0 : i32
    %dma_start3A_278 = tpu.memref_slice %arg8[%dma_start3A_276, %dma_start3A_277] : memref<512x128xf32, #tpu.memory_space<vmem>> -> memref<256x128xf32, #tpu.memory_space<vmem>>
    %dma_start3A_279 = arith.constant 0 : i32
    %dma_start3A_280 = tpu.memref_slice %arg6[%add3A_275, %dma_start3A_279] : memref<131072x128xf32, #tpu.memory_space<hbm>> -> memref<256x128xf32, #tpu.memory_space<hbm>>
    %dma_start3A_281 = arith.constant 0 : i32
    %dma_start3A_282 = tpu.memref_slice %arg6[%add3A_275, %dma_start3A_281] : memref<131072x128xf32, #tpu.memory_space<hbm>> -> memref<256x128xf32, #tpu.memory_space<hbm>>
    %dma_start3A_283 = arith.constant 256 : i32
    %dma_start3A_284 = arith.constant 0 : i32
    %dma_start3A_285 = tpu.memref_slice %arg8[%dma_start3A_283, %dma_start3A_284] : memref<512x128xf32, #tpu.memory_space<vmem>> -> memref<256x128xf32, #tpu.memory_space<vmem>>
    tpu.enqueue_dma source(%dma_start3A_285 : memref<256x128xf32, #tpu.memory_space<vmem>>) target(%dma_start3A_282 : memref<256x128xf32, #tpu.memory_space<hbm>>) target_semaphore(%arg10 : memref<!tpu.dma_semaphore, #tpu.memory_space<semaphore_mem>>)
    %scan3A_286 = arith.constant 0 : i32
    %scan3A_287 = arith.constant 2 : i32
    %scan3A_288 = arith.constant 14 : i32
    %scan3A_289 = arith.addi %scan3A_287, %scan3A_288 : i32
    %scan3A_290 = arith.constant 1 : i32
    %scan3A_291 = scf.for %scan3A_327 = %scan3A_287 to %scan3A_289 step %scan3A_290 iter_args(%scan3A_328 = %scan3A_286) -> (i32)  : i32 {
      %jit3A = arith.constant 2 : i32
      %eq3A = arith.constant 0 : i32
      %eq3A_329 = arith.cmpi eq, %jit3A, %eq3A : i32
      %jit3A_330 = arith.constant 1 : i32
      %select_n3A = arith.select %eq3A_329, %jit3A_330, %jit3A : i32
      %rem3A_331 = arith.remsi %scan3A_327, %select_n3A : i32
      %ne3A = arith.constant 0 : i32
      %ne3A_332 = arith.cmpi ne, %rem3A_331, %ne3A : i32
      %lt3A = arith.constant 0 : i32
      %lt3A_333 = arith.cmpi slt, %rem3A_331, %lt3A : i32
      %lt3A_334 = arith.constant 0 : i32
      %lt3A_335 = arith.cmpi slt, %select_n3A, %lt3A_334 : i32
      %ne3A_336 = arith.xori %lt3A_333, %lt3A_335 : i1
      %and3A = arith.andi %ne3A_336, %ne3A_332 : i1
      %add3A_337 = arith.addi %rem3A_331, %select_n3A : i32
      %select_n3A_338 = arith.select %and3A, %add3A_337, %rem3A_331 : i32
      %mul3A_339 = arith.constant 256 : i32
      %mul3A_340 = arith.muli %select_n3A_338, %mul3A_339 : i32
      %sub3A = arith.constant 2 : i32
      %sub3A_341 = arith.subi %scan3A_327, %sub3A : i32
      %add3A_342 = arith.addi %mul3A_4, %sub3A_341 : i32
      %rem3A_343 = arith.constant 16 : i32
      %rem3A_344 = arith.remsi %add3A_342, %rem3A_343 : i32
      %mul3A_345 = arith.constant 256 : i32
      %mul3A_346 = arith.muli %rem3A_344, %mul3A_345 : i32
      %add3A_347 = arith.addi %mul3A_2, %mul3A_346 : i32
      %dma_wait3A_348 = arith.constant 0 : i32
      %dma_wait3A_349 = tpu.memref_slice %arg8[%mul3A_340, %dma_wait3A_348] : memref<512x128xf32, #tpu.memory_space<vmem>> -> memref<256x128xf32, #tpu.memory_space<vmem>>
      %dma_wait3A_350 = arith.constant 0 : i32
      %dma_wait3A_351 = tpu.memref_slice %arg6[%add3A_347, %dma_wait3A_350] : memref<131072x128xf32, #tpu.memory_space<hbm>> -> memref<256x128xf32, #tpu.memory_space<hbm>>
      %dma_wait3A_352 = arith.constant 0 : i32
      %dma_wait3A_353 = tpu.memref_slice %arg6[%add3A_347, %dma_wait3A_352] : memref<131072x128xf32, #tpu.memory_space<hbm>> -> memref<256x128xf32, #tpu.memory_space<hbm>>
      %dma_wait3A_354 = arith.constant 0 : i32
      %dma_wait3A_355 = tpu.memref_slice %arg8[%mul3A_340, %dma_wait3A_354] : memref<512x128xf32, #tpu.memory_space<vmem>> -> memref<256x128xf32, #tpu.memory_space<vmem>>
      tpu.wait_dma2 semaphore(%arg10 : memref<!tpu.dma_semaphore, #tpu.memory_space<semaphore_mem>>) src(%dma_wait3A_355 : memref<256x128xf32, #tpu.memory_space<vmem>>) dst(%dma_wait3A_353 : memref<256x128xf32, #tpu.memory_space<hbm>>)
      %add3A_356 = arith.addi %mul3A_4, %scan3A_327 : i32
      %rem3A_357 = arith.constant 16 : i32
      %rem3A_358 = arith.remsi %add3A_356, %rem3A_357 : i32
      %mul3A_359 = arith.constant 2 : i32
      %mul3A_360 = arith.muli %rem3A_358, %mul3A_359 : i32
      %add3A_361 = arith.constant 0 : i32
      %add3A_362 = arith.addi %mul3A_360, %add3A_361 : i32
      %add3A_363 = arith.constant 0 : i32
      %add3A_364 = arith.addi %mul3A_340, %add3A_363 : i32
      %dma_start3A_365 = arith.constant 0 : i32
      %dma_start3A_366 = tpu.memref_slice %arg8[%add3A_364, %dma_start3A_365] : memref<512x128xf32, #tpu.memory_space<vmem>> -> memref<128x128xf32, #tpu.memory_space<vmem>>
      %dma_start3A_367 = arith.constant 0 : i32
      %dma_start3A_368 = tpu.memref_slice %arg7[%add3A_362, %dma_start3A_367] : memref<32x128xi32, #tpu.memory_space<vmem>> -> memref<1x128xi32, #tpu.memory_space<vmem>>
      %dma_start3A_369 = tpu.memref_squeeze %dma_start3A_368 : memref<1x128xi32, #tpu.memory_space<vmem>> -> memref<128xi32, #tpu.memory_space<vmem>>
      %dma_start3A_370 = arith.constant 0 : i32
      %dma_start3A_371 = arith.constant 0 : i32
      %dma_start3A_372 = tpu.memref_slice %arg2[%dma_start3A_370, %dma_start3A_371] : memref<100001x128xf32, #tpu.memory_space<hbm>> -> memref<100001x128xf32, #tpu.memory_space<hbm>>
      tpu.enqueue_indirect_dma source(%dma_start3A_372 : memref<100001x128xf32, #tpu.memory_space<hbm>>) target(%dma_start3A_366 : memref<128x128xf32, #tpu.memory_space<vmem>>) offsets(%dma_start3A_369 : memref<128xi32, #tpu.memory_space<vmem>>) semaphore(%arg9 : memref<!tpu.dma_semaphore, #tpu.memory_space<semaphore_mem>>)
      %mul3A_373 = arith.constant 2 : i32
      %mul3A_374 = arith.muli %rem3A_358, %mul3A_373 : i32
      %add3A_375 = arith.constant 1 : i32
      %add3A_376 = arith.addi %mul3A_374, %add3A_375 : i32
      %add3A_377 = arith.constant 128 : i32
      %add3A_378 = arith.addi %mul3A_340, %add3A_377 : i32
      %dma_start3A_379 = arith.constant 0 : i32
      %dma_start3A_380 = tpu.memref_slice %arg8[%add3A_378, %dma_start3A_379] : memref<512x128xf32, #tpu.memory_space<vmem>> -> memref<128x128xf32, #tpu.memory_space<vmem>>
      %dma_start3A_381 = arith.constant 0 : i32
      %dma_start3A_382 = tpu.memref_slice %arg7[%add3A_376, %dma_start3A_381] : memref<32x128xi32, #tpu.memory_space<vmem>> -> memref<1x128xi32, #tpu.memory_space<vmem>>
      %dma_start3A_383 = tpu.memref_squeeze %dma_start3A_382 : memref<1x128xi32, #tpu.memory_space<vmem>> -> memref<128xi32, #tpu.memory_space<vmem>>
      %dma_start3A_384 = arith.constant 0 : i32
      %dma_start3A_385 = arith.constant 0 : i32
      %dma_start3A_386 = tpu.memref_slice %arg2[%dma_start3A_384, %dma_start3A_385] : memref<100001x128xf32, #tpu.memory_space<hbm>> -> memref<100001x128xf32, #tpu.memory_space<hbm>>
      tpu.enqueue_indirect_dma source(%dma_start3A_386 : memref<100001x128xf32, #tpu.memory_space<hbm>>) target(%dma_start3A_380 : memref<128x128xf32, #tpu.memory_space<vmem>>) offsets(%dma_start3A_383 : memref<128xi32, #tpu.memory_space<vmem>>) semaphore(%arg9 : memref<!tpu.dma_semaphore, #tpu.memory_space<semaphore_mem>>)
      %dma_wait3A_387 = arith.constant 0 : i32
      %dma_wait3A_388 = tpu.memref_slice %arg8[%add3A_364, %dma_wait3A_387] : memref<512x128xf32, #tpu.memory_space<vmem>> -> memref<128x128xf32, #tpu.memory_space<vmem>>
      %dma_wait3A_389 = arith.constant 0 : i32
      %dma_wait3A_390 = tpu.memref_slice %arg7[%add3A_362, %dma_wait3A_389] : memref<32x128xi32, #tpu.memory_space<vmem>> -> memref<1x128xi32, #tpu.memory_space<vmem>>
      %dma_wait3A_391 = tpu.memref_squeeze %dma_wait3A_390 : memref<1x128xi32, #tpu.memory_space<vmem>> -> memref<128xi32, #tpu.memory_space<vmem>>
      %dma_wait3A_392 = arith.constant 0 : i32
      %dma_wait3A_393 = arith.constant 0 : i32
      %dma_wait3A_394 = tpu.memref_slice %arg2[%dma_wait3A_392, %dma_wait3A_393] : memref<100001x128xf32, #tpu.memory_space<hbm>> -> memref<100001x128xf32, #tpu.memory_space<hbm>>
      tpu.wait_indirect_dma semaphore(%arg9 : memref<!tpu.dma_semaphore, #tpu.memory_space<semaphore_mem>>) src(%dma_wait3A_394 : memref<100001x128xf32, #tpu.memory_space<hbm>>) dst(%dma_wait3A_388 : memref<128x128xf32, #tpu.memory_space<vmem>>)
      %dma_wait3A_395 = arith.constant 0 : i32
      %dma_wait3A_396 = tpu.memref_slice %arg8[%add3A_378, %dma_wait3A_395] : memref<512x128xf32, #tpu.memory_space<vmem>> -> memref<128x128xf32, #tpu.memory_space<vmem>>
      %dma_wait3A_397 = arith.constant 0 : i32
      %dma_wait3A_398 = tpu.memref_slice %arg7[%add3A_376, %dma_wait3A_397] : memref<32x128xi32, #tpu.memory_space<vmem>> -> memref<1x128xi32, #tpu.memory_space<vmem>>
      %dma_wait3A_399 = tpu.memref_squeeze %dma_wait3A_398 : memref<1x128xi32, #tpu.memory_space<vmem>> -> memref<128xi32, #tpu.memory_space<vmem>>
      %dma_wait3A_400 = arith.constant 0 : i32
      %dma_wait3A_401 = arith.constant 0 : i32
      %dma_wait3A_402 = tpu.memref_slice %arg2[%dma_wait3A_400, %dma_wait3A_401] : memref<100001x128xf32, #tpu.memory_space<hbm>> -> memref<100001x128xf32, #tpu.memory_space<hbm>>
      tpu.wait_indirect_dma semaphore(%arg9 : memref<!tpu.dma_semaphore, #tpu.memory_space<semaphore_mem>>) src(%dma_wait3A_402 : memref<100001x128xf32, #tpu.memory_space<hbm>>) dst(%dma_wait3A_396 : memref<128x128xf32, #tpu.memory_space<vmem>>)
      %add3A_403 = arith.addi %mul3A_4, %scan3A_327 : i32
      %rem3A_404 = arith.constant 16 : i32
      %rem3A_405 = arith.remsi %add3A_403, %rem3A_404 : i32
      %mul3A_406 = arith.constant 256 : i32
      %mul3A_407 = arith.muli %rem3A_405, %mul3A_406 : i32
      %add3A_408 = arith.addi %mul3A_2, %mul3A_407 : i32
      %dma_start3A_409 = arith.constant 0 : i32
      %dma_start3A_410 = tpu.memref_slice %arg8[%mul3A_340, %dma_start3A_409] : memref<512x128xf32, #tpu.memory_space<vmem>> -> memref<256x128xf32, #tpu.memory_space<vmem>>
      %dma_start3A_411 = arith.constant 0 : i32
      %dma_start3A_412 = tpu.memref_slice %arg6[%add3A_408, %dma_start3A_411] : memref<131072x128xf32, #tpu.memory_space<hbm>> -> memref<256x128xf32, #tpu.memory_space<hbm>>
      %dma_start3A_413 = arith.constant 0 : i32
      %dma_start3A_414 = tpu.memref_slice %arg6[%add3A_408, %dma_start3A_413] : memref<131072x128xf32, #tpu.memory_space<hbm>> -> memref<256x128xf32, #tpu.memory_space<hbm>>
      %dma_start3A_415 = arith.constant 0 : i32
      %dma_start3A_416 = tpu.memref_slice %arg8[%mul3A_340, %dma_start3A_415] : memref<512x128xf32, #tpu.memory_space<vmem>> -> memref<256x128xf32, #tpu.memory_space<vmem>>
      tpu.enqueue_dma source(%dma_start3A_416 : memref<256x128xf32, #tpu.memory_space<vmem>>) target(%dma_start3A_414 : memref<256x128xf32, #tpu.memory_space<hbm>>) target_semaphore(%arg10 : memref<!tpu.dma_semaphore, #tpu.memory_space<semaphore_mem>>)
      %scan3A_417 = arith.constant 0 : i32
      scf.yield %scan3A_417 : i32
    }
    %scan3A_292 = arith.constant 14 : i32
    %add3A_293 = arith.constant 14 : i32
    %add3A_294 = arith.addi %mul3A_4, %add3A_293 : i32
    %rem3A_295 = arith.constant 16 : i32
    %rem3A_296 = arith.remsi %add3A_294, %rem3A_295 : i32
    %mul3A_297 = arith.constant 256 : i32
    %mul3A_298 = arith.muli %rem3A_296, %mul3A_297 : i32
    %add3A_299 = arith.addi %mul3A_2, %mul3A_298 : i32
    %dma_wait3A_300 = arith.constant 0 : i32
    %dma_wait3A_301 = arith.constant 0 : i32
    %dma_wait3A_302 = tpu.memref_slice %arg8[%dma_wait3A_300, %dma_wait3A_301] : memref<512x128xf32, #tpu.memory_space<vmem>> -> memref<256x128xf32, #tpu.memory_space<vmem>>
    %dma_wait3A_303 = arith.constant 0 : i32
    %dma_wait3A_304 = tpu.memref_slice %arg6[%add3A_299, %dma_wait3A_303] : memref<131072x128xf32, #tpu.memory_space<hbm>> -> memref<256x128xf32, #tpu.memory_space<hbm>>
    %dma_wait3A_305 = arith.constant 0 : i32
    %dma_wait3A_306 = tpu.memref_slice %arg6[%add3A_299, %dma_wait3A_305] : memref<131072x128xf32, #tpu.memory_space<hbm>> -> memref<256x128xf32, #tpu.memory_space<hbm>>
    %dma_wait3A_307 = arith.constant 0 : i32
    %dma_wait3A_308 = arith.constant 0 : i32
    %dma_wait3A_309 = tpu.memref_slice %arg8[%dma_wait3A_307, %dma_wait3A_308] : memref<512x128xf32, #tpu.memory_space<vmem>> -> memref<256x128xf32, #tpu.memory_space<vmem>>
    tpu.wait_dma2 semaphore(%arg10 : memref<!tpu.dma_semaphore, #tpu.memory_space<semaphore_mem>>) src(%dma_wait3A_309 : memref<256x128xf32, #tpu.memory_space<vmem>>) dst(%dma_wait3A_306 : memref<256x128xf32, #tpu.memory_space<hbm>>)
    %add3A_310 = arith.constant 15 : i32
    %add3A_311 = arith.addi %mul3A_4, %add3A_310 : i32
    %rem3A_312 = arith.constant 16 : i32
    %rem3A_313 = arith.remsi %add3A_311, %rem3A_312 : i32
    %mul3A_314 = arith.constant 256 : i32
    %mul3A_315 = arith.muli %rem3A_313, %mul3A_314 : i32
    %add3A_316 = arith.addi %mul3A_2, %mul3A_315 : i32
    %dma_wait3A_317 = arith.constant 256 : i32
    %dma_wait3A_318 = arith.constant 0 : i32
    %dma_wait3A_319 = tpu.memref_slice %arg8[%dma_wait3A_317, %dma_wait3A_318] : memref<512x128xf32, #tpu.memory_space<vmem>> -> memref<256x128xf32, #tpu.memory_space<vmem>>
    %dma_wait3A_320 = arith.constant 0 : i32
    %dma_wait3A_321 = tpu.memref_slice %arg6[%add3A_316, %dma_wait3A_320] : memref<131072x128xf32, #tpu.memory_space<hbm>> -> memref<256x128xf32, #tpu.memory_space<hbm>>
    %dma_wait3A_322 = arith.constant 0 : i32
    %dma_wait3A_323 = tpu.memref_slice %arg6[%add3A_316, %dma_wait3A_322] : memref<131072x128xf32, #tpu.memory_space<hbm>> -> memref<256x128xf32, #tpu.memory_space<hbm>>
    %dma_wait3A_324 = arith.constant 256 : i32
    %dma_wait3A_325 = arith.constant 0 : i32
    %dma_wait3A_326 = tpu.memref_slice %arg8[%dma_wait3A_324, %dma_wait3A_325] : memref<512x128xf32, #tpu.memory_space<vmem>> -> memref<256x128xf32, #tpu.memory_space<vmem>>
    tpu.wait_dma2 semaphore(%arg10 : memref<!tpu.dma_semaphore, #tpu.memory_space<semaphore_mem>>) src(%dma_wait3A_326 : memref<256x128xf32, #tpu.memory_space<vmem>>) dst(%dma_wait3A_323 : memref<256x128xf32, #tpu.memory_space<hbm>>)
    return
  }
}

#map = affine_map<(d0, d1) -> (0, 0)>
#map1 = affine_map<(d0, d1) -> (0, 0, 0)>
module attributes {stable_mosaic.version = 14 : i64} {
  func.func @gather_k(%arg0: i32, %arg1: i32, %arg2: memref<100001x128xf32, #tpu.memory_space<hbm>>, %arg3: memref<32x32x128xi32, #tpu.memory_space<hbm>>, %arg4: memref<32x32x128xi32, #tpu.memory_space<hbm>>, %arg5: memref<131072x128xf32, #tpu.memory_space<hbm>>, %arg6: memref<131072x128xf32, #tpu.memory_space<hbm>>, %arg7: memref<32x128xi32, #tpu.memory_space<vmem>>, %arg8: memref<512x128xf32, #tpu.memory_space<vmem>>, %arg9: memref<!tpu.dma_semaphore, #tpu.memory_space<semaphore_mem>>, %arg10: memref<!tpu.dma_semaphore, #tpu.memory_space<semaphore_mem>>) attributes {dimension_semantics = [#tpu.dimension_semantics<core_parallel>, #tpu.dimension_semantics<subcore_parallel>], iteration_bounds = array<i64: 2, 16>, scalar_prefetch = 0 : i64, scratch_operands = 4 : i64, tpu.core_type = #tpu.core_type<sc_vector_subcore>, window_params = [{transform_indices = #map}, {transform_indices = #map1}, {transform_indices = #map1}, {transform_indices = #map}, {transform_indices = #map}]} {
    %mul3A = arith.constant 2 : i32
    %mul3A_0 = arith.muli %arg1, %mul3A : i32
    %add3A = arith.addi %mul3A_0, %arg0 : i32
    %mul3A_1 = arith.constant 4096 : i32
    %mul3A_2 = arith.muli %add3A, %mul3A_1 : i32
    %mul3A_3 = arith.constant 0 : i32
    %mul3A_4 = arith.muli %add3A, %mul3A_3 : i32
    "tpu.region"() ({
      %run_scoped3A = tpu.sem_alloc : memref<!tpu.dma_semaphore, #tpu.memory_space<semaphore_mem>>
      %dma_start3A_327 = arith.constant 0 : i32
      %dma_start3A_328 = arith.constant 0 : i32
      %dma_start3A_329 = tpu.memref_slice %arg3[%add3A, %dma_start3A_327, %dma_start3A_328] : memref<32x32x128xi32, #tpu.memory_space<hbm>> -> memref<1x32x128xi32, #tpu.memory_space<hbm>>
      %dma_start3A_330 = tpu.memref_squeeze %dma_start3A_329 : memref<1x32x128xi32, #tpu.memory_space<hbm>> -> memref<32x128xi32, #tpu.memory_space<hbm>>
      %dma_start3A_331 = arith.constant 0 : i32
      %dma_start3A_332 = arith.constant 0 : i32
      %dma_start3A_333 = tpu.memref_slice %arg3[%add3A, %dma_start3A_331, %dma_start3A_332] : memref<32x32x128xi32, #tpu.memory_space<hbm>> -> memref<1x32x128xi32, #tpu.memory_space<hbm>>
      %dma_start3A_334 = tpu.memref_squeeze %dma_start3A_333 : memref<1x32x128xi32, #tpu.memory_space<hbm>> -> memref<32x128xi32, #tpu.memory_space<hbm>>
      tpu.enqueue_dma source(%dma_start3A_334 : memref<32x128xi32, #tpu.memory_space<hbm>>) target(%arg7 : memref<32x128xi32, #tpu.memory_space<vmem>>) target_semaphore(%run_scoped3A : memref<!tpu.dma_semaphore, #tpu.memory_space<semaphore_mem>>)
      %dma_wait3A_335 = arith.constant 0 : i32
      %dma_wait3A_336 = arith.constant 0 : i32
      %dma_wait3A_337 = tpu.memref_slice %arg3[%add3A, %dma_wait3A_335, %dma_wait3A_336] : memref<32x32x128xi32, #tpu.memory_space<hbm>> -> memref<1x32x128xi32, #tpu.memory_space<hbm>>
      %dma_wait3A_338 = tpu.memref_squeeze %dma_wait3A_337 : memref<1x32x128xi32, #tpu.memory_space<hbm>> -> memref<32x128xi32, #tpu.memory_space<hbm>>
      %dma_wait3A_339 = arith.constant 0 : i32
      %dma_wait3A_340 = arith.constant 0 : i32
      %dma_wait3A_341 = tpu.memref_slice %arg3[%add3A, %dma_wait3A_339, %dma_wait3A_340] : memref<32x32x128xi32, #tpu.memory_space<hbm>> -> memref<1x32x128xi32, #tpu.memory_space<hbm>>
      %dma_wait3A_342 = tpu.memref_squeeze %dma_wait3A_341 : memref<1x32x128xi32, #tpu.memory_space<hbm>> -> memref<32x128xi32, #tpu.memory_space<hbm>>
      tpu.wait_dma2 semaphore(%run_scoped3A : memref<!tpu.dma_semaphore, #tpu.memory_space<semaphore_mem>>) src(%dma_wait3A_342 : memref<32x128xi32, #tpu.memory_space<hbm>>) dst(%arg7 : memref<32x128xi32, #tpu.memory_space<vmem>>)
      tpu.yield
    }) : () -> ()
    %add3A_5 = arith.constant 0 : i32
    %add3A_6 = arith.addi %mul3A_4, %add3A_5 : i32
    %rem3A = arith.constant 16 : i32
    %rem3A_7 = arith.remsi %add3A_6, %rem3A : i32
    %mul3A_8 = arith.constant 2 : i32
    %mul3A_9 = arith.muli %rem3A_7, %mul3A_8 : i32
    %add3A_10 = arith.constant 0 : i32
    %add3A_11 = arith.addi %mul3A_9, %add3A_10 : i32
    %dma_start3A = arith.constant 0 : i32
    %dma_start3A_12 = arith.constant 0 : i32
    %dma_start3A_13 = tpu.memref_slice %arg8[%dma_start3A, %dma_start3A_12] : memref<512x128xf32, #tpu.memory_space<vmem>> -> memref<128x128xf32, #tpu.memory_space<vmem>>
    %dma_start3A_14 = arith.constant 0 : i32
    %dma_start3A_15 = tpu.memref_slice %arg7[%add3A_11, %dma_start3A_14] : memref<32x128xi32, #tpu.memory_space<vmem>> -> memref<1x128xi32, #tpu.memory_space<vmem>>
    %dma_start3A_16 = tpu.memref_squeeze %dma_start3A_15 : memref<1x128xi32, #tpu.memory_space<vmem>> -> memref<128xi32, #tpu.memory_space<vmem>>
    %dma_start3A_17 = arith.constant 0 : i32
    %dma_start3A_18 = arith.constant 0 : i32
    %dma_start3A_19 = tpu.memref_slice %arg2[%dma_start3A_17, %dma_start3A_18] : memref<100001x128xf32, #tpu.memory_space<hbm>> -> memref<100001x128xf32, #tpu.memory_space<hbm>>
    tpu.enqueue_indirect_dma source(%dma_start3A_19 : memref<100001x128xf32, #tpu.memory_space<hbm>>) target(%dma_start3A_13 : memref<128x128xf32, #tpu.memory_space<vmem>>) offsets(%dma_start3A_16 : memref<128xi32, #tpu.memory_space<vmem>>) semaphore(%arg9 : memref<!tpu.dma_semaphore, #tpu.memory_space<semaphore_mem>>)
    %mul3A_20 = arith.constant 2 : i32
    %mul3A_21 = arith.muli %rem3A_7, %mul3A_20 : i32
    %add3A_22 = arith.constant 1 : i32
    %add3A_23 = arith.addi %mul3A_21, %add3A_22 : i32
    %dma_start3A_24 = arith.constant 128 : i32
    %dma_start3A_25 = arith.constant 0 : i32
    %dma_start3A_26 = tpu.memref_slice %arg8[%dma_start3A_24, %dma_start3A_25] : memref<512x128xf32, #tpu.memory_space<vmem>> -> memref<128x128xf32, #tpu.memory_space<vmem>>
    %dma_start3A_27 = arith.constant 0 : i32
    %dma_start3A_28 = tpu.memref_slice %arg7[%add3A_23, %dma_start3A_27] : memref<32x128xi32, #tpu.memory_space<vmem>> -> memref<1x128xi32, #tpu.memory_space<vmem>>
    %dma_start3A_29 = tpu.memref_squeeze %dma_start3A_28 : memref<1x128xi32, #tpu.memory_space<vmem>> -> memref<128xi32, #tpu.memory_space<vmem>>
    %dma_start3A_30 = arith.constant 0 : i32
    %dma_start3A_31 = arith.constant 0 : i32
    %dma_start3A_32 = tpu.memref_slice %arg2[%dma_start3A_30, %dma_start3A_31] : memref<100001x128xf32, #tpu.memory_space<hbm>> -> memref<100001x128xf32, #tpu.memory_space<hbm>>
    tpu.enqueue_indirect_dma source(%dma_start3A_32 : memref<100001x128xf32, #tpu.memory_space<hbm>>) target(%dma_start3A_26 : memref<128x128xf32, #tpu.memory_space<vmem>>) offsets(%dma_start3A_29 : memref<128xi32, #tpu.memory_space<vmem>>) semaphore(%arg9 : memref<!tpu.dma_semaphore, #tpu.memory_space<semaphore_mem>>)
    %dma_wait3A = arith.constant 0 : i32
    %dma_wait3A_33 = arith.constant 0 : i32
    %dma_wait3A_34 = tpu.memref_slice %arg8[%dma_wait3A, %dma_wait3A_33] : memref<512x128xf32, #tpu.memory_space<vmem>> -> memref<128x128xf32, #tpu.memory_space<vmem>>
    %dma_wait3A_35 = arith.constant 0 : i32
    %dma_wait3A_36 = tpu.memref_slice %arg7[%add3A_11, %dma_wait3A_35] : memref<32x128xi32, #tpu.memory_space<vmem>> -> memref<1x128xi32, #tpu.memory_space<vmem>>
    %dma_wait3A_37 = tpu.memref_squeeze %dma_wait3A_36 : memref<1x128xi32, #tpu.memory_space<vmem>> -> memref<128xi32, #tpu.memory_space<vmem>>
    %dma_wait3A_38 = arith.constant 0 : i32
    %dma_wait3A_39 = arith.constant 0 : i32
    %dma_wait3A_40 = tpu.memref_slice %arg2[%dma_wait3A_38, %dma_wait3A_39] : memref<100001x128xf32, #tpu.memory_space<hbm>> -> memref<100001x128xf32, #tpu.memory_space<hbm>>
    tpu.wait_indirect_dma semaphore(%arg9 : memref<!tpu.dma_semaphore, #tpu.memory_space<semaphore_mem>>) src(%dma_wait3A_40 : memref<100001x128xf32, #tpu.memory_space<hbm>>) dst(%dma_wait3A_34 : memref<128x128xf32, #tpu.memory_space<vmem>>)
    %dma_wait3A_41 = arith.constant 128 : i32
    %dma_wait3A_42 = arith.constant 0 : i32
    %dma_wait3A_43 = tpu.memref_slice %arg8[%dma_wait3A_41, %dma_wait3A_42] : memref<512x128xf32, #tpu.memory_space<vmem>> -> memref<128x128xf32, #tpu.memory_space<vmem>>
    %dma_wait3A_44 = arith.constant 0 : i32
    %dma_wait3A_45 = tpu.memref_slice %arg7[%add3A_23, %dma_wait3A_44] : memref<32x128xi32, #tpu.memory_space<vmem>> -> memref<1x128xi32, #tpu.memory_space<vmem>>
    %dma_wait3A_46 = tpu.memref_squeeze %dma_wait3A_45 : memref<1x128xi32, #tpu.memory_space<vmem>> -> memref<128xi32, #tpu.memory_space<vmem>>
    %dma_wait3A_47 = arith.constant 0 : i32
    %dma_wait3A_48 = arith.constant 0 : i32
    %dma_wait3A_49 = tpu.memref_slice %arg2[%dma_wait3A_47, %dma_wait3A_48] : memref<100001x128xf32, #tpu.memory_space<hbm>> -> memref<100001x128xf32, #tpu.memory_space<hbm>>
    tpu.wait_indirect_dma semaphore(%arg9 : memref<!tpu.dma_semaphore, #tpu.memory_space<semaphore_mem>>) src(%dma_wait3A_49 : memref<100001x128xf32, #tpu.memory_space<hbm>>) dst(%dma_wait3A_43 : memref<128x128xf32, #tpu.memory_space<vmem>>)
    %mul3A_50 = arith.constant 256 : i32
    %mul3A_51 = arith.muli %rem3A_7, %mul3A_50 : i32
    %add3A_52 = arith.addi %mul3A_2, %mul3A_51 : i32
    %dma_start3A_53 = arith.constant 0 : i32
    %dma_start3A_54 = arith.constant 0 : i32
    %dma_start3A_55 = tpu.memref_slice %arg8[%dma_start3A_53, %dma_start3A_54] : memref<512x128xf32, #tpu.memory_space<vmem>> -> memref<256x128xf32, #tpu.memory_space<vmem>>
    %dma_start3A_56 = arith.constant 0 : i32
    %dma_start3A_57 = tpu.memref_slice %arg5[%add3A_52, %dma_start3A_56] : memref<131072x128xf32, #tpu.memory_space<hbm>> -> memref<256x128xf32, #tpu.memory_space<hbm>>
    %dma_start3A_58 = arith.constant 0 : i32
    %dma_start3A_59 = tpu.memref_slice %arg5[%add3A_52, %dma_start3A_58] : memref<131072x128xf32, #tpu.memory_space<hbm>> -> memref<256x128xf32, #tpu.memory_space<hbm>>
    %dma_start3A_60 = arith.constant 0 : i32
    %dma_start3A_61 = arith.constant 0 : i32
    %dma_start3A_62 = tpu.memref_slice %arg8[%dma_start3A_60, %dma_start3A_61] : memref<512x128xf32, #tpu.memory_space<vmem>> -> memref<256x128xf32, #tpu.memory_space<vmem>>
    tpu.enqueue_dma source(%dma_start3A_62 : memref<256x128xf32, #tpu.memory_space<vmem>>) target(%dma_start3A_59 : memref<256x128xf32, #tpu.memory_space<hbm>>) target_semaphore(%arg10 : memref<!tpu.dma_semaphore, #tpu.memory_space<semaphore_mem>>)
    %add3A_63 = arith.constant 1 : i32
    %add3A_64 = arith.addi %mul3A_4, %add3A_63 : i32
    %rem3A_65 = arith.constant 16 : i32
    %rem3A_66 = arith.remsi %add3A_64, %rem3A_65 : i32
    %mul3A_67 = arith.constant 2 : i32
    %mul3A_68 = arith.muli %rem3A_66, %mul3A_67 : i32
    %add3A_69 = arith.constant 0 : i32
    %add3A_70 = arith.addi %mul3A_68, %add3A_69 : i32
    %dma_start3A_71 = arith.constant 256 : i32
    %dma_start3A_72 = arith.constant 0 : i32
    %dma_start3A_73 = tpu.memref_slice %arg8[%dma_start3A_71, %dma_start3A_72] : memref<512x128xf32, #tpu.memory_space<vmem>> -> memref<128x128xf32, #tpu.memory_space<vmem>>
    %dma_start3A_74 = arith.constant 0 : i32
    %dma_start3A_75 = tpu.memref_slice %arg7[%add3A_70, %dma_start3A_74] : memref<32x128xi32, #tpu.memory_space<vmem>> -> memref<1x128xi32, #tpu.memory_space<vmem>>
    %dma_start3A_76 = tpu.memref_squeeze %dma_start3A_75 : memref<1x128xi32, #tpu.memory_space<vmem>> -> memref<128xi32, #tpu.memory_space<vmem>>
    %dma_start3A_77 = arith.constant 0 : i32
    %dma_start3A_78 = arith.constant 0 : i32
    %dma_start3A_79 = tpu.memref_slice %arg2[%dma_start3A_77, %dma_start3A_78] : memref<100001x128xf32, #tpu.memory_space<hbm>> -> memref<100001x128xf32, #tpu.memory_space<hbm>>
    tpu.enqueue_indirect_dma source(%dma_start3A_79 : memref<100001x128xf32, #tpu.memory_space<hbm>>) target(%dma_start3A_73 : memref<128x128xf32, #tpu.memory_space<vmem>>) offsets(%dma_start3A_76 : memref<128xi32, #tpu.memory_space<vmem>>) semaphore(%arg9 : memref<!tpu.dma_semaphore, #tpu.memory_space<semaphore_mem>>)
    %mul3A_80 = arith.constant 2 : i32
    %mul3A_81 = arith.muli %rem3A_66, %mul3A_80 : i32
    %add3A_82 = arith.constant 1 : i32
    %add3A_83 = arith.addi %mul3A_81, %add3A_82 : i32
    %dma_start3A_84 = arith.constant 384 : i32
    %dma_start3A_85 = arith.constant 0 : i32
    %dma_start3A_86 = tpu.memref_slice %arg8[%dma_start3A_84, %dma_start3A_85] : memref<512x128xf32, #tpu.memory_space<vmem>> -> memref<128x128xf32, #tpu.memory_space<vmem>>
    %dma_start3A_87 = arith.constant 0 : i32
    %dma_start3A_88 = tpu.memref_slice %arg7[%add3A_83, %dma_start3A_87] : memref<32x128xi32, #tpu.memory_space<vmem>> -> memref<1x128xi32, #tpu.memory_space<vmem>>
    %dma_start3A_89 = tpu.memref_squeeze %dma_start3A_88 : memref<1x128xi32, #tpu.memory_space<vmem>> -> memref<128xi32, #tpu.memory_space<vmem>>
    %dma_start3A_90 = arith.constant 0 : i32
    %dma_start3A_91 = arith.constant 0 : i32
    %dma_start3A_92 = tpu.memref_slice %arg2[%dma_start3A_90, %dma_start3A_91] : memref<100001x128xf32, #tpu.memory_space<hbm>> -> memref<100001x128xf32, #tpu.memory_space<hbm>>
    tpu.enqueue_indirect_dma source(%dma_start3A_92 : memref<100001x128xf32, #tpu.memory_space<hbm>>) target(%dma_start3A_86 : memref<128x128xf32, #tpu.memory_space<vmem>>) offsets(%dma_start3A_89 : memref<128xi32, #tpu.memory_space<vmem>>) semaphore(%arg9 : memref<!tpu.dma_semaphore, #tpu.memory_space<semaphore_mem>>)
    %dma_wait3A_93 = arith.constant 256 : i32
    %dma_wait3A_94 = arith.constant 0 : i32
    %dma_wait3A_95 = tpu.memref_slice %arg8[%dma_wait3A_93, %dma_wait3A_94] : memref<512x128xf32, #tpu.memory_space<vmem>> -> memref<128x128xf32, #tpu.memory_space<vmem>>
    %dma_wait3A_96 = arith.constant 0 : i32
    %dma_wait3A_97 = tpu.memref_slice %arg7[%add3A_70, %dma_wait3A_96] : memref<32x128xi32, #tpu.memory_space<vmem>> -> memref<1x128xi32, #tpu.memory_space<vmem>>
    %dma_wait3A_98 = tpu.memref_squeeze %dma_wait3A_97 : memref<1x128xi32, #tpu.memory_space<vmem>> -> memref<128xi32, #tpu.memory_space<vmem>>
    %dma_wait3A_99 = arith.constant 0 : i32
    %dma_wait3A_100 = arith.constant 0 : i32
    %dma_wait3A_101 = tpu.memref_slice %arg2[%dma_wait3A_99, %dma_wait3A_100] : memref<100001x128xf32, #tpu.memory_space<hbm>> -> memref<100001x128xf32, #tpu.memory_space<hbm>>
    tpu.wait_indirect_dma semaphore(%arg9 : memref<!tpu.dma_semaphore, #tpu.memory_space<semaphore_mem>>) src(%dma_wait3A_101 : memref<100001x128xf32, #tpu.memory_space<hbm>>) dst(%dma_wait3A_95 : memref<128x128xf32, #tpu.memory_space<vmem>>)
    %dma_wait3A_102 = arith.constant 384 : i32
    %dma_wait3A_103 = arith.constant 0 : i32
    %dma_wait3A_104 = tpu.memref_slice %arg8[%dma_wait3A_102, %dma_wait3A_103] : memref<512x128xf32, #tpu.memory_space<vmem>> -> memref<128x128xf32, #tpu.memory_space<vmem>>
    %dma_wait3A_105 = arith.constant 0 : i32
    %dma_wait3A_106 = tpu.memref_slice %arg7[%add3A_83, %dma_wait3A_105] : memref<32x128xi32, #tpu.memory_space<vmem>> -> memref<1x128xi32, #tpu.memory_space<vmem>>
    %dma_wait3A_107 = tpu.memref_squeeze %dma_wait3A_106 : memref<1x128xi32, #tpu.memory_space<vmem>> -> memref<128xi32, #tpu.memory_space<vmem>>
    %dma_wait3A_108 = arith.constant 0 : i32
    %dma_wait3A_109 = arith.constant 0 : i32
    %dma_wait3A_110 = tpu.memref_slice %arg2[%dma_wait3A_108, %dma_wait3A_109] : memref<100001x128xf32, #tpu.memory_space<hbm>> -> memref<100001x128xf32, #tpu.memory_space<hbm>>
    tpu.wait_indirect_dma semaphore(%arg9 : memref<!tpu.dma_semaphore, #tpu.memory_space<semaphore_mem>>) src(%dma_wait3A_110 : memref<100001x128xf32, #tpu.memory_space<hbm>>) dst(%dma_wait3A_104 : memref<128x128xf32, #tpu.memory_space<vmem>>)
    %mul3A_111 = arith.constant 256 : i32
    %mul3A_112 = arith.muli %rem3A_66, %mul3A_111 : i32
    %add3A_113 = arith.addi %mul3A_2, %mul3A_112 : i32
    %dma_start3A_114 = arith.constant 256 : i32
    %dma_start3A_115 = arith.constant 0 : i32
    %dma_start3A_116 = tpu.memref_slice %arg8[%dma_start3A_114, %dma_start3A_115] : memref<512x128xf32, #tpu.memory_space<vmem>> -> memref<256x128xf32, #tpu.memory_space<vmem>>
    %dma_start3A_117 = arith.constant 0 : i32
    %dma_start3A_118 = tpu.memref_slice %arg5[%add3A_113, %dma_start3A_117] : memref<131072x128xf32, #tpu.memory_space<hbm>> -> memref<256x128xf32, #tpu.memory_space<hbm>>
    %dma_start3A_119 = arith.constant 0 : i32
    %dma_start3A_120 = tpu.memref_slice %arg5[%add3A_113, %dma_start3A_119] : memref<131072x128xf32, #tpu.memory_space<hbm>> -> memref<256x128xf32, #tpu.memory_space<hbm>>
    %dma_start3A_121 = arith.constant 256 : i32
    %dma_start3A_122 = arith.constant 0 : i32
    %dma_start3A_123 = tpu.memref_slice %arg8[%dma_start3A_121, %dma_start3A_122] : memref<512x128xf32, #tpu.memory_space<vmem>> -> memref<256x128xf32, #tpu.memory_space<vmem>>
    tpu.enqueue_dma source(%dma_start3A_123 : memref<256x128xf32, #tpu.memory_space<vmem>>) target(%dma_start3A_120 : memref<256x128xf32, #tpu.memory_space<hbm>>) target_semaphore(%arg10 : memref<!tpu.dma_semaphore, #tpu.memory_space<semaphore_mem>>)
    %scan3A = arith.constant 0 : i32
    %scan3A_124 = arith.constant 2 : i32
    %scan3A_125 = arith.constant 14 : i32
    %scan3A_126 = arith.addi %scan3A_124, %scan3A_125 : i32
    %scan3A_127 = arith.constant 1 : i32
    %scan3A_128 = scf.for %scan3A_327 = %scan3A_124 to %scan3A_126 step %scan3A_127 iter_args(%scan3A_328 = %scan3A) -> (i32)  : i32 {
      %jit3A = arith.constant 2 : i32
      %eq3A = arith.constant 0 : i32
      %eq3A_329 = arith.cmpi eq, %jit3A, %eq3A : i32
      %jit3A_330 = arith.constant 1 : i32
      %select_n3A = arith.select %eq3A_329, %jit3A_330, %jit3A : i32
      %rem3A_331 = arith.remsi %scan3A_327, %select_n3A : i32
      %ne3A = arith.constant 0 : i32
      %ne3A_332 = arith.cmpi ne, %rem3A_331, %ne3A : i32
      %lt3A = arith.constant 0 : i32
      %lt3A_333 = arith.cmpi slt, %rem3A_331, %lt3A : i32
      %lt3A_334 = arith.constant 0 : i32
      %lt3A_335 = arith.cmpi slt, %select_n3A, %lt3A_334 : i32
      %ne3A_336 = arith.xori %lt3A_333, %lt3A_335 : i1
      %and3A = arith.andi %ne3A_336, %ne3A_332 : i1
      %add3A_337 = arith.addi %rem3A_331, %select_n3A : i32
      %select_n3A_338 = arith.select %and3A, %add3A_337, %rem3A_331 : i32
      %mul3A_339 = arith.constant 256 : i32
      %mul3A_340 = arith.muli %select_n3A_338, %mul3A_339 : i32
      %sub3A = arith.constant 2 : i32
      %sub3A_341 = arith.subi %scan3A_327, %sub3A : i32
      %add3A_342 = arith.addi %mul3A_4, %sub3A_341 : i32
      %rem3A_343 = arith.constant 16 : i32
      %rem3A_344 = arith.remsi %add3A_342, %rem3A_343 : i32
      %mul3A_345 = arith.constant 256 : i32
      %mul3A_346 = arith.muli %rem3A_344, %mul3A_345 : i32
      %add3A_347 = arith.addi %mul3A_2, %mul3A_346 : i32
      %dma_wait3A_348 = arith.constant 0 : i32
      %dma_wait3A_349 = tpu.memref_slice %arg8[%mul3A_340, %dma_wait3A_348] : memref<512x128xf32, #tpu.memory_space<vmem>> -> memref<256x128xf32, #tpu.memory_space<vmem>>
      %dma_wait3A_350 = arith.constant 0 : i32
      %dma_wait3A_351 = tpu.memref_slice %arg5[%add3A_347, %dma_wait3A_350] : memref<131072x128xf32, #tpu.memory_space<hbm>> -> memref<256x128xf32, #tpu.memory_space<hbm>>
      %dma_wait3A_352 = arith.constant 0 : i32
      %dma_wait3A_353 = tpu.memref_slice %arg5[%add3A_347, %dma_wait3A_352] : memref<131072x128xf32, #tpu.memory_space<hbm>> -> memref<256x128xf32, #tpu.memory_space<hbm>>
      %dma_wait3A_354 = arith.constant 0 : i32
      %dma_wait3A_355 = tpu.memref_slice %arg8[%mul3A_340, %dma_wait3A_354] : memref<512x128xf32, #tpu.memory_space<vmem>> -> memref<256x128xf32, #tpu.memory_space<vmem>>
      tpu.wait_dma2 semaphore(%arg10 : memref<!tpu.dma_semaphore, #tpu.memory_space<semaphore_mem>>) src(%dma_wait3A_355 : memref<256x128xf32, #tpu.memory_space<vmem>>) dst(%dma_wait3A_353 : memref<256x128xf32, #tpu.memory_space<hbm>>)
      %add3A_356 = arith.addi %mul3A_4, %scan3A_327 : i32
      %rem3A_357 = arith.constant 16 : i32
      %rem3A_358 = arith.remsi %add3A_356, %rem3A_357 : i32
      %mul3A_359 = arith.constant 2 : i32
      %mul3A_360 = arith.muli %rem3A_358, %mul3A_359 : i32
      %add3A_361 = arith.constant 0 : i32
      %add3A_362 = arith.addi %mul3A_360, %add3A_361 : i32
      %add3A_363 = arith.constant 0 : i32
      %add3A_364 = arith.addi %mul3A_340, %add3A_363 : i32
      %dma_start3A_365 = arith.constant 0 : i32
      %dma_start3A_366 = tpu.memref_slice %arg8[%add3A_364, %dma_start3A_365] : memref<512x128xf32, #tpu.memory_space<vmem>> -> memref<128x128xf32, #tpu.memory_space<vmem>>
      %dma_start3A_367 = arith.constant 0 : i32
      %dma_start3A_368 = tpu.memref_slice %arg7[%add3A_362, %dma_start3A_367] : memref<32x128xi32, #tpu.memory_space<vmem>> -> memref<1x128xi32, #tpu.memory_space<vmem>>
      %dma_start3A_369 = tpu.memref_squeeze %dma_start3A_368 : memref<1x128xi32, #tpu.memory_space<vmem>> -> memref<128xi32, #tpu.memory_space<vmem>>
      %dma_start3A_370 = arith.constant 0 : i32
      %dma_start3A_371 = arith.constant 0 : i32
      %dma_start3A_372 = tpu.memref_slice %arg2[%dma_start3A_370, %dma_start3A_371] : memref<100001x128xf32, #tpu.memory_space<hbm>> -> memref<100001x128xf32, #tpu.memory_space<hbm>>
      tpu.enqueue_indirect_dma source(%dma_start3A_372 : memref<100001x128xf32, #tpu.memory_space<hbm>>) target(%dma_start3A_366 : memref<128x128xf32, #tpu.memory_space<vmem>>) offsets(%dma_start3A_369 : memref<128xi32, #tpu.memory_space<vmem>>) semaphore(%arg9 : memref<!tpu.dma_semaphore, #tpu.memory_space<semaphore_mem>>)
      %mul3A_373 = arith.constant 2 : i32
      %mul3A_374 = arith.muli %rem3A_358, %mul3A_373 : i32
      %add3A_375 = arith.constant 1 : i32
      %add3A_376 = arith.addi %mul3A_374, %add3A_375 : i32
      %add3A_377 = arith.constant 128 : i32
      %add3A_378 = arith.addi %mul3A_340, %add3A_377 : i32
      %dma_start3A_379 = arith.constant 0 : i32
      %dma_start3A_380 = tpu.memref_slice %arg8[%add3A_378, %dma_start3A_379] : memref<512x128xf32, #tpu.memory_space<vmem>> -> memref<128x128xf32, #tpu.memory_space<vmem>>
      %dma_start3A_381 = arith.constant 0 : i32
      %dma_start3A_382 = tpu.memref_slice %arg7[%add3A_376, %dma_start3A_381] : memref<32x128xi32, #tpu.memory_space<vmem>> -> memref<1x128xi32, #tpu.memory_space<vmem>>
      %dma_start3A_383 = tpu.memref_squeeze %dma_start3A_382 : memref<1x128xi32, #tpu.memory_space<vmem>> -> memref<128xi32, #tpu.memory_space<vmem>>
      %dma_start3A_384 = arith.constant 0 : i32
      %dma_start3A_385 = arith.constant 0 : i32
      %dma_start3A_386 = tpu.memref_slice %arg2[%dma_start3A_384, %dma_start3A_385] : memref<100001x128xf32, #tpu.memory_space<hbm>> -> memref<100001x128xf32, #tpu.memory_space<hbm>>
      tpu.enqueue_indirect_dma source(%dma_start3A_386 : memref<100001x128xf32, #tpu.memory_space<hbm>>) target(%dma_start3A_380 : memref<128x128xf32, #tpu.memory_space<vmem>>) offsets(%dma_start3A_383 : memref<128xi32, #tpu.memory_space<vmem>>) semaphore(%arg9 : memref<!tpu.dma_semaphore, #tpu.memory_space<semaphore_mem>>)
      %dma_wait3A_387 = arith.constant 0 : i32
      %dma_wait3A_388 = tpu.memref_slice %arg8[%add3A_364, %dma_wait3A_387] : memref<512x128xf32, #tpu.memory_space<vmem>> -> memref<128x128xf32, #tpu.memory_space<vmem>>
      %dma_wait3A_389 = arith.constant 0 : i32
      %dma_wait3A_390 = tpu.memref_slice %arg7[%add3A_362, %dma_wait3A_389] : memref<32x128xi32, #tpu.memory_space<vmem>> -> memref<1x128xi32, #tpu.memory_space<vmem>>
      %dma_wait3A_391 = tpu.memref_squeeze %dma_wait3A_390 : memref<1x128xi32, #tpu.memory_space<vmem>> -> memref<128xi32, #tpu.memory_space<vmem>>
      %dma_wait3A_392 = arith.constant 0 : i32
      %dma_wait3A_393 = arith.constant 0 : i32
      %dma_wait3A_394 = tpu.memref_slice %arg2[%dma_wait3A_392, %dma_wait3A_393] : memref<100001x128xf32, #tpu.memory_space<hbm>> -> memref<100001x128xf32, #tpu.memory_space<hbm>>
      tpu.wait_indirect_dma semaphore(%arg9 : memref<!tpu.dma_semaphore, #tpu.memory_space<semaphore_mem>>) src(%dma_wait3A_394 : memref<100001x128xf32, #tpu.memory_space<hbm>>) dst(%dma_wait3A_388 : memref<128x128xf32, #tpu.memory_space<vmem>>)
      %dma_wait3A_395 = arith.constant 0 : i32
      %dma_wait3A_396 = tpu.memref_slice %arg8[%add3A_378, %dma_wait3A_395] : memref<512x128xf32, #tpu.memory_space<vmem>> -> memref<128x128xf32, #tpu.memory_space<vmem>>
      %dma_wait3A_397 = arith.constant 0 : i32
      %dma_wait3A_398 = tpu.memref_slice %arg7[%add3A_376, %dma_wait3A_397] : memref<32x128xi32, #tpu.memory_space<vmem>> -> memref<1x128xi32, #tpu.memory_space<vmem>>
      %dma_wait3A_399 = tpu.memref_squeeze %dma_wait3A_398 : memref<1x128xi32, #tpu.memory_space<vmem>> -> memref<128xi32, #tpu.memory_space<vmem>>
      %dma_wait3A_400 = arith.constant 0 : i32
      %dma_wait3A_401 = arith.constant 0 : i32
      %dma_wait3A_402 = tpu.memref_slice %arg2[%dma_wait3A_400, %dma_wait3A_401] : memref<100001x128xf32, #tpu.memory_space<hbm>> -> memref<100001x128xf32, #tpu.memory_space<hbm>>
      tpu.wait_indirect_dma semaphore(%arg9 : memref<!tpu.dma_semaphore, #tpu.memory_space<semaphore_mem>>) src(%dma_wait3A_402 : memref<100001x128xf32, #tpu.memory_space<hbm>>) dst(%dma_wait3A_396 : memref<128x128xf32, #tpu.memory_space<vmem>>)
      %add3A_403 = arith.addi %mul3A_4, %scan3A_327 : i32
      %rem3A_404 = arith.constant 16 : i32
      %rem3A_405 = arith.remsi %add3A_403, %rem3A_404 : i32
      %mul3A_406 = arith.constant 256 : i32
      %mul3A_407 = arith.muli %rem3A_405, %mul3A_406 : i32
      %add3A_408 = arith.addi %mul3A_2, %mul3A_407 : i32
      %dma_start3A_409 = arith.constant 0 : i32
      %dma_start3A_410 = tpu.memref_slice %arg8[%mul3A_340, %dma_start3A_409] : memref<512x128xf32, #tpu.memory_space<vmem>> -> memref<256x128xf32, #tpu.memory_space<vmem>>
      %dma_start3A_411 = arith.constant 0 : i32
      %dma_start3A_412 = tpu.memref_slice %arg5[%add3A_408, %dma_start3A_411] : memref<131072x128xf32, #tpu.memory_space<hbm>> -> memref<256x128xf32, #tpu.memory_space<hbm>>
      %dma_start3A_413 = arith.constant 0 : i32
      %dma_start3A_414 = tpu.memref_slice %arg5[%add3A_408, %dma_start3A_413] : memref<131072x128xf32, #tpu.memory_space<hbm>> -> memref<256x128xf32, #tpu.memory_space<hbm>>
      %dma_start3A_415 = arith.constant 0 : i32
      %dma_start3A_416 = tpu.memref_slice %arg8[%mul3A_340, %dma_start3A_415] : memref<512x128xf32, #tpu.memory_space<vmem>> -> memref<256x128xf32, #tpu.memory_space<vmem>>
      tpu.enqueue_dma source(%dma_start3A_416 : memref<256x128xf32, #tpu.memory_space<vmem>>) target(%dma_start3A_414 : memref<256x128xf32, #tpu.memory_space<hbm>>) target_semaphore(%arg10 : memref<!tpu.dma_semaphore, #tpu.memory_space<semaphore_mem>>)
      %scan3A_417 = arith.constant 0 : i32
      scf.yield %scan3A_417 : i32
    }
    %scan3A_129 = arith.constant 14 : i32
    %add3A_130 = arith.constant 14 : i32
    %add3A_131 = arith.addi %mul3A_4, %add3A_130 : i32
    %rem3A_132 = arith.constant 16 : i32
    %rem3A_133 = arith.remsi %add3A_131, %rem3A_132 : i32
    %mul3A_134 = arith.constant 256 : i32
    %mul3A_135 = arith.muli %rem3A_133, %mul3A_134 : i32
    %add3A_136 = arith.addi %mul3A_2, %mul3A_135 : i32
    %dma_wait3A_137 = arith.constant 0 : i32
    %dma_wait3A_138 = arith.constant 0 : i32
    %dma_wait3A_139 = tpu.memref_slice %arg8[%dma_wait3A_137, %dma_wait3A_138] : memref<512x128xf32, #tpu.memory_space<vmem>> -> memref<256x128xf32, #tpu.memory_space<vmem>>
    %dma_wait3A_140 = arith.constant 0 : i32
    %dma_wait3A_141 = tpu.memref_slice %arg5[%add3A_136, %dma_wait3A_140] : memref<131072x128xf32, #tpu.memory_space<hbm>> -> memref<256x128xf32, #tpu.memory_space<hbm>>
    %dma_wait3A_142 = arith.constant 0 : i32
    %dma_wait3A_143 = tpu.memref_slice %arg5[%add3A_136, %dma_wait3A_142] : memref<131072x128xf32, #tpu.memory_space<hbm>> -> memref<256x128xf32, #tpu.memory_space<hbm>>
    %dma_wait3A_144 = arith.constant 0 : i32
    %dma_wait3A_145 = arith.constant 0 : i32
    %dma_wait3A_146 = tpu.memref_slice %arg8[%dma_wait3A_144, %dma_wait3A_145] : memref<512x128xf32, #tpu.memory_space<vmem>> -> memref<256x128xf32, #tpu.memory_space<vmem>>
    tpu.wait_dma2 semaphore(%arg10 : memref<!tpu.dma_semaphore, #tpu.memory_space<semaphore_mem>>) src(%dma_wait3A_146 : memref<256x128xf32, #tpu.memory_space<vmem>>) dst(%dma_wait3A_143 : memref<256x128xf32, #tpu.memory_space<hbm>>)
    %add3A_147 = arith.constant 15 : i32
    %add3A_148 = arith.addi %mul3A_4, %add3A_147 : i32
    %rem3A_149 = arith.constant 16 : i32
    %rem3A_150 = arith.remsi %add3A_148, %rem3A_149 : i32
    %mul3A_151 = arith.constant 256 : i32
    %mul3A_152 = arith.muli %rem3A_150, %mul3A_151 : i32
    %add3A_153 = arith.addi %mul3A_2, %mul3A_152 : i32
    %dma_wait3A_154 = arith.constant 256 : i32
    %dma_wait3A_155 = arith.constant 0 : i32
    %dma_wait3A_156 = tpu.memref_slice %arg8[%dma_wait3A_154, %dma_wait3A_155] : memref<512x128xf32, #tpu.memory_space<vmem>> -> memref<256x128xf32, #tpu.memory_space<vmem>>
    %dma_wait3A_157 = arith.constant 0 : i32
    %dma_wait3A_158 = tpu.memref_slice %arg5[%add3A_153, %dma_wait3A_157] : memref<131072x128xf32, #tpu.memory_space<hbm>> -> memref<256x128xf32, #tpu.memory_space<hbm>>
    %dma_wait3A_159 = arith.constant 0 : i32
    %dma_wait3A_160 = tpu.memref_slice %arg5[%add3A_153, %dma_wait3A_159] : memref<131072x128xf32, #tpu.memory_space<hbm>> -> memref<256x128xf32, #tpu.memory_space<hbm>>
    %dma_wait3A_161 = arith.constant 256 : i32
    %dma_wait3A_162 = arith.constant 0 : i32
    %dma_wait3A_163 = tpu.memref_slice %arg8[%dma_wait3A_161, %dma_wait3A_162] : memref<512x128xf32, #tpu.memory_space<vmem>> -> memref<256x128xf32, #tpu.memory_space<vmem>>
    tpu.wait_dma2 semaphore(%arg10 : memref<!tpu.dma_semaphore, #tpu.memory_space<semaphore_mem>>) src(%dma_wait3A_163 : memref<256x128xf32, #tpu.memory_space<vmem>>) dst(%dma_wait3A_160 : memref<256x128xf32, #tpu.memory_space<hbm>>)
    "tpu.region"() ({
      %run_scoped3A = tpu.sem_alloc : memref<!tpu.dma_semaphore, #tpu.memory_space<semaphore_mem>>
      %dma_start3A_327 = arith.constant 0 : i32
      %dma_start3A_328 = arith.constant 0 : i32
      %dma_start3A_329 = tpu.memref_slice %arg4[%add3A, %dma_start3A_327, %dma_start3A_328] : memref<32x32x128xi32, #tpu.memory_space<hbm>> -> memref<1x32x128xi32, #tpu.memory_space<hbm>>
      %dma_start3A_330 = tpu.memref_squeeze %dma_start3A_329 : memref<1x32x128xi32, #tpu.memory_space<hbm>> -> memref<32x128xi32, #tpu.memory_space<hbm>>
      %dma_start3A_331 = arith.constant 0 : i32
      %dma_start3A_332 = arith.constant 0 : i32
      %dma_start3A_333 = tpu.memref_slice %arg4[%add3A, %dma_start3A_331, %dma_start3A_332] : memref<32x32x128xi32, #tpu.memory_space<hbm>> -> memref<1x32x128xi32, #tpu.memory_space<hbm>>
      %dma_start3A_334 = tpu.memref_squeeze %dma_start3A_333 : memref<1x32x128xi32, #tpu.memory_space<hbm>> -> memref<32x128xi32, #tpu.memory_space<hbm>>
      tpu.enqueue_dma source(%dma_start3A_334 : memref<32x128xi32, #tpu.memory_space<hbm>>) target(%arg7 : memref<32x128xi32, #tpu.memory_space<vmem>>) target_semaphore(%run_scoped3A : memref<!tpu.dma_semaphore, #tpu.memory_space<semaphore_mem>>)
      %dma_wait3A_335 = arith.constant 0 : i32
      %dma_wait3A_336 = arith.constant 0 : i32
      %dma_wait3A_337 = tpu.memref_slice %arg4[%add3A, %dma_wait3A_335, %dma_wait3A_336] : memref<32x32x128xi32, #tpu.memory_space<hbm>> -> memref<1x32x128xi32, #tpu.memory_space<hbm>>
      %dma_wait3A_338 = tpu.memref_squeeze %dma_wait3A_337 : memref<1x32x128xi32, #tpu.memory_space<hbm>> -> memref<32x128xi32, #tpu.memory_space<hbm>>
      %dma_wait3A_339 = arith.constant 0 : i32
      %dma_wait3A_340 = arith.constant 0 : i32
      %dma_wait3A_341 = tpu.memref_slice %arg4[%add3A, %dma_wait3A_339, %dma_wait3A_340] : memref<32x32x128xi32, #tpu.memory_space<hbm>> -> memref<1x32x128xi32, #tpu.memory_space<hbm>>
      %dma_wait3A_342 = tpu.memref_squeeze %dma_wait3A_341 : memref<1x32x128xi32, #tpu.memory_space<hbm>> -> memref<32x128xi32, #tpu.memory_space<hbm>>
      tpu.wait_dma2 semaphore(%run_scoped3A : memref<!tpu.dma_semaphore, #tpu.memory_space<semaphore_mem>>) src(%dma_wait3A_342 : memref<32x128xi32, #tpu.memory_space<hbm>>) dst(%arg7 : memref<32x128xi32, #tpu.memory_space<vmem>>)
      tpu.yield
    }) : () -> ()
    %add3A_164 = arith.constant 0 : i32
    %add3A_165 = arith.addi %mul3A_4, %add3A_164 : i32
    %rem3A_166 = arith.constant 16 : i32
    %rem3A_167 = arith.remsi %add3A_165, %rem3A_166 : i32
    %mul3A_168 = arith.constant 2 : i32
    %mul3A_169 = arith.muli %rem3A_167, %mul3A_168 : i32
    %add3A_170 = arith.constant 0 : i32
    %add3A_171 = arith.addi %mul3A_169, %add3A_170 : i32
    %dma_start3A_172 = arith.constant 0 : i32
    %dma_start3A_173 = arith.constant 0 : i32
    %dma_start3A_174 = tpu.memref_slice %arg8[%dma_start3A_172, %dma_start3A_173] : memref<512x128xf32, #tpu.memory_space<vmem>> -> memref<128x128xf32, #tpu.memory_space<vmem>>
    %dma_start3A_175 = arith.constant 0 : i32
    %dma_start3A_176 = tpu.memref_slice %arg7[%add3A_171, %dma_start3A_175] : memref<32x128xi32, #tpu.memory_space<vmem>> -> memref<1x128xi32, #tpu.memory_space<vmem>>
    %dma_start3A_177 = tpu.memref_squeeze %dma_start3A_176 : memref<1x128xi32, #tpu.memory_space<vmem>> -> memref<128xi32, #tpu.memory_space<vmem>>
    %dma_start3A_178 = arith.constant 0 : i32
    %dma_start3A_179 = arith.constant 0 : i32
    %dma_start3A_180 = tpu.memref_slice %arg2[%dma_start3A_178, %dma_start3A_179] : memref<100001x128xf32, #tpu.memory_space<hbm>> -> memref<100001x128xf32, #tpu.memory_space<hbm>>
    tpu.enqueue_indirect_dma source(%dma_start3A_180 : memref<100001x128xf32, #tpu.memory_space<hbm>>) target(%dma_start3A_174 : memref<128x128xf32, #tpu.memory_space<vmem>>) offsets(%dma_start3A_177 : memref<128xi32, #tpu.memory_space<vmem>>) semaphore(%arg9 : memref<!tpu.dma_semaphore, #tpu.memory_space<semaphore_mem>>)
    %mul3A_181 = arith.constant 2 : i32
    %mul3A_182 = arith.muli %rem3A_167, %mul3A_181 : i32
    %add3A_183 = arith.constant 1 : i32
    %add3A_184 = arith.addi %mul3A_182, %add3A_183 : i32
    %dma_start3A_185 = arith.constant 128 : i32
    %dma_start3A_186 = arith.constant 0 : i32
    %dma_start3A_187 = tpu.memref_slice %arg8[%dma_start3A_185, %dma_start3A_186] : memref<512x128xf32, #tpu.memory_space<vmem>> -> memref<128x128xf32, #tpu.memory_space<vmem>>
    %dma_start3A_188 = arith.constant 0 : i32
    %dma_start3A_189 = tpu.memref_slice %arg7[%add3A_184, %dma_start3A_188] : memref<32x128xi32, #tpu.memory_space<vmem>> -> memref<1x128xi32, #tpu.memory_space<vmem>>
    %dma_start3A_190 = tpu.memref_squeeze %dma_start3A_189 : memref<1x128xi32, #tpu.memory_space<vmem>> -> memref<128xi32, #tpu.memory_space<vmem>>
    %dma_start3A_191 = arith.constant 0 : i32
    %dma_start3A_192 = arith.constant 0 : i32
    %dma_start3A_193 = tpu.memref_slice %arg2[%dma_start3A_191, %dma_start3A_192] : memref<100001x128xf32, #tpu.memory_space<hbm>> -> memref<100001x128xf32, #tpu.memory_space<hbm>>
    tpu.enqueue_indirect_dma source(%dma_start3A_193 : memref<100001x128xf32, #tpu.memory_space<hbm>>) target(%dma_start3A_187 : memref<128x128xf32, #tpu.memory_space<vmem>>) offsets(%dma_start3A_190 : memref<128xi32, #tpu.memory_space<vmem>>) semaphore(%arg9 : memref<!tpu.dma_semaphore, #tpu.memory_space<semaphore_mem>>)
    %dma_wait3A_194 = arith.constant 0 : i32
    %dma_wait3A_195 = arith.constant 0 : i32
    %dma_wait3A_196 = tpu.memref_slice %arg8[%dma_wait3A_194, %dma_wait3A_195] : memref<512x128xf32, #tpu.memory_space<vmem>> -> memref<128x128xf32, #tpu.memory_space<vmem>>
    %dma_wait3A_197 = arith.constant 0 : i32
    %dma_wait3A_198 = tpu.memref_slice %arg7[%add3A_171, %dma_wait3A_197] : memref<32x128xi32, #tpu.memory_space<vmem>> -> memref<1x128xi32, #tpu.memory_space<vmem>>
    %dma_wait3A_199 = tpu.memref_squeeze %dma_wait3A_198 : memref<1x128xi32, #tpu.memory_space<vmem>> -> memref<128xi32, #tpu.memory_space<vmem>>
    %dma_wait3A_200 = arith.constant 0 : i32
    %dma_wait3A_201 = arith.constant 0 : i32
    %dma_wait3A_202 = tpu.memref_slice %arg2[%dma_wait3A_200, %dma_wait3A_201] : memref<100001x128xf32, #tpu.memory_space<hbm>> -> memref<100001x128xf32, #tpu.memory_space<hbm>>
    tpu.wait_indirect_dma semaphore(%arg9 : memref<!tpu.dma_semaphore, #tpu.memory_space<semaphore_mem>>) src(%dma_wait3A_202 : memref<100001x128xf32, #tpu.memory_space<hbm>>) dst(%dma_wait3A_196 : memref<128x128xf32, #tpu.memory_space<vmem>>)
    %dma_wait3A_203 = arith.constant 128 : i32
    %dma_wait3A_204 = arith.constant 0 : i32
    %dma_wait3A_205 = tpu.memref_slice %arg8[%dma_wait3A_203, %dma_wait3A_204] : memref<512x128xf32, #tpu.memory_space<vmem>> -> memref<128x128xf32, #tpu.memory_space<vmem>>
    %dma_wait3A_206 = arith.constant 0 : i32
    %dma_wait3A_207 = tpu.memref_slice %arg7[%add3A_184, %dma_wait3A_206] : memref<32x128xi32, #tpu.memory_space<vmem>> -> memref<1x128xi32, #tpu.memory_space<vmem>>
    %dma_wait3A_208 = tpu.memref_squeeze %dma_wait3A_207 : memref<1x128xi32, #tpu.memory_space<vmem>> -> memref<128xi32, #tpu.memory_space<vmem>>
    %dma_wait3A_209 = arith.constant 0 : i32
    %dma_wait3A_210 = arith.constant 0 : i32
    %dma_wait3A_211 = tpu.memref_slice %arg2[%dma_wait3A_209, %dma_wait3A_210] : memref<100001x128xf32, #tpu.memory_space<hbm>> -> memref<100001x128xf32, #tpu.memory_space<hbm>>
    tpu.wait_indirect_dma semaphore(%arg9 : memref<!tpu.dma_semaphore, #tpu.memory_space<semaphore_mem>>) src(%dma_wait3A_211 : memref<100001x128xf32, #tpu.memory_space<hbm>>) dst(%dma_wait3A_205 : memref<128x128xf32, #tpu.memory_space<vmem>>)
    %mul3A_212 = arith.constant 256 : i32
    %mul3A_213 = arith.muli %rem3A_167, %mul3A_212 : i32
    %add3A_214 = arith.addi %mul3A_2, %mul3A_213 : i32
    %dma_start3A_215 = arith.constant 0 : i32
    %dma_start3A_216 = arith.constant 0 : i32
    %dma_start3A_217 = tpu.memref_slice %arg8[%dma_start3A_215, %dma_start3A_216] : memref<512x128xf32, #tpu.memory_space<vmem>> -> memref<256x128xf32, #tpu.memory_space<vmem>>
    %dma_start3A_218 = arith.constant 0 : i32
    %dma_start3A_219 = tpu.memref_slice %arg6[%add3A_214, %dma_start3A_218] : memref<131072x128xf32, #tpu.memory_space<hbm>> -> memref<256x128xf32, #tpu.memory_space<hbm>>
    %dma_start3A_220 = arith.constant 0 : i32
    %dma_start3A_221 = tpu.memref_slice %arg6[%add3A_214, %dma_start3A_220] : memref<131072x128xf32, #tpu.memory_space<hbm>> -> memref<256x128xf32, #tpu.memory_space<hbm>>
    %dma_start3A_222 = arith.constant 0 : i32
    %dma_start3A_223 = arith.constant 0 : i32
    %dma_start3A_224 = tpu.memref_slice %arg8[%dma_start3A_222, %dma_start3A_223] : memref<512x128xf32, #tpu.memory_space<vmem>> -> memref<256x128xf32, #tpu.memory_space<vmem>>
    tpu.enqueue_dma source(%dma_start3A_224 : memref<256x128xf32, #tpu.memory_space<vmem>>) target(%dma_start3A_221 : memref<256x128xf32, #tpu.memory_space<hbm>>) target_semaphore(%arg10 : memref<!tpu.dma_semaphore, #tpu.memory_space<semaphore_mem>>)
    %add3A_225 = arith.constant 1 : i32
    %add3A_226 = arith.addi %mul3A_4, %add3A_225 : i32
    %rem3A_227 = arith.constant 16 : i32
    %rem3A_228 = arith.remsi %add3A_226, %rem3A_227 : i32
    %mul3A_229 = arith.constant 2 : i32
    %mul3A_230 = arith.muli %rem3A_228, %mul3A_229 : i32
    %add3A_231 = arith.constant 0 : i32
    %add3A_232 = arith.addi %mul3A_230, %add3A_231 : i32
    %dma_start3A_233 = arith.constant 256 : i32
    %dma_start3A_234 = arith.constant 0 : i32
    %dma_start3A_235 = tpu.memref_slice %arg8[%dma_start3A_233, %dma_start3A_234] : memref<512x128xf32, #tpu.memory_space<vmem>> -> memref<128x128xf32, #tpu.memory_space<vmem>>
    %dma_start3A_236 = arith.constant 0 : i32
    %dma_start3A_237 = tpu.memref_slice %arg7[%add3A_232, %dma_start3A_236] : memref<32x128xi32, #tpu.memory_space<vmem>> -> memref<1x128xi32, #tpu.memory_space<vmem>>
    %dma_start3A_238 = tpu.memref_squeeze %dma_start3A_237 : memref<1x128xi32, #tpu.memory_space<vmem>> -> memref<128xi32, #tpu.memory_space<vmem>>
    %dma_start3A_239 = arith.constant 0 : i32
    %dma_start3A_240 = arith.constant 0 : i32
    %dma_start3A_241 = tpu.memref_slice %arg2[%dma_start3A_239, %dma_start3A_240] : memref<100001x128xf32, #tpu.memory_space<hbm>> -> memref<100001x128xf32, #tpu.memory_space<hbm>>
    tpu.enqueue_indirect_dma source(%dma_start3A_241 : memref<100001x128xf32, #tpu.memory_space<hbm>>) target(%dma_start3A_235 : memref<128x128xf32, #tpu.memory_space<vmem>>) offsets(%dma_start3A_238 : memref<128xi32, #tpu.memory_space<vmem>>) semaphore(%arg9 : memref<!tpu.dma_semaphore, #tpu.memory_space<semaphore_mem>>)
    %mul3A_242 = arith.constant 2 : i32
    %mul3A_243 = arith.muli %rem3A_228, %mul3A_242 : i32
    %add3A_244 = arith.constant 1 : i32
    %add3A_245 = arith.addi %mul3A_243, %add3A_244 : i32
    %dma_start3A_246 = arith.constant 384 : i32
    %dma_start3A_247 = arith.constant 0 : i32
    %dma_start3A_248 = tpu.memref_slice %arg8[%dma_start3A_246, %dma_start3A_247] : memref<512x128xf32, #tpu.memory_space<vmem>> -> memref<128x128xf32, #tpu.memory_space<vmem>>
    %dma_start3A_249 = arith.constant 0 : i32
    %dma_start3A_250 = tpu.memref_slice %arg7[%add3A_245, %dma_start3A_249] : memref<32x128xi32, #tpu.memory_space<vmem>> -> memref<1x128xi32, #tpu.memory_space<vmem>>
    %dma_start3A_251 = tpu.memref_squeeze %dma_start3A_250 : memref<1x128xi32, #tpu.memory_space<vmem>> -> memref<128xi32, #tpu.memory_space<vmem>>
    %dma_start3A_252 = arith.constant 0 : i32
    %dma_start3A_253 = arith.constant 0 : i32
    %dma_start3A_254 = tpu.memref_slice %arg2[%dma_start3A_252, %dma_start3A_253] : memref<100001x128xf32, #tpu.memory_space<hbm>> -> memref<100001x128xf32, #tpu.memory_space<hbm>>
    tpu.enqueue_indirect_dma source(%dma_start3A_254 : memref<100001x128xf32, #tpu.memory_space<hbm>>) target(%dma_start3A_248 : memref<128x128xf32, #tpu.memory_space<vmem>>) offsets(%dma_start3A_251 : memref<128xi32, #tpu.memory_space<vmem>>) semaphore(%arg9 : memref<!tpu.dma_semaphore, #tpu.memory_space<semaphore_mem>>)
    %dma_wait3A_255 = arith.constant 256 : i32
    %dma_wait3A_256 = arith.constant 0 : i32
    %dma_wait3A_257 = tpu.memref_slice %arg8[%dma_wait3A_255, %dma_wait3A_256] : memref<512x128xf32, #tpu.memory_space<vmem>> -> memref<128x128xf32, #tpu.memory_space<vmem>>
    %dma_wait3A_258 = arith.constant 0 : i32
    %dma_wait3A_259 = tpu.memref_slice %arg7[%add3A_232, %dma_wait3A_258] : memref<32x128xi32, #tpu.memory_space<vmem>> -> memref<1x128xi32, #tpu.memory_space<vmem>>
    %dma_wait3A_260 = tpu.memref_squeeze %dma_wait3A_259 : memref<1x128xi32, #tpu.memory_space<vmem>> -> memref<128xi32, #tpu.memory_space<vmem>>
    %dma_wait3A_261 = arith.constant 0 : i32
    %dma_wait3A_262 = arith.constant 0 : i32
    %dma_wait3A_263 = tpu.memref_slice %arg2[%dma_wait3A_261, %dma_wait3A_262] : memref<100001x128xf32, #tpu.memory_space<hbm>> -> memref<100001x128xf32, #tpu.memory_space<hbm>>
    tpu.wait_indirect_dma semaphore(%arg9 : memref<!tpu.dma_semaphore, #tpu.memory_space<semaphore_mem>>) src(%dma_wait3A_263 : memref<100001x128xf32, #tpu.memory_space<hbm>>) dst(%dma_wait3A_257 : memref<128x128xf32, #tpu.memory_space<vmem>>)
    %dma_wait3A_264 = arith.constant 384 : i32
    %dma_wait3A_265 = arith.constant 0 : i32
    %dma_wait3A_266 = tpu.memref_slice %arg8[%dma_wait3A_264, %dma_wait3A_265] : memref<512x128xf32, #tpu.memory_space<vmem>> -> memref<128x128xf32, #tpu.memory_space<vmem>>
    %dma_wait3A_267 = arith.constant 0 : i32
    %dma_wait3A_268 = tpu.memref_slice %arg7[%add3A_245, %dma_wait3A_267] : memref<32x128xi32, #tpu.memory_space<vmem>> -> memref<1x128xi32, #tpu.memory_space<vmem>>
    %dma_wait3A_269 = tpu.memref_squeeze %dma_wait3A_268 : memref<1x128xi32, #tpu.memory_space<vmem>> -> memref<128xi32, #tpu.memory_space<vmem>>
    %dma_wait3A_270 = arith.constant 0 : i32
    %dma_wait3A_271 = arith.constant 0 : i32
    %dma_wait3A_272 = tpu.memref_slice %arg2[%dma_wait3A_270, %dma_wait3A_271] : memref<100001x128xf32, #tpu.memory_space<hbm>> -> memref<100001x128xf32, #tpu.memory_space<hbm>>
    tpu.wait_indirect_dma semaphore(%arg9 : memref<!tpu.dma_semaphore, #tpu.memory_space<semaphore_mem>>) src(%dma_wait3A_272 : memref<100001x128xf32, #tpu.memory_space<hbm>>) dst(%dma_wait3A_266 : memref<128x128xf32, #tpu.memory_space<vmem>>)
    %mul3A_273 = arith.constant 256 : i32
    %mul3A_274 = arith.muli %rem3A_228, %mul3A_273 : i32
    %add3A_275 = arith.addi %mul3A_2, %mul3A_274 : i32
    %dma_start3A_276 = arith.constant 256 : i32
    %dma_start3A_277 = arith.constant 0 : i32
    %dma_start3A_278 = tpu.memref_slice %arg8[%dma_start3A_276, %dma_start3A_277] : memref<512x128xf32, #tpu.memory_space<vmem>> -> memref<256x128xf32, #tpu.memory_space<vmem>>
    %dma_start3A_279 = arith.constant 0 : i32
    %dma_start3A_280 = tpu.memref_slice %arg6[%add3A_275, %dma_start3A_279] : memref<131072x128xf32, #tpu.memory_space<hbm>> -> memref<256x128xf32, #tpu.memory_space<hbm>>
    %dma_start3A_281 = arith.constant 0 : i32
    %dma_start3A_282 = tpu.memref_slice %arg6[%add3A_275, %dma_start3A_281] : memref<131072x128xf32, #tpu.memory_space<hbm>> -> memref<256x128xf32, #tpu.memory_space<hbm>>
    %dma_start3A_283 = arith.constant 256 : i32
    %dma_start3A_284 = arith.constant 0 : i32
    %dma_start3A_285 = tpu.memref_slice %arg8[%dma_start3A_283, %dma_start3A_284] : memref<512x128xf32, #tpu.memory_space<vmem>> -> memref<256x128xf32, #tpu.memory_space<vmem>>
    tpu.enqueue_dma source(%dma_start3A_285 : memref<256x128xf32, #tpu.memory_space<vmem>>) target(%dma_start3A_282 : memref<256x128xf32, #tpu.memory_space<hbm>>) target_semaphore(%arg10 : memref<!tpu.dma_semaphore, #tpu.memory_space<semaphore_mem>>)
    %scan3A_286 = arith.constant 0 : i32
    %scan3A_287 = arith.constant 2 : i32
    %scan3A_288 = arith.constant 14 : i32
    %scan3A_289 = arith.addi %scan3A_287, %scan3A_288 : i32
    %scan3A_290 = arith.constant 1 : i32
    %scan3A_291 = scf.for %scan3A_327 = %scan3A_287 to %scan3A_289 step %scan3A_290 iter_args(%scan3A_328 = %scan3A_286) -> (i32)  : i32 {
      %jit3A = arith.constant 2 : i32
      %eq3A = arith.constant 0 : i32
      %eq3A_329 = arith.cmpi eq, %jit3A, %eq3A : i32
      %jit3A_330 = arith.constant 1 : i32
      %select_n3A = arith.select %eq3A_329, %jit3A_330, %jit3A : i32
      %rem3A_331 = arith.remsi %scan3A_327, %select_n3A : i32
      %ne3A = arith.constant 0 : i32
      %ne3A_332 = arith.cmpi ne, %rem3A_331, %ne3A : i32
      %lt3A = arith.constant 0 : i32
      %lt3A_333 = arith.cmpi slt, %rem3A_331, %lt3A : i32
      %lt3A_334 = arith.constant 0 : i32
      %lt3A_335 = arith.cmpi slt, %select_n3A, %lt3A_334 : i32
      %ne3A_336 = arith.xori %lt3A_333, %lt3A_335 : i1
      %and3A = arith.andi %ne3A_336, %ne3A_332 : i1
      %add3A_337 = arith.addi %rem3A_331, %select_n3A : i32
      %select_n3A_338 = arith.select %and3A, %add3A_337, %rem3A_331 : i32
      %mul3A_339 = arith.constant 256 : i32
      %mul3A_340 = arith.muli %select_n3A_338, %mul3A_339 : i32
      %sub3A = arith.constant 2 : i32
      %sub3A_341 = arith.subi %scan3A_327, %sub3A : i32
      %add3A_342 = arith.addi %mul3A_4, %sub3A_341 : i32
      %rem3A_343 = arith.constant 16 : i32
      %rem3A_344 = arith.remsi %add3A_342, %rem3A_343 : i32
      %mul3A_345 = arith.constant 256 : i32
      %mul3A_346 = arith.muli %rem3A_344, %mul3A_345 : i32
      %add3A_347 = arith.addi %mul3A_2, %mul3A_346 : i32
      %dma_wait3A_348 = arith.constant 0 : i32
      %dma_wait3A_349 = tpu.memref_slice %arg8[%mul3A_340, %dma_wait3A_348] : memref<512x128xf32, #tpu.memory_space<vmem>> -> memref<256x128xf32, #tpu.memory_space<vmem>>
      %dma_wait3A_350 = arith.constant 0 : i32
      %dma_wait3A_351 = tpu.memref_slice %arg6[%add3A_347, %dma_wait3A_350] : memref<131072x128xf32, #tpu.memory_space<hbm>> -> memref<256x128xf32, #tpu.memory_space<hbm>>
      %dma_wait3A_352 = arith.constant 0 : i32
      %dma_wait3A_353 = tpu.memref_slice %arg6[%add3A_347, %dma_wait3A_352] : memref<131072x128xf32, #tpu.memory_space<hbm>> -> memref<256x128xf32, #tpu.memory_space<hbm>>
      %dma_wait3A_354 = arith.constant 0 : i32
      %dma_wait3A_355 = tpu.memref_slice %arg8[%mul3A_340, %dma_wait3A_354] : memref<512x128xf32, #tpu.memory_space<vmem>> -> memref<256x128xf32, #tpu.memory_space<vmem>>
      tpu.wait_dma2 semaphore(%arg10 : memref<!tpu.dma_semaphore, #tpu.memory_space<semaphore_mem>>) src(%dma_wait3A_355 : memref<256x128xf32, #tpu.memory_space<vmem>>) dst(%dma_wait3A_353 : memref<256x128xf32, #tpu.memory_space<hbm>>)
      %add3A_356 = arith.addi %mul3A_4, %scan3A_327 : i32
      %rem3A_357 = arith.constant 16 : i32
      %rem3A_358 = arith.remsi %add3A_356, %rem3A_357 : i32
      %mul3A_359 = arith.constant 2 : i32
      %mul3A_360 = arith.muli %rem3A_358, %mul3A_359 : i32
      %add3A_361 = arith.constant 0 : i32
      %add3A_362 = arith.addi %mul3A_360, %add3A_361 : i32
      %add3A_363 = arith.constant 0 : i32
      %add3A_364 = arith.addi %mul3A_340, %add3A_363 : i32
      %dma_start3A_365 = arith.constant 0 : i32
      %dma_start3A_366 = tpu.memref_slice %arg8[%add3A_364, %dma_start3A_365] : memref<512x128xf32, #tpu.memory_space<vmem>> -> memref<128x128xf32, #tpu.memory_space<vmem>>
      %dma_start3A_367 = arith.constant 0 : i32
      %dma_start3A_368 = tpu.memref_slice %arg7[%add3A_362, %dma_start3A_367] : memref<32x128xi32, #tpu.memory_space<vmem>> -> memref<1x128xi32, #tpu.memory_space<vmem>>
      %dma_start3A_369 = tpu.memref_squeeze %dma_start3A_368 : memref<1x128xi32, #tpu.memory_space<vmem>> -> memref<128xi32, #tpu.memory_space<vmem>>
      %dma_start3A_370 = arith.constant 0 : i32
      %dma_start3A_371 = arith.constant 0 : i32
      %dma_start3A_372 = tpu.memref_slice %arg2[%dma_start3A_370, %dma_start3A_371] : memref<100001x128xf32, #tpu.memory_space<hbm>> -> memref<100001x128xf32, #tpu.memory_space<hbm>>
      tpu.enqueue_indirect_dma source(%dma_start3A_372 : memref<100001x128xf32, #tpu.memory_space<hbm>>) target(%dma_start3A_366 : memref<128x128xf32, #tpu.memory_space<vmem>>) offsets(%dma_start3A_369 : memref<128xi32, #tpu.memory_space<vmem>>) semaphore(%arg9 : memref<!tpu.dma_semaphore, #tpu.memory_space<semaphore_mem>>)
      %mul3A_373 = arith.constant 2 : i32
      %mul3A_374 = arith.muli %rem3A_358, %mul3A_373 : i32
      %add3A_375 = arith.constant 1 : i32
      %add3A_376 = arith.addi %mul3A_374, %add3A_375 : i32
      %add3A_377 = arith.constant 128 : i32
      %add3A_378 = arith.addi %mul3A_340, %add3A_377 : i32
      %dma_start3A_379 = arith.constant 0 : i32
      %dma_start3A_380 = tpu.memref_slice %arg8[%add3A_378, %dma_start3A_379] : memref<512x128xf32, #tpu.memory_space<vmem>> -> memref<128x128xf32, #tpu.memory_space<vmem>>
      %dma_start3A_381 = arith.constant 0 : i32
      %dma_start3A_382 = tpu.memref_slice %arg7[%add3A_376, %dma_start3A_381] : memref<32x128xi32, #tpu.memory_space<vmem>> -> memref<1x128xi32, #tpu.memory_space<vmem>>
      %dma_start3A_383 = tpu.memref_squeeze %dma_start3A_382 : memref<1x128xi32, #tpu.memory_space<vmem>> -> memref<128xi32, #tpu.memory_space<vmem>>
      %dma_start3A_384 = arith.constant 0 : i32
      %dma_start3A_385 = arith.constant 0 : i32
      %dma_start3A_386 = tpu.memref_slice %arg2[%dma_start3A_384, %dma_start3A_385] : memref<100001x128xf32, #tpu.memory_space<hbm>> -> memref<100001x128xf32, #tpu.memory_space<hbm>>
      tpu.enqueue_indirect_dma source(%dma_start3A_386 : memref<100001x128xf32, #tpu.memory_space<hbm>>) target(%dma_start3A_380 : memref<128x128xf32, #tpu.memory_space<vmem>>) offsets(%dma_start3A_383 : memref<128xi32, #tpu.memory_space<vmem>>) semaphore(%arg9 : memref<!tpu.dma_semaphore, #tpu.memory_space<semaphore_mem>>)
      %dma_wait3A_387 = arith.constant 0 : i32
      %dma_wait3A_388 = tpu.memref_slice %arg8[%add3A_364, %dma_wait3A_387] : memref<512x128xf32, #tpu.memory_space<vmem>> -> memref<128x128xf32, #tpu.memory_space<vmem>>
      %dma_wait3A_389 = arith.constant 0 : i32
      %dma_wait3A_390 = tpu.memref_slice %arg7[%add3A_362, %dma_wait3A_389] : memref<32x128xi32, #tpu.memory_space<vmem>> -> memref<1x128xi32, #tpu.memory_space<vmem>>
      %dma_wait3A_391 = tpu.memref_squeeze %dma_wait3A_390 : memref<1x128xi32, #tpu.memory_space<vmem>> -> memref<128xi32, #tpu.memory_space<vmem>>
      %dma_wait3A_392 = arith.constant 0 : i32
      %dma_wait3A_393 = arith.constant 0 : i32
      %dma_wait3A_394 = tpu.memref_slice %arg2[%dma_wait3A_392, %dma_wait3A_393] : memref<100001x128xf32, #tpu.memory_space<hbm>> -> memref<100001x128xf32, #tpu.memory_space<hbm>>
      tpu.wait_indirect_dma semaphore(%arg9 : memref<!tpu.dma_semaphore, #tpu.memory_space<semaphore_mem>>) src(%dma_wait3A_394 : memref<100001x128xf32, #tpu.memory_space<hbm>>) dst(%dma_wait3A_388 : memref<128x128xf32, #tpu.memory_space<vmem>>)
      %dma_wait3A_395 = arith.constant 0 : i32
      %dma_wait3A_396 = tpu.memref_slice %arg8[%add3A_378, %dma_wait3A_395] : memref<512x128xf32, #tpu.memory_space<vmem>> -> memref<128x128xf32, #tpu.memory_space<vmem>>
      %dma_wait3A_397 = arith.constant 0 : i32
      %dma_wait3A_398 = tpu.memref_slice %arg7[%add3A_376, %dma_wait3A_397] : memref<32x128xi32, #tpu.memory_space<vmem>> -> memref<1x128xi32, #tpu.memory_space<vmem>>
      %dma_wait3A_399 = tpu.memref_squeeze %dma_wait3A_398 : memref<1x128xi32, #tpu.memory_space<vmem>> -> memref<128xi32, #tpu.memory_space<vmem>>
      %dma_wait3A_400 = arith.constant 0 : i32
      %dma_wait3A_401 = arith.constant 0 : i32
      %dma_wait3A_402 = tpu.memref_slice %arg2[%dma_wait3A_400, %dma_wait3A_401] : memref<100001x128xf32, #tpu.memory_space<hbm>> -> memref<100001x128xf32, #tpu.memory_space<hbm>>
      tpu.wait_indirect_dma semaphore(%arg9 : memref<!tpu.dma_semaphore, #tpu.memory_space<semaphore_mem>>) src(%dma_wait3A_402 : memref<100001x128xf32, #tpu.memory_space<hbm>>) dst(%dma_wait3A_396 : memref<128x128xf32, #tpu.memory_space<vmem>>)
      %add3A_403 = arith.addi %mul3A_4, %scan3A_327 : i32
      %rem3A_404 = arith.constant 16 : i32
      %rem3A_405 = arith.remsi %add3A_403, %rem3A_404 : i32
      %mul3A_406 = arith.constant 256 : i32
      %mul3A_407 = arith.muli %rem3A_405, %mul3A_406 : i32
      %add3A_408 = arith.addi %mul3A_2, %mul3A_407 : i32
      %dma_start3A_409 = arith.constant 0 : i32
      %dma_start3A_410 = tpu.memref_slice %arg8[%mul3A_340, %dma_start3A_409] : memref<512x128xf32, #tpu.memory_space<vmem>> -> memref<256x128xf32, #tpu.memory_space<vmem>>
      %dma_start3A_411 = arith.constant 0 : i32
      %dma_start3A_412 = tpu.memref_slice %arg6[%add3A_408, %dma_start3A_411] : memref<131072x128xf32, #tpu.memory_space<hbm>> -> memref<256x128xf32, #tpu.memory_space<hbm>>
      %dma_start3A_413 = arith.constant 0 : i32
      %dma_start3A_414 = tpu.memref_slice %arg6[%add3A_408, %dma_start3A_413] : memref<131072x128xf32, #tpu.memory_space<hbm>> -> memref<256x128xf32, #tpu.memory_space<hbm>>
      %dma_start3A_415 = arith.constant 0 : i32
      %dma_start3A_416 = tpu.memref_slice %arg8[%mul3A_340, %dma_start3A_415] : memref<512x128xf32, #tpu.memory_space<vmem>> -> memref<256x128xf32, #tpu.memory_space<vmem>>
      tpu.enqueue_dma source(%dma_start3A_416 : memref<256x128xf32, #tpu.memory_space<vmem>>) target(%dma_start3A_414 : memref<256x128xf32, #tpu.memory_space<hbm>>) target_semaphore(%arg10 : memref<!tpu.dma_semaphore, #tpu.memory_space<semaphore_mem>>)
      %scan3A_417 = arith.constant 0 : i32
      scf.yield %scan3A_417 : i32
    }
    %scan3A_292 = arith.constant 14 : i32
    %add3A_293 = arith.constant 14 : i32
    %add3A_294 = arith.addi %mul3A_4, %add3A_293 : i32
    %rem3A_295 = arith.constant 16 : i32
    %rem3A_296 = arith.remsi %add3A_294, %rem3A_295 : i32
    %mul3A_297 = arith.constant 256 : i32
    %mul3A_298 = arith.muli %rem3A_296, %mul3A_297 : i32
    %add3A_299 = arith.addi %mul3A_2, %mul3A_298 : i32
    %dma_wait3A_300 = arith.constant 0 : i32
    %dma_wait3A_301 = arith.constant 0 : i32
    %dma_wait3A_302 = tpu.memref_slice %arg8[%dma_wait3A_300, %dma_wait3A_301] : memref<512x128xf32, #tpu.memory_space<vmem>> -> memref<256x128xf32, #tpu.memory_space<vmem>>
    %dma_wait3A_303 = arith.constant 0 : i32
    %dma_wait3A_304 = tpu.memref_slice %arg6[%add3A_299, %dma_wait3A_303] : memref<131072x128xf32, #tpu.memory_space<hbm>> -> memref<256x128xf32, #tpu.memory_space<hbm>>
    %dma_wait3A_305 = arith.constant 0 : i32
    %dma_wait3A_306 = tpu.memref_slice %arg6[%add3A_299, %dma_wait3A_305] : memref<131072x128xf32, #tpu.memory_space<hbm>> -> memref<256x128xf32, #tpu.memory_space<hbm>>
    %dma_wait3A_307 = arith.constant 0 : i32
    %dma_wait3A_308 = arith.constant 0 : i32
    %dma_wait3A_309 = tpu.memref_slice %arg8[%dma_wait3A_307, %dma_wait3A_308] : memref<512x128xf32, #tpu.memory_space<vmem>> -> memref<256x128xf32, #tpu.memory_space<vmem>>
    tpu.wait_dma2 semaphore(%arg10 : memref<!tpu.dma_semaphore, #tpu.memory_space<semaphore_mem>>) src(%dma_wait3A_309 : memref<256x128xf32, #tpu.memory_space<vmem>>) dst(%dma_wait3A_306 : memref<256x128xf32, #tpu.memory_space<hbm>>)
    %add3A_310 = arith.constant 15 : i32
    %add3A_311 = arith.addi %mul3A_4, %add3A_310 : i32
    %rem3A_312 = arith.constant 16 : i32
    %rem3A_313 = arith.remsi %add3A_311, %rem3A_312 : i32
    %mul3A_314 = arith.constant 256 : i32
    %mul3A_315 = arith.muli %rem3A_313, %mul3A_314 : i32
    %add3A_316 = arith.addi %mul3A_2, %mul3A_315 : i32
    %dma_wait3A_317 = arith.constant 256 : i32
    %dma_wait3A_318 = arith.constant 0 : i32
    %dma_wait3A_319 = tpu.memref_slice %arg8[%dma_wait3A_317, %dma_wait3A_318] : memref<512x128xf32, #tpu.memory_space<vmem>> -> memref<256x128xf32, #tpu.memory_space<vmem>>
    %dma_wait3A_320 = arith.constant 0 : i32
    %dma_wait3A_321 = tpu.memref_slice %arg6[%add3A_316, %dma_wait3A_320] : memref<131072x128xf32, #tpu.memory_space<hbm>> -> memref<256x128xf32, #tpu.memory_space<hbm>>
    %dma_wait3A_322 = arith.constant 0 : i32
    %dma_wait3A_323 = tpu.memref_slice %arg6[%add3A_316, %dma_wait3A_322] : memref<131072x128xf32, #tpu.memory_space<hbm>> -> memref<256x128xf32, #tpu.memory_space<hbm>>
    %dma_wait3A_324 = arith.constant 256 : i32
    %dma_wait3A_325 = arith.constant 0 : i32
    %dma_wait3A_326 = tpu.memref_slice %arg8[%dma_wait3A_324, %dma_wait3A_325] : memref<512x128xf32, #tpu.memory_space<vmem>> -> memref<256x128xf32, #tpu.memory_space<vmem>>
    tpu.wait_dma2 semaphore(%arg10 : memref<!tpu.dma_semaphore, #tpu.memory_space<semaphore_mem>>) src(%dma_wait3A_326 : memref<256x128xf32, #tpu.memory_space<vmem>>) dst(%dma_wait3A_323 : memref<256x128xf32, #tpu.memory_space<hbm>>)
    return
  }
}

#map = affine_map<(d0, d1) -> (0, 0)>
#map1 = affine_map<(d0, d1) -> (0, 0, 0)>
module attributes {stable_mosaic.version = 14 : i64} {
  func.func @gather_k(%arg0: i32, %arg1: i32, %arg2: memref<100001x128xf32, #tpu.memory_space<hbm>>, %arg3: memref<32x32x128xi32, #tpu.memory_space<hbm>>, %arg4: memref<32x32x128xi32, #tpu.memory_space<hbm>>, %arg5: memref<131072x128xf32, #tpu.memory_space<hbm>>, %arg6: memref<131072x128xf32, #tpu.memory_space<hbm>>, %arg7: memref<32x128xi32, #tpu.memory_space<vmem>>, %arg8: memref<512x128xf32, #tpu.memory_space<vmem>>, %arg9: memref<!tpu.dma_semaphore, #tpu.memory_space<semaphore_mem>>, %arg10: memref<!tpu.dma_semaphore, #tpu.memory_space<semaphore_mem>>) attributes {dimension_semantics = [#tpu.dimension_semantics<core_parallel>, #tpu.dimension_semantics<subcore_parallel>], iteration_bounds = array<i64: 2, 16>, scalar_prefetch = 0 : i64, scratch_operands = 4 : i64, tpu.core_type = #tpu.core_type<sc_vector_subcore>, window_params = [{transform_indices = #map}, {transform_indices = #map1}, {transform_indices = #map1}, {transform_indices = #map}, {transform_indices = #map}]} {
    %mul3A = arith.constant 2 : i32
    %mul3A_0 = arith.muli %arg1, %mul3A : i32
    %add3A = arith.addi %mul3A_0, %arg0 : i32
    %mul3A_1 = arith.constant 4096 : i32
    %mul3A_2 = arith.muli %add3A, %mul3A_1 : i32
    %mul3A_3 = arith.constant 0 : i32
    %mul3A_4 = arith.muli %add3A, %mul3A_3 : i32
    "tpu.region"() ({
      %run_scoped3A = tpu.sem_alloc : memref<!tpu.dma_semaphore, #tpu.memory_space<semaphore_mem>>
      %dma_start3A_327 = arith.constant 0 : i32
      %dma_start3A_328 = arith.constant 0 : i32
      %dma_start3A_329 = tpu.memref_slice %arg3[%add3A, %dma_start3A_327, %dma_start3A_328] : memref<32x32x128xi32, #tpu.memory_space<hbm>> -> memref<1x32x128xi32, #tpu.memory_space<hbm>>
      %dma_start3A_330 = tpu.memref_squeeze %dma_start3A_329 : memref<1x32x128xi32, #tpu.memory_space<hbm>> -> memref<32x128xi32, #tpu.memory_space<hbm>>
      %dma_start3A_331 = arith.constant 0 : i32
      %dma_start3A_332 = arith.constant 0 : i32
      %dma_start3A_333 = tpu.memref_slice %arg3[%add3A, %dma_start3A_331, %dma_start3A_332] : memref<32x32x128xi32, #tpu.memory_space<hbm>> -> memref<1x32x128xi32, #tpu.memory_space<hbm>>
      %dma_start3A_334 = tpu.memref_squeeze %dma_start3A_333 : memref<1x32x128xi32, #tpu.memory_space<hbm>> -> memref<32x128xi32, #tpu.memory_space<hbm>>
      tpu.enqueue_dma source(%dma_start3A_334 : memref<32x128xi32, #tpu.memory_space<hbm>>) target(%arg7 : memref<32x128xi32, #tpu.memory_space<vmem>>) target_semaphore(%run_scoped3A : memref<!tpu.dma_semaphore, #tpu.memory_space<semaphore_mem>>)
      %dma_wait3A_335 = arith.constant 0 : i32
      %dma_wait3A_336 = arith.constant 0 : i32
      %dma_wait3A_337 = tpu.memref_slice %arg3[%add3A, %dma_wait3A_335, %dma_wait3A_336] : memref<32x32x128xi32, #tpu.memory_space<hbm>> -> memref<1x32x128xi32, #tpu.memory_space<hbm>>
      %dma_wait3A_338 = tpu.memref_squeeze %dma_wait3A_337 : memref<1x32x128xi32, #tpu.memory_space<hbm>> -> memref<32x128xi32, #tpu.memory_space<hbm>>
      %dma_wait3A_339 = arith.constant 0 : i32
      %dma_wait3A_340 = arith.constant 0 : i32
      %dma_wait3A_341 = tpu.memref_slice %arg3[%add3A, %dma_wait3A_339, %dma_wait3A_340] : memref<32x32x128xi32, #tpu.memory_space<hbm>> -> memref<1x32x128xi32, #tpu.memory_space<hbm>>
      %dma_wait3A_342 = tpu.memref_squeeze %dma_wait3A_341 : memref<1x32x128xi32, #tpu.memory_space<hbm>> -> memref<32x128xi32, #tpu.memory_space<hbm>>
      tpu.wait_dma2 semaphore(%run_scoped3A : memref<!tpu.dma_semaphore, #tpu.memory_space<semaphore_mem>>) src(%dma_wait3A_342 : memref<32x128xi32, #tpu.memory_space<hbm>>) dst(%arg7 : memref<32x128xi32, #tpu.memory_space<vmem>>)
      tpu.yield
    }) : () -> ()
    %add3A_5 = arith.constant 0 : i32
    %add3A_6 = arith.addi %mul3A_4, %add3A_5 : i32
    %rem3A = arith.constant 16 : i32
    %rem3A_7 = arith.remsi %add3A_6, %rem3A : i32
    %mul3A_8 = arith.constant 2 : i32
    %mul3A_9 = arith.muli %rem3A_7, %mul3A_8 : i32
    %add3A_10 = arith.constant 0 : i32
    %add3A_11 = arith.addi %mul3A_9, %add3A_10 : i32
    %dma_start3A = arith.constant 0 : i32
    %dma_start3A_12 = arith.constant 0 : i32
    %dma_start3A_13 = tpu.memref_slice %arg8[%dma_start3A, %dma_start3A_12] : memref<512x128xf32, #tpu.memory_space<vmem>> -> memref<128x128xf32, #tpu.memory_space<vmem>>
    %dma_start3A_14 = arith.constant 0 : i32
    %dma_start3A_15 = tpu.memref_slice %arg7[%add3A_11, %dma_start3A_14] : memref<32x128xi32, #tpu.memory_space<vmem>> -> memref<1x128xi32, #tpu.memory_space<vmem>>
    %dma_start3A_16 = tpu.memref_squeeze %dma_start3A_15 : memref<1x128xi32, #tpu.memory_space<vmem>> -> memref<128xi32, #tpu.memory_space<vmem>>
    %dma_start3A_17 = arith.constant 0 : i32
    %dma_start3A_18 = arith.constant 0 : i32
    %dma_start3A_19 = tpu.memref_slice %arg2[%dma_start3A_17, %dma_start3A_18] : memref<100001x128xf32, #tpu.memory_space<hbm>> -> memref<100001x128xf32, #tpu.memory_space<hbm>>
    tpu.enqueue_indirect_dma source(%dma_start3A_19 : memref<100001x128xf32, #tpu.memory_space<hbm>>) target(%dma_start3A_13 : memref<128x128xf32, #tpu.memory_space<vmem>>) offsets(%dma_start3A_16 : memref<128xi32, #tpu.memory_space<vmem>>) semaphore(%arg9 : memref<!tpu.dma_semaphore, #tpu.memory_space<semaphore_mem>>)
    %mul3A_20 = arith.constant 2 : i32
    %mul3A_21 = arith.muli %rem3A_7, %mul3A_20 : i32
    %add3A_22 = arith.constant 1 : i32
    %add3A_23 = arith.addi %mul3A_21, %add3A_22 : i32
    %dma_start3A_24 = arith.constant 128 : i32
    %dma_start3A_25 = arith.constant 0 : i32
    %dma_start3A_26 = tpu.memref_slice %arg8[%dma_start3A_24, %dma_start3A_25] : memref<512x128xf32, #tpu.memory_space<vmem>> -> memref<128x128xf32, #tpu.memory_space<vmem>>
    %dma_start3A_27 = arith.constant 0 : i32
    %dma_start3A_28 = tpu.memref_slice %arg7[%add3A_23, %dma_start3A_27] : memref<32x128xi32, #tpu.memory_space<vmem>> -> memref<1x128xi32, #tpu.memory_space<vmem>>
    %dma_start3A_29 = tpu.memref_squeeze %dma_start3A_28 : memref<1x128xi32, #tpu.memory_space<vmem>> -> memref<128xi32, #tpu.memory_space<vmem>>
    %dma_start3A_30 = arith.constant 0 : i32
    %dma_start3A_31 = arith.constant 0 : i32
    %dma_start3A_32 = tpu.memref_slice %arg2[%dma_start3A_30, %dma_start3A_31] : memref<100001x128xf32, #tpu.memory_space<hbm>> -> memref<100001x128xf32, #tpu.memory_space<hbm>>
    tpu.enqueue_indirect_dma source(%dma_start3A_32 : memref<100001x128xf32, #tpu.memory_space<hbm>>) target(%dma_start3A_26 : memref<128x128xf32, #tpu.memory_space<vmem>>) offsets(%dma_start3A_29 : memref<128xi32, #tpu.memory_space<vmem>>) semaphore(%arg9 : memref<!tpu.dma_semaphore, #tpu.memory_space<semaphore_mem>>)
    %dma_wait3A = arith.constant 0 : i32
    %dma_wait3A_33 = arith.constant 0 : i32
    %dma_wait3A_34 = tpu.memref_slice %arg8[%dma_wait3A, %dma_wait3A_33] : memref<512x128xf32, #tpu.memory_space<vmem>> -> memref<128x128xf32, #tpu.memory_space<vmem>>
    %dma_wait3A_35 = arith.constant 0 : i32
    %dma_wait3A_36 = tpu.memref_slice %arg7[%add3A_11, %dma_wait3A_35] : memref<32x128xi32, #tpu.memory_space<vmem>> -> memref<1x128xi32, #tpu.memory_space<vmem>>
    %dma_wait3A_37 = tpu.memref_squeeze %dma_wait3A_36 : memref<1x128xi32, #tpu.memory_space<vmem>> -> memref<128xi32, #tpu.memory_space<vmem>>
    %dma_wait3A_38 = arith.constant 0 : i32
    %dma_wait3A_39 = arith.constant 0 : i32
    %dma_wait3A_40 = tpu.memref_slice %arg2[%dma_wait3A_38, %dma_wait3A_39] : memref<100001x128xf32, #tpu.memory_space<hbm>> -> memref<100001x128xf32, #tpu.memory_space<hbm>>
    tpu.wait_indirect_dma semaphore(%arg9 : memref<!tpu.dma_semaphore, #tpu.memory_space<semaphore_mem>>) src(%dma_wait3A_40 : memref<100001x128xf32, #tpu.memory_space<hbm>>) dst(%dma_wait3A_34 : memref<128x128xf32, #tpu.memory_space<vmem>>)
    %dma_wait3A_41 = arith.constant 128 : i32
    %dma_wait3A_42 = arith.constant 0 : i32
    %dma_wait3A_43 = tpu.memref_slice %arg8[%dma_wait3A_41, %dma_wait3A_42] : memref<512x128xf32, #tpu.memory_space<vmem>> -> memref<128x128xf32, #tpu.memory_space<vmem>>
    %dma_wait3A_44 = arith.constant 0 : i32
    %dma_wait3A_45 = tpu.memref_slice %arg7[%add3A_23, %dma_wait3A_44] : memref<32x128xi32, #tpu.memory_space<vmem>> -> memref<1x128xi32, #tpu.memory_space<vmem>>
    %dma_wait3A_46 = tpu.memref_squeeze %dma_wait3A_45 : memref<1x128xi32, #tpu.memory_space<vmem>> -> memref<128xi32, #tpu.memory_space<vmem>>
    %dma_wait3A_47 = arith.constant 0 : i32
    %dma_wait3A_48 = arith.constant 0 : i32
    %dma_wait3A_49 = tpu.memref_slice %arg2[%dma_wait3A_47, %dma_wait3A_48] : memref<100001x128xf32, #tpu.memory_space<hbm>> -> memref<100001x128xf32, #tpu.memory_space<hbm>>
    tpu.wait_indirect_dma semaphore(%arg9 : memref<!tpu.dma_semaphore, #tpu.memory_space<semaphore_mem>>) src(%dma_wait3A_49 : memref<100001x128xf32, #tpu.memory_space<hbm>>) dst(%dma_wait3A_43 : memref<128x128xf32, #tpu.memory_space<vmem>>)
    %mul3A_50 = arith.constant 256 : i32
    %mul3A_51 = arith.muli %rem3A_7, %mul3A_50 : i32
    %add3A_52 = arith.addi %mul3A_2, %mul3A_51 : i32
    %dma_start3A_53 = arith.constant 0 : i32
    %dma_start3A_54 = arith.constant 0 : i32
    %dma_start3A_55 = tpu.memref_slice %arg8[%dma_start3A_53, %dma_start3A_54] : memref<512x128xf32, #tpu.memory_space<vmem>> -> memref<256x128xf32, #tpu.memory_space<vmem>>
    %dma_start3A_56 = arith.constant 0 : i32
    %dma_start3A_57 = tpu.memref_slice %arg5[%add3A_52, %dma_start3A_56] : memref<131072x128xf32, #tpu.memory_space<hbm>> -> memref<256x128xf32, #tpu.memory_space<hbm>>
    %dma_start3A_58 = arith.constant 0 : i32
    %dma_start3A_59 = tpu.memref_slice %arg5[%add3A_52, %dma_start3A_58] : memref<131072x128xf32, #tpu.memory_space<hbm>> -> memref<256x128xf32, #tpu.memory_space<hbm>>
    %dma_start3A_60 = arith.constant 0 : i32
    %dma_start3A_61 = arith.constant 0 : i32
    %dma_start3A_62 = tpu.memref_slice %arg8[%dma_start3A_60, %dma_start3A_61] : memref<512x128xf32, #tpu.memory_space<vmem>> -> memref<256x128xf32, #tpu.memory_space<vmem>>
    tpu.enqueue_dma source(%dma_start3A_62 : memref<256x128xf32, #tpu.memory_space<vmem>>) target(%dma_start3A_59 : memref<256x128xf32, #tpu.memory_space<hbm>>) target_semaphore(%arg10 : memref<!tpu.dma_semaphore, #tpu.memory_space<semaphore_mem>>)
    %add3A_63 = arith.constant 1 : i32
    %add3A_64 = arith.addi %mul3A_4, %add3A_63 : i32
    %rem3A_65 = arith.constant 16 : i32
    %rem3A_66 = arith.remsi %add3A_64, %rem3A_65 : i32
    %mul3A_67 = arith.constant 2 : i32
    %mul3A_68 = arith.muli %rem3A_66, %mul3A_67 : i32
    %add3A_69 = arith.constant 0 : i32
    %add3A_70 = arith.addi %mul3A_68, %add3A_69 : i32
    %dma_start3A_71 = arith.constant 256 : i32
    %dma_start3A_72 = arith.constant 0 : i32
    %dma_start3A_73 = tpu.memref_slice %arg8[%dma_start3A_71, %dma_start3A_72] : memref<512x128xf32, #tpu.memory_space<vmem>> -> memref<128x128xf32, #tpu.memory_space<vmem>>
    %dma_start3A_74 = arith.constant 0 : i32
    %dma_start3A_75 = tpu.memref_slice %arg7[%add3A_70, %dma_start3A_74] : memref<32x128xi32, #tpu.memory_space<vmem>> -> memref<1x128xi32, #tpu.memory_space<vmem>>
    %dma_start3A_76 = tpu.memref_squeeze %dma_start3A_75 : memref<1x128xi32, #tpu.memory_space<vmem>> -> memref<128xi32, #tpu.memory_space<vmem>>
    %dma_start3A_77 = arith.constant 0 : i32
    %dma_start3A_78 = arith.constant 0 : i32
    %dma_start3A_79 = tpu.memref_slice %arg2[%dma_start3A_77, %dma_start3A_78] : memref<100001x128xf32, #tpu.memory_space<hbm>> -> memref<100001x128xf32, #tpu.memory_space<hbm>>
    tpu.enqueue_indirect_dma source(%dma_start3A_79 : memref<100001x128xf32, #tpu.memory_space<hbm>>) target(%dma_start3A_73 : memref<128x128xf32, #tpu.memory_space<vmem>>) offsets(%dma_start3A_76 : memref<128xi32, #tpu.memory_space<vmem>>) semaphore(%arg9 : memref<!tpu.dma_semaphore, #tpu.memory_space<semaphore_mem>>)
    %mul3A_80 = arith.constant 2 : i32
    %mul3A_81 = arith.muli %rem3A_66, %mul3A_80 : i32
    %add3A_82 = arith.constant 1 : i32
    %add3A_83 = arith.addi %mul3A_81, %add3A_82 : i32
    %dma_start3A_84 = arith.constant 384 : i32
    %dma_start3A_85 = arith.constant 0 : i32
    %dma_start3A_86 = tpu.memref_slice %arg8[%dma_start3A_84, %dma_start3A_85] : memref<512x128xf32, #tpu.memory_space<vmem>> -> memref<128x128xf32, #tpu.memory_space<vmem>>
    %dma_start3A_87 = arith.constant 0 : i32
    %dma_start3A_88 = tpu.memref_slice %arg7[%add3A_83, %dma_start3A_87] : memref<32x128xi32, #tpu.memory_space<vmem>> -> memref<1x128xi32, #tpu.memory_space<vmem>>
    %dma_start3A_89 = tpu.memref_squeeze %dma_start3A_88 : memref<1x128xi32, #tpu.memory_space<vmem>> -> memref<128xi32, #tpu.memory_space<vmem>>
    %dma_start3A_90 = arith.constant 0 : i32
    %dma_start3A_91 = arith.constant 0 : i32
    %dma_start3A_92 = tpu.memref_slice %arg2[%dma_start3A_90, %dma_start3A_91] : memref<100001x128xf32, #tpu.memory_space<hbm>> -> memref<100001x128xf32, #tpu.memory_space<hbm>>
    tpu.enqueue_indirect_dma source(%dma_start3A_92 : memref<100001x128xf32, #tpu.memory_space<hbm>>) target(%dma_start3A_86 : memref<128x128xf32, #tpu.memory_space<vmem>>) offsets(%dma_start3A_89 : memref<128xi32, #tpu.memory_space<vmem>>) semaphore(%arg9 : memref<!tpu.dma_semaphore, #tpu.memory_space<semaphore_mem>>)
    %dma_wait3A_93 = arith.constant 256 : i32
    %dma_wait3A_94 = arith.constant 0 : i32
    %dma_wait3A_95 = tpu.memref_slice %arg8[%dma_wait3A_93, %dma_wait3A_94] : memref<512x128xf32, #tpu.memory_space<vmem>> -> memref<128x128xf32, #tpu.memory_space<vmem>>
    %dma_wait3A_96 = arith.constant 0 : i32
    %dma_wait3A_97 = tpu.memref_slice %arg7[%add3A_70, %dma_wait3A_96] : memref<32x128xi32, #tpu.memory_space<vmem>> -> memref<1x128xi32, #tpu.memory_space<vmem>>
    %dma_wait3A_98 = tpu.memref_squeeze %dma_wait3A_97 : memref<1x128xi32, #tpu.memory_space<vmem>> -> memref<128xi32, #tpu.memory_space<vmem>>
    %dma_wait3A_99 = arith.constant 0 : i32
    %dma_wait3A_100 = arith.constant 0 : i32
    %dma_wait3A_101 = tpu.memref_slice %arg2[%dma_wait3A_99, %dma_wait3A_100] : memref<100001x128xf32, #tpu.memory_space<hbm>> -> memref<100001x128xf32, #tpu.memory_space<hbm>>
    tpu.wait_indirect_dma semaphore(%arg9 : memref<!tpu.dma_semaphore, #tpu.memory_space<semaphore_mem>>) src(%dma_wait3A_101 : memref<100001x128xf32, #tpu.memory_space<hbm>>) dst(%dma_wait3A_95 : memref<128x128xf32, #tpu.memory_space<vmem>>)
    %dma_wait3A_102 = arith.constant 384 : i32
    %dma_wait3A_103 = arith.constant 0 : i32
    %dma_wait3A_104 = tpu.memref_slice %arg8[%dma_wait3A_102, %dma_wait3A_103] : memref<512x128xf32, #tpu.memory_space<vmem>> -> memref<128x128xf32, #tpu.memory_space<vmem>>
    %dma_wait3A_105 = arith.constant 0 : i32
    %dma_wait3A_106 = tpu.memref_slice %arg7[%add3A_83, %dma_wait3A_105] : memref<32x128xi32, #tpu.memory_space<vmem>> -> memref<1x128xi32, #tpu.memory_space<vmem>>
    %dma_wait3A_107 = tpu.memref_squeeze %dma_wait3A_106 : memref<1x128xi32, #tpu.memory_space<vmem>> -> memref<128xi32, #tpu.memory_space<vmem>>
    %dma_wait3A_108 = arith.constant 0 : i32
    %dma_wait3A_109 = arith.constant 0 : i32
    %dma_wait3A_110 = tpu.memref_slice %arg2[%dma_wait3A_108, %dma_wait3A_109] : memref<100001x128xf32, #tpu.memory_space<hbm>> -> memref<100001x128xf32, #tpu.memory_space<hbm>>
    tpu.wait_indirect_dma semaphore(%arg9 : memref<!tpu.dma_semaphore, #tpu.memory_space<semaphore_mem>>) src(%dma_wait3A_110 : memref<100001x128xf32, #tpu.memory_space<hbm>>) dst(%dma_wait3A_104 : memref<128x128xf32, #tpu.memory_space<vmem>>)
    %mul3A_111 = arith.constant 256 : i32
    %mul3A_112 = arith.muli %rem3A_66, %mul3A_111 : i32
    %add3A_113 = arith.addi %mul3A_2, %mul3A_112 : i32
    %dma_start3A_114 = arith.constant 256 : i32
    %dma_start3A_115 = arith.constant 0 : i32
    %dma_start3A_116 = tpu.memref_slice %arg8[%dma_start3A_114, %dma_start3A_115] : memref<512x128xf32, #tpu.memory_space<vmem>> -> memref<256x128xf32, #tpu.memory_space<vmem>>
    %dma_start3A_117 = arith.constant 0 : i32
    %dma_start3A_118 = tpu.memref_slice %arg5[%add3A_113, %dma_start3A_117] : memref<131072x128xf32, #tpu.memory_space<hbm>> -> memref<256x128xf32, #tpu.memory_space<hbm>>
    %dma_start3A_119 = arith.constant 0 : i32
    %dma_start3A_120 = tpu.memref_slice %arg5[%add3A_113, %dma_start3A_119] : memref<131072x128xf32, #tpu.memory_space<hbm>> -> memref<256x128xf32, #tpu.memory_space<hbm>>
    %dma_start3A_121 = arith.constant 256 : i32
    %dma_start3A_122 = arith.constant 0 : i32
    %dma_start3A_123 = tpu.memref_slice %arg8[%dma_start3A_121, %dma_start3A_122] : memref<512x128xf32, #tpu.memory_space<vmem>> -> memref<256x128xf32, #tpu.memory_space<vmem>>
    tpu.enqueue_dma source(%dma_start3A_123 : memref<256x128xf32, #tpu.memory_space<vmem>>) target(%dma_start3A_120 : memref<256x128xf32, #tpu.memory_space<hbm>>) target_semaphore(%arg10 : memref<!tpu.dma_semaphore, #tpu.memory_space<semaphore_mem>>)
    %scan3A = arith.constant 0 : i32
    %scan3A_124 = arith.constant 2 : i32
    %scan3A_125 = arith.constant 14 : i32
    %scan3A_126 = arith.addi %scan3A_124, %scan3A_125 : i32
    %scan3A_127 = arith.constant 1 : i32
    %scan3A_128 = scf.for %scan3A_327 = %scan3A_124 to %scan3A_126 step %scan3A_127 iter_args(%scan3A_328 = %scan3A) -> (i32)  : i32 {
      %jit3A = arith.constant 2 : i32
      %eq3A = arith.constant 0 : i32
      %eq3A_329 = arith.cmpi eq, %jit3A, %eq3A : i32
      %jit3A_330 = arith.constant 1 : i32
      %select_n3A = arith.select %eq3A_329, %jit3A_330, %jit3A : i32
      %rem3A_331 = arith.remsi %scan3A_327, %select_n3A : i32
      %ne3A = arith.constant 0 : i32
      %ne3A_332 = arith.cmpi ne, %rem3A_331, %ne3A : i32
      %lt3A = arith.constant 0 : i32
      %lt3A_333 = arith.cmpi slt, %rem3A_331, %lt3A : i32
      %lt3A_334 = arith.constant 0 : i32
      %lt3A_335 = arith.cmpi slt, %select_n3A, %lt3A_334 : i32
      %ne3A_336 = arith.xori %lt3A_333, %lt3A_335 : i1
      %and3A = arith.andi %ne3A_336, %ne3A_332 : i1
      %add3A_337 = arith.addi %rem3A_331, %select_n3A : i32
      %select_n3A_338 = arith.select %and3A, %add3A_337, %rem3A_331 : i32
      %mul3A_339 = arith.constant 256 : i32
      %mul3A_340 = arith.muli %select_n3A_338, %mul3A_339 : i32
      %sub3A = arith.constant 2 : i32
      %sub3A_341 = arith.subi %scan3A_327, %sub3A : i32
      %add3A_342 = arith.addi %mul3A_4, %sub3A_341 : i32
      %rem3A_343 = arith.constant 16 : i32
      %rem3A_344 = arith.remsi %add3A_342, %rem3A_343 : i32
      %mul3A_345 = arith.constant 256 : i32
      %mul3A_346 = arith.muli %rem3A_344, %mul3A_345 : i32
      %add3A_347 = arith.addi %mul3A_2, %mul3A_346 : i32
      %dma_wait3A_348 = arith.constant 0 : i32
      %dma_wait3A_349 = tpu.memref_slice %arg8[%mul3A_340, %dma_wait3A_348] : memref<512x128xf32, #tpu.memory_space<vmem>> -> memref<256x128xf32, #tpu.memory_space<vmem>>
      %dma_wait3A_350 = arith.constant 0 : i32
      %dma_wait3A_351 = tpu.memref_slice %arg5[%add3A_347, %dma_wait3A_350] : memref<131072x128xf32, #tpu.memory_space<hbm>> -> memref<256x128xf32, #tpu.memory_space<hbm>>
      %dma_wait3A_352 = arith.constant 0 : i32
      %dma_wait3A_353 = tpu.memref_slice %arg5[%add3A_347, %dma_wait3A_352] : memref<131072x128xf32, #tpu.memory_space<hbm>> -> memref<256x128xf32, #tpu.memory_space<hbm>>
      %dma_wait3A_354 = arith.constant 0 : i32
      %dma_wait3A_355 = tpu.memref_slice %arg8[%mul3A_340, %dma_wait3A_354] : memref<512x128xf32, #tpu.memory_space<vmem>> -> memref<256x128xf32, #tpu.memory_space<vmem>>
      tpu.wait_dma2 semaphore(%arg10 : memref<!tpu.dma_semaphore, #tpu.memory_space<semaphore_mem>>) src(%dma_wait3A_355 : memref<256x128xf32, #tpu.memory_space<vmem>>) dst(%dma_wait3A_353 : memref<256x128xf32, #tpu.memory_space<hbm>>)
      %add3A_356 = arith.addi %mul3A_4, %scan3A_327 : i32
      %rem3A_357 = arith.constant 16 : i32
      %rem3A_358 = arith.remsi %add3A_356, %rem3A_357 : i32
      %mul3A_359 = arith.constant 2 : i32
      %mul3A_360 = arith.muli %rem3A_358, %mul3A_359 : i32
      %add3A_361 = arith.constant 0 : i32
      %add3A_362 = arith.addi %mul3A_360, %add3A_361 : i32
      %add3A_363 = arith.constant 0 : i32
      %add3A_364 = arith.addi %mul3A_340, %add3A_363 : i32
      %dma_start3A_365 = arith.constant 0 : i32
      %dma_start3A_366 = tpu.memref_slice %arg8[%add3A_364, %dma_start3A_365] : memref<512x128xf32, #tpu.memory_space<vmem>> -> memref<128x128xf32, #tpu.memory_space<vmem>>
      %dma_start3A_367 = arith.constant 0 : i32
      %dma_start3A_368 = tpu.memref_slice %arg7[%add3A_362, %dma_start3A_367] : memref<32x128xi32, #tpu.memory_space<vmem>> -> memref<1x128xi32, #tpu.memory_space<vmem>>
      %dma_start3A_369 = tpu.memref_squeeze %dma_start3A_368 : memref<1x128xi32, #tpu.memory_space<vmem>> -> memref<128xi32, #tpu.memory_space<vmem>>
      %dma_start3A_370 = arith.constant 0 : i32
      %dma_start3A_371 = arith.constant 0 : i32
      %dma_start3A_372 = tpu.memref_slice %arg2[%dma_start3A_370, %dma_start3A_371] : memref<100001x128xf32, #tpu.memory_space<hbm>> -> memref<100001x128xf32, #tpu.memory_space<hbm>>
      tpu.enqueue_indirect_dma source(%dma_start3A_372 : memref<100001x128xf32, #tpu.memory_space<hbm>>) target(%dma_start3A_366 : memref<128x128xf32, #tpu.memory_space<vmem>>) offsets(%dma_start3A_369 : memref<128xi32, #tpu.memory_space<vmem>>) semaphore(%arg9 : memref<!tpu.dma_semaphore, #tpu.memory_space<semaphore_mem>>)
      %mul3A_373 = arith.constant 2 : i32
      %mul3A_374 = arith.muli %rem3A_358, %mul3A_373 : i32
      %add3A_375 = arith.constant 1 : i32
      %add3A_376 = arith.addi %mul3A_374, %add3A_375 : i32
      %add3A_377 = arith.constant 128 : i32
      %add3A_378 = arith.addi %mul3A_340, %add3A_377 : i32
      %dma_start3A_379 = arith.constant 0 : i32
      %dma_start3A_380 = tpu.memref_slice %arg8[%add3A_378, %dma_start3A_379] : memref<512x128xf32, #tpu.memory_space<vmem>> -> memref<128x128xf32, #tpu.memory_space<vmem>>
      %dma_start3A_381 = arith.constant 0 : i32
      %dma_start3A_382 = tpu.memref_slice %arg7[%add3A_376, %dma_start3A_381] : memref<32x128xi32, #tpu.memory_space<vmem>> -> memref<1x128xi32, #tpu.memory_space<vmem>>
      %dma_start3A_383 = tpu.memref_squeeze %dma_start3A_382 : memref<1x128xi32, #tpu.memory_space<vmem>> -> memref<128xi32, #tpu.memory_space<vmem>>
      %dma_start3A_384 = arith.constant 0 : i32
      %dma_start3A_385 = arith.constant 0 : i32
      %dma_start3A_386 = tpu.memref_slice %arg2[%dma_start3A_384, %dma_start3A_385] : memref<100001x128xf32, #tpu.memory_space<hbm>> -> memref<100001x128xf32, #tpu.memory_space<hbm>>
      tpu.enqueue_indirect_dma source(%dma_start3A_386 : memref<100001x128xf32, #tpu.memory_space<hbm>>) target(%dma_start3A_380 : memref<128x128xf32, #tpu.memory_space<vmem>>) offsets(%dma_start3A_383 : memref<128xi32, #tpu.memory_space<vmem>>) semaphore(%arg9 : memref<!tpu.dma_semaphore, #tpu.memory_space<semaphore_mem>>)
      %dma_wait3A_387 = arith.constant 0 : i32
      %dma_wait3A_388 = tpu.memref_slice %arg8[%add3A_364, %dma_wait3A_387] : memref<512x128xf32, #tpu.memory_space<vmem>> -> memref<128x128xf32, #tpu.memory_space<vmem>>
      %dma_wait3A_389 = arith.constant 0 : i32
      %dma_wait3A_390 = tpu.memref_slice %arg7[%add3A_362, %dma_wait3A_389] : memref<32x128xi32, #tpu.memory_space<vmem>> -> memref<1x128xi32, #tpu.memory_space<vmem>>
      %dma_wait3A_391 = tpu.memref_squeeze %dma_wait3A_390 : memref<1x128xi32, #tpu.memory_space<vmem>> -> memref<128xi32, #tpu.memory_space<vmem>>
      %dma_wait3A_392 = arith.constant 0 : i32
      %dma_wait3A_393 = arith.constant 0 : i32
      %dma_wait3A_394 = tpu.memref_slice %arg2[%dma_wait3A_392, %dma_wait3A_393] : memref<100001x128xf32, #tpu.memory_space<hbm>> -> memref<100001x128xf32, #tpu.memory_space<hbm>>
      tpu.wait_indirect_dma semaphore(%arg9 : memref<!tpu.dma_semaphore, #tpu.memory_space<semaphore_mem>>) src(%dma_wait3A_394 : memref<100001x128xf32, #tpu.memory_space<hbm>>) dst(%dma_wait3A_388 : memref<128x128xf32, #tpu.memory_space<vmem>>)
      %dma_wait3A_395 = arith.constant 0 : i32
      %dma_wait3A_396 = tpu.memref_slice %arg8[%add3A_378, %dma_wait3A_395] : memref<512x128xf32, #tpu.memory_space<vmem>> -> memref<128x128xf32, #tpu.memory_space<vmem>>
      %dma_wait3A_397 = arith.constant 0 : i32
      %dma_wait3A_398 = tpu.memref_slice %arg7[%add3A_376, %dma_wait3A_397] : memref<32x128xi32, #tpu.memory_space<vmem>> -> memref<1x128xi32, #tpu.memory_space<vmem>>
      %dma_wait3A_399 = tpu.memref_squeeze %dma_wait3A_398 : memref<1x128xi32, #tpu.memory_space<vmem>> -> memref<128xi32, #tpu.memory_space<vmem>>
      %dma_wait3A_400 = arith.constant 0 : i32
      %dma_wait3A_401 = arith.constant 0 : i32
      %dma_wait3A_402 = tpu.memref_slice %arg2[%dma_wait3A_400, %dma_wait3A_401] : memref<100001x128xf32, #tpu.memory_space<hbm>> -> memref<100001x128xf32, #tpu.memory_space<hbm>>
      tpu.wait_indirect_dma semaphore(%arg9 : memref<!tpu.dma_semaphore, #tpu.memory_space<semaphore_mem>>) src(%dma_wait3A_402 : memref<100001x128xf32, #tpu.memory_space<hbm>>) dst(%dma_wait3A_396 : memref<128x128xf32, #tpu.memory_space<vmem>>)
      %add3A_403 = arith.addi %mul3A_4, %scan3A_327 : i32
      %rem3A_404 = arith.constant 16 : i32
      %rem3A_405 = arith.remsi %add3A_403, %rem3A_404 : i32
      %mul3A_406 = arith.constant 256 : i32
      %mul3A_407 = arith.muli %rem3A_405, %mul3A_406 : i32
      %add3A_408 = arith.addi %mul3A_2, %mul3A_407 : i32
      %dma_start3A_409 = arith.constant 0 : i32
      %dma_start3A_410 = tpu.memref_slice %arg8[%mul3A_340, %dma_start3A_409] : memref<512x128xf32, #tpu.memory_space<vmem>> -> memref<256x128xf32, #tpu.memory_space<vmem>>
      %dma_start3A_411 = arith.constant 0 : i32
      %dma_start3A_412 = tpu.memref_slice %arg5[%add3A_408, %dma_start3A_411] : memref<131072x128xf32, #tpu.memory_space<hbm>> -> memref<256x128xf32, #tpu.memory_space<hbm>>
      %dma_start3A_413 = arith.constant 0 : i32
      %dma_start3A_414 = tpu.memref_slice %arg5[%add3A_408, %dma_start3A_413] : memref<131072x128xf32, #tpu.memory_space<hbm>> -> memref<256x128xf32, #tpu.memory_space<hbm>>
      %dma_start3A_415 = arith.constant 0 : i32
      %dma_start3A_416 = tpu.memref_slice %arg8[%mul3A_340, %dma_start3A_415] : memref<512x128xf32, #tpu.memory_space<vmem>> -> memref<256x128xf32, #tpu.memory_space<vmem>>
      tpu.enqueue_dma source(%dma_start3A_416 : memref<256x128xf32, #tpu.memory_space<vmem>>) target(%dma_start3A_414 : memref<256x128xf32, #tpu.memory_space<hbm>>) target_semaphore(%arg10 : memref<!tpu.dma_semaphore, #tpu.memory_space<semaphore_mem>>)
      %scan3A_417 = arith.constant 0 : i32
      scf.yield %scan3A_417 : i32
    }
    %scan3A_129 = arith.constant 14 : i32
    %add3A_130 = arith.constant 14 : i32
    %add3A_131 = arith.addi %mul3A_4, %add3A_130 : i32
    %rem3A_132 = arith.constant 16 : i32
    %rem3A_133 = arith.remsi %add3A_131, %rem3A_132 : i32
    %mul3A_134 = arith.constant 256 : i32
    %mul3A_135 = arith.muli %rem3A_133, %mul3A_134 : i32
    %add3A_136 = arith.addi %mul3A_2, %mul3A_135 : i32
    %dma_wait3A_137 = arith.constant 0 : i32
    %dma_wait3A_138 = arith.constant 0 : i32
    %dma_wait3A_139 = tpu.memref_slice %arg8[%dma_wait3A_137, %dma_wait3A_138] : memref<512x128xf32, #tpu.memory_space<vmem>> -> memref<256x128xf32, #tpu.memory_space<vmem>>
    %dma_wait3A_140 = arith.constant 0 : i32
    %dma_wait3A_141 = tpu.memref_slice %arg5[%add3A_136, %dma_wait3A_140] : memref<131072x128xf32, #tpu.memory_space<hbm>> -> memref<256x128xf32, #tpu.memory_space<hbm>>
    %dma_wait3A_142 = arith.constant 0 : i32
    %dma_wait3A_143 = tpu.memref_slice %arg5[%add3A_136, %dma_wait3A_142] : memref<131072x128xf32, #tpu.memory_space<hbm>> -> memref<256x128xf32, #tpu.memory_space<hbm>>
    %dma_wait3A_144 = arith.constant 0 : i32
    %dma_wait3A_145 = arith.constant 0 : i32
    %dma_wait3A_146 = tpu.memref_slice %arg8[%dma_wait3A_144, %dma_wait3A_145] : memref<512x128xf32, #tpu.memory_space<vmem>> -> memref<256x128xf32, #tpu.memory_space<vmem>>
    tpu.wait_dma2 semaphore(%arg10 : memref<!tpu.dma_semaphore, #tpu.memory_space<semaphore_mem>>) src(%dma_wait3A_146 : memref<256x128xf32, #tpu.memory_space<vmem>>) dst(%dma_wait3A_143 : memref<256x128xf32, #tpu.memory_space<hbm>>)
    %add3A_147 = arith.constant 15 : i32
    %add3A_148 = arith.addi %mul3A_4, %add3A_147 : i32
    %rem3A_149 = arith.constant 16 : i32
    %rem3A_150 = arith.remsi %add3A_148, %rem3A_149 : i32
    %mul3A_151 = arith.constant 256 : i32
    %mul3A_152 = arith.muli %rem3A_150, %mul3A_151 : i32
    %add3A_153 = arith.addi %mul3A_2, %mul3A_152 : i32
    %dma_wait3A_154 = arith.constant 256 : i32
    %dma_wait3A_155 = arith.constant 0 : i32
    %dma_wait3A_156 = tpu.memref_slice %arg8[%dma_wait3A_154, %dma_wait3A_155] : memref<512x128xf32, #tpu.memory_space<vmem>> -> memref<256x128xf32, #tpu.memory_space<vmem>>
    %dma_wait3A_157 = arith.constant 0 : i32
    %dma_wait3A_158 = tpu.memref_slice %arg5[%add3A_153, %dma_wait3A_157] : memref<131072x128xf32, #tpu.memory_space<hbm>> -> memref<256x128xf32, #tpu.memory_space<hbm>>
    %dma_wait3A_159 = arith.constant 0 : i32
    %dma_wait3A_160 = tpu.memref_slice %arg5[%add3A_153, %dma_wait3A_159] : memref<131072x128xf32, #tpu.memory_space<hbm>> -> memref<256x128xf32, #tpu.memory_space<hbm>>
    %dma_wait3A_161 = arith.constant 256 : i32
    %dma_wait3A_162 = arith.constant 0 : i32
    %dma_wait3A_163 = tpu.memref_slice %arg8[%dma_wait3A_161, %dma_wait3A_162] : memref<512x128xf32, #tpu.memory_space<vmem>> -> memref<256x128xf32, #tpu.memory_space<vmem>>
    tpu.wait_dma2 semaphore(%arg10 : memref<!tpu.dma_semaphore, #tpu.memory_space<semaphore_mem>>) src(%dma_wait3A_163 : memref<256x128xf32, #tpu.memory_space<vmem>>) dst(%dma_wait3A_160 : memref<256x128xf32, #tpu.memory_space<hbm>>)
    "tpu.region"() ({
      %run_scoped3A = tpu.sem_alloc : memref<!tpu.dma_semaphore, #tpu.memory_space<semaphore_mem>>
      %dma_start3A_327 = arith.constant 0 : i32
      %dma_start3A_328 = arith.constant 0 : i32
      %dma_start3A_329 = tpu.memref_slice %arg4[%add3A, %dma_start3A_327, %dma_start3A_328] : memref<32x32x128xi32, #tpu.memory_space<hbm>> -> memref<1x32x128xi32, #tpu.memory_space<hbm>>
      %dma_start3A_330 = tpu.memref_squeeze %dma_start3A_329 : memref<1x32x128xi32, #tpu.memory_space<hbm>> -> memref<32x128xi32, #tpu.memory_space<hbm>>
      %dma_start3A_331 = arith.constant 0 : i32
      %dma_start3A_332 = arith.constant 0 : i32
      %dma_start3A_333 = tpu.memref_slice %arg4[%add3A, %dma_start3A_331, %dma_start3A_332] : memref<32x32x128xi32, #tpu.memory_space<hbm>> -> memref<1x32x128xi32, #tpu.memory_space<hbm>>
      %dma_start3A_334 = tpu.memref_squeeze %dma_start3A_333 : memref<1x32x128xi32, #tpu.memory_space<hbm>> -> memref<32x128xi32, #tpu.memory_space<hbm>>
      tpu.enqueue_dma source(%dma_start3A_334 : memref<32x128xi32, #tpu.memory_space<hbm>>) target(%arg7 : memref<32x128xi32, #tpu.memory_space<vmem>>) target_semaphore(%run_scoped3A : memref<!tpu.dma_semaphore, #tpu.memory_space<semaphore_mem>>)
      %dma_wait3A_335 = arith.constant 0 : i32
      %dma_wait3A_336 = arith.constant 0 : i32
      %dma_wait3A_337 = tpu.memref_slice %arg4[%add3A, %dma_wait3A_335, %dma_wait3A_336] : memref<32x32x128xi32, #tpu.memory_space<hbm>> -> memref<1x32x128xi32, #tpu.memory_space<hbm>>
      %dma_wait3A_338 = tpu.memref_squeeze %dma_wait3A_337 : memref<1x32x128xi32, #tpu.memory_space<hbm>> -> memref<32x128xi32, #tpu.memory_space<hbm>>
      %dma_wait3A_339 = arith.constant 0 : i32
      %dma_wait3A_340 = arith.constant 0 : i32
      %dma_wait3A_341 = tpu.memref_slice %arg4[%add3A, %dma_wait3A_339, %dma_wait3A_340] : memref<32x32x128xi32, #tpu.memory_space<hbm>> -> memref<1x32x128xi32, #tpu.memory_space<hbm>>
      %dma_wait3A_342 = tpu.memref_squeeze %dma_wait3A_341 : memref<1x32x128xi32, #tpu.memory_space<hbm>> -> memref<32x128xi32, #tpu.memory_space<hbm>>
      tpu.wait_dma2 semaphore(%run_scoped3A : memref<!tpu.dma_semaphore, #tpu.memory_space<semaphore_mem>>) src(%dma_wait3A_342 : memref<32x128xi32, #tpu.memory_space<hbm>>) dst(%arg7 : memref<32x128xi32, #tpu.memory_space<vmem>>)
      tpu.yield
    }) : () -> ()
    %add3A_164 = arith.constant 0 : i32
    %add3A_165 = arith.addi %mul3A_4, %add3A_164 : i32
    %rem3A_166 = arith.constant 16 : i32
    %rem3A_167 = arith.remsi %add3A_165, %rem3A_166 : i32
    %mul3A_168 = arith.constant 2 : i32
    %mul3A_169 = arith.muli %rem3A_167, %mul3A_168 : i32
    %add3A_170 = arith.constant 0 : i32
    %add3A_171 = arith.addi %mul3A_169, %add3A_170 : i32
    %dma_start3A_172 = arith.constant 0 : i32
    %dma_start3A_173 = arith.constant 0 : i32
    %dma_start3A_174 = tpu.memref_slice %arg8[%dma_start3A_172, %dma_start3A_173] : memref<512x128xf32, #tpu.memory_space<vmem>> -> memref<128x128xf32, #tpu.memory_space<vmem>>
    %dma_start3A_175 = arith.constant 0 : i32
    %dma_start3A_176 = tpu.memref_slice %arg7[%add3A_171, %dma_start3A_175] : memref<32x128xi32, #tpu.memory_space<vmem>> -> memref<1x128xi32, #tpu.memory_space<vmem>>
    %dma_start3A_177 = tpu.memref_squeeze %dma_start3A_176 : memref<1x128xi32, #tpu.memory_space<vmem>> -> memref<128xi32, #tpu.memory_space<vmem>>
    %dma_start3A_178 = arith.constant 0 : i32
    %dma_start3A_179 = arith.constant 0 : i32
    %dma_start3A_180 = tpu.memref_slice %arg2[%dma_start3A_178, %dma_start3A_179] : memref<100001x128xf32, #tpu.memory_space<hbm>> -> memref<100001x128xf32, #tpu.memory_space<hbm>>
    tpu.enqueue_indirect_dma source(%dma_start3A_180 : memref<100001x128xf32, #tpu.memory_space<hbm>>) target(%dma_start3A_174 : memref<128x128xf32, #tpu.memory_space<vmem>>) offsets(%dma_start3A_177 : memref<128xi32, #tpu.memory_space<vmem>>) semaphore(%arg9 : memref<!tpu.dma_semaphore, #tpu.memory_space<semaphore_mem>>)
    %mul3A_181 = arith.constant 2 : i32
    %mul3A_182 = arith.muli %rem3A_167, %mul3A_181 : i32
    %add3A_183 = arith.constant 1 : i32
    %add3A_184 = arith.addi %mul3A_182, %add3A_183 : i32
    %dma_start3A_185 = arith.constant 128 : i32
    %dma_start3A_186 = arith.constant 0 : i32
    %dma_start3A_187 = tpu.memref_slice %arg8[%dma_start3A_185, %dma_start3A_186] : memref<512x128xf32, #tpu.memory_space<vmem>> -> memref<128x128xf32, #tpu.memory_space<vmem>>
    %dma_start3A_188 = arith.constant 0 : i32
    %dma_start3A_189 = tpu.memref_slice %arg7[%add3A_184, %dma_start3A_188] : memref<32x128xi32, #tpu.memory_space<vmem>> -> memref<1x128xi32, #tpu.memory_space<vmem>>
    %dma_start3A_190 = tpu.memref_squeeze %dma_start3A_189 : memref<1x128xi32, #tpu.memory_space<vmem>> -> memref<128xi32, #tpu.memory_space<vmem>>
    %dma_start3A_191 = arith.constant 0 : i32
    %dma_start3A_192 = arith.constant 0 : i32
    %dma_start3A_193 = tpu.memref_slice %arg2[%dma_start3A_191, %dma_start3A_192] : memref<100001x128xf32, #tpu.memory_space<hbm>> -> memref<100001x128xf32, #tpu.memory_space<hbm>>
    tpu.enqueue_indirect_dma source(%dma_start3A_193 : memref<100001x128xf32, #tpu.memory_space<hbm>>) target(%dma_start3A_187 : memref<128x128xf32, #tpu.memory_space<vmem>>) offsets(%dma_start3A_190 : memref<128xi32, #tpu.memory_space<vmem>>) semaphore(%arg9 : memref<!tpu.dma_semaphore, #tpu.memory_space<semaphore_mem>>)
    %dma_wait3A_194 = arith.constant 0 : i32
    %dma_wait3A_195 = arith.constant 0 : i32
    %dma_wait3A_196 = tpu.memref_slice %arg8[%dma_wait3A_194, %dma_wait3A_195] : memref<512x128xf32, #tpu.memory_space<vmem>> -> memref<128x128xf32, #tpu.memory_space<vmem>>
    %dma_wait3A_197 = arith.constant 0 : i32
    %dma_wait3A_198 = tpu.memref_slice %arg7[%add3A_171, %dma_wait3A_197] : memref<32x128xi32, #tpu.memory_space<vmem>> -> memref<1x128xi32, #tpu.memory_space<vmem>>
    %dma_wait3A_199 = tpu.memref_squeeze %dma_wait3A_198 : memref<1x128xi32, #tpu.memory_space<vmem>> -> memref<128xi32, #tpu.memory_space<vmem>>
    %dma_wait3A_200 = arith.constant 0 : i32
    %dma_wait3A_201 = arith.constant 0 : i32
    %dma_wait3A_202 = tpu.memref_slice %arg2[%dma_wait3A_200, %dma_wait3A_201] : memref<100001x128xf32, #tpu.memory_space<hbm>> -> memref<100001x128xf32, #tpu.memory_space<hbm>>
    tpu.wait_indirect_dma semaphore(%arg9 : memref<!tpu.dma_semaphore, #tpu.memory_space<semaphore_mem>>) src(%dma_wait3A_202 : memref<100001x128xf32, #tpu.memory_space<hbm>>) dst(%dma_wait3A_196 : memref<128x128xf32, #tpu.memory_space<vmem>>)
    %dma_wait3A_203 = arith.constant 128 : i32
    %dma_wait3A_204 = arith.constant 0 : i32
    %dma_wait3A_205 = tpu.memref_slice %arg8[%dma_wait3A_203, %dma_wait3A_204] : memref<512x128xf32, #tpu.memory_space<vmem>> -> memref<128x128xf32, #tpu.memory_space<vmem>>
    %dma_wait3A_206 = arith.constant 0 : i32
    %dma_wait3A_207 = tpu.memref_slice %arg7[%add3A_184, %dma_wait3A_206] : memref<32x128xi32, #tpu.memory_space<vmem>> -> memref<1x128xi32, #tpu.memory_space<vmem>>
    %dma_wait3A_208 = tpu.memref_squeeze %dma_wait3A_207 : memref<1x128xi32, #tpu.memory_space<vmem>> -> memref<128xi32, #tpu.memory_space<vmem>>
    %dma_wait3A_209 = arith.constant 0 : i32
    %dma_wait3A_210 = arith.constant 0 : i32
    %dma_wait3A_211 = tpu.memref_slice %arg2[%dma_wait3A_209, %dma_wait3A_210] : memref<100001x128xf32, #tpu.memory_space<hbm>> -> memref<100001x128xf32, #tpu.memory_space<hbm>>
    tpu.wait_indirect_dma semaphore(%arg9 : memref<!tpu.dma_semaphore, #tpu.memory_space<semaphore_mem>>) src(%dma_wait3A_211 : memref<100001x128xf32, #tpu.memory_space<hbm>>) dst(%dma_wait3A_205 : memref<128x128xf32, #tpu.memory_space<vmem>>)
    %mul3A_212 = arith.constant 256 : i32
    %mul3A_213 = arith.muli %rem3A_167, %mul3A_212 : i32
    %add3A_214 = arith.addi %mul3A_2, %mul3A_213 : i32
    %dma_start3A_215 = arith.constant 0 : i32
    %dma_start3A_216 = arith.constant 0 : i32
    %dma_start3A_217 = tpu.memref_slice %arg8[%dma_start3A_215, %dma_start3A_216] : memref<512x128xf32, #tpu.memory_space<vmem>> -> memref<256x128xf32, #tpu.memory_space<vmem>>
    %dma_start3A_218 = arith.constant 0 : i32
    %dma_start3A_219 = tpu.memref_slice %arg6[%add3A_214, %dma_start3A_218] : memref<131072x128xf32, #tpu.memory_space<hbm>> -> memref<256x128xf32, #tpu.memory_space<hbm>>
    %dma_start3A_220 = arith.constant 0 : i32
    %dma_start3A_221 = tpu.memref_slice %arg6[%add3A_214, %dma_start3A_220] : memref<131072x128xf32, #tpu.memory_space<hbm>> -> memref<256x128xf32, #tpu.memory_space<hbm>>
    %dma_start3A_222 = arith.constant 0 : i32
    %dma_start3A_223 = arith.constant 0 : i32
    %dma_start3A_224 = tpu.memref_slice %arg8[%dma_start3A_222, %dma_start3A_223] : memref<512x128xf32, #tpu.memory_space<vmem>> -> memref<256x128xf32, #tpu.memory_space<vmem>>
    tpu.enqueue_dma source(%dma_start3A_224 : memref<256x128xf32, #tpu.memory_space<vmem>>) target(%dma_start3A_221 : memref<256x128xf32, #tpu.memory_space<hbm>>) target_semaphore(%arg10 : memref<!tpu.dma_semaphore, #tpu.memory_space<semaphore_mem>>)
    %add3A_225 = arith.constant 1 : i32
    %add3A_226 = arith.addi %mul3A_4, %add3A_225 : i32
    %rem3A_227 = arith.constant 16 : i32
    %rem3A_228 = arith.remsi %add3A_226, %rem3A_227 : i32
    %mul3A_229 = arith.constant 2 : i32
    %mul3A_230 = arith.muli %rem3A_228, %mul3A_229 : i32
    %add3A_231 = arith.constant 0 : i32
    %add3A_232 = arith.addi %mul3A_230, %add3A_231 : i32
    %dma_start3A_233 = arith.constant 256 : i32
    %dma_start3A_234 = arith.constant 0 : i32
    %dma_start3A_235 = tpu.memref_slice %arg8[%dma_start3A_233, %dma_start3A_234] : memref<512x128xf32, #tpu.memory_space<vmem>> -> memref<128x128xf32, #tpu.memory_space<vmem>>
    %dma_start3A_236 = arith.constant 0 : i32
    %dma_start3A_237 = tpu.memref_slice %arg7[%add3A_232, %dma_start3A_236] : memref<32x128xi32, #tpu.memory_space<vmem>> -> memref<1x128xi32, #tpu.memory_space<vmem>>
    %dma_start3A_238 = tpu.memref_squeeze %dma_start3A_237 : memref<1x128xi32, #tpu.memory_space<vmem>> -> memref<128xi32, #tpu.memory_space<vmem>>
    %dma_start3A_239 = arith.constant 0 : i32
    %dma_start3A_240 = arith.constant 0 : i32
    %dma_start3A_241 = tpu.memref_slice %arg2[%dma_start3A_239, %dma_start3A_240] : memref<100001x128xf32, #tpu.memory_space<hbm>> -> memref<100001x128xf32, #tpu.memory_space<hbm>>
    tpu.enqueue_indirect_dma source(%dma_start3A_241 : memref<100001x128xf32, #tpu.memory_space<hbm>>) target(%dma_start3A_235 : memref<128x128xf32, #tpu.memory_space<vmem>>) offsets(%dma_start3A_238 : memref<128xi32, #tpu.memory_space<vmem>>) semaphore(%arg9 : memref<!tpu.dma_semaphore, #tpu.memory_space<semaphore_mem>>)
    %mul3A_242 = arith.constant 2 : i32
    %mul3A_243 = arith.muli %rem3A_228, %mul3A_242 : i32
    %add3A_244 = arith.constant 1 : i32
    %add3A_245 = arith.addi %mul3A_243, %add3A_244 : i32
    %dma_start3A_246 = arith.constant 384 : i32
    %dma_start3A_247 = arith.constant 0 : i32
    %dma_start3A_248 = tpu.memref_slice %arg8[%dma_start3A_246, %dma_start3A_247] : memref<512x128xf32, #tpu.memory_space<vmem>> -> memref<128x128xf32, #tpu.memory_space<vmem>>
    %dma_start3A_249 = arith.constant 0 : i32
    %dma_start3A_250 = tpu.memref_slice %arg7[%add3A_245, %dma_start3A_249] : memref<32x128xi32, #tpu.memory_space<vmem>> -> memref<1x128xi32, #tpu.memory_space<vmem>>
    %dma_start3A_251 = tpu.memref_squeeze %dma_start3A_250 : memref<1x128xi32, #tpu.memory_space<vmem>> -> memref<128xi32, #tpu.memory_space<vmem>>
    %dma_start3A_252 = arith.constant 0 : i32
    %dma_start3A_253 = arith.constant 0 : i32
    %dma_start3A_254 = tpu.memref_slice %arg2[%dma_start3A_252, %dma_start3A_253] : memref<100001x128xf32, #tpu.memory_space<hbm>> -> memref<100001x128xf32, #tpu.memory_space<hbm>>
    tpu.enqueue_indirect_dma source(%dma_start3A_254 : memref<100001x128xf32, #tpu.memory_space<hbm>>) target(%dma_start3A_248 : memref<128x128xf32, #tpu.memory_space<vmem>>) offsets(%dma_start3A_251 : memref<128xi32, #tpu.memory_space<vmem>>) semaphore(%arg9 : memref<!tpu.dma_semaphore, #tpu.memory_space<semaphore_mem>>)
    %dma_wait3A_255 = arith.constant 256 : i32
    %dma_wait3A_256 = arith.constant 0 : i32
    %dma_wait3A_257 = tpu.memref_slice %arg8[%dma_wait3A_255, %dma_wait3A_256] : memref<512x128xf32, #tpu.memory_space<vmem>> -> memref<128x128xf32, #tpu.memory_space<vmem>>
    %dma_wait3A_258 = arith.constant 0 : i32
    %dma_wait3A_259 = tpu.memref_slice %arg7[%add3A_232, %dma_wait3A_258] : memref<32x128xi32, #tpu.memory_space<vmem>> -> memref<1x128xi32, #tpu.memory_space<vmem>>
    %dma_wait3A_260 = tpu.memref_squeeze %dma_wait3A_259 : memref<1x128xi32, #tpu.memory_space<vmem>> -> memref<128xi32, #tpu.memory_space<vmem>>
    %dma_wait3A_261 = arith.constant 0 : i32
    %dma_wait3A_262 = arith.constant 0 : i32
    %dma_wait3A_263 = tpu.memref_slice %arg2[%dma_wait3A_261, %dma_wait3A_262] : memref<100001x128xf32, #tpu.memory_space<hbm>> -> memref<100001x128xf32, #tpu.memory_space<hbm>>
    tpu.wait_indirect_dma semaphore(%arg9 : memref<!tpu.dma_semaphore, #tpu.memory_space<semaphore_mem>>) src(%dma_wait3A_263 : memref<100001x128xf32, #tpu.memory_space<hbm>>) dst(%dma_wait3A_257 : memref<128x128xf32, #tpu.memory_space<vmem>>)
    %dma_wait3A_264 = arith.constant 384 : i32
    %dma_wait3A_265 = arith.constant 0 : i32
    %dma_wait3A_266 = tpu.memref_slice %arg8[%dma_wait3A_264, %dma_wait3A_265] : memref<512x128xf32, #tpu.memory_space<vmem>> -> memref<128x128xf32, #tpu.memory_space<vmem>>
    %dma_wait3A_267 = arith.constant 0 : i32
    %dma_wait3A_268 = tpu.memref_slice %arg7[%add3A_245, %dma_wait3A_267] : memref<32x128xi32, #tpu.memory_space<vmem>> -> memref<1x128xi32, #tpu.memory_space<vmem>>
    %dma_wait3A_269 = tpu.memref_squeeze %dma_wait3A_268 : memref<1x128xi32, #tpu.memory_space<vmem>> -> memref<128xi32, #tpu.memory_space<vmem>>
    %dma_wait3A_270 = arith.constant 0 : i32
    %dma_wait3A_271 = arith.constant 0 : i32
    %dma_wait3A_272 = tpu.memref_slice %arg2[%dma_wait3A_270, %dma_wait3A_271] : memref<100001x128xf32, #tpu.memory_space<hbm>> -> memref<100001x128xf32, #tpu.memory_space<hbm>>
    tpu.wait_indirect_dma semaphore(%arg9 : memref<!tpu.dma_semaphore, #tpu.memory_space<semaphore_mem>>) src(%dma_wait3A_272 : memref<100001x128xf32, #tpu.memory_space<hbm>>) dst(%dma_wait3A_266 : memref<128x128xf32, #tpu.memory_space<vmem>>)
    %mul3A_273 = arith.constant 256 : i32
    %mul3A_274 = arith.muli %rem3A_228, %mul3A_273 : i32
    %add3A_275 = arith.addi %mul3A_2, %mul3A_274 : i32
    %dma_start3A_276 = arith.constant 256 : i32
    %dma_start3A_277 = arith.constant 0 : i32
    %dma_start3A_278 = tpu.memref_slice %arg8[%dma_start3A_276, %dma_start3A_277] : memref<512x128xf32, #tpu.memory_space<vmem>> -> memref<256x128xf32, #tpu.memory_space<vmem>>
    %dma_start3A_279 = arith.constant 0 : i32
    %dma_start3A_280 = tpu.memref_slice %arg6[%add3A_275, %dma_start3A_279] : memref<131072x128xf32, #tpu.memory_space<hbm>> -> memref<256x128xf32, #tpu.memory_space<hbm>>
    %dma_start3A_281 = arith.constant 0 : i32
    %dma_start3A_282 = tpu.memref_slice %arg6[%add3A_275, %dma_start3A_281] : memref<131072x128xf32, #tpu.memory_space<hbm>> -> memref<256x128xf32, #tpu.memory_space<hbm>>
    %dma_start3A_283 = arith.constant 256 : i32
    %dma_start3A_284 = arith.constant 0 : i32
    %dma_start3A_285 = tpu.memref_slice %arg8[%dma_start3A_283, %dma_start3A_284] : memref<512x128xf32, #tpu.memory_space<vmem>> -> memref<256x128xf32, #tpu.memory_space<vmem>>
    tpu.enqueue_dma source(%dma_start3A_285 : memref<256x128xf32, #tpu.memory_space<vmem>>) target(%dma_start3A_282 : memref<256x128xf32, #tpu.memory_space<hbm>>) target_semaphore(%arg10 : memref<!tpu.dma_semaphore, #tpu.memory_space<semaphore_mem>>)
    %scan3A_286 = arith.constant 0 : i32
    %scan3A_287 = arith.constant 2 : i32
    %scan3A_288 = arith.constant 14 : i32
    %scan3A_289 = arith.addi %scan3A_287, %scan3A_288 : i32
    %scan3A_290 = arith.constant 1 : i32
    %scan3A_291 = scf.for %scan3A_327 = %scan3A_287 to %scan3A_289 step %scan3A_290 iter_args(%scan3A_328 = %scan3A_286) -> (i32)  : i32 {
      %jit3A = arith.constant 2 : i32
      %eq3A = arith.constant 0 : i32
      %eq3A_329 = arith.cmpi eq, %jit3A, %eq3A : i32
      %jit3A_330 = arith.constant 1 : i32
      %select_n3A = arith.select %eq3A_329, %jit3A_330, %jit3A : i32
      %rem3A_331 = arith.remsi %scan3A_327, %select_n3A : i32
      %ne3A = arith.constant 0 : i32
      %ne3A_332 = arith.cmpi ne, %rem3A_331, %ne3A : i32
      %lt3A = arith.constant 0 : i32
      %lt3A_333 = arith.cmpi slt, %rem3A_331, %lt3A : i32
      %lt3A_334 = arith.constant 0 : i32
      %lt3A_335 = arith.cmpi slt, %select_n3A, %lt3A_334 : i32
      %ne3A_336 = arith.xori %lt3A_333, %lt3A_335 : i1
      %and3A = arith.andi %ne3A_336, %ne3A_332 : i1
      %add3A_337 = arith.addi %rem3A_331, %select_n3A : i32
      %select_n3A_338 = arith.select %and3A, %add3A_337, %rem3A_331 : i32
      %mul3A_339 = arith.constant 256 : i32
      %mul3A_340 = arith.muli %select_n3A_338, %mul3A_339 : i32
      %sub3A = arith.constant 2 : i32
      %sub3A_341 = arith.subi %scan3A_327, %sub3A : i32
      %add3A_342 = arith.addi %mul3A_4, %sub3A_341 : i32
      %rem3A_343 = arith.constant 16 : i32
      %rem3A_344 = arith.remsi %add3A_342, %rem3A_343 : i32
      %mul3A_345 = arith.constant 256 : i32
      %mul3A_346 = arith.muli %rem3A_344, %mul3A_345 : i32
      %add3A_347 = arith.addi %mul3A_2, %mul3A_346 : i32
      %dma_wait3A_348 = arith.constant 0 : i32
      %dma_wait3A_349 = tpu.memref_slice %arg8[%mul3A_340, %dma_wait3A_348] : memref<512x128xf32, #tpu.memory_space<vmem>> -> memref<256x128xf32, #tpu.memory_space<vmem>>
      %dma_wait3A_350 = arith.constant 0 : i32
      %dma_wait3A_351 = tpu.memref_slice %arg6[%add3A_347, %dma_wait3A_350] : memref<131072x128xf32, #tpu.memory_space<hbm>> -> memref<256x128xf32, #tpu.memory_space<hbm>>
      %dma_wait3A_352 = arith.constant 0 : i32
      %dma_wait3A_353 = tpu.memref_slice %arg6[%add3A_347, %dma_wait3A_352] : memref<131072x128xf32, #tpu.memory_space<hbm>> -> memref<256x128xf32, #tpu.memory_space<hbm>>
      %dma_wait3A_354 = arith.constant 0 : i32
      %dma_wait3A_355 = tpu.memref_slice %arg8[%mul3A_340, %dma_wait3A_354] : memref<512x128xf32, #tpu.memory_space<vmem>> -> memref<256x128xf32, #tpu.memory_space<vmem>>
      tpu.wait_dma2 semaphore(%arg10 : memref<!tpu.dma_semaphore, #tpu.memory_space<semaphore_mem>>) src(%dma_wait3A_355 : memref<256x128xf32, #tpu.memory_space<vmem>>) dst(%dma_wait3A_353 : memref<256x128xf32, #tpu.memory_space<hbm>>)
      %add3A_356 = arith.addi %mul3A_4, %scan3A_327 : i32
      %rem3A_357 = arith.constant 16 : i32
      %rem3A_358 = arith.remsi %add3A_356, %rem3A_357 : i32
      %mul3A_359 = arith.constant 2 : i32
      %mul3A_360 = arith.muli %rem3A_358, %mul3A_359 : i32
      %add3A_361 = arith.constant 0 : i32
      %add3A_362 = arith.addi %mul3A_360, %add3A_361 : i32
      %add3A_363 = arith.constant 0 : i32
      %add3A_364 = arith.addi %mul3A_340, %add3A_363 : i32
      %dma_start3A_365 = arith.constant 0 : i32
      %dma_start3A_366 = tpu.memref_slice %arg8[%add3A_364, %dma_start3A_365] : memref<512x128xf32, #tpu.memory_space<vmem>> -> memref<128x128xf32, #tpu.memory_space<vmem>>
      %dma_start3A_367 = arith.constant 0 : i32
      %dma_start3A_368 = tpu.memref_slice %arg7[%add3A_362, %dma_start3A_367] : memref<32x128xi32, #tpu.memory_space<vmem>> -> memref<1x128xi32, #tpu.memory_space<vmem>>
      %dma_start3A_369 = tpu.memref_squeeze %dma_start3A_368 : memref<1x128xi32, #tpu.memory_space<vmem>> -> memref<128xi32, #tpu.memory_space<vmem>>
      %dma_start3A_370 = arith.constant 0 : i32
      %dma_start3A_371 = arith.constant 0 : i32
      %dma_start3A_372 = tpu.memref_slice %arg2[%dma_start3A_370, %dma_start3A_371] : memref<100001x128xf32, #tpu.memory_space<hbm>> -> memref<100001x128xf32, #tpu.memory_space<hbm>>
      tpu.enqueue_indirect_dma source(%dma_start3A_372 : memref<100001x128xf32, #tpu.memory_space<hbm>>) target(%dma_start3A_366 : memref<128x128xf32, #tpu.memory_space<vmem>>) offsets(%dma_start3A_369 : memref<128xi32, #tpu.memory_space<vmem>>) semaphore(%arg9 : memref<!tpu.dma_semaphore, #tpu.memory_space<semaphore_mem>>)
      %mul3A_373 = arith.constant 2 : i32
      %mul3A_374 = arith.muli %rem3A_358, %mul3A_373 : i32
      %add3A_375 = arith.constant 1 : i32
      %add3A_376 = arith.addi %mul3A_374, %add3A_375 : i32
      %add3A_377 = arith.constant 128 : i32
      %add3A_378 = arith.addi %mul3A_340, %add3A_377 : i32
      %dma_start3A_379 = arith.constant 0 : i32
      %dma_start3A_380 = tpu.memref_slice %arg8[%add3A_378, %dma_start3A_379] : memref<512x128xf32, #tpu.memory_space<vmem>> -> memref<128x128xf32, #tpu.memory_space<vmem>>
      %dma_start3A_381 = arith.constant 0 : i32
      %dma_start3A_382 = tpu.memref_slice %arg7[%add3A_376, %dma_start3A_381] : memref<32x128xi32, #tpu.memory_space<vmem>> -> memref<1x128xi32, #tpu.memory_space<vmem>>
      %dma_start3A_383 = tpu.memref_squeeze %dma_start3A_382 : memref<1x128xi32, #tpu.memory_space<vmem>> -> memref<128xi32, #tpu.memory_space<vmem>>
      %dma_start3A_384 = arith.constant 0 : i32
      %dma_start3A_385 = arith.constant 0 : i32
      %dma_start3A_386 = tpu.memref_slice %arg2[%dma_start3A_384, %dma_start3A_385] : memref<100001x128xf32, #tpu.memory_space<hbm>> -> memref<100001x128xf32, #tpu.memory_space<hbm>>
      tpu.enqueue_indirect_dma source(%dma_start3A_386 : memref<100001x128xf32, #tpu.memory_space<hbm>>) target(%dma_start3A_380 : memref<128x128xf32, #tpu.memory_space<vmem>>) offsets(%dma_start3A_383 : memref<128xi32, #tpu.memory_space<vmem>>) semaphore(%arg9 : memref<!tpu.dma_semaphore, #tpu.memory_space<semaphore_mem>>)
      %dma_wait3A_387 = arith.constant 0 : i32
      %dma_wait3A_388 = tpu.memref_slice %arg8[%add3A_364, %dma_wait3A_387] : memref<512x128xf32, #tpu.memory_space<vmem>> -> memref<128x128xf32, #tpu.memory_space<vmem>>
      %dma_wait3A_389 = arith.constant 0 : i32
      %dma_wait3A_390 = tpu.memref_slice %arg7[%add3A_362, %dma_wait3A_389] : memref<32x128xi32, #tpu.memory_space<vmem>> -> memref<1x128xi32, #tpu.memory_space<vmem>>
      %dma_wait3A_391 = tpu.memref_squeeze %dma_wait3A_390 : memref<1x128xi32, #tpu.memory_space<vmem>> -> memref<128xi32, #tpu.memory_space<vmem>>
      %dma_wait3A_392 = arith.constant 0 : i32
      %dma_wait3A_393 = arith.constant 0 : i32
      %dma_wait3A_394 = tpu.memref_slice %arg2[%dma_wait3A_392, %dma_wait3A_393] : memref<100001x128xf32, #tpu.memory_space<hbm>> -> memref<100001x128xf32, #tpu.memory_space<hbm>>
      tpu.wait_indirect_dma semaphore(%arg9 : memref<!tpu.dma_semaphore, #tpu.memory_space<semaphore_mem>>) src(%dma_wait3A_394 : memref<100001x128xf32, #tpu.memory_space<hbm>>) dst(%dma_wait3A_388 : memref<128x128xf32, #tpu.memory_space<vmem>>)
      %dma_wait3A_395 = arith.constant 0 : i32
      %dma_wait3A_396 = tpu.memref_slice %arg8[%add3A_378, %dma_wait3A_395] : memref<512x128xf32, #tpu.memory_space<vmem>> -> memref<128x128xf32, #tpu.memory_space<vmem>>
      %dma_wait3A_397 = arith.constant 0 : i32
      %dma_wait3A_398 = tpu.memref_slice %arg7[%add3A_376, %dma_wait3A_397] : memref<32x128xi32, #tpu.memory_space<vmem>> -> memref<1x128xi32, #tpu.memory_space<vmem>>
      %dma_wait3A_399 = tpu.memref_squeeze %dma_wait3A_398 : memref<1x128xi32, #tpu.memory_space<vmem>> -> memref<128xi32, #tpu.memory_space<vmem>>
      %dma_wait3A_400 = arith.constant 0 : i32
      %dma_wait3A_401 = arith.constant 0 : i32
      %dma_wait3A_402 = tpu.memref_slice %arg2[%dma_wait3A_400, %dma_wait3A_401] : memref<100001x128xf32, #tpu.memory_space<hbm>> -> memref<100001x128xf32, #tpu.memory_space<hbm>>
      tpu.wait_indirect_dma semaphore(%arg9 : memref<!tpu.dma_semaphore, #tpu.memory_space<semaphore_mem>>) src(%dma_wait3A_402 : memref<100001x128xf32, #tpu.memory_space<hbm>>) dst(%dma_wait3A_396 : memref<128x128xf32, #tpu.memory_space<vmem>>)
      %add3A_403 = arith.addi %mul3A_4, %scan3A_327 : i32
      %rem3A_404 = arith.constant 16 : i32
      %rem3A_405 = arith.remsi %add3A_403, %rem3A_404 : i32
      %mul3A_406 = arith.constant 256 : i32
      %mul3A_407 = arith.muli %rem3A_405, %mul3A_406 : i32
      %add3A_408 = arith.addi %mul3A_2, %mul3A_407 : i32
      %dma_start3A_409 = arith.constant 0 : i32
      %dma_start3A_410 = tpu.memref_slice %arg8[%mul3A_340, %dma_start3A_409] : memref<512x128xf32, #tpu.memory_space<vmem>> -> memref<256x128xf32, #tpu.memory_space<vmem>>
      %dma_start3A_411 = arith.constant 0 : i32
      %dma_start3A_412 = tpu.memref_slice %arg6[%add3A_408, %dma_start3A_411] : memref<131072x128xf32, #tpu.memory_space<hbm>> -> memref<256x128xf32, #tpu.memory_space<hbm>>
      %dma_start3A_413 = arith.constant 0 : i32
      %dma_start3A_414 = tpu.memref_slice %arg6[%add3A_408, %dma_start3A_413] : memref<131072x128xf32, #tpu.memory_space<hbm>> -> memref<256x128xf32, #tpu.memory_space<hbm>>
      %dma_start3A_415 = arith.constant 0 : i32
      %dma_start3A_416 = tpu.memref_slice %arg8[%mul3A_340, %dma_start3A_415] : memref<512x128xf32, #tpu.memory_space<vmem>> -> memref<256x128xf32, #tpu.memory_space<vmem>>
      tpu.enqueue_dma source(%dma_start3A_416 : memref<256x128xf32, #tpu.memory_space<vmem>>) target(%dma_start3A_414 : memref<256x128xf32, #tpu.memory_space<hbm>>) target_semaphore(%arg10 : memref<!tpu.dma_semaphore, #tpu.memory_space<semaphore_mem>>)
      %scan3A_417 = arith.constant 0 : i32
      scf.yield %scan3A_417 : i32
    }
    %scan3A_292 = arith.constant 14 : i32
    %add3A_293 = arith.constant 14 : i32
    %add3A_294 = arith.addi %mul3A_4, %add3A_293 : i32
    %rem3A_295 = arith.constant 16 : i32
    %rem3A_296 = arith.remsi %add3A_294, %rem3A_295 : i32
    %mul3A_297 = arith.constant 256 : i32
    %mul3A_298 = arith.muli %rem3A_296, %mul3A_297 : i32
    %add3A_299 = arith.addi %mul3A_2, %mul3A_298 : i32
    %dma_wait3A_300 = arith.constant 0 : i32
    %dma_wait3A_301 = arith.constant 0 : i32
    %dma_wait3A_302 = tpu.memref_slice %arg8[%dma_wait3A_300, %dma_wait3A_301] : memref<512x128xf32, #tpu.memory_space<vmem>> -> memref<256x128xf32, #tpu.memory_space<vmem>>
    %dma_wait3A_303 = arith.constant 0 : i32
    %dma_wait3A_304 = tpu.memref_slice %arg6[%add3A_299, %dma_wait3A_303] : memref<131072x128xf32, #tpu.memory_space<hbm>> -> memref<256x128xf32, #tpu.memory_space<hbm>>
    %dma_wait3A_305 = arith.constant 0 : i32
    %dma_wait3A_306 = tpu.memref_slice %arg6[%add3A_299, %dma_wait3A_305] : memref<131072x128xf32, #tpu.memory_space<hbm>> -> memref<256x128xf32, #tpu.memory_space<hbm>>
    %dma_wait3A_307 = arith.constant 0 : i32
    %dma_wait3A_308 = arith.constant 0 : i32
    %dma_wait3A_309 = tpu.memref_slice %arg8[%dma_wait3A_307, %dma_wait3A_308] : memref<512x128xf32, #tpu.memory_space<vmem>> -> memref<256x128xf32, #tpu.memory_space<vmem>>
    tpu.wait_dma2 semaphore(%arg10 : memref<!tpu.dma_semaphore, #tpu.memory_space<semaphore_mem>>) src(%dma_wait3A_309 : memref<256x128xf32, #tpu.memory_space<vmem>>) dst(%dma_wait3A_306 : memref<256x128xf32, #tpu.memory_space<hbm>>)
    %add3A_310 = arith.constant 15 : i32
    %add3A_311 = arith.addi %mul3A_4, %add3A_310 : i32
    %rem3A_312 = arith.constant 16 : i32
    %rem3A_313 = arith.remsi %add3A_311, %rem3A_312 : i32
    %mul3A_314 = arith.constant 256 : i32
    %mul3A_315 = arith.muli %rem3A_313, %mul3A_314 : i32
    %add3A_316 = arith.addi %mul3A_2, %mul3A_315 : i32
    %dma_wait3A_317 = arith.constant 256 : i32
    %dma_wait3A_318 = arith.constant 0 : i32
    %dma_wait3A_319 = tpu.memref_slice %arg8[%dma_wait3A_317, %dma_wait3A_318] : memref<512x128xf32, #tpu.memory_space<vmem>> -> memref<256x128xf32, #tpu.memory_space<vmem>>
    %dma_wait3A_320 = arith.constant 0 : i32
    %dma_wait3A_321 = tpu.memref_slice %arg6[%add3A_316, %dma_wait3A_320] : memref<131072x128xf32, #tpu.memory_space<hbm>> -> memref<256x128xf32, #tpu.memory_space<hbm>>
    %dma_wait3A_322 = arith.constant 0 : i32
    %dma_wait3A_323 = tpu.memref_slice %arg6[%add3A_316, %dma_wait3A_322] : memref<131072x128xf32, #tpu.memory_space<hbm>> -> memref<256x128xf32, #tpu.memory_space<hbm>>
    %dma_wait3A_324 = arith.constant 256 : i32
    %dma_wait3A_325 = arith.constant 0 : i32
    %dma_wait3A_326 = tpu.memref_slice %arg8[%dma_wait3A_324, %dma_wait3A_325] : memref<512x128xf32, #tpu.memory_space<vmem>> -> memref<256x128xf32, #tpu.memory_space<vmem>>
    tpu.wait_dma2 semaphore(%arg10 : memref<!tpu.dma_semaphore, #tpu.memory_space<semaphore_mem>>) src(%dma_wait3A_326 : memref<256x128xf32, #tpu.memory_space<vmem>>) dst(%dma_wait3A_323 : memref<256x128xf32, #tpu.memory_space<hbm>>)
    return
  }
}

module attributes {stable_mosaic.version = 14 : i64} {
  func.func @_attn_body(%arg0: i32, %arg1: memref<8192x128xf32, #tpu.memory_space<vmem>>, %arg2: memref<8192x128xf32, #tpu.memory_space<vmem>>, %arg3: memref<128x128xf32, #tpu.memory_space<vmem>>, %arg4: memref<128x128xf32, #tpu.memory_space<vmem>>, %arg5: memref<1x128xf32, #tpu.memory_space<vmem>>, %arg6: memref<1x128xf32, #tpu.memory_space<vmem>>, %arg7: memref<1x128xf32, #tpu.memory_space<vmem>>, %arg8: memref<1x1xf32, #tpu.memory_space<vmem>>, %arg9: memref<1x1xf32, #tpu.memory_space<vmem>>, %arg10: memref<256x64xf32, #tpu.memory_space<vmem>>, %arg11: memref<256x64xf32, #tpu.memory_space<vmem>>) attributes {dimension_semantics = [#tpu.dimension_semantics<arbitrary>], iteration_bounds = array<i64: 16>, scalar_prefetch = 0 : i64, scratch_operands = 0 : i64, tpu.core_type = #tpu.core_type<tc>, window_params = [{transform_indices = @transform_0, window_bounds = array<i64: 8192, 128>}, {transform_indices = @transform_1, window_bounds = array<i64: 8192, 128>}, {pipeline_mode = #tpu.pipeline_mode<synchronous>, transform_indices = @transform_2, window_bounds = array<i64: 128, 128>}, {pipeline_mode = #tpu.pipeline_mode<synchronous>, transform_indices = @transform_3, window_bounds = array<i64: 128, 128>}, {pipeline_mode = #tpu.pipeline_mode<synchronous>, transform_indices = @transform_4, window_bounds = array<i64: 1, 128>}, {pipeline_mode = #tpu.pipeline_mode<synchronous>, transform_indices = @transform_5, window_bounds = array<i64: 1, 128>}, {pipeline_mode = #tpu.pipeline_mode<synchronous>, transform_indices = @transform_6, window_bounds = array<i64: 1, 128>}, {pipeline_mode = #tpu.pipeline_mode<synchronous>, transform_indices = @transform_7, window_bounds = array<i64: 1, 1>}, {pipeline_mode = #tpu.pipeline_mode<synchronous>, transform_indices = @transform_8, window_bounds = array<i64: 1, 1>}, {transform_indices = @transform_9, window_bounds = array<i64: 256, 64>}, {transform_indices = @transform_10, window_bounds = array<i64: 256, 64>}]} {
    %get3A = arith.constant 0 : index
    %get3A_0 = arith.constant 0 : index
    %get3A_1 = vector.load %arg2[%get3A, %get3A_0] : memref<8192x128xf32, #tpu.memory_space<vmem>>, vector<8192x128xf32>
    %get3A_2 = arith.constant 0 : index
    %get3A_3 = arith.constant 0 : index
    %get3A_4 = vector.load %arg1[%get3A_2, %get3A_3] : memref<8192x128xf32, #tpu.memory_space<vmem>>, vector<8192x128xf32>
    %get3A_5 = arith.constant 0 : index
    %get3A_6 = arith.constant 0 : index
    %get3A_7 = vector.load %arg3[%get3A_5, %get3A_6] : memref<128x128xf32, #tpu.memory_space<vmem>>, vector<128x128xf32>
    %dot_general3A = arith.constant dense<0.000000e+00> : vector<8192x128xf32>
    %dot_general3A_8 = tpu.matmul %get3A_4, %get3A_7, %dot_general3A {dimension_numbers = #tpu.dot_dimension_numbers<[1], [0], [0], [1], [0, 0, 1, 1], [], []>, transpose_lhs_hint = false} : vector<8192x128xf32>, vector<128x128xf32>, vector<8192x128xf32> -> vector<8192x128xf32>
    %get3A_9 = arith.constant 0 : index
    %get3A_10 = arith.constant 0 : index
    %get3A_11 = vector.load %arg4[%get3A_9, %get3A_10] : memref<128x128xf32, #tpu.memory_space<vmem>>, vector<128x128xf32>
    %dot_general3A_12 = arith.constant dense<0.000000e+00> : vector<8192x128xf32>
    %dot_general3A_13 = tpu.matmul %get3A_1, %get3A_11, %dot_general3A_12 {dimension_numbers = #tpu.dot_dimension_numbers<[1], [0], [0], [1], [0, 0, 1, 1], [], []>, transpose_lhs_hint = false} : vector<8192x128xf32>, vector<128x128xf32>, vector<8192x128xf32> -> vector<8192x128xf32>
    %add3A = arith.addf %dot_general3A_8, %dot_general3A_13 : vector<8192x128xf32>
    %get3A_14 = arith.constant 0 : index
    %get3A_15 = arith.constant 0 : index
    %get3A_16 = vector.load %arg5[%get3A_14, %get3A_15] : memref<1x128xf32, #tpu.memory_space<vmem>>, vector<1x128xf32>
    %add3A_17 = vector.broadcast %get3A_16 : vector<1x128xf32> to vector<8192x128xf32>
    %add3A_18 = arith.addf %add3A, %add3A_17 : vector<8192x128xf32>
    %tanh3A = math.tanh %add3A_18 : vector<8192x128xf32>
    %reshape3A = vector.shape_cast %tanh3A : vector<8192x128xf32> to vector<256x32x128xf32>
    %get3A_19 = arith.constant 0 : index
    %get3A_20 = arith.constant 0 : index
    %get3A_21 = vector.load %arg6[%get3A_19, %get3A_20] : memref<1x128xf32, #tpu.memory_space<vmem>>, vector<1x128xf32>
    %reshape3A_22 = vector.shape_cast %get3A_21 : vector<1x128xf32> to vector<1x1x128xf32>
    %mul3A = vector.broadcast %reshape3A_22 : vector<1x1x128xf32> to vector<256x32x128xf32>
    %mul3A_23 = arith.mulf %reshape3A, %mul3A : vector<256x32x128xf32>
    %reduce_sum3A = arith.constant dense<0.000000e+00> : vector<256x32xf32>
    %reduce_sum3A_24 = vector.multi_reduction <add>, %mul3A_23, %reduce_sum3A [2] : vector<256x32x128xf32> to vector<256x32xf32>
    %get3A_25 = arith.constant 0 : index
    %get3A_26 = arith.constant 0 : index
    %get3A_27 = vector.load %arg8[%get3A_25, %get3A_26] : memref<1x1xf32, #tpu.memory_space<vmem>>, vector<1x1xf32>
    %get3A_28 = vector.extract %get3A_27[0, 0] : f32 from vector<1x1xf32>
    %add3A_29 = vector.broadcast %get3A_28 : f32 to vector<256x32xf32>
    %add3A_30 = arith.addf %reduce_sum3A_24, %add3A_29 : vector<256x32xf32>
    %get3A_31 = arith.constant 0 : index
    %get3A_32 = arith.constant 0 : index
    %get3A_33 = vector.load %arg7[%get3A_31, %get3A_32] : memref<1x128xf32, #tpu.memory_space<vmem>>, vector<1x128xf32>
    %reshape3A_34 = vector.shape_cast %get3A_33 : vector<1x128xf32> to vector<1x1x128xf32>
    %mul3A_35 = vector.broadcast %reshape3A_34 : vector<1x1x128xf32> to vector<256x32x128xf32>
    %mul3A_36 = arith.mulf %reshape3A, %mul3A_35 : vector<256x32x128xf32>
    %reduce_sum3A_37 = arith.constant dense<0.000000e+00> : vector<256x32xf32>
    %reduce_sum3A_38 = vector.multi_reduction <add>, %mul3A_36, %reduce_sum3A_37 [2] : vector<256x32x128xf32> to vector<256x32xf32>
    %get3A_39 = arith.constant 0 : index
    %get3A_40 = arith.constant 0 : index
    %get3A_41 = vector.load %arg9[%get3A_39, %get3A_40] : memref<1x1xf32, #tpu.memory_space<vmem>>, vector<1x1xf32>
    %get3A_42 = vector.extract %get3A_41[0, 0] : f32 from vector<1x1xf32>
    %add3A_43 = vector.broadcast %get3A_42 : f32 to vector<256x32xf32>
    %add3A_44 = arith.addf %reduce_sum3A_38, %add3A_43 : vector<256x32xf32>
    %iota3A = tpu.iota {dimensions = array<i32: 1>} : vector<256x32xi32>
    %ge3A = arith.constant 30 : i32
    %ge3A_45 = vector.broadcast %ge3A : i32 to vector<256x32xi32>
    %ge3A_46 = arith.cmpi sge, %iota3A, %ge3A_45 : vector<256x32xi32>
    %jit3A = arith.constant -1.000000e+30 : f32
    %broadcast_in_dim3A = vector.broadcast %jit3A : f32 to vector<256x32xf32>
    %select_n3A = arith.select %ge3A_46, %broadcast_in_dim3A, %add3A_30 : vector<256x32xi1>, vector<256x32xf32>
    %jit3A_47 = arith.constant -1.000000e+30 : f32
    %broadcast_in_dim3A_48 = vector.broadcast %jit3A_47 : f32 to vector<256x32xf32>
    %select_n3A_49 = arith.select %ge3A_46, %broadcast_in_dim3A_48, %add3A_44 : vector<256x32xi1>, vector<256x32xf32>
    %reduce_max3A = arith.constant dense<0xFF800000> : vector<256xf32>
    %reduce_max3A_50 = vector.multi_reduction <maximumf>, %select_n3A, %reduce_max3A [1] : vector<256x32xf32> to vector<256xf32>
    %broadcast_in_dim3A_51 = vector.shape_cast %reduce_max3A_50 : vector<256xf32> to vector<256x1xf32>
    %sub3A = vector.broadcast %broadcast_in_dim3A_51 : vector<256x1xf32> to vector<256x32xf32>
    %sub3A_52 = arith.subf %select_n3A, %sub3A : vector<256x32xf32>
    %exp3A = math.exp %sub3A_52 : vector<256x32xf32>
    %reduce_sum3A_53 = arith.constant dense<0.000000e+00> : vector<256xf32>
    %reduce_sum3A_54 = vector.multi_reduction <add>, %exp3A, %reduce_sum3A_53 [1] : vector<256x32xf32> to vector<256xf32>
    %broadcast_in_dim3A_55 = vector.shape_cast %reduce_sum3A_54 : vector<256xf32> to vector<256x1xf32>
    %div3A = vector.broadcast %broadcast_in_dim3A_55 : vector<256x1xf32> to vector<256x32xf32>
    %div3A_56 = arith.divf %exp3A, %div3A : vector<256x32xf32>
    %reduce_max3A_57 = arith.constant dense<0xFF800000> : vector<256xf32>
    %reduce_max3A_58 = vector.multi_reduction <maximumf>, %select_n3A_49, %reduce_max3A_57 [1] : vector<256x32xf32> to vector<256xf32>
    %broadcast_in_dim3A_59 = vector.shape_cast %reduce_max3A_58 : vector<256xf32> to vector<256x1xf32>
    %sub3A_60 = vector.broadcast %broadcast_in_dim3A_59 : vector<256x1xf32> to vector<256x32xf32>
    %sub3A_61 = arith.subf %select_n3A_49, %sub3A_60 : vector<256x32xf32>
    %exp3A_62 = math.exp %sub3A_61 : vector<256x32xf32>
    %reduce_sum3A_63 = arith.constant dense<0.000000e+00> : vector<256xf32>
    %reduce_sum3A_64 = vector.multi_reduction <add>, %exp3A_62, %reduce_sum3A_63 [1] : vector<256x32xf32> to vector<256xf32>
    %broadcast_in_dim3A_65 = vector.shape_cast %reduce_sum3A_64 : vector<256xf32> to vector<256x1xf32>
    %div3A_66 = vector.broadcast %broadcast_in_dim3A_65 : vector<256x1xf32> to vector<256x32xf32>
    %div3A_67 = arith.divf %exp3A_62, %div3A_66 : vector<256x32xf32>
    %reshape3A_68 = vector.shape_cast %get3A_1 : vector<8192x128xf32> to vector<256x32x128xf32>
    %slice3A = vector.extract_strided_slice %reshape3A_68 {offsets = [0, 0, 0], sizes = [256, 32, 64], strides = [1, 1, 1]} : vector<256x32x128xf32> to vector<256x32x64xf32>
    %broadcast_in_dim3A_69 = vector.shape_cast %div3A_56 : vector<256x32xf32> to vector<256x32x1xf32>
    %mul3A_70 = vector.broadcast %broadcast_in_dim3A_69 : vector<256x32x1xf32> to vector<256x32x64xf32>
    %mul3A_71 = arith.mulf %mul3A_70, %slice3A : vector<256x32x64xf32>
    %reduce_sum3A_72 = arith.constant dense<0.000000e+00> : vector<256x64xf32>
    %reduce_sum3A_73 = vector.multi_reduction <add>, %mul3A_71, %reduce_sum3A_72 [1] : vector<256x32x64xf32> to vector<256x64xf32>
    %tanh3A_74 = math.tanh %reduce_sum3A_73 : vector<256x64xf32>
    %swap3A = arith.constant 0 : index
    %swap3A_75 = arith.constant 0 : index
    %swap3A_76 = vector.load %arg10[%swap3A, %swap3A_75] : memref<256x64xf32, #tpu.memory_space<vmem>>, vector<256x64xf32>
    tpu.vector_store %arg10[%swap3A, %swap3A_75], %tanh3A_74 {strides = array<i32>} : memref<256x64xf32, #tpu.memory_space<vmem>>, vector<256x64xf32>,
    %broadcast_in_dim3A_77 = vector.shape_cast %div3A_67 : vector<256x32xf32> to vector<256x32x1xf32>
    %mul3A_78 = vector.broadcast %broadcast_in_dim3A_77 : vector<256x32x1xf32> to vector<256x32x64xf32>
    %mul3A_79 = arith.mulf %mul3A_78, %slice3A : vector<256x32x64xf32>
    %reduce_sum3A_80 = arith.constant dense<0.000000e+00> : vector<256x64xf32>
    %reduce_sum3A_81 = vector.multi_reduction <add>, %mul3A_79, %reduce_sum3A_80 [1] : vector<256x32x64xf32> to vector<256x64xf32>
    %tanh3A_82 = math.tanh %reduce_sum3A_81 : vector<256x64xf32>
    %swap3A_83 = arith.constant 0 : index
    %swap3A_84 = arith.constant 0 : index
    %swap3A_85 = vector.load %arg11[%swap3A_83, %swap3A_84] : memref<256x64xf32, #tpu.memory_space<vmem>>, vector<256x64xf32>
    tpu.vector_store %arg11[%swap3A_83, %swap3A_84], %tanh3A_82 {strides = array<i32>} : memref<256x64xf32, #tpu.memory_space<vmem>>, vector<256x64xf32>,
    return
  }
  func.func @transform_0(%arg0: i32) -> (i32, i32) {
    %c0_i32 = arith.constant 0 : i32
    %c0_i32_0 = arith.constant 0 : i32
    return %arg0, %c0_i32 : i32, i32
  }
  func.func @transform_1(%arg0: i32) -> (i32, i32) {
    %c0_i32 = arith.constant 0 : i32
    %c0_i32_0 = arith.constant 0 : i32
    return %arg0, %c0_i32 : i32, i32
  }
  func.func @transform_2(%arg0: i32) -> (i32, i32) {
    %c0_i32 = arith.constant 0 : i32
    %c0_i32_0 = arith.constant 0 : i32
    %c0_i32_1 = arith.constant 0 : i32
    return %c0_i32, %c0_i32_0 : i32, i32
  }
  func.func @transform_3(%arg0: i32) -> (i32, i32) {
    %c0_i32 = arith.constant 0 : i32
    %c0_i32_0 = arith.constant 0 : i32
    %c0_i32_1 = arith.constant 0 : i32
    return %c0_i32, %c0_i32_0 : i32, i32
  }
  func.func @transform_4(%arg0: i32) -> (i32, i32) {
    %c0_i32 = arith.constant 0 : i32
    %c0_i32_0 = arith.constant 0 : i32
    %c0_i32_1 = arith.constant 0 : i32
    return %c0_i32, %c0_i32_0 : i32, i32
  }
  func.func @transform_5(%arg0: i32) -> (i32, i32) {
    %c0_i32 = arith.constant 0 : i32
    %c0_i32_0 = arith.constant 0 : i32
    %c0_i32_1 = arith.constant 0 : i32
    return %c0_i32, %c0_i32_0 : i32, i32
  }
  func.func @transform_6(%arg0: i32) -> (i32, i32) {
    %c0_i32 = arith.constant 0 : i32
    %c0_i32_0 = arith.constant 0 : i32
    %c0_i32_1 = arith.constant 0 : i32
    return %c0_i32, %c0_i32_0 : i32, i32
  }
  func.func @transform_7(%arg0: i32) -> (i32, i32) {
    %c0_i32 = arith.constant 0 : i32
    %c0_i32_0 = arith.constant 0 : i32
    %c0_i32_1 = arith.constant 0 : i32
    return %c0_i32, %c0_i32_0 : i32, i32
  }
  func.func @transform_8(%arg0: i32) -> (i32, i32) {
    %c0_i32 = arith.constant 0 : i32
    %c0_i32_0 = arith.constant 0 : i32
    %c0_i32_1 = arith.constant 0 : i32
    return %c0_i32, %c0_i32_0 : i32, i32
  }
  func.func @transform_9(%arg0: i32) -> (i32, i32) {
    %c0_i32 = arith.constant 0 : i32
    %c0_i32_0 = arith.constant 0 : i32
    return %arg0, %c0_i32 : i32, i32
  }
  func.func @transform_10(%arg0: i32) -> (i32, i32) {
    %c0_i32 = arith.constant 0 : i32
    %c0_i32_0 = arith.constant 0 : i32
    return %arg0, %c0_i32 : i32, i32
  }
}

</mosaic_0001>

<sc_bundles>
// kernel: kernel.10.cloned.1.call-start
scs
__scs_entry_jumppad:
0x0: {  	(pc) =	sbr.rel $0x88, $3  }
0x1: {  	(tag) =	ssettag $0x0;
	lr =	simm.s32 $0x1  }
0x2: {  	[smem:$0x3F96] =	sst lr;
	_ =	strace $0xD0000000  }
0x3: {  	_ = 	snop  }
0x4: {  	_ = 	snop  }
0x5: {  	_ = 	snop  }
0x6: {  	_ = 	snop  }
0x7: {  	_ = 	snop  }
__scs_overlays_trampoline_lowered:
0x8: {  	[smem:$0x3FA5] =	sst s0  }
0x9: {  	[smem:$0x3FA6] =	sst s1  }
0xa: {  	[smem:$0x3FA7] =	sst s2  }
0xb: {  	[smem:$0x3FA8] =	sst s3  }
0xc: {  	[smem:$0x3FA9] =	sst s4  }
0xd: {  	[smem:$0x3FAA] =	sst s5  }
0xe: {  	[smem:$0x3FAB] =	sst s6  }
0xf: {  	[smem:$0x3FAC] =	sst s7  }
0x10: {  	[smem:$0x3FAD] =	sst s8  }
0x11: {  	[smem:$0x3FAE] =	sst s9;
	s0 =	simm.s32 @!p0 $0x0  }
0x12: {  	s1 =	sld [smem:$0x3F94];
	s0 =	simm.s32 @p0 $0x1  }
0x13: {  	[smem:$0x3FAF] =	sst s0;
	s0 =	simm.s32 @!p1 $0x0  }
0x14: {  	s2 =	sld [smem:$0x3F93];
	s0 =	simm.s32 @p1 $0x1  }
0x15: {  	[smem:$0x3FB0] =	sst s0;
	s0 =	simm.s32 @!p2 $0x0  }
0x16: {  	s3 =	sld [smem:$0x3FDB];
	s0 =	simm.s32 @p2 $0x1  }
0x17: {  	s4 =	simm.s32 $0x1BF5;
	[smem:$0x3FB2] =	sst s0  }
0x18: {  	s0 =	sld [smem:$0x3F95];
	_ =	swait.ge [sflag:s4], $0x0  }
0x19: {  	s7 =	sld [smem:$0x3F96]  }
0x1a: {  	s8 =	sadd.s32 $0xFFFFE003, lr  }
0x1b: {  	s9 =	sadd.s32 $0xFFFFFEF7, lr;
	s5 =	simm.s32 $0xFFFFFFFF;
	p2 =	slt.u32 s8, $0xFFFFF086  }
0x1c: {  	p1 =	slt.u32 s9, $0xF7A;
	s5 =	simm.s32 @!p2 $0x0  }
0x1d: {  	s5 =	simm.s32 @p1 $0x1;
	p0 =	seq.s32 s7, s2  }
0x1e: {  	s7 =	smul.u32 @!p0 $0xF7A, s2;
	p2 =	seq.s32 @!p0 s5, $0x0  }
0x1f: {  	s9 =	smul.u32 $0xF7A, s1;
	s8 =	simm.s32 @!p0 $0x1BF5;
	p2 =	por !p2, p0  }
0x20: {  	[sflag:s8] =	ssyncset.s32 @!p0 $0xFFFFF086;
	s6 =	sadd.s32 @!p0 s3, s7;
	s7 =	simm.s32 @!p0 $0x108  }
0x21: {  	s3 =	sadd.s32 s3, s9;
	s6 =	sadd.s32 @!p0 $0x88, s6;
	s7 =	simm.s32 @p2 $0x1082  }
0x22: {  	[simem:s7], [sflag:s8] =	dma.local @!p0 [hbm:s6], $0xF7A  }
0x23: {  	s9 =	sor.u32 $0xD0000000, s2;
	s6 =	simm.s32 $0x108;
	_ =	swait.ge @!p0 [sflag:s8], $0x0  }
0x24: {  	s3 =	sadd.s32 $0x88, s3;
	s6 =	simm.s32 @!p1 $0x1082;
	[sflag:s4] =	ssyncset.s32 $0xFFFFF086  }
0x25: {  	[simem:s6], [sflag:s4] =	dma.local [hbm:s3], $0xF7A  }
0x26: {  	[smem:$0x3F96] =	sst s1;
	(tag) =	ssettag s2;
	_ =	strace s9  }
0x27: {  	s1 =	sld [smem:$0x3FA6]  }
0x28: {  	s2 =	sld [smem:$0x3FA7]  }
0x29: {  	s4 =	sld [smem:$0x3FA9]  }
0x2a: {  	p0 =	seq.s32 s5, $0x0;
	s5 =	sld [smem:$0x3FAA]  }
0x2b: {  	s6 =	sld [smem:$0x3FAB]  }
0x2c: {  	s7 =	sld [smem:$0x3FAC]  }
0x2d: {  	s3 =	simm.s32 $0x108;
	s8 =	sld [smem:$0x3FAD]  }
0x2e: {  	s3 =	simm.s32 @!p0 $0x1082;
	s9 =	sld [smem:$0x3FAE]  }
0x2f: {  	lr =	sadd.s32 s0, s3;
	s0 =	sld [smem:$0x3FA5]  }
0x30: {  	s3 =	sld [smem:$0x3FA8]  }
0x31: {  	[smem:$0x3FB1] =	sst s10  }
0x32: {  	s10 =	sld [smem:$0x3FAF];
	_ =	sdelay $0x3  }
0x33: {  	p0 =	seq.s32 s10, $0x1;
	s10 =	sld [smem:$0x3FB1];
	_ =	sdelay $0x3  }
0x34: {  	[smem:$0x3FB1] =	sst s10  }
0x35: {  	s10 =	sld [smem:$0x3FB0];
	_ =	sdelay $0x3  }
0x36: {  	p1 =	seq.s32 s10, $0x1;
	s10 =	sld [smem:$0x3FB1];
	_ =	sdelay $0x3  }
0x37: {  	[smem:$0x3FB1] =	sst s10  }
0x38: {  	s10 =	sld [smem:$0x3FB2]  }
0x39: {  	_ = 	snop;
	(pc) =	sbr.ind lr, $3  }
0x3a: {  	_ = 	snop  }
0x3b: {  	_ = 	snop  }
0x3c: {  	p2 =	seq.s32 s10, $0x1;
	s10 =	sld [smem:$0x3FB1]  }
0x3d: {  	_ =	shalt  }
0x3e: {  	_ =	shalt  }
0x3f: {  	_ =	shalt  }
0x40: {  	_ =	shalt  }
0x41: {  	_ =	shalt  }
0x42: {  	_ =	shalt  }
0x43: {  	_ =	shalt  }
0x44: {  	_ =	shalt  }
0x45: {  	_ =	shalt  }
0x46: {  	_ =	shalt  }
0x47: {  	_ =	shalt  }
0x48: {  	_ =	shalt  }
0x49: {  	_ =	shalt  }
0x4a: {  	_ =	shalt  }
0x4b: {  	_ =	shalt  }
0x4c: {  	_ =	shalt  }
0x4d: {  	_ =	shalt  }
0x4e: {  	_ =	shalt  }
0x4f: {  	_ =	shalt  }
0x50: {  	_ =	shalt  }
0x51: {  	_ =	shalt  }
0x52: {  	_ =	shalt  }
0x53: {  	_ =	shalt  }
0x54: {  	_ =	shalt  }
0x55: {  	_ =	shalt  }
0x56: {  	_ =	shalt  }
0x57: {  	_ =	shalt  }
0x58: {  	_ =	shalt  }
0x59: {  	_ =	shalt  }
0x5a: {  	_ =	shalt  }
0x5b: {  	_ =	shalt  }
0x5c: {  	_ =	shalt  }
0x5d: {  	_ =	shalt  }
0x5e: {  	_ =	shalt  }
0x5f: {  	_ =	shalt  }
0x60: {  	_ =	shalt  }
0x61: {  	_ =	shalt  }
0x62: {  	_ =	shalt  }
0x63: {  	_ =	shalt  }
0x64: {  	_ =	shalt  }
0x65: {  	_ =	shalt  }
0x66: {  	_ =	shalt  }
0x67: {  	_ =	shalt  }
0x68: {  	_ =	shalt  }
0x69: {  	_ =	shalt  }
0x6a: {  	_ =	shalt  }
0x6b: {  	_ =	shalt  }
0x6c: {  	_ =	shalt  }
0x6d: {  	_ =	shalt  }
0x6e: {  	_ =	shalt  }
0x6f: {  	_ =	shalt  }
0x70: {  	_ =	shalt  }
0x71: {  	_ =	shalt  }
0x72: {  	_ =	shalt  }
0x73: {  	_ =	shalt  }
0x74: {  	_ =	shalt  }
0x75: {  	_ =	shalt  }
0x76: {  	_ =	shalt  }
0x77: {  	_ =	shalt  }
0x78: {  	_ =	shalt  }
0x79: {  	_ =	shalt  }
0x7a: {  	_ =	shalt  }
0x7b: {  	_ =	shalt  }
0x7c: {  	_ =	shalt  }
0x7d: {  	_ =	shalt  }
0x7e: {  	_ =	shalt  }
0x7f: {  	_ =	shalt  }
0x80: {  	_ =	shalt  }
0x81: {  	_ =	shalt  }
0x82: {  	_ =	shalt  }
0x83: {  	_ =	shalt  }
0x84: {  	_ =	shalt  }
0x85: {  	_ =	shalt  }
0x86: {  	_ =	shalt  }
0x87: {  	_ =	shalt  }
.Lfunc_end0:
.L_simem_size_0:
called_computation_lowered:
.L_overlay_start_0:
0x88: {  	s2 =	sld [smem:$0x3FD9]  }
0x89: {  	s3 =	sld [smem:$0x3FFE];
	_ =	sdelay $0x1  }
0x8a: {  	s1 =	srdreg.scid  }
0x8b: {  	s0 =	sand.u32 $0x1, s1  }
0x8c: {  	s15 =	sshll.u32 s0, $0xA;
	s2 =	sadd.s32 s3, s2  }
0x8d: {  	s2 =	sadd.s32 s2, s15  }
0x8e: {  	[smem:$0x3FBD] =	sst s2  }
0x8f: {  	_ = 	snop  }
0x90: {  	s2 =	sld [smem:$0x3FD0];
	_ =	sdelay $0x2  }
0x91: {  	s16 =	simm.s32 $0xD;
	s4 =	simm.s32 $0x10  }
0x92: {  	[smem:s4], [sflag:s16] =	dma.local [hbm:s2], $0x1  }
0x93: {  	_ =	swait.eq [sflag:s16], $0x1  }
0x94: {  	[sflag:s16] =	ssyncset.done $0x0  }
0x95: {  	[sflag:s16] =	ssyncadd.s32 $0xFFFFFFFF  }
0x96: {  	s17 =	sld [smem:$0x11];
	(tm) =	ssettm $0x1  }
0x97: {  	s18 =	sld [smem:$0x3FFB];
	_ =	sdelay $0x3  }
0x98: {  	_ =	strace s18  }
0x99: {  	s2 =	sld [smem:$0x3FFC];
	_ =	sdelay $0x3  }
0x9a: {  	_ =	strace s2  }
0x9b: {  	s2 =	sld [smem:$0x3FFD];
	_ =	sdelay $0x3  }
0x9c: {  	_ =	strace s2  }
0x9d: {  	_ =	strace $0x8FFFFFFF  }
0x9e: {  	s19 =	sld [smem:$0x3FDB];
	_ =	sdelay $0x1  }
0x9f: {  	s20 =	simm.s32 $_scs_section_size  }
0xa0: {  	s5 =	simm.s32 $_size__tile_overlayer_lowered;
	s6 =	simm.s32 $_tile_overlayer_lowered  }
0xa1: {  	s7 =	simm.s32 $0x1BFF;
	s21 =	sshll.u32 s6, $0x1;
	s4 =	sadd.s32 s20, s19  }
0xa2: {  	s22 =	simm.s32 $0x0;
	s5 =	sshll.u32 s5, $0x1;
	s6 =	sadd.s32 s21, s4  }
0xa3: {  	[timem:s22], [sflag:s7] =	dma.local [hbm:s6], s5  }
0xa4: {  	_ =	swait.ge [sflag:s7], s5  }
0xa5: {  	s5 =	ssub.s32 $0x0, s5;
	[sflag:s7] =	ssyncset.done $0x0  }
0xa6: {  	[sflag:s7] =	ssyncadd.s32 s5;
	_ =	sdelay $0x1  }
0xa7: {  	s23 =	simm.s32 $0x1B8B  }
0xa8: {  	_ =	swait.ge [sflag:s23], $0x1  }
0xa9: {  	[sflag:s23] =	ssyncset.done $0x0  }
0xaa: {  	[sflag:s23] =	ssyncadd.s32 $0xFFFFFFFF  }
0xab: {  	s5 =	sld [smem:$0x0]  }
0xac: {  	s6 =	sand.u32 $0xFFFFFFFE, s1  }
0xad: {  	p0 =	sne.s32 s1, s6  }
0xae: {  	s6 =	sshll.u32 @p0 s6, $0xE  }
0xaf: {  	s6 =	sadd.s32 @p0 $0x11B8D, s6;
	s7 =	sshll.u32 @p0 s5, $0x11  }
0xb0: {  	s6 =	sor.u32 @p0 s7, s6  }
0xb1: {  	[sflag:s6] =	ssyncadd.remote.s32 @p0 $0x1;
	_ =	sdelay $0x1  }
0xb2: {  	s6 =	simm.s32 @p0 $0x1B8D  }
0xb3: {  	_ =	swait.eq @p0 [sflag:s6], $0x1  }
0xb4: {  	[sflag:s6] =	ssyncadd.s32 @p0 $0xFFFFFFFF  }
0xb5: {  	s7 =	sshll.u32 @!p0 s1, $0xE  }
0xb6: {  	s7 =	sor.u32 @!p0 $0x4000, s7;
	s6 =	simm.s32 @!p0 $0x1B8D  }
0xb7: {  	s5 =	sshll.u32 @!p0 s5, $0x11;
	s7 =	sadd.s32 @!p0 $0x11B8D, s7;
	_ =	swait.eq @!p0 [sflag:s6], $0x1  }
0xb8: {  	s5 =	sor.u32 @!p0 s5, s7;
	[sflag:s6] =	ssyncadd.s32 @!p0 $0xFFFFFFFF  }
0xb9: {  	s25 =	simm.s32 $0x1B8E;
	s24 =	sld [smem:$0x3FFE];
	[sflag:s5] =	ssyncadd.remote.s32 @!p0 $0x1  }
0xba: {  	s26 =	simm.s32 $execute0_lowered;
	[smem:$0x3FD2] =	sst s25  }
0xbb: {  	s6 =	sshll.u32 s26, $0x1;
	_ =	strace $0x8000004F;
	[dreg:$0x1] =	wrdreg $0xFFFFFFFF  }
0xbc: {  	s28 =	simm.s32 $_size_execute0_lowered;
	s4 =	sadd.s32 s4, s6;
	[dreg:$0x0] =	wrdreg $0x0  }
0xbd: {  	s6 =	sshll.u32 s28, $0x1;
	[dreg:$0x2] =	wrdreg s4  }
0xbe: {  	[dreg:$0x3] =	wrdreg s6  }
0xbf: {  	[dreg:$0x4] =	wrdreg $0xC0  }
0xc0: {  	_ =	task [dreg:s22], $0x5FFFF  }
0xc1: {  	[dreg:$0x1] =	wrdreg $0xFFFFFFFF  }
0xc2: {  	[dreg:$0x0] =	wrdreg $0x60  }
0xc3: {  	[dreg:$0x2] =	wrdreg s24  }
0xc4: {  	[dreg:$0x3] =	wrdreg s17  }
0xc5: {  	[dreg:$0x4] =	wrdreg $0x9  }
0xc6: {  	_ =	task.clear_ibuf [dreg:s22], $0x5FFFF;
	_ =	strace $0x9000004F  }
0xc7: {  	s29 =	simm.s32 $0x9;
	_ =	strace $0x80000051  }
0xc8: {  	_ =	swait.ge [sflag:s29], $0x1  }
0xc9: {  	[sflag:s29] =	ssyncadd.s32 $0xFFFFFFFF  }
0xca: {  	_ =	strace $0x90000051  }
0xcb: {  	_ =	sfence  }
0xcc: {  	s30 =	sld [smem:$0x0];
	_ =	sdelay $0x2  }
0xcd: {  	s31 =	sshll.u32 s1, $0xD;
	s1 =	sshrl.u32 s1, $0x2  }
0xce: {  	s4 =	sand.u32 $0x4000, s31;
	s1 =	sadd.s32 s1, s30  }
0xcf: {  	s0 =	sor.u32 s4, s0;
	s1 =	sshll.u32 s1, $0x11  }
0xd0: {  	s0 =	sor.u32 s1, s0  }
0xd1: {  	s0 =	sadd.s32 $0x8F2B, s0  }
0xd2: {  	[sflag:s0] =	ssyncadd.remote.s32 $0x1  }
0xd3: {  	_ =	sfence.sel $0xFFFF  }
0xd4: {  	[dreg:$0x0] =	wrdreg $0xFFFFFFFF;
	(pc) =	sbr.abs _section_cstart, $3  }
0xd5: {  	[dreg:$0x1] =	wrdreg $0xFFFFFFFF  }
0xd6: {  	_ =	task.clear_ibuf [dreg:s22], $0x2FFFF;
	_ =	strace $0x9FFFFFFF  }
0xd7: {  	(tm) =	ssettm $0x7FFFFFFF  }
tec
execute0_lowered:
.L_overlay_start_1:
0x0: {  	(tag) =	ssettag $0x1  }
0x1: {  	s4 =	rddreg [dreg:$0x0]  }
0x2: {  	s5 =	rddreg [dreg:$0x1]  }
0x3: {  	s0 =	rddreg [dreg:$0x2]  }
0x4: {  	s3 =	srdreg.scid;
	s2 =	simm.s32 $0x0;
	s1 =	stileid.u32  }
0x5: {  	s16 =	simm.s32 $0x5000;
	s17 =	simm.s32 $0x1;
	s18 =	simm.s32 $0x100  }
0x6: {  	s19 =	simm.s32 $0x9000;
	s20 =	simm.s32 $0x180;
	s21 =	simm.s32 $0xD000  }
0x7: {  	s22 =	simm.s32 $0x2;
	s23 =	simm.s32 $0x0;
	[smem:$0x7FF] =	sst s2  }
0x8: {  	s9 =	sand.u32 $0x1, s3;
	s3 =	sadd.s32 $0x321E00, s4;
	s11 =	sadd.s32 $0xEA8A00, s4  }
0x9: {  	s28 =	sshll.u32 s1, $0xD;
	s13 =	sadd.s32 $0x10A8A00, s4;
	s30 =	sshll.u32 s1, $0x11  }
0xa: {  	s6 =	sshll.u32 s9, $0xC;
	_ =	strace $0x80000050;
	s8 =	ssub.s32 $0x2, s9  }
0xb: {  	s15 =	sshll.u32 s9, $0x10;
	s6 =	sor.u32 s6, s28;
	s12 =	sshrl.u32 s8, $0x1  }
0xc: {  	s7 =	sshrl.u32 s6, $0x3;
	s12 =	ssub.s32 s8, s12;
	s29 =	sshll.u32 s6, $0x4  }
0xd: {  	s10 =	sadd.s32 s7, s4;
	s4 =	sadd.s32 s5, s7;
	s14 =	sor.u32 $0x1000, s29  }
0xe: {  	s5 =	sadd.s32 s11, s29;
	s8 =	sadd.s32 s13, s29;
	s6 =	sadd.s32 s11, s14  }
0xf: {  	s7 =	sadd.s32 $0x21C600, s10;
	s11 =	sadd.s32 s30, s11;
	s9 =	sadd.s32 s13, s14  }
0x10: {  	s13 =	sadd.s32 s30, s13;
	s10 =	smax.u32 s12, $0x1;
	s14 =	simm.s32 $0x80  }
0x11: {  	s11 =	sadd.s32 s15, s11;
	s31 =	sadd.s32 s15, s13;
	s13 =	simm.s32 $0x3  }
0x12: {  	s15 =	simm.s32 $0x1000;
	s11 =	sadd.s32 $0x2000, s11;
	s12 =	sadd.s32 $0x2000, s31  }
.LBB2_1:
0x13: {  	[tilespmem:s2], [sflag:$0x3] =	stream.linear.gather [hbm4b:s4+s2], $0x1000, $0x38;
	[tilespmem:$0x11000] =	vst v63  }
0x14: {  	_ =	swait.ge [sflag:s13], $0x1000  }
0x15: {  	[sflag:s13] =	ssyncset.done $0x0  }
0x16: {  	[sflag:s13] =	ssyncadd.s32 $0xFFFFF000  }
0x17: {  	[tilespmem:s15], [sflag:$0x1] =	stream.indirect.gather [hbm4b:s3+s14], $0x80, s2, s14, $0xb8;
	[tilespmem:$0x11000] =	vst v63  }
0x18: {  	_ = 	snop  }
0x19: {  	[tilespmem:s16], [sflag:$0x1] =	stream.indirect.gather [hbm4b:s3+s14], $0x80, s14, s14, $0xb8;
	[tilespmem:$0x11000] =	vst v63  }
0x1a: {  	_ =	swait.ge [sflag:s17], $0x4000  }
0x1b: {  	[sflag:s17] =	ssyncset.done $0x0  }
0x1c: {  	[sflag:s17] =	ssyncadd.s32 $0xFFFFC000  }
0x1d: {  	_ =	swait.ge [sflag:s17], $0x4000  }
0x1e: {  	[sflag:s17] =	ssyncset.done $0x0  }
0x1f: {  	[sflag:s17] =	ssyncadd.s32 $0xFFFFC000  }
0x20: {  	[hbm4b:s5+s2] =	stream.linear.scatter [tilespmem:s15], [sflag:$0x2], $0x8000, $0x38;
	[tilespmem:$0x11000] =	vst v63  }
0x21: {  	_ = 	snop  }
0x22: {  	[tilespmem:s19], [sflag:$0x1] =	stream.indirect.gather [hbm4b:s3+s14], $0x80, s18, s14, $0xb8;
	[tilespmem:$0x11000] =	vst v63  }
0x23: {  	_ = 	snop  }
0x24: {  	[tilespmem:s21], [sflag:$0x1] =	stream.indirect.gather [hbm4b:s3+s14], $0x80, s20, s14, $0xb8;
	[tilespmem:$0x11000] =	vst v63  }
0x25: {  	_ =	swait.ge [sflag:s17], $0x4000  }
0x26: {  	[sflag:s17] =	ssyncset.done $0x0  }
0x27: {  	[sflag:s17] =	ssyncadd.s32 $0xFFFFC000  }
0x28: {  	_ =	swait.ge [sflag:s17], $0x4000  }
0x29: {  	[sflag:s17] =	ssyncset.done $0x0  }
0x2a: {  	[sflag:s17] =	ssyncadd.s32 $0xFFFFC000  }
0x2b: {  	[hbm4b:s6+s2] =	stream.linear.scatter [tilespmem:s19], [sflag:$0x2], $0x8000, $0x38;
	[tilespmem:$0x11000] =	vst v63  }
0x2c: {  	s24 =	simm.s32 $0x10000;
	_ =	swait.ge [sflag:s22], $0x8000  }
0x2d: {  	s25 =	sand.u32 $0x8000, s24;
	[sflag:s22] =	ssyncset.done $0x0  }
0x2e: {  	s26 =	simm.s32 $0x200;
	s24 =	sor.u32 $0x1000, s25;
	[sflag:s22] =	ssyncadd.s32 $0xFFFF8000  }
0x2f: {  	[tilespmem:s24], [sflag:$0x1] =	stream.indirect.gather [hbm4b:s3+s14], $0x80, s26, s14, $0xb8;
	[tilespmem:$0x11000] =	vst v63  }
0x30: {  	s31 =	simm.s32 $0x280;
	s25 =	sor.u32 $0x5000, s25  }
0x31: {  	[tilespmem:s25], [sflag:$0x1] =	stream.indirect.gather [hbm4b:s3+s14], $0x80, s31, s14, $0xb8;
	[tilespmem:$0x11000] =	vst v63  }
0x32: {  	_ =	swait.ge [sflag:s17], $0x4000  }
0x33: {  	[sflag:s17] =	ssyncset.done $0x0  }
0x34: {  	[sflag:s17] =	ssyncadd.s32 $0xFFFFC000  }
0x35: {  	_ =	swait.ge [sflag:s17], $0x4000  }
0x36: {  	s28 =	simm.s32 $0x380;
	s29 =	smov.u32 s11;
	[sflag:s17] =	ssyncset.done $0x0  }
0x37: {  	s26 =	sadd.s32 $0x1000, s11;
	s25 =	simm.s32 $0x60000;
	[sflag:s17] =	ssyncadd.s32 $0xFFFFC000  }
.LBB2_2:
0x38: {  	[hbm4b:s29+s2] =	stream.linear.scatter [tilespmem:s24], [sflag:$0x2], $0x8000, $0x38;
	[tilespmem:$0x11000] =	vst v63  }
0x39: {  	s24 =	sshrl.u32 s25, $0x2;
	p0 =	sne.s32 s25, $0x1E0000;
	_ =	swait.ge [sflag:s22], $0x8000  }
0x3a: {  	s25 =	sadd.s32 $0x20000, s25;
	s29 =	sand.u32 $0x8000, s24;
	[sflag:s22] =	ssyncset.done $0x0  }
0x3b: {  	s30 =	sadd.s32 $0xFFFFFF80, s28;
	s24 =	sor.u32 $0x1000, s29;
	[sflag:s22] =	ssyncadd.s32 $0xFFFF8000  }
0x3c: {  	[tilespmem:s24], [sflag:$0x1] =	stream.indirect.gather [hbm4b:s3+s14], $0x80, s30, s14, $0xb8;
	[tilespmem:$0x11000] =	vst v63  }
0x3d: {  	s30 =	sor.u32 $0x5000, s29;
	s29 =	smov.u32 s26  }
0x3e: {  	[tilespmem:s30], [sflag:$0x1] =	stream.indirect.gather [hbm4b:s3+s14], $0x80, s28, s14, $0xb8;
	[tilespmem:$0x11000] =	vst v63  }
0x3f: {  	_ =	swait.ge [sflag:s17], $0x4000  }
.Ltmp0:
0x40: {  	[sflag:s17] =	ssyncset.done $0x0;
	(pc) =	sbr.rel @p0 .LBB2_2-.Ltmp0, $4  }
0x41: {  	[sflag:s17] =	ssyncadd.s32 $0xFFFFC000  }
0x42: {  	_ =	swait.ge [sflag:s17], $0x4000  }
0x43: {  	[sflag:s17] =	ssyncset.done $0x0  }
0x44: {  	s26 =	sadd.s32 $0x1000, s26;
	s28 =	sadd.s32 $0x100, s28;
	[sflag:s17] =	ssyncadd.s32 $0xFFFFC000  }
0x45: {  	[hbm4b:s29+s2] =	stream.linear.scatter [tilespmem:s24], [sflag:$0x2], $0x8000, $0x38;
	[tilespmem:$0x11000] =	vst v63  }
0x46: {  	_ =	swait.ge [sflag:s22], $0x8000  }
0x47: {  	[sflag:s22] =	ssyncset.done $0x0  }
0x48: {  	[sflag:s22] =	ssyncadd.s32 $0xFFFF8000  }
0x49: {  	_ =	swait.ge [sflag:s22], $0x8000  }
0x4a: {  	[sflag:s22] =	ssyncset.done $0x0  }
0x4b: {  	[sflag:s22] =	ssyncadd.s32 $0xFFFF8000  }
0x4c: {  	[tilespmem:s2], [sflag:$0x3] =	stream.linear.gather [hbm4b:s7+s2], $0x1000, $0x38;
	[tilespmem:$0x11000] =	vst v63  }
0x4d: {  	_ =	swait.ge [sflag:s13], $0x1000  }
0x4e: {  	[sflag:s13] =	ssyncset.done $0x0  }
0x4f: {  	[sflag:s13] =	ssyncadd.s32 $0xFFFFF000  }
0x50: {  	[tilespmem:s15], [sflag:$0x1] =	stream.indirect.gather [hbm4b:s3+s14], $0x80, s2, s14, $0xb8;
	[tilespmem:$0x11000] =	vst v63  }
0x51: {  	_ = 	snop  }
0x52: {  	[tilespmem:s16], [sflag:$0x1] =	stream.indirect.gather [hbm4b:s3+s14], $0x80, s14, s14, $0xb8;
	[tilespmem:$0x11000] =	vst v63  }
0x53: {  	_ =	swait.ge [sflag:s17], $0x4000  }
0x54: {  	[sflag:s17] =	ssyncset.done $0x0  }
0x55: {  	[sflag:s17] =	ssyncadd.s32 $0xFFFFC000  }
0x56: {  	_ =	swait.ge [sflag:s17], $0x4000  }
0x57: {  	[sflag:s17] =	ssyncset.done $0x0  }
0x58: {  	[sflag:s17] =	ssyncadd.s32 $0xFFFFC000  }
0x59: {  	[hbm4b:s8+s2] =	stream.linear.scatter [tilespmem:s15], [sflag:$0x2], $0x8000, $0x38;
	[tilespmem:$0x11000] =	vst v63  }
0x5a: {  	_ = 	snop  }
0x5b: {  	[tilespmem:s19], [sflag:$0x1] =	stream.indirect.gather [hbm4b:s3+s14], $0x80, s18, s14, $0xb8;
	[tilespmem:$0x11000] =	vst v63  }
0x5c: {  	_ = 	snop  }
0x5d: {  	[tilespmem:s21], [sflag:$0x1] =	stream.indirect.gather [hbm4b:s3+s14], $0x80, s20, s14, $0xb8;
	[tilespmem:$0x11000] =	vst v63  }
0x5e: {  	_ =	swait.ge [sflag:s17], $0x4000  }
0x5f: {  	[sflag:s17] =	ssyncset.done $0x0  }
0x60: {  	[sflag:s17] =	ssyncadd.s32 $0xFFFFC000  }
0x61: {  	_ =	swait.ge [sflag:s17], $0x4000  }
0x62: {  	[sflag:s17] =	ssyncset.done $0x0  }
0x63: {  	[sflag:s17] =	ssyncadd.s32 $0xFFFFC000  }
0x64: {  	[hbm4b:s9+s2] =	stream.linear.scatter [tilespmem:s19], [sflag:$0x2], $0x8000, $0x38;
	[tilespmem:$0x11000] =	vst v63  }
0x65: {  	s30 =	simm.s32 $0x10000;
	_ =	swait.ge [sflag:s22], $0x8000  }
0x66: {  	s25 =	sand.u32 $0x8000, s30;
	[sflag:s22] =	ssyncset.done $0x0  }
0x67: {  	s26 =	simm.s32 $0x200;
	s24 =	sor.u32 $0x1000, s25;
	[sflag:s22] =	ssyncadd.s32 $0xFFFF8000  }
0x68: {  	[tilespmem:s24], [sflag:$0x1] =	stream.indirect.gather [hbm4b:s3+s14], $0x80, s26, s14, $0xb8;
	[tilespmem:$0x11000] =	vst v63  }
0x69: {  	s31 =	simm.s32 $0x280;
	s25 =	sor.u32 $0x5000, s25  }
0x6a: {  	[tilespmem:s25], [sflag:$0x1] =	stream.indirect.gather [hbm4b:s3+s14], $0x80, s31, s14, $0xb8;
	[tilespmem:$0x11000] =	vst v63  }
0x6b: {  	_ =	swait.ge [sflag:s17], $0x4000  }
0x6c: {  	[sflag:s17] =	ssyncset.done $0x0  }
0x6d: {  	[sflag:s17] =	ssyncadd.s32 $0xFFFFC000  }
0x6e: {  	_ =	swait.ge [sflag:s17], $0x4000  }
0x6f: {  	s28 =	simm.s32 $0x380;
	s29 =	smov.u32 s12;
	[sflag:s17] =	ssyncset.done $0x0  }
0x70: {  	s26 =	sadd.s32 $0x1000, s12;
	s25 =	simm.s32 $0x60000;
	[sflag:s17] =	ssyncadd.s32 $0xFFFFC000  }
.LBB2_4:
0x71: {  	[hbm4b:s29+s2] =	stream.linear.scatter [tilespmem:s24], [sflag:$0x2], $0x8000, $0x38;
	[tilespmem:$0x11000] =	vst v63  }
0x72: {  	s24 =	sshrl.u32 s25, $0x2;
	p0 =	sne.s32 s25, $0x1E0000;
	_ =	swait.ge [sflag:s22], $0x8000  }
0x73: {  	s25 =	sadd.s32 $0x20000, s25;
	s29 =	sand.u32 $0x8000, s24;
	[sflag:s22] =	ssyncset.done $0x0  }
0x74: {  	s30 =	sadd.s32 $0xFFFFFF80, s28;
	s24 =	sor.u32 $0x1000, s29;
	[sflag:s22] =	ssyncadd.s32 $0xFFFF8000  }
0x75: {  	[tilespmem:s24], [sflag:$0x1] =	stream.indirect.gather [hbm4b:s3+s14], $0x80, s30, s14, $0xb8;
	[tilespmem:$0x11000] =	vst v63  }
0x76: {  	s30 =	sor.u32 $0x5000, s29;
	s29 =	smov.u32 s26  }
0x77: {  	[tilespmem:s30], [sflag:$0x1] =	stream.indirect.gather [hbm4b:s3+s14], $0x80, s28, s14, $0xb8;
	[tilespmem:$0x11000] =	vst v63  }
0x78: {  	_ =	swait.ge [sflag:s17], $0x4000  }
.Ltmp1:
0x79: {  	[sflag:s17] =	ssyncset.done $0x0;
	(pc) =	sbr.rel @p0 .LBB2_4-.Ltmp1, $4  }
0x7a: {  	[sflag:s17] =	ssyncadd.s32 $0xFFFFC000  }
0x7b: {  	_ =	swait.ge [sflag:s17], $0x4000  }
0x7c: {  	[sflag:s17] =	ssyncset.done $0x0  }
0x7d: {  	s26 =	sadd.s32 $0x1000, s26;
	s28 =	sadd.s32 $0x100, s28;
	[sflag:s17] =	ssyncadd.s32 $0xFFFFC000  }
0x7e: {  	[hbm4b:s29+s2] =	stream.linear.scatter [tilespmem:s24], [sflag:$0x2], $0x8000, $0x38;
	[tilespmem:$0x11000] =	vst v63  }
0x7f: {  	s23 =	sadd.s32 $0x1, s23  }
0x80: {  	_ =	swait.ge [sflag:s22], $0x8000;
	p0 =	sne.s32 s23, s10  }
.Ltmp2:
0x81: {  	[sflag:s22] =	ssyncset.done $0x0;
	(pc) =	sbr.rel @p0 .LBB2_1-.Ltmp2, $4  }
0x82: {  	[sflag:s22] =	ssyncadd.s32 $0xFFFF8000  }
0x83: {  	_ =	swait.ge [sflag:s22], $0x8000  }
0x84: {  	[sflag:s22] =	ssyncset.done $0x0  }
0x85: {  	[sflag:s22] =	ssyncadd.s32 $0xFFFF8000  }
0x86: {  	_ =	sfence.sel $0x180000  }
0x87: {  	[bflag:$0x0] =	sbarrier.arrive $0xFFFF  }
0x88: {  	p0 =	sne.s32 s1, $0x0;
	_ =	strace $0x90000050  }
0x89: {  	s0 =	sadd.s32 @!p0 $0x100000, s0;
	[bflag:$0x2] =	sbarrier.arrive $0xFFFF  }
0x8a: {  	[sflag:s0] =	ssyncadd.tile.s32 @!p0 $0x1;
	_ =	shalt  }
.Lfunc_end2:
_tile_overlayer_lowered:
.L_overlay_start_2:
0x8b: {  	(tag) =	ssettag $0x2  }
0x8c: {  	s0 =	rddreg [dreg:$0x0];
	s2 =	stileid.u32  }
0x8d: {  	s1 =	rddreg [dreg:$0x1];
	p0 =	sne.s32 s2, $0x0  }
0x8e: {  	s3 =	rddreg [dreg:$0x2];
	[bflag:$0x3] =	sbarrier.arrive $0xFFFF;
	s2 =	simm.s32 @!p0 $0x1C03  }
0x8f: {  	[timem:s3], [sflag:s2] =	dma.local @!p0 [hbm:s0], s1  }
0x90: {  	s0 =	simm.s32 @!p0 $0x3  }
0x91: {  	_ =	swait.ge @!p0 [sflag:s0], s1  }
0x92: {  	s1 =	ssub.s32 @!p0 $0x0, s1;
	[sflag:s0] =	ssyncset.done @!p0 $0x0  }
0x93: {  	[sflag:s0] =	ssyncadd.s32 @!p0 s1  }
0x94: {  	[bflag:$0x3] =	sbarrier.arrive $0xFFFF  }
0x95: {  	_ =	shalt  }

// kernel: kernel.13.cloned.1.call-start
scs
__scs_entry_jumppad:
0x0: {  	(pc) =	sbr.rel $0x88, $3  }
0x1: {  	(tag) =	ssettag $0x0;
	lr =	simm.s32 $0x1  }
0x2: {  	[smem:$0x3F96] =	sst lr;
	_ =	strace $0xD0000000  }
0x3: {  	_ = 	snop  }
0x4: {  	_ = 	snop  }
0x5: {  	_ = 	snop  }
0x6: {  	_ = 	snop  }
0x7: {  	_ = 	snop  }
__scs_overlays_trampoline_lowered:
0x8: {  	[smem:$0x3FA5] =	sst s0  }
0x9: {  	[smem:$0x3FA6] =	sst s1  }
0xa: {  	[smem:$0x3FA7] =	sst s2  }
0xb: {  	[smem:$0x3FA8] =	sst s3  }
0xc: {  	[smem:$0x3FA9] =	sst s4  }
0xd: {  	[smem:$0x3FAA] =	sst s5  }
0xe: {  	[smem:$0x3FAB] =	sst s6  }
0xf: {  	[smem:$0x3FAC] =	sst s7  }
0x10: {  	[smem:$0x3FAD] =	sst s8  }
0x11: {  	[smem:$0x3FAE] =	sst s9;
	s0 =	simm.s32 @!p0 $0x0  }
0x12: {  	s1 =	sld [smem:$0x3F94];
	s0 =	simm.s32 @p0 $0x1  }
0x13: {  	[smem:$0x3FAF] =	sst s0;
	s0 =	simm.s32 @!p1 $0x0  }
0x14: {  	s2 =	sld [smem:$0x3F93];
	s0 =	simm.s32 @p1 $0x1  }
0x15: {  	[smem:$0x3FB0] =	sst s0;
	s0 =	simm.s32 @!p2 $0x0  }
0x16: {  	s3 =	sld [smem:$0x3FDB];
	s0 =	simm.s32 @p2 $0x1  }
0x17: {  	s4 =	simm.s32 $0x1BF5;
	[smem:$0x3FB2] =	sst s0  }
0x18: {  	s0 =	sld [smem:$0x3F95];
	_ =	swait.ge [sflag:s4], $0x0  }
0x19: {  	s7 =	sld [smem:$0x3F96]  }
0x1a: {  	s8 =	sadd.s32 $0xFFFFE003, lr  }
0x1b: {  	s9 =	sadd.s32 $0xFFFFFEF7, lr;
	s5 =	simm.s32 $0xFFFFFFFF;
	p2 =	slt.u32 s8, $0xFFFFF086  }
0x1c: {  	p1 =	slt.u32 s9, $0xF7A;
	s5 =	simm.s32 @!p2 $0x0  }
0x1d: {  	s5 =	simm.s32 @p1 $0x1;
	p0 =	seq.s32 s7, s2  }
0x1e: {  	s7 =	smul.u32 @!p0 $0xF7A, s2;
	p2 =	seq.s32 @!p0 s5, $0x0  }
0x1f: {  	s9 =	smul.u32 $0xF7A, s1;
	s8 =	simm.s32 @!p0 $0x1BF5;
	p2 =	por !p2, p0  }
0x20: {  	[sflag:s8] =	ssyncset.s32 @!p0 $0xFFFFF086;
	s6 =	sadd.s32 @!p0 s3, s7;
	s7 =	simm.s32 @!p0 $0x108  }
0x21: {  	s3 =	sadd.s32 s3, s9;
	s6 =	sadd.s32 @!p0 $0x88, s6;
	s7 =	simm.s32 @p2 $0x1082  }
0x22: {  	[simem:s7], [sflag:s8] =	dma.local @!p0 [hbm:s6], $0xF7A  }
0x23: {  	s9 =	sor.u32 $0xD0000000, s2;
	s6 =	simm.s32 $0x108;
	_ =	swait.ge @!p0 [sflag:s8], $0x0  }
0x24: {  	s3 =	sadd.s32 $0x88, s3;
	s6 =	simm.s32 @!p1 $0x1082;
	[sflag:s4] =	ssyncset.s32 $0xFFFFF086  }
0x25: {  	[simem:s6], [sflag:s4] =	dma.local [hbm:s3], $0xF7A  }
0x26: {  	[smem:$0x3F96] =	sst s1;
	(tag) =	ssettag s2;
	_ =	strace s9  }
0x27: {  	s1 =	sld [smem:$0x3FA6]  }
0x28: {  	s2 =	sld [smem:$0x3FA7]  }
0x29: {  	s4 =	sld [smem:$0x3FA9]  }
0x2a: {  	p0 =	seq.s32 s5, $0x0;
	s5 =	sld [smem:$0x3FAA]  }
0x2b: {  	s6 =	sld [smem:$0x3FAB]  }
0x2c: {  	s7 =	sld [smem:$0x3FAC]  }
0x2d: {  	s3 =	simm.s32 $0x108;
	s8 =	sld [smem:$0x3FAD]  }
0x2e: {  	s3 =	simm.s32 @!p0 $0x1082;
	s9 =	sld [smem:$0x3FAE]  }
0x2f: {  	lr =	sadd.s32 s0, s3;
	s0 =	sld [smem:$0x3FA5]  }
0x30: {  	s3 =	sld [smem:$0x3FA8]  }
0x31: {  	[smem:$0x3FB1] =	sst s10  }
0x32: {  	s10 =	sld [smem:$0x3FAF];
	_ =	sdelay $0x3  }
0x33: {  	p0 =	seq.s32 s10, $0x1;
	s10 =	sld [smem:$0x3FB1];
	_ =	sdelay $0x3  }
0x34: {  	[smem:$0x3FB1] =	sst s10  }
0x35: {  	s10 =	sld [smem:$0x3FB0];
	_ =	sdelay $0x3  }
0x36: {  	p1 =	seq.s32 s10, $0x1;
	s10 =	sld [smem:$0x3FB1];
	_ =	sdelay $0x3  }
0x37: {  	[smem:$0x3FB1] =	sst s10  }
0x38: {  	s10 =	sld [smem:$0x3FB2]  }
0x39: {  	_ = 	snop;
	(pc) =	sbr.ind lr, $3  }
0x3a: {  	_ = 	snop  }
0x3b: {  	_ = 	snop  }
0x3c: {  	p2 =	seq.s32 s10, $0x1;
	s10 =	sld [smem:$0x3FB1]  }
0x3d: {  	_ =	shalt  }
0x3e: {  	_ =	shalt  }
0x3f: {  	_ =	shalt  }
0x40: {  	_ =	shalt  }
0x41: {  	_ =	shalt  }
0x42: {  	_ =	shalt  }
0x43: {  	_ =	shalt  }
0x44: {  	_ =	shalt  }
0x45: {  	_ =	shalt  }
0x46: {  	_ =	shalt  }
0x47: {  	_ =	shalt  }
0x48: {  	_ =	shalt  }
0x49: {  	_ =	shalt  }
0x4a: {  	_ =	shalt  }
0x4b: {  	_ =	shalt  }
0x4c: {  	_ =	shalt  }
0x4d: {  	_ =	shalt  }
0x4e: {  	_ =	shalt  }
0x4f: {  	_ =	shalt  }
0x50: {  	_ =	shalt  }
0x51: {  	_ =	shalt  }
0x52: {  	_ =	shalt  }
0x53: {  	_ =	shalt  }
0x54: {  	_ =	shalt  }
0x55: {  	_ =	shalt  }
0x56: {  	_ =	shalt  }
0x57: {  	_ =	shalt  }
0x58: {  	_ =	shalt  }
0x59: {  	_ =	shalt  }
0x5a: {  	_ =	shalt  }
0x5b: {  	_ =	shalt  }
0x5c: {  	_ =	shalt  }
0x5d: {  	_ =	shalt  }
0x5e: {  	_ =	shalt  }
0x5f: {  	_ =	shalt  }
0x60: {  	_ =	shalt  }
0x61: {  	_ =	shalt  }
0x62: {  	_ =	shalt  }
0x63: {  	_ =	shalt  }
0x64: {  	_ =	shalt  }
0x65: {  	_ =	shalt  }
0x66: {  	_ =	shalt  }
0x67: {  	_ =	shalt  }
0x68: {  	_ =	shalt  }
0x69: {  	_ =	shalt  }
0x6a: {  	_ =	shalt  }
0x6b: {  	_ =	shalt  }
0x6c: {  	_ =	shalt  }
0x6d: {  	_ =	shalt  }
0x6e: {  	_ =	shalt  }
0x6f: {  	_ =	shalt  }
0x70: {  	_ =	shalt  }
0x71: {  	_ =	shalt  }
0x72: {  	_ =	shalt  }
0x73: {  	_ =	shalt  }
0x74: {  	_ =	shalt  }
0x75: {  	_ =	shalt  }
0x76: {  	_ =	shalt  }
0x77: {  	_ =	shalt  }
0x78: {  	_ =	shalt  }
0x79: {  	_ =	shalt  }
0x7a: {  	_ =	shalt  }
0x7b: {  	_ =	shalt  }
0x7c: {  	_ =	shalt  }
0x7d: {  	_ =	shalt  }
0x7e: {  	_ =	shalt  }
0x7f: {  	_ =	shalt  }
0x80: {  	_ =	shalt  }
0x81: {  	_ =	shalt  }
0x82: {  	_ =	shalt  }
0x83: {  	_ =	shalt  }
0x84: {  	_ =	shalt  }
0x85: {  	_ =	shalt  }
0x86: {  	_ =	shalt  }
0x87: {  	_ =	shalt  }
.Lfunc_end0:
.L_simem_size_0:
called_computation.1_lowered:
.L_overlay_start_0:
0x88: {  	s2 =	sld [smem:$0x3FD9]  }
0x89: {  	s3 =	sld [smem:$0x3FFE];
	_ =	sdelay $0x1  }
0x8a: {  	s1 =	srdreg.scid  }
0x8b: {  	s0 =	sand.u32 $0x1, s1  }
0x8c: {  	s17 =	sshll.u32 s0, $0xA;
	s2 =	sadd.s32 s3, s2  }
0x8d: {  	s2 =	sadd.s32 s2, s17  }
0x8e: {  	[smem:$0x3FBD] =	sst s2  }
0x8f: {  	_ = 	snop  }
0x90: {  	(tm) =	ssettm $0x1  }
0x91: {  	s18 =	sld [smem:$0x3FFB];
	_ =	sdelay $0x3  }
0x92: {  	_ =	strace s18  }
0x93: {  	s2 =	sld [smem:$0x3FFC];
	_ =	sdelay $0x3  }
0x94: {  	_ =	strace s2  }
0x95: {  	s2 =	sld [smem:$0x3FFD];
	_ =	sdelay $0x3  }
0x96: {  	_ =	strace s2  }
0x97: {  	_ =	strace $0x8FFFFFFF  }
0x98: {  	s19 =	sld [smem:$0x3FDB];
	_ =	sdelay $0x1  }
0x99: {  	s20 =	simm.s32 $_scs_section_size  }
0x9a: {  	s4 =	simm.s32 $_size__tile_overlayer_lowered;
	s5 =	simm.s32 $_tile_overlayer_lowered  }
0x9b: {  	s6 =	simm.s32 $0x1BFF;
	s21 =	sshll.u32 s5, $0x1;
	s3 =	sadd.s32 s20, s19  }
0x9c: {  	s22 =	simm.s32 $0x0;
	s4 =	sshll.u32 s4, $0x1;
	s5 =	sadd.s32 s21, s3  }
0x9d: {  	[timem:s22], [sflag:s6] =	dma.local [hbm:s5], s4  }
0x9e: {  	_ =	swait.ge [sflag:s6], s4  }
0x9f: {  	s4 =	ssub.s32 $0x0, s4;
	[sflag:s6] =	ssyncset.done $0x0  }
0xa0: {  	[sflag:s6] =	ssyncadd.s32 s4;
	_ =	sdelay $0x1  }
0xa1: {  	s23 =	simm.s32 $0x1B8B  }
0xa2: {  	_ =	swait.ge [sflag:s23], $0x1  }
0xa3: {  	[sflag:s23] =	ssyncset.done $0x0  }
0xa4: {  	[sflag:s23] =	ssyncadd.s32 $0xFFFFFFFF  }
0xa5: {  	s4 =	sld [smem:$0x0]  }
0xa6: {  	s5 =	sand.u32 $0xFFFFFFFE, s1  }
0xa7: {  	p0 =	sne.s32 s1, s5  }
0xa8: {  	s5 =	sshll.u32 @p0 s5, $0xE  }
0xa9: {  	s5 =	sadd.s32 @p0 $0x11B8D, s5;
	s6 =	sshll.u32 @p0 s4, $0x11  }
0xaa: {  	s5 =	sor.u32 @p0 s6, s5  }
0xab: {  	[sflag:s5] =	ssyncadd.remote.s32 @p0 $0x1;
	_ =	sdelay $0x1  }
0xac: {  	s5 =	simm.s32 @p0 $0x1B8D  }
0xad: {  	_ =	swait.eq @p0 [sflag:s5], $0x1  }
0xae: {  	[sflag:s5] =	ssyncadd.s32 @p0 $0xFFFFFFFF  }
0xaf: {  	s6 =	sshll.u32 @!p0 s1, $0xE  }
0xb0: {  	s6 =	sor.u32 @!p0 $0x4000, s6;
	s5 =	simm.s32 @!p0 $0x1B8D  }
0xb1: {  	s4 =	sshll.u32 @!p0 s4, $0x11;
	s6 =	sadd.s32 @!p0 $0x11B8D, s6;
	_ =	swait.eq @!p0 [sflag:s5], $0x1  }
0xb2: {  	s4 =	sor.u32 @!p0 s4, s6;
	[sflag:s5] =	ssyncadd.s32 @!p0 $0xFFFFFFFF  }
0xb3: {  	s25 =	simm.s32 $0x1B8E;
	s24 =	sld [smem:$0x3FFE];
	[sflag:s4] =	ssyncadd.remote.s32 @!p0 $0x1  }
0xb4: {  	s26 =	simm.s32 $execute0_lowered;
	[smem:$0x3FD2] =	sst s25  }
0xb5: {  	s5 =	sshll.u32 s26, $0x1;
	_ =	strace $0x8000004C;
	[dreg:$0x1] =	wrdreg $0xFFFFFFFF  }
0xb6: {  	s28 =	simm.s32 $_size_execute0_lowered;
	s3 =	sadd.s32 s3, s5;
	[dreg:$0x0] =	wrdreg $0x0  }
0xb7: {  	s5 =	sshll.u32 s28, $0x1;
	[dreg:$0x2] =	wrdreg s3  }
0xb8: {  	[dreg:$0x3] =	wrdreg s5  }
0xb9: {  	[dreg:$0x4] =	wrdreg $0xC0  }
0xba: {  	_ =	task [dreg:s22], $0x5FFFF  }
0xbb: {  	[dreg:$0x1] =	wrdreg $0xFFFFFFFF  }
0xbc: {  	[dreg:$0x0] =	wrdreg $0x60  }
0xbd: {  	[dreg:$0x2] =	wrdreg s24  }
0xbe: {  	[dreg:$0x3] =	wrdreg $0xA  }
0xbf: {  	_ =	task.clear_ibuf [dreg:s22], $0x4FFFF;
	_ =	strace $0x9000004C  }
0xc0: {  	s29 =	simm.s32 $0xA;
	_ =	strace $0x8000004E  }
0xc1: {  	_ =	swait.ge [sflag:s29], $0x1  }
0xc2: {  	[sflag:s29] =	ssyncadd.s32 $0xFFFFFFFF  }
0xc3: {  	_ =	strace $0x9000004E  }
0xc4: {  	_ =	sfence  }
0xc5: {  	s30 =	sld [smem:$0x0];
	_ =	sdelay $0x2  }
0xc6: {  	s31 =	sshll.u32 s1, $0xD;
	s1 =	sshrl.u32 s1, $0x2  }
0xc7: {  	s4 =	sand.u32 $0x4000, s31;
	s1 =	sadd.s32 s1, s30  }
0xc8: {  	s0 =	sor.u32 s4, s0;
	s1 =	sshll.u32 s1, $0x11  }
0xc9: {  	s0 =	sor.u32 s1, s0  }
0xca: {  	s0 =	sadd.s32 $0x8F2B, s0  }
0xcb: {  	[sflag:s0] =	ssyncadd.remote.s32 $0x1  }
0xcc: {  	_ =	sfence.sel $0xFFFF  }
0xcd: {  	[dreg:$0x0] =	wrdreg $0xFFFFFFFF;
	(pc) =	sbr.abs _section_cstart, $3  }
0xce: {  	[dreg:$0x1] =	wrdreg $0xFFFFFFFF  }
0xcf: {  	_ =	task.clear_ibuf [dreg:s22], $0x2FFFF;
	_ =	strace $0x9FFFFFFF  }
0xd0: {  	(tm) =	ssettm $0x7FFFFFFF  }
0xd1: {  	_ =	shalt  }
tec
execute0_lowered:
.L_overlay_start_1:
0x0: {  	(tag) =	ssettag $0x1  }
0x1: {  	s4 =	rddreg [dreg:$0x0]  }
0x2: {  	s0 =	rddreg [dreg:$0x1]  }
0x3: {  	s3 =	srdreg.scid;
	s2 =	simm.s32 $0x0;
	s1 =	stileid.u32  }
0x4: {  	s16 =	simm.s32 $0x5000;
	s17 =	simm.s32 $0x1;
	s18 =	simm.s32 $0x100  }
0x5: {  	s19 =	simm.s32 $0x9000;
	s20 =	simm.s32 $0x180;
	s21 =	simm.s32 $0xD000  }
0x6: {  	s22 =	simm.s32 $0x2;
	s23 =	simm.s32 $0x0;
	[smem:$0x7FF] =	sst s2  }
0x7: {  	s9 =	sand.u32 $0x1, s3;
	s3 =	sadd.s32 $0x321E00, s4;
	s10 =	sadd.s32 $0xAA8A00, s4  }
0x8: {  	s26 =	sshll.u32 s1, $0xD;
	s11 =	sadd.s32 $0xCA8A00, s4;
	s15 =	sshll.u32 s1, $0x11  }
0x9: {  	s5 =	sshll.u32 s9, $0xC;
	_ =	strace $0x8000004D;
	s7 =	ssub.s32 $0x2, s9  }
0xa: {  	s29 =	sshll.u32 s9, $0x10;
	s5 =	sor.u32 s5, s26;
	s28 =	sshrl.u32 s7, $0x1  }
0xb: {  	s6 =	sshrl.u32 s5, $0x3;
	s12 =	ssub.s32 s7, s28;
	s13 =	sshll.u32 s5, $0x4  }
0xc: {  	s8 =	sadd.s32 s6, s4;
	s5 =	sadd.s32 s10, s13;
	s14 =	sor.u32 $0x1000, s13  }
0xd: {  	s4 =	sadd.s32 $0x4600, s8;
	s6 =	sadd.s32 s10, s14;
	s7 =	sadd.s32 $0x8600, s8  }
0xe: {  	s8 =	sadd.s32 s11, s13;
	s10 =	sadd.s32 s15, s10;
	s9 =	sadd.s32 s11, s14  }
0xf: {  	s15 =	sadd.s32 s15, s11;
	s13 =	simm.s32 $0x3;
	s14 =	simm.s32 $0x80  }
0x10: {  	s30 =	sadd.s32 s29, s10;
	s10 =	smax.u32 s12, $0x1;
	s31 =	sadd.s32 s29, s15  }
0x11: {  	s15 =	simm.s32 $0x1000;
	s11 =	sadd.s32 $0x2000, s30;
	s12 =	sadd.s32 $0x2000, s31  }
.LBB2_1:
0x12: {  	[tilespmem:s2], [sflag:$0x3] =	stream.linear.gather [hbm4b:s4+s2], $0x1000, $0x38;
	[tilespmem:$0x11000] =	vst v63  }
0x13: {  	_ =	swait.ge [sflag:s13], $0x1000  }
0x14: {  	[sflag:s13] =	ssyncset.done $0x0  }
0x15: {  	[sflag:s13] =	ssyncadd.s32 $0xFFFFF000  }
0x16: {  	[tilespmem:s15], [sflag:$0x1] =	stream.indirect.gather [hbm4b:s3+s14], $0x80, s2, s14, $0xb8;
	[tilespmem:$0x11000] =	vst v63  }
0x17: {  	_ = 	snop  }
0x18: {  	[tilespmem:s16], [sflag:$0x1] =	stream.indirect.gather [hbm4b:s3+s14], $0x80, s14, s14, $0xb8;
	[tilespmem:$0x11000] =	vst v63  }
0x19: {  	_ =	swait.ge [sflag:s17], $0x4000  }
0x1a: {  	[sflag:s17] =	ssyncset.done $0x0  }
0x1b: {  	[sflag:s17] =	ssyncadd.s32 $0xFFFFC000  }
0x1c: {  	_ =	swait.ge [sflag:s17], $0x4000  }
0x1d: {  	[sflag:s17] =	ssyncset.done $0x0  }
0x1e: {  	[sflag:s17] =	ssyncadd.s32 $0xFFFFC000  }
0x1f: {  	[hbm4b:s5+s2] =	stream.linear.scatter [tilespmem:s15], [sflag:$0x2], $0x8000, $0x38;
	[tilespmem:$0x11000] =	vst v63  }
0x20: {  	_ = 	snop  }
0x21: {  	[tilespmem:s19], [sflag:$0x1] =	stream.indirect.gather [hbm4b:s3+s14], $0x80, s18, s14, $0xb8;
	[tilespmem:$0x11000] =	vst v63  }
0x22: {  	_ = 	snop  }
0x23: {  	[tilespmem:s21], [sflag:$0x1] =	stream.indirect.gather [hbm4b:s3+s14], $0x80, s20, s14, $0xb8;
	[tilespmem:$0x11000] =	vst v63  }
0x24: {  	_ =	swait.ge [sflag:s17], $0x4000  }
0x25: {  	[sflag:s17] =	ssyncset.done $0x0  }
0x26: {  	[sflag:s17] =	ssyncadd.s32 $0xFFFFC000  }
0x27: {  	_ =	swait.ge [sflag:s17], $0x4000  }
0x28: {  	[sflag:s17] =	ssyncset.done $0x0  }
0x29: {  	[sflag:s17] =	ssyncadd.s32 $0xFFFFC000  }
0x2a: {  	[hbm4b:s6+s2] =	stream.linear.scatter [tilespmem:s19], [sflag:$0x2], $0x8000, $0x38;
	[tilespmem:$0x11000] =	vst v63  }
0x2b: {  	s24 =	simm.s32 $0x10000;
	_ =	swait.ge [sflag:s22], $0x8000  }
0x2c: {  	s25 =	sand.u32 $0x8000, s24;
	[sflag:s22] =	ssyncset.done $0x0  }
0x2d: {  	s26 =	simm.s32 $0x200;
	s24 =	sor.u32 $0x1000, s25;
	[sflag:s22] =	ssyncadd.s32 $0xFFFF8000  }
0x2e: {  	[tilespmem:s24], [sflag:$0x1] =	stream.indirect.gather [hbm4b:s3+s14], $0x80, s26, s14, $0xb8;
	[tilespmem:$0x11000] =	vst v63  }
0x2f: {  	s31 =	simm.s32 $0x280;
	s25 =	sor.u32 $0x5000, s25  }
0x30: {  	[tilespmem:s25], [sflag:$0x1] =	stream.indirect.gather [hbm4b:s3+s14], $0x80, s31, s14, $0xb8;
	[tilespmem:$0x11000] =	vst v63  }
0x31: {  	_ =	swait.ge [sflag:s17], $0x4000  }
0x32: {  	[sflag:s17] =	ssyncset.done $0x0  }
0x33: {  	[sflag:s17] =	ssyncadd.s32 $0xFFFFC000  }
0x34: {  	_ =	swait.ge [sflag:s17], $0x4000  }
0x35: {  	s28 =	simm.s32 $0x380;
	s29 =	smov.u32 s11;
	[sflag:s17] =	ssyncset.done $0x0  }
0x36: {  	s26 =	sadd.s32 $0x1000, s11;
	s25 =	simm.s32 $0x60000;
	[sflag:s17] =	ssyncadd.s32 $0xFFFFC000  }
.LBB2_2:
0x37: {  	[hbm4b:s29+s2] =	stream.linear.scatter [tilespmem:s24], [sflag:$0x2], $0x8000, $0x38;
	[tilespmem:$0x11000] =	vst v63  }
0x38: {  	s24 =	sshrl.u32 s25, $0x2;
	p0 =	sne.s32 s25, $0x1E0000;
	_ =	swait.ge [sflag:s22], $0x8000  }
0x39: {  	s25 =	sadd.s32 $0x20000, s25;
	s29 =	sand.u32 $0x8000, s24;
	[sflag:s22] =	ssyncset.done $0x0  }
0x3a: {  	s30 =	sadd.s32 $0xFFFFFF80, s28;
	s24 =	sor.u32 $0x1000, s29;
	[sflag:s22] =	ssyncadd.s32 $0xFFFF8000  }
0x3b: {  	[tilespmem:s24], [sflag:$0x1] =	stream.indirect.gather [hbm4b:s3+s14], $0x80, s30, s14, $0xb8;
	[tilespmem:$0x11000] =	vst v63  }
0x3c: {  	s30 =	sor.u32 $0x5000, s29;
	s29 =	smov.u32 s26  }
0x3d: {  	[tilespmem:s30], [sflag:$0x1] =	stream.indirect.gather [hbm4b:s3+s14], $0x80, s28, s14, $0xb8;
	[tilespmem:$0x11000] =	vst v63  }
0x3e: {  	_ =	swait.ge [sflag:s17], $0x4000  }
.Ltmp0:
0x3f: {  	[sflag:s17] =	ssyncset.done $0x0;
	(pc) =	sbr.rel @p0 .LBB2_2-.Ltmp0, $4  }
0x40: {  	[sflag:s17] =	ssyncadd.s32 $0xFFFFC000  }
0x41: {  	_ =	swait.ge [sflag:s17], $0x4000  }
0x42: {  	[sflag:s17] =	ssyncset.done $0x0  }
0x43: {  	s26 =	sadd.s32 $0x1000, s26;
	s28 =	sadd.s32 $0x100, s28;
	[sflag:s17] =	ssyncadd.s32 $0xFFFFC000  }
0x44: {  	[hbm4b:s29+s2] =	stream.linear.scatter [tilespmem:s24], [sflag:$0x2], $0x8000, $0x38;
	[tilespmem:$0x11000] =	vst v63  }
0x45: {  	_ =	swait.ge [sflag:s22], $0x8000  }
0x46: {  	[sflag:s22] =	ssyncset.done $0x0  }
0x47: {  	[sflag:s22] =	ssyncadd.s32 $0xFFFF8000  }
0x48: {  	_ =	swait.ge [sflag:s22], $0x8000  }
0x49: {  	[sflag:s22] =	ssyncset.done $0x0  }
0x4a: {  	[sflag:s22] =	ssyncadd.s32 $0xFFFF8000  }
0x4b: {  	[tilespmem:s2], [sflag:$0x3] =	stream.linear.gather [hbm4b:s7+s2], $0x1000, $0x38;
	[tilespmem:$0x11000] =	vst v63  }
0x4c: {  	_ =	swait.ge [sflag:s13], $0x1000  }
0x4d: {  	[sflag:s13] =	ssyncset.done $0x0  }
0x4e: {  	[sflag:s13] =	ssyncadd.s32 $0xFFFFF000  }
0x4f: {  	[tilespmem:s15], [sflag:$0x1] =	stream.indirect.gather [hbm4b:s3+s14], $0x80, s2, s14, $0xb8;
	[tilespmem:$0x11000] =	vst v63  }
0x50: {  	_ = 	snop  }
0x51: {  	[tilespmem:s16], [sflag:$0x1] =	stream.indirect.gather [hbm4b:s3+s14], $0x80, s14, s14, $0xb8;
	[tilespmem:$0x11000] =	vst v63  }
0x52: {  	_ =	swait.ge [sflag:s17], $0x4000  }
0x53: {  	[sflag:s17] =	ssyncset.done $0x0  }
0x54: {  	[sflag:s17] =	ssyncadd.s32 $0xFFFFC000  }
0x55: {  	_ =	swait.ge [sflag:s17], $0x4000  }
0x56: {  	[sflag:s17] =	ssyncset.done $0x0  }
0x57: {  	[sflag:s17] =	ssyncadd.s32 $0xFFFFC000  }
0x58: {  	[hbm4b:s8+s2] =	stream.linear.scatter [tilespmem:s15], [sflag:$0x2], $0x8000, $0x38;
	[tilespmem:$0x11000] =	vst v63  }
0x59: {  	_ = 	snop  }
0x5a: {  	[tilespmem:s19], [sflag:$0x1] =	stream.indirect.gather [hbm4b:s3+s14], $0x80, s18, s14, $0xb8;
	[tilespmem:$0x11000] =	vst v63  }
0x5b: {  	_ = 	snop  }
0x5c: {  	[tilespmem:s21], [sflag:$0x1] =	stream.indirect.gather [hbm4b:s3+s14], $0x80, s20, s14, $0xb8;
	[tilespmem:$0x11000] =	vst v63  }
0x5d: {  	_ =	swait.ge [sflag:s17], $0x4000  }
0x5e: {  	[sflag:s17] =	ssyncset.done $0x0  }
0x5f: {  	[sflag:s17] =	ssyncadd.s32 $0xFFFFC000  }
0x60: {  	_ =	swait.ge [sflag:s17], $0x4000  }
0x61: {  	[sflag:s17] =	ssyncset.done $0x0  }
0x62: {  	[sflag:s17] =	ssyncadd.s32 $0xFFFFC000  }
0x63: {  	[hbm4b:s9+s2] =	stream.linear.scatter [tilespmem:s19], [sflag:$0x2], $0x8000, $0x38;
	[tilespmem:$0x11000] =	vst v63  }
0x64: {  	s30 =	simm.s32 $0x10000;
	_ =	swait.ge [sflag:s22], $0x8000  }
0x65: {  	s25 =	sand.u32 $0x8000, s30;
	[sflag:s22] =	ssyncset.done $0x0  }
0x66: {  	s26 =	simm.s32 $0x200;
	s24 =	sor.u32 $0x1000, s25;
	[sflag:s22] =	ssyncadd.s32 $0xFFFF8000  }
0x67: {  	[tilespmem:s24], [sflag:$0x1] =	stream.indirect.gather [hbm4b:s3+s14], $0x80, s26, s14, $0xb8;
	[tilespmem:$0x11000] =	vst v63  }
0x68: {  	s31 =	simm.s32 $0x280;
	s25 =	sor.u32 $0x5000, s25  }
0x69: {  	[tilespmem:s25], [sflag:$0x1] =	stream.indirect.gather [hbm4b:s3+s14], $0x80, s31, s14, $0xb8;
	[tilespmem:$0x11000] =	vst v63  }
0x6a: {  	_ =	swait.ge [sflag:s17], $0x4000  }
0x6b: {  	[sflag:s17] =	ssyncset.done $0x0  }
0x6c: {  	[sflag:s17] =	ssyncadd.s32 $0xFFFFC000  }
0x6d: {  	_ =	swait.ge [sflag:s17], $0x4000  }
0x6e: {  	s28 =	simm.s32 $0x380;
	s29 =	smov.u32 s12;
	[sflag:s17] =	ssyncset.done $0x0  }
0x6f: {  	s26 =	sadd.s32 $0x1000, s12;
	s25 =	simm.s32 $0x60000;
	[sflag:s17] =	ssyncadd.s32 $0xFFFFC000  }
.LBB2_4:
0x70: {  	[hbm4b:s29+s2] =	stream.linear.scatter [tilespmem:s24], [sflag:$0x2], $0x8000, $0x38;
	[tilespmem:$0x11000] =	vst v63  }
0x71: {  	s24 =	sshrl.u32 s25, $0x2;
	p0 =	sne.s32 s25, $0x1E0000;
	_ =	swait.ge [sflag:s22], $0x8000  }
0x72: {  	s25 =	sadd.s32 $0x20000, s25;
	s29 =	sand.u32 $0x8000, s24;
	[sflag:s22] =	ssyncset.done $0x0  }
0x73: {  	s30 =	sadd.s32 $0xFFFFFF80, s28;
	s24 =	sor.u32 $0x1000, s29;
	[sflag:s22] =	ssyncadd.s32 $0xFFFF8000  }
0x74: {  	[tilespmem:s24], [sflag:$0x1] =	stream.indirect.gather [hbm4b:s3+s14], $0x80, s30, s14, $0xb8;
	[tilespmem:$0x11000] =	vst v63  }
0x75: {  	s30 =	sor.u32 $0x5000, s29;
	s29 =	smov.u32 s26  }
0x76: {  	[tilespmem:s30], [sflag:$0x1] =	stream.indirect.gather [hbm4b:s3+s14], $0x80, s28, s14, $0xb8;
	[tilespmem:$0x11000] =	vst v63  }
0x77: {  	_ =	swait.ge [sflag:s17], $0x4000  }
.Ltmp1:
0x78: {  	[sflag:s17] =	ssyncset.done $0x0;
	(pc) =	sbr.rel @p0 .LBB2_4-.Ltmp1, $4  }
0x79: {  	[sflag:s17] =	ssyncadd.s32 $0xFFFFC000  }
0x7a: {  	_ =	swait.ge [sflag:s17], $0x4000  }
0x7b: {  	[sflag:s17] =	ssyncset.done $0x0  }
0x7c: {  	s26 =	sadd.s32 $0x1000, s26;
	s28 =	sadd.s32 $0x100, s28;
	[sflag:s17] =	ssyncadd.s32 $0xFFFFC000  }
0x7d: {  	[hbm4b:s29+s2] =	stream.linear.scatter [tilespmem:s24], [sflag:$0x2], $0x8000, $0x38;
	[tilespmem:$0x11000] =	vst v63  }
0x7e: {  	s23 =	sadd.s32 $0x1, s23  }
0x7f: {  	_ =	swait.ge [sflag:s22], $0x8000;
	p0 =	sne.s32 s23, s10  }
.Ltmp2:
0x80: {  	[sflag:s22] =	ssyncset.done $0x0;
	(pc) =	sbr.rel @p0 .LBB2_1-.Ltmp2, $4  }
0x81: {  	[sflag:s22] =	ssyncadd.s32 $0xFFFF8000  }
0x82: {  	_ =	swait.ge [sflag:s22], $0x8000  }
0x83: {  	[sflag:s22] =	ssyncset.done $0x0  }
0x84: {  	[sflag:s22] =	ssyncadd.s32 $0xFFFF8000  }
0x85: {  	_ =	sfence.sel $0x180000  }
0x86: {  	[bflag:$0x0] =	sbarrier.arrive $0xFFFF  }
0x87: {  	p0 =	sne.s32 s1, $0x0;
	_ =	strace $0x9000004D  }
0x88: {  	s0 =	sadd.s32 @!p0 $0x100000, s0;
	[bflag:$0x2] =	sbarrier.arrive $0xFFFF  }
0x89: {  	[sflag:s0] =	ssyncadd.tile.s32 @!p0 $0x1;
	_ =	shalt  }
.Lfunc_end2:
_tile_overlayer_lowered:
.L_overlay_start_2:
0x8a: {  	(tag) =	ssettag $0x2  }
0x8b: {  	s0 =	rddreg [dreg:$0x0];
	s2 =	stileid.u32  }
0x8c: {  	s1 =	rddreg [dreg:$0x1];
	p0 =	sne.s32 s2, $0x0  }
0x8d: {  	s3 =	rddreg [dreg:$0x2];
	[bflag:$0x3] =	sbarrier.arrive $0xFFFF;
	s2 =	simm.s32 @!p0 $0x1C03  }
0x8e: {  	[timem:s3], [sflag:s2] =	dma.local @!p0 [hbm:s0], s1  }
0x8f: {  	s0 =	simm.s32 @!p0 $0x3  }
0x90: {  	_ =	swait.ge @!p0 [sflag:s0], s1  }
0x91: {  	s1 =	ssub.s32 @!p0 $0x0, s1;
	[sflag:s0] =	ssyncset.done @!p0 $0x0  }
0x92: {  	[sflag:s0] =	ssyncadd.s32 @!p0 s1  }
0x93: {  	[bflag:$0x3] =	sbarrier.arrive $0xFFFF  }
0x94: {  	_ =	shalt  }

// kernel: kernel.16.cloned.1.call-start
scs
__scs_entry_jumppad:
0x0: {  	(pc) =	sbr.rel $0x88, $3  }
0x1: {  	(tag) =	ssettag $0x0;
	lr =	simm.s32 $0x1  }
0x2: {  	[smem:$0x3F96] =	sst lr;
	_ =	strace $0xD0000000  }
0x3: {  	_ = 	snop  }
0x4: {  	_ = 	snop  }
0x5: {  	_ = 	snop  }
0x6: {  	_ = 	snop  }
0x7: {  	_ = 	snop  }
__scs_overlays_trampoline_lowered:
0x8: {  	[smem:$0x3FA5] =	sst s0  }
0x9: {  	[smem:$0x3FA6] =	sst s1  }
0xa: {  	[smem:$0x3FA7] =	sst s2  }
0xb: {  	[smem:$0x3FA8] =	sst s3  }
0xc: {  	[smem:$0x3FA9] =	sst s4  }
0xd: {  	[smem:$0x3FAA] =	sst s5  }
0xe: {  	[smem:$0x3FAB] =	sst s6  }
0xf: {  	[smem:$0x3FAC] =	sst s7  }
0x10: {  	[smem:$0x3FAD] =	sst s8  }
0x11: {  	[smem:$0x3FAE] =	sst s9;
	s0 =	simm.s32 @!p0 $0x0  }
0x12: {  	s1 =	sld [smem:$0x3F94];
	s0 =	simm.s32 @p0 $0x1  }
0x13: {  	[smem:$0x3FAF] =	sst s0;
	s0 =	simm.s32 @!p1 $0x0  }
0x14: {  	s2 =	sld [smem:$0x3F93];
	s0 =	simm.s32 @p1 $0x1  }
0x15: {  	[smem:$0x3FB0] =	sst s0;
	s0 =	simm.s32 @!p2 $0x0  }
0x16: {  	s3 =	sld [smem:$0x3FDB];
	s0 =	simm.s32 @p2 $0x1  }
0x17: {  	s4 =	simm.s32 $0x1BF5;
	[smem:$0x3FB2] =	sst s0  }
0x18: {  	s0 =	sld [smem:$0x3F95];
	_ =	swait.ge [sflag:s4], $0x0  }
0x19: {  	s7 =	sld [smem:$0x3F96]  }
0x1a: {  	s8 =	sadd.s32 $0xFFFFE003, lr  }
0x1b: {  	s9 =	sadd.s32 $0xFFFFFEF7, lr;
	s5 =	simm.s32 $0xFFFFFFFF;
	p2 =	slt.u32 s8, $0xFFFFF086  }
0x1c: {  	p1 =	slt.u32 s9, $0xF7A;
	s5 =	simm.s32 @!p2 $0x0  }
0x1d: {  	s5 =	simm.s32 @p1 $0x1;
	p0 =	seq.s32 s7, s2  }
0x1e: {  	s7 =	smul.u32 @!p0 $0xF7A, s2;
	p2 =	seq.s32 @!p0 s5, $0x0  }
0x1f: {  	s9 =	smul.u32 $0xF7A, s1;
	s8 =	simm.s32 @!p0 $0x1BF5;
	p2 =	por !p2, p0  }
0x20: {  	[sflag:s8] =	ssyncset.s32 @!p0 $0xFFFFF086;
	s6 =	sadd.s32 @!p0 s3, s7;
	s7 =	simm.s32 @!p0 $0x108  }
0x21: {  	s3 =	sadd.s32 s3, s9;
	s6 =	sadd.s32 @!p0 $0x88, s6;
	s7 =	simm.s32 @p2 $0x1082  }
0x22: {  	[simem:s7], [sflag:s8] =	dma.local @!p0 [hbm:s6], $0xF7A  }
0x23: {  	s9 =	sor.u32 $0xD0000000, s2;
	s6 =	simm.s32 $0x108;
	_ =	swait.ge @!p0 [sflag:s8], $0x0  }
0x24: {  	s3 =	sadd.s32 $0x88, s3;
	s6 =	simm.s32 @!p1 $0x1082;
	[sflag:s4] =	ssyncset.s32 $0xFFFFF086  }
0x25: {  	[simem:s6], [sflag:s4] =	dma.local [hbm:s3], $0xF7A  }
0x26: {  	[smem:$0x3F96] =	sst s1;
	(tag) =	ssettag s2;
	_ =	strace s9  }
0x27: {  	s1 =	sld [smem:$0x3FA6]  }
0x28: {  	s2 =	sld [smem:$0x3FA7]  }
0x29: {  	s4 =	sld [smem:$0x3FA9]  }
0x2a: {  	p0 =	seq.s32 s5, $0x0;
	s5 =	sld [smem:$0x3FAA]  }
0x2b: {  	s6 =	sld [smem:$0x3FAB]  }
0x2c: {  	s7 =	sld [smem:$0x3FAC]  }
0x2d: {  	s3 =	simm.s32 $0x108;
	s8 =	sld [smem:$0x3FAD]  }
0x2e: {  	s3 =	simm.s32 @!p0 $0x1082;
	s9 =	sld [smem:$0x3FAE]  }
0x2f: {  	lr =	sadd.s32 s0, s3;
	s0 =	sld [smem:$0x3FA5]  }
0x30: {  	s3 =	sld [smem:$0x3FA8]  }
0x31: {  	[smem:$0x3FB1] =	sst s10  }
0x32: {  	s10 =	sld [smem:$0x3FAF];
	_ =	sdelay $0x3  }
0x33: {  	p0 =	seq.s32 s10, $0x1;
	s10 =	sld [smem:$0x3FB1];
	_ =	sdelay $0x3  }
0x34: {  	[smem:$0x3FB1] =	sst s10  }
0x35: {  	s10 =	sld [smem:$0x3FB0];
	_ =	sdelay $0x3  }
0x36: {  	p1 =	seq.s32 s10, $0x1;
	s10 =	sld [smem:$0x3FB1];
	_ =	sdelay $0x3  }
0x37: {  	[smem:$0x3FB1] =	sst s10  }
0x38: {  	s10 =	sld [smem:$0x3FB2]  }
0x39: {  	_ = 	snop;
	(pc) =	sbr.ind lr, $3  }
0x3a: {  	_ = 	snop  }
0x3b: {  	_ = 	snop  }
0x3c: {  	p2 =	seq.s32 s10, $0x1;
	s10 =	sld [smem:$0x3FB1]  }
0x3d: {  	_ =	shalt  }
0x3e: {  	_ =	shalt  }
0x3f: {  	_ =	shalt  }
0x40: {  	_ =	shalt  }
0x41: {  	_ =	shalt  }
0x42: {  	_ =	shalt  }
0x43: {  	_ =	shalt  }
0x44: {  	_ =	shalt  }
0x45: {  	_ =	shalt  }
0x46: {  	_ =	shalt  }
0x47: {  	_ =	shalt  }
0x48: {  	_ =	shalt  }
0x49: {  	_ =	shalt  }
0x4a: {  	_ =	shalt  }
0x4b: {  	_ =	shalt  }
0x4c: {  	_ =	shalt  }
0x4d: {  	_ =	shalt  }
0x4e: {  	_ =	shalt  }
0x4f: {  	_ =	shalt  }
0x50: {  	_ =	shalt  }
0x51: {  	_ =	shalt  }
0x52: {  	_ =	shalt  }
0x53: {  	_ =	shalt  }
0x54: {  	_ =	shalt  }
0x55: {  	_ =	shalt  }
0x56: {  	_ =	shalt  }
0x57: {  	_ =	shalt  }
0x58: {  	_ =	shalt  }
0x59: {  	_ =	shalt  }
0x5a: {  	_ =	shalt  }
0x5b: {  	_ =	shalt  }
0x5c: {  	_ =	shalt  }
0x5d: {  	_ =	shalt  }
0x5e: {  	_ =	shalt  }
0x5f: {  	_ =	shalt  }
0x60: {  	_ =	shalt  }
0x61: {  	_ =	shalt  }
0x62: {  	_ =	shalt  }
0x63: {  	_ =	shalt  }
0x64: {  	_ =	shalt  }
0x65: {  	_ =	shalt  }
0x66: {  	_ =	shalt  }
0x67: {  	_ =	shalt  }
0x68: {  	_ =	shalt  }
0x69: {  	_ =	shalt  }
0x6a: {  	_ =	shalt  }
0x6b: {  	_ =	shalt  }
0x6c: {  	_ =	shalt  }
0x6d: {  	_ =	shalt  }
0x6e: {  	_ =	shalt  }
0x6f: {  	_ =	shalt  }
0x70: {  	_ =	shalt  }
0x71: {  	_ =	shalt  }
0x72: {  	_ =	shalt  }
0x73: {  	_ =	shalt  }
0x74: {  	_ =	shalt  }
0x75: {  	_ =	shalt  }
0x76: {  	_ =	shalt  }
0x77: {  	_ =	shalt  }
0x78: {  	_ =	shalt  }
0x79: {  	_ =	shalt  }
0x7a: {  	_ =	shalt  }
0x7b: {  	_ =	shalt  }
0x7c: {  	_ =	shalt  }
0x7d: {  	_ =	shalt  }
0x7e: {  	_ =	shalt  }
0x7f: {  	_ =	shalt  }
0x80: {  	_ =	shalt  }
0x81: {  	_ =	shalt  }
0x82: {  	_ =	shalt  }
0x83: {  	_ =	shalt  }
0x84: {  	_ =	shalt  }
0x85: {  	_ =	shalt  }
0x86: {  	_ =	shalt  }
0x87: {  	_ =	shalt  }
.Lfunc_end0:
.L_simem_size_0:
called_computation.2_lowered:
.L_overlay_start_0:
0x88: {  	s2 =	sld [smem:$0x3FD9]  }
0x89: {  	s3 =	sld [smem:$0x3FFE];
	_ =	sdelay $0x1  }
0x8a: {  	s1 =	srdreg.scid  }
0x8b: {  	s0 =	sand.u32 $0x1, s1  }
0x8c: {  	s17 =	sshll.u32 s0, $0xA;
	s2 =	sadd.s32 s3, s2  }
0x8d: {  	s2 =	sadd.s32 s2, s17  }
0x8e: {  	[smem:$0x3FBD] =	sst s2  }
0x8f: {  	_ = 	snop  }
0x90: {  	(tm) =	ssettm $0x1  }
0x91: {  	s18 =	sld [smem:$0x3FFB];
	_ =	sdelay $0x3  }
0x92: {  	_ =	strace s18  }
0x93: {  	s2 =	sld [smem:$0x3FFC];
	_ =	sdelay $0x3  }
0x94: {  	_ =	strace s2  }
0x95: {  	s2 =	sld [smem:$0x3FFD];
	_ =	sdelay $0x3  }
0x96: {  	_ =	strace s2  }
0x97: {  	_ =	strace $0x8FFFFFFF  }
0x98: {  	s19 =	sld [smem:$0x3FDB];
	_ =	sdelay $0x1  }
0x99: {  	s20 =	simm.s32 $_scs_section_size  }
0x9a: {  	s4 =	simm.s32 $_size__tile_overlayer_lowered;
	s5 =	simm.s32 $_tile_overlayer_lowered  }
0x9b: {  	s6 =	simm.s32 $0x1BFF;
	s21 =	sshll.u32 s5, $0x1;
	s3 =	sadd.s32 s20, s19  }
0x9c: {  	s22 =	simm.s32 $0x0;
	s4 =	sshll.u32 s4, $0x1;
	s5 =	sadd.s32 s21, s3  }
0x9d: {  	[timem:s22], [sflag:s6] =	dma.local [hbm:s5], s4  }
0x9e: {  	_ =	swait.ge [sflag:s6], s4  }
0x9f: {  	s4 =	ssub.s32 $0x0, s4;
	[sflag:s6] =	ssyncset.done $0x0  }
0xa0: {  	[sflag:s6] =	ssyncadd.s32 s4;
	_ =	sdelay $0x1  }
0xa1: {  	s23 =	simm.s32 $0x1B8B  }
0xa2: {  	_ =	swait.ge [sflag:s23], $0x1  }
0xa3: {  	[sflag:s23] =	ssyncset.done $0x0  }
0xa4: {  	[sflag:s23] =	ssyncadd.s32 $0xFFFFFFFF  }
0xa5: {  	s4 =	sld [smem:$0x0]  }
0xa6: {  	s5 =	sand.u32 $0xFFFFFFFE, s1  }
0xa7: {  	p0 =	sne.s32 s1, s5  }
0xa8: {  	s5 =	sshll.u32 @p0 s5, $0xE  }
0xa9: {  	s5 =	sadd.s32 @p0 $0x11B8D, s5;
	s6 =	sshll.u32 @p0 s4, $0x11  }
0xaa: {  	s5 =	sor.u32 @p0 s6, s5  }
0xab: {  	[sflag:s5] =	ssyncadd.remote.s32 @p0 $0x1;
	_ =	sdelay $0x1  }
0xac: {  	s5 =	simm.s32 @p0 $0x1B8D  }
0xad: {  	_ =	swait.eq @p0 [sflag:s5], $0x1  }
0xae: {  	[sflag:s5] =	ssyncadd.s32 @p0 $0xFFFFFFFF  }
0xaf: {  	s6 =	sshll.u32 @!p0 s1, $0xE  }
0xb0: {  	s6 =	sor.u32 @!p0 $0x4000, s6;
	s5 =	simm.s32 @!p0 $0x1B8D  }
0xb1: {  	s4 =	sshll.u32 @!p0 s4, $0x11;
	s6 =	sadd.s32 @!p0 $0x11B8D, s6;
	_ =	swait.eq @!p0 [sflag:s5], $0x1  }
0xb2: {  	s4 =	sor.u32 @!p0 s4, s6;
	[sflag:s5] =	ssyncadd.s32 @!p0 $0xFFFFFFFF  }
0xb3: {  	s25 =	simm.s32 $0x1B8E;
	s24 =	sld [smem:$0x3FFE];
	[sflag:s4] =	ssyncadd.remote.s32 @!p0 $0x1  }
0xb4: {  	s26 =	simm.s32 $execute0_lowered;
	[smem:$0x3FD2] =	sst s25  }
0xb5: {  	s5 =	sshll.u32 s26, $0x1;
	_ =	strace $0x80000049;
	[dreg:$0x1] =	wrdreg $0xFFFFFFFF  }
0xb6: {  	s28 =	simm.s32 $_size_execute0_lowered;
	s3 =	sadd.s32 s3, s5;
	[dreg:$0x0] =	wrdreg $0x0  }
0xb7: {  	s5 =	sshll.u32 s28, $0x1;
	[dreg:$0x2] =	wrdreg s3  }
0xb8: {  	[dreg:$0x3] =	wrdreg s5  }
0xb9: {  	[dreg:$0x4] =	wrdreg $0xC0  }
0xba: {  	_ =	task [dreg:s22], $0x5FFFF  }
0xbb: {  	[dreg:$0x1] =	wrdreg $0xFFFFFFFF  }
0xbc: {  	[dreg:$0x0] =	wrdreg $0x60  }
0xbd: {  	[dreg:$0x2] =	wrdreg s24  }
0xbe: {  	[dreg:$0x3] =	wrdreg $0xB  }
0xbf: {  	_ =	task.clear_ibuf [dreg:s22], $0x4FFFF;
	_ =	strace $0x90000049  }
0xc0: {  	s29 =	simm.s32 $0xB;
	_ =	strace $0x8000004B  }
0xc1: {  	_ =	swait.ge [sflag:s29], $0x1  }
0xc2: {  	[sflag:s29] =	ssyncadd.s32 $0xFFFFFFFF  }
0xc3: {  	_ =	strace $0x9000004B  }
0xc4: {  	_ =	sfence  }
0xc5: {  	s30 =	sld [smem:$0x0];
	_ =	sdelay $0x2  }
0xc6: {  	s31 =	sshll.u32 s1, $0xD;
	s1 =	sshrl.u32 s1, $0x2  }
0xc7: {  	s4 =	sand.u32 $0x4000, s31;
	s1 =	sadd.s32 s1, s30  }
0xc8: {  	s0 =	sor.u32 s4, s0;
	s1 =	sshll.u32 s1, $0x11  }
0xc9: {  	s0 =	sor.u32 s1, s0  }
0xca: {  	s0 =	sadd.s32 $0x8F2B, s0  }
0xcb: {  	[sflag:s0] =	ssyncadd.remote.s32 $0x1  }
0xcc: {  	_ =	sfence.sel $0xFFFF  }
0xcd: {  	[dreg:$0x0] =	wrdreg $0xFFFFFFFF;
	(pc) =	sbr.abs _section_cstart, $3  }
0xce: {  	[dreg:$0x1] =	wrdreg $0xFFFFFFFF  }
0xcf: {  	_ =	task.clear_ibuf [dreg:s22], $0x2FFFF;
	_ =	strace $0x9FFFFFFF  }
0xd0: {  	(tm) =	ssettm $0x7FFFFFFF  }
0xd1: {  	_ =	shalt  }
tec
execute0_lowered:
.L_overlay_start_1:
0x0: {  	(tag) =	ssettag $0x1  }
0x1: {  	s4 =	rddreg [dreg:$0x0]  }
0x2: {  	s0 =	rddreg [dreg:$0x1]  }
0x3: {  	s3 =	srdreg.scid;
	s2 =	simm.s32 $0x0;
	s1 =	stileid.u32  }
0x4: {  	s16 =	simm.s32 $0x5000;
	s17 =	simm.s32 $0x1;
	s18 =	simm.s32 $0x100  }
0x5: {  	s19 =	simm.s32 $0x9000;
	s20 =	simm.s32 $0x180;
	s21 =	simm.s32 $0xD000  }
0x6: {  	s22 =	simm.s32 $0x2;
	s23 =	simm.s32 $0x0;
	[smem:$0x7FF] =	sst s2  }
0x7: {  	s9 =	sand.u32 $0x1, s3;
	s3 =	sadd.s32 $0x321E00, s4;
	s10 =	sadd.s32 $0x6A8A00, s4  }
0x8: {  	s26 =	sshll.u32 s1, $0xD;
	s11 =	sadd.s32 $0x8A8A00, s4;
	s15 =	sshll.u32 s1, $0x11  }
0x9: {  	s5 =	sshll.u32 s9, $0xC;
	_ =	strace $0x8000004A;
	s7 =	ssub.s32 $0x2, s9  }
0xa: {  	s29 =	sshll.u32 s9, $0x10;
	s5 =	sor.u32 s5, s26;
	s28 =	sshrl.u32 s7, $0x1  }
0xb: {  	s6 =	sshrl.u32 s5, $0x3;
	s12 =	ssub.s32 s7, s28;
	s13 =	sshll.u32 s5, $0x4  }
0xc: {  	s8 =	sadd.s32 s6, s4;
	s5 =	sadd.s32 s10, s13;
	s14 =	sor.u32 $0x1000, s13  }
0xd: {  	s4 =	sadd.s32 $0x214600, s8;
	s6 =	sadd.s32 s10, s14;
	s7 =	sadd.s32 $0x218600, s8  }
0xe: {  	s8 =	sadd.s32 s11, s13;
	s10 =	sadd.s32 s15, s10;
	s9 =	sadd.s32 s11, s14  }
0xf: {  	s15 =	sadd.s32 s15, s11;
	s13 =	simm.s32 $0x3;
	s14 =	simm.s32 $0x80  }
0x10: {  	s30 =	sadd.s32 s29, s10;
	s10 =	smax.u32 s12, $0x1;
	s31 =	sadd.s32 s29, s15  }
0x11: {  	s15 =	simm.s32 $0x1000;
	s11 =	sadd.s32 $0x2000, s30;
	s12 =	sadd.s32 $0x2000, s31  }
.LBB2_1:
0x12: {  	[tilespmem:s2], [sflag:$0x3] =	stream.linear.gather [hbm4b:s4+s2], $0x1000, $0x38;
	[tilespmem:$0x11000] =	vst v63  }
0x13: {  	_ =	swait.ge [sflag:s13], $0x1000  }
0x14: {  	[sflag:s13] =	ssyncset.done $0x0  }
0x15: {  	[sflag:s13] =	ssyncadd.s32 $0xFFFFF000  }
0x16: {  	[tilespmem:s15], [sflag:$0x1] =	stream.indirect.gather [hbm4b:s3+s14], $0x80, s2, s14, $0xb8;
	[tilespmem:$0x11000] =	vst v63  }
0x17: {  	_ = 	snop  }
0x18: {  	[tilespmem:s16], [sflag:$0x1] =	stream.indirect.gather [hbm4b:s3+s14], $0x80, s14, s14, $0xb8;
	[tilespmem:$0x11000] =	vst v63  }
0x19: {  	_ =	swait.ge [sflag:s17], $0x4000  }
0x1a: {  	[sflag:s17] =	ssyncset.done $0x0  }
0x1b: {  	[sflag:s17] =	ssyncadd.s32 $0xFFFFC000  }
0x1c: {  	_ =	swait.ge [sflag:s17], $0x4000  }
0x1d: {  	[sflag:s17] =	ssyncset.done $0x0  }
0x1e: {  	[sflag:s17] =	ssyncadd.s32 $0xFFFFC000  }
0x1f: {  	[hbm4b:s5+s2] =	stream.linear.scatter [tilespmem:s15], [sflag:$0x2], $0x8000, $0x38;
	[tilespmem:$0x11000] =	vst v63  }
0x20: {  	_ = 	snop  }
0x21: {  	[tilespmem:s19], [sflag:$0x1] =	stream.indirect.gather [hbm4b:s3+s14], $0x80, s18, s14, $0xb8;
	[tilespmem:$0x11000] =	vst v63  }
0x22: {  	_ = 	snop  }
0x23: {  	[tilespmem:s21], [sflag:$0x1] =	stream.indirect.gather [hbm4b:s3+s14], $0x80, s20, s14, $0xb8;
	[tilespmem:$0x11000] =	vst v63  }
0x24: {  	_ =	swait.ge [sflag:s17], $0x4000  }
0x25: {  	[sflag:s17] =	ssyncset.done $0x0  }
0x26: {  	[sflag:s17] =	ssyncadd.s32 $0xFFFFC000  }
0x27: {  	_ =	swait.ge [sflag:s17], $0x4000  }
0x28: {  	[sflag:s17] =	ssyncset.done $0x0  }
0x29: {  	[sflag:s17] =	ssyncadd.s32 $0xFFFFC000  }
0x2a: {  	[hbm4b:s6+s2] =	stream.linear.scatter [tilespmem:s19], [sflag:$0x2], $0x8000, $0x38;
	[tilespmem:$0x11000] =	vst v63  }
0x2b: {  	s24 =	simm.s32 $0x10000;
	_ =	swait.ge [sflag:s22], $0x8000  }
0x2c: {  	s25 =	sand.u32 $0x8000, s24;
	[sflag:s22] =	ssyncset.done $0x0  }
0x2d: {  	s26 =	simm.s32 $0x200;
	s24 =	sor.u32 $0x1000, s25;
	[sflag:s22] =	ssyncadd.s32 $0xFFFF8000  }
0x2e: {  	[tilespmem:s24], [sflag:$0x1] =	stream.indirect.gather [hbm4b:s3+s14], $0x80, s26, s14, $0xb8;
	[tilespmem:$0x11000] =	vst v63  }
0x2f: {  	s31 =	simm.s32 $0x280;
	s25 =	sor.u32 $0x5000, s25  }
0x30: {  	[tilespmem:s25], [sflag:$0x1] =	stream.indirect.gather [hbm4b:s3+s14], $0x80, s31, s14, $0xb8;
	[tilespmem:$0x11000] =	vst v63  }
0x31: {  	_ =	swait.ge [sflag:s17], $0x4000  }
0x32: {  	[sflag:s17] =	ssyncset.done $0x0  }
0x33: {  	[sflag:s17] =	ssyncadd.s32 $0xFFFFC000  }
0x34: {  	_ =	swait.ge [sflag:s17], $0x4000  }
0x35: {  	s28 =	simm.s32 $0x380;
	s29 =	smov.u32 s11;
	[sflag:s17] =	ssyncset.done $0x0  }
0x36: {  	s26 =	sadd.s32 $0x1000, s11;
	s25 =	simm.s32 $0x60000;
	[sflag:s17] =	ssyncadd.s32 $0xFFFFC000  }
.LBB2_2:
0x37: {  	[hbm4b:s29+s2] =	stream.linear.scatter [tilespmem:s24], [sflag:$0x2], $0x8000, $0x38;
	[tilespmem:$0x11000] =	vst v63  }
0x38: {  	s24 =	sshrl.u32 s25, $0x2;
	p0 =	sne.s32 s25, $0x1E0000;
	_ =	swait.ge [sflag:s22], $0x8000  }
0x39: {  	s25 =	sadd.s32 $0x20000, s25;
	s29 =	sand.u32 $0x8000, s24;
	[sflag:s22] =	ssyncset.done $0x0  }
0x3a: {  	s30 =	sadd.s32 $0xFFFFFF80, s28;
	s24 =	sor.u32 $0x1000, s29;
	[sflag:s22] =	ssyncadd.s32 $0xFFFF8000  }
0x3b: {  	[tilespmem:s24], [sflag:$0x1] =	stream.indirect.gather [hbm4b:s3+s14], $0x80, s30, s14, $0xb8;
	[tilespmem:$0x11000] =	vst v63  }
0x3c: {  	s30 =	sor.u32 $0x5000, s29;
	s29 =	smov.u32 s26  }
0x3d: {  	[tilespmem:s30], [sflag:$0x1] =	stream.indirect.gather [hbm4b:s3+s14], $0x80, s28, s14, $0xb8;
	[tilespmem:$0x11000] =	vst v63  }
0x3e: {  	_ =	swait.ge [sflag:s17], $0x4000  }
.Ltmp0:
0x3f: {  	[sflag:s17] =	ssyncset.done $0x0;
	(pc) =	sbr.rel @p0 .LBB2_2-.Ltmp0, $4  }
0x40: {  	[sflag:s17] =	ssyncadd.s32 $0xFFFFC000  }
0x41: {  	_ =	swait.ge [sflag:s17], $0x4000  }
0x42: {  	[sflag:s17] =	ssyncset.done $0x0  }
0x43: {  	s26 =	sadd.s32 $0x1000, s26;
	s28 =	sadd.s32 $0x100, s28;
	[sflag:s17] =	ssyncadd.s32 $0xFFFFC000  }
0x44: {  	[hbm4b:s29+s2] =	stream.linear.scatter [tilespmem:s24], [sflag:$0x2], $0x8000, $0x38;
	[tilespmem:$0x11000] =	vst v63  }
0x45: {  	_ =	swait.ge [sflag:s22], $0x8000  }
0x46: {  	[sflag:s22] =	ssyncset.done $0x0  }
0x47: {  	[sflag:s22] =	ssyncadd.s32 $0xFFFF8000  }
0x48: {  	_ =	swait.ge [sflag:s22], $0x8000  }
0x49: {  	[sflag:s22] =	ssyncset.done $0x0  }
0x4a: {  	[sflag:s22] =	ssyncadd.s32 $0xFFFF8000  }
0x4b: {  	[tilespmem:s2], [sflag:$0x3] =	stream.linear.gather [hbm4b:s7+s2], $0x1000, $0x38;
	[tilespmem:$0x11000] =	vst v63  }
0x4c: {  	_ =	swait.ge [sflag:s13], $0x1000  }
0x4d: {  	[sflag:s13] =	ssyncset.done $0x0  }
0x4e: {  	[sflag:s13] =	ssyncadd.s32 $0xFFFFF000  }
0x4f: {  	[tilespmem:s15], [sflag:$0x1] =	stream.indirect.gather [hbm4b:s3+s14], $0x80, s2, s14, $0xb8;
	[tilespmem:$0x11000] =	vst v63  }
0x50: {  	_ = 	snop  }
0x51: {  	[tilespmem:s16], [sflag:$0x1] =	stream.indirect.gather [hbm4b:s3+s14], $0x80, s14, s14, $0xb8;
	[tilespmem:$0x11000] =	vst v63  }
0x52: {  	_ =	swait.ge [sflag:s17], $0x4000  }
0x53: {  	[sflag:s17] =	ssyncset.done $0x0  }
0x54: {  	[sflag:s17] =	ssyncadd.s32 $0xFFFFC000  }
0x55: {  	_ =	swait.ge [sflag:s17], $0x4000  }
0x56: {  	[sflag:s17] =	ssyncset.done $0x0  }
0x57: {  	[sflag:s17] =	ssyncadd.s32 $0xFFFFC000  }
0x58: {  	[hbm4b:s8+s2] =	stream.linear.scatter [tilespmem:s15], [sflag:$0x2], $0x8000, $0x38;
	[tilespmem:$0x11000] =	vst v63  }
0x59: {  	_ = 	snop  }
0x5a: {  	[tilespmem:s19], [sflag:$0x1] =	stream.indirect.gather [hbm4b:s3+s14], $0x80, s18, s14, $0xb8;
	[tilespmem:$0x11000] =	vst v63  }
0x5b: {  	_ = 	snop  }
0x5c: {  	[tilespmem:s21], [sflag:$0x1] =	stream.indirect.gather [hbm4b:s3+s14], $0x80, s20, s14, $0xb8;
	[tilespmem:$0x11000] =	vst v63  }
0x5d: {  	_ =	swait.ge [sflag:s17], $0x4000  }
0x5e: {  	[sflag:s17] =	ssyncset.done $0x0  }
0x5f: {  	[sflag:s17] =	ssyncadd.s32 $0xFFFFC000  }
0x60: {  	_ =	swait.ge [sflag:s17], $0x4000  }
0x61: {  	[sflag:s17] =	ssyncset.done $0x0  }
0x62: {  	[sflag:s17] =	ssyncadd.s32 $0xFFFFC000  }
0x63: {  	[hbm4b:s9+s2] =	stream.linear.scatter [tilespmem:s19], [sflag:$0x2], $0x8000, $0x38;
	[tilespmem:$0x11000] =	vst v63  }
0x64: {  	s30 =	simm.s32 $0x10000;
	_ =	swait.ge [sflag:s22], $0x8000  }
0x65: {  	s25 =	sand.u32 $0x8000, s30;
	[sflag:s22] =	ssyncset.done $0x0  }
0x66: {  	s26 =	simm.s32 $0x200;
	s24 =	sor.u32 $0x1000, s25;
	[sflag:s22] =	ssyncadd.s32 $0xFFFF8000  }
0x67: {  	[tilespmem:s24], [sflag:$0x1] =	stream.indirect.gather [hbm4b:s3+s14], $0x80, s26, s14, $0xb8;
	[tilespmem:$0x11000] =	vst v63  }
0x68: {  	s31 =	simm.s32 $0x280;
	s25 =	sor.u32 $0x5000, s25  }
0x69: {  	[tilespmem:s25], [sflag:$0x1] =	stream.indirect.gather [hbm4b:s3+s14], $0x80, s31, s14, $0xb8;
	[tilespmem:$0x11000] =	vst v63  }
0x6a: {  	_ =	swait.ge [sflag:s17], $0x4000  }
0x6b: {  	[sflag:s17] =	ssyncset.done $0x0  }
0x6c: {  	[sflag:s17] =	ssyncadd.s32 $0xFFFFC000  }
0x6d: {  	_ =	swait.ge [sflag:s17], $0x4000  }
0x6e: {  	s28 =	simm.s32 $0x380;
	s29 =	smov.u32 s12;
	[sflag:s17] =	ssyncset.done $0x0  }
0x6f: {  	s26 =	sadd.s32 $0x1000, s12;
	s25 =	simm.s32 $0x60000;
	[sflag:s17] =	ssyncadd.s32 $0xFFFFC000  }
.LBB2_4:
0x70: {  	[hbm4b:s29+s2] =	stream.linear.scatter [tilespmem:s24], [sflag:$0x2], $0x8000, $0x38;
	[tilespmem:$0x11000] =	vst v63  }
0x71: {  	s24 =	sshrl.u32 s25, $0x2;
	p0 =	sne.s32 s25, $0x1E0000;
	_ =	swait.ge [sflag:s22], $0x8000  }
0x72: {  	s25 =	sadd.s32 $0x20000, s25;
	s29 =	sand.u32 $0x8000, s24;
	[sflag:s22] =	ssyncset.done $0x0  }
0x73: {  	s30 =	sadd.s32 $0xFFFFFF80, s28;
	s24 =	sor.u32 $0x1000, s29;
	[sflag:s22] =	ssyncadd.s32 $0xFFFF8000  }
0x74: {  	[tilespmem:s24], [sflag:$0x1] =	stream.indirect.gather [hbm4b:s3+s14], $0x80, s30, s14, $0xb8;
	[tilespmem:$0x11000] =	vst v63  }
0x75: {  	s30 =	sor.u32 $0x5000, s29;
	s29 =	smov.u32 s26  }
0x76: {  	[tilespmem:s30], [sflag:$0x1] =	stream.indirect.gather [hbm4b:s3+s14], $0x80, s28, s14, $0xb8;
	[tilespmem:$0x11000] =	vst v63  }
0x77: {  	_ =	swait.ge [sflag:s17], $0x4000  }
.Ltmp1:
0x78: {  	[sflag:s17] =	ssyncset.done $0x0;
	(pc) =	sbr.rel @p0 .LBB2_4-.Ltmp1, $4  }
0x79: {  	[sflag:s17] =	ssyncadd.s32 $0xFFFFC000  }
0x7a: {  	_ =	swait.ge [sflag:s17], $0x4000  }
0x7b: {  	[sflag:s17] =	ssyncset.done $0x0  }
0x7c: {  	s26 =	sadd.s32 $0x1000, s26;
	s28 =	sadd.s32 $0x100, s28;
	[sflag:s17] =	ssyncadd.s32 $0xFFFFC000  }
0x7d: {  	[hbm4b:s29+s2] =	stream.linear.scatter [tilespmem:s24], [sflag:$0x2], $0x8000, $0x38;
	[tilespmem:$0x11000] =	vst v63  }
0x7e: {  	s23 =	sadd.s32 $0x1, s23  }
0x7f: {  	_ =	swait.ge [sflag:s22], $0x8000;
	p0 =	sne.s32 s23, s10  }
.Ltmp2:
0x80: {  	[sflag:s22] =	ssyncset.done $0x0;
	(pc) =	sbr.rel @p0 .LBB2_1-.Ltmp2, $4  }
0x81: {  	[sflag:s22] =	ssyncadd.s32 $0xFFFF8000  }
0x82: {  	_ =	swait.ge [sflag:s22], $0x8000  }
0x83: {  	[sflag:s22] =	ssyncset.done $0x0  }
0x84: {  	[sflag:s22] =	ssyncadd.s32 $0xFFFF8000  }
0x85: {  	_ =	sfence.sel $0x180000  }
0x86: {  	[bflag:$0x0] =	sbarrier.arrive $0xFFFF  }
0x87: {  	p0 =	sne.s32 s1, $0x0;
	_ =	strace $0x9000004A  }
0x88: {  	s0 =	sadd.s32 @!p0 $0x100000, s0;
	[bflag:$0x2] =	sbarrier.arrive $0xFFFF  }
0x89: {  	[sflag:s0] =	ssyncadd.tile.s32 @!p0 $0x1;
	_ =	shalt  }
.Lfunc_end2:
_tile_overlayer_lowered:
.L_overlay_start_2:
0x8a: {  	(tag) =	ssettag $0x2  }
0x8b: {  	s0 =	rddreg [dreg:$0x0];
	s2 =	stileid.u32  }
0x8c: {  	s1 =	rddreg [dreg:$0x1];
	p0 =	sne.s32 s2, $0x0  }
0x8d: {  	s3 =	rddreg [dreg:$0x2];
	[bflag:$0x3] =	sbarrier.arrive $0xFFFF;
	s2 =	simm.s32 @!p0 $0x1C03  }
0x8e: {  	[timem:s3], [sflag:s2] =	dma.local @!p0 [hbm:s0], s1  }
0x8f: {  	s0 =	simm.s32 @!p0 $0x3  }
0x90: {  	_ =	swait.ge @!p0 [sflag:s0], s1  }
0x91: {  	s1 =	ssub.s32 @!p0 $0x0, s1;
	[sflag:s0] =	ssyncset.done @!p0 $0x0  }
0x92: {  	[sflag:s0] =	ssyncadd.s32 @!p0 s1  }
0x93: {  	[bflag:$0x3] =	sbarrier.arrive $0xFFFF  }
0x94: {  	_ =	shalt  }

// kernel: kernel.19.cloned.1.call-start
scs
__scs_entry_jumppad:
0x0: {  	(pc) =	sbr.rel $0x88, $3  }
0x1: {  	(tag) =	ssettag $0x0;
	lr =	simm.s32 $0x1  }
0x2: {  	[smem:$0x3F96] =	sst lr;
	_ =	strace $0xD0000000  }
0x3: {  	_ = 	snop  }
0x4: {  	_ = 	snop  }
0x5: {  	_ = 	snop  }
0x6: {  	_ = 	snop  }
0x7: {  	_ = 	snop  }
__scs_overlays_trampoline_lowered:
0x8: {  	[smem:$0x3FA5] =	sst s0  }
0x9: {  	[smem:$0x3FA6] =	sst s1  }
0xa: {  	[smem:$0x3FA7] =	sst s2  }
0xb: {  	[smem:$0x3FA8] =	sst s3  }
0xc: {  	[smem:$0x3FA9] =	sst s4  }
0xd: {  	[smem:$0x3FAA] =	sst s5  }
0xe: {  	[smem:$0x3FAB] =	sst s6  }
0xf: {  	[smem:$0x3FAC] =	sst s7  }
0x10: {  	[smem:$0x3FAD] =	sst s8  }
0x11: {  	[smem:$0x3FAE] =	sst s9;
	s0 =	simm.s32 @!p0 $0x0  }
0x12: {  	s1 =	sld [smem:$0x3F94];
	s0 =	simm.s32 @p0 $0x1  }
0x13: {  	[smem:$0x3FAF] =	sst s0;
	s0 =	simm.s32 @!p1 $0x0  }
0x14: {  	s2 =	sld [smem:$0x3F93];
	s0 =	simm.s32 @p1 $0x1  }
0x15: {  	[smem:$0x3FB0] =	sst s0;
	s0 =	simm.s32 @!p2 $0x0  }
0x16: {  	s3 =	sld [smem:$0x3FDB];
	s0 =	simm.s32 @p2 $0x1  }
0x17: {  	s4 =	simm.s32 $0x1BF5;
	[smem:$0x3FB2] =	sst s0  }
0x18: {  	s0 =	sld [smem:$0x3F95];
	_ =	swait.ge [sflag:s4], $0x0  }
0x19: {  	s7 =	sld [smem:$0x3F96]  }
0x1a: {  	s8 =	sadd.s32 $0xFFFFE003, lr  }
0x1b: {  	s9 =	sadd.s32 $0xFFFFFEF7, lr;
	s5 =	simm.s32 $0xFFFFFFFF;
	p2 =	slt.u32 s8, $0xFFFFF086  }
0x1c: {  	p1 =	slt.u32 s9, $0xF7A;
	s5 =	simm.s32 @!p2 $0x0  }
0x1d: {  	s5 =	simm.s32 @p1 $0x1;
	p0 =	seq.s32 s7, s2  }
0x1e: {  	s7 =	smul.u32 @!p0 $0xF7A, s2;
	p2 =	seq.s32 @!p0 s5, $0x0  }
0x1f: {  	s9 =	smul.u32 $0xF7A, s1;
	s8 =	simm.s32 @!p0 $0x1BF5;
	p2 =	por !p2, p0  }
0x20: {  	[sflag:s8] =	ssyncset.s32 @!p0 $0xFFFFF086;
	s6 =	sadd.s32 @!p0 s3, s7;
	s7 =	simm.s32 @!p0 $0x108  }
0x21: {  	s3 =	sadd.s32 s3, s9;
	s6 =	sadd.s32 @!p0 $0x88, s6;
	s7 =	simm.s32 @p2 $0x1082  }
0x22: {  	[simem:s7], [sflag:s8] =	dma.local @!p0 [hbm:s6], $0xF7A  }
0x23: {  	s9 =	sor.u32 $0xD0000000, s2;
	s6 =	simm.s32 $0x108;
	_ =	swait.ge @!p0 [sflag:s8], $0x0  }
0x24: {  	s3 =	sadd.s32 $0x88, s3;
	s6 =	simm.s32 @!p1 $0x1082;
	[sflag:s4] =	ssyncset.s32 $0xFFFFF086  }
0x25: {  	[simem:s6], [sflag:s4] =	dma.local [hbm:s3], $0xF7A  }
0x26: {  	[smem:$0x3F96] =	sst s1;
	(tag) =	ssettag s2;
	_ =	strace s9  }
0x27: {  	s1 =	sld [smem:$0x3FA6]  }
0x28: {  	s2 =	sld [smem:$0x3FA7]  }
0x29: {  	s4 =	sld [smem:$0x3FA9]  }
0x2a: {  	p0 =	seq.s32 s5, $0x0;
	s5 =	sld [smem:$0x3FAA]  }
0x2b: {  	s6 =	sld [smem:$0x3FAB]  }
0x2c: {  	s7 =	sld [smem:$0x3FAC]  }
0x2d: {  	s3 =	simm.s32 $0x108;
	s8 =	sld [smem:$0x3FAD]  }
0x2e: {  	s3 =	simm.s32 @!p0 $0x1082;
	s9 =	sld [smem:$0x3FAE]  }
0x2f: {  	lr =	sadd.s32 s0, s3;
	s0 =	sld [smem:$0x3FA5]  }
0x30: {  	s3 =	sld [smem:$0x3FA8]  }
0x31: {  	[smem:$0x3FB1] =	sst s10  }
0x32: {  	s10 =	sld [smem:$0x3FAF];
	_ =	sdelay $0x3  }
0x33: {  	p0 =	seq.s32 s10, $0x1;
	s10 =	sld [smem:$0x3FB1];
	_ =	sdelay $0x3  }
0x34: {  	[smem:$0x3FB1] =	sst s10  }
0x35: {  	s10 =	sld [smem:$0x3FB0];
	_ =	sdelay $0x3  }
0x36: {  	p1 =	seq.s32 s10, $0x1;
	s10 =	sld [smem:$0x3FB1];
	_ =	sdelay $0x3  }
0x37: {  	[smem:$0x3FB1] =	sst s10  }
0x38: {  	s10 =	sld [smem:$0x3FB2]  }
0x39: {  	_ = 	snop;
	(pc) =	sbr.ind lr, $3  }
0x3a: {  	_ = 	snop  }
0x3b: {  	_ = 	snop  }
0x3c: {  	p2 =	seq.s32 s10, $0x1;
	s10 =	sld [smem:$0x3FB1]  }
0x3d: {  	_ =	shalt  }
0x3e: {  	_ =	shalt  }
0x3f: {  	_ =	shalt  }
0x40: {  	_ =	shalt  }
0x41: {  	_ =	shalt  }
0x42: {  	_ =	shalt  }
0x43: {  	_ =	shalt  }
0x44: {  	_ =	shalt  }
0x45: {  	_ =	shalt  }
0x46: {  	_ =	shalt  }
0x47: {  	_ =	shalt  }
0x48: {  	_ =	shalt  }
0x49: {  	_ =	shalt  }
0x4a: {  	_ =	shalt  }
0x4b: {  	_ =	shalt  }
0x4c: {  	_ =	shalt  }
0x4d: {  	_ =	shalt  }
0x4e: {  	_ =	shalt  }
0x4f: {  	_ =	shalt  }
0x50: {  	_ =	shalt  }
0x51: {  	_ =	shalt  }
0x52: {  	_ =	shalt  }
0x53: {  	_ =	shalt  }
0x54: {  	_ =	shalt  }
0x55: {  	_ =	shalt  }
0x56: {  	_ =	shalt  }
0x57: {  	_ =	shalt  }
0x58: {  	_ =	shalt  }
0x59: {  	_ =	shalt  }
0x5a: {  	_ =	shalt  }
0x5b: {  	_ =	shalt  }
0x5c: {  	_ =	shalt  }
0x5d: {  	_ =	shalt  }
0x5e: {  	_ =	shalt  }
0x5f: {  	_ =	shalt  }
0x60: {  	_ =	shalt  }
0x61: {  	_ =	shalt  }
0x62: {  	_ =	shalt  }
0x63: {  	_ =	shalt  }
0x64: {  	_ =	shalt  }
0x65: {  	_ =	shalt  }
0x66: {  	_ =	shalt  }
0x67: {  	_ =	shalt  }
0x68: {  	_ =	shalt  }
0x69: {  	_ =	shalt  }
0x6a: {  	_ =	shalt  }
0x6b: {  	_ =	shalt  }
0x6c: {  	_ =	shalt  }
0x6d: {  	_ =	shalt  }
0x6e: {  	_ =	shalt  }
0x6f: {  	_ =	shalt  }
0x70: {  	_ =	shalt  }
0x71: {  	_ =	shalt  }
0x72: {  	_ =	shalt  }
0x73: {  	_ =	shalt  }
0x74: {  	_ =	shalt  }
0x75: {  	_ =	shalt  }
0x76: {  	_ =	shalt  }
0x77: {  	_ =	shalt  }
0x78: {  	_ =	shalt  }
0x79: {  	_ =	shalt  }
0x7a: {  	_ =	shalt  }
0x7b: {  	_ =	shalt  }
0x7c: {  	_ =	shalt  }
0x7d: {  	_ =	shalt  }
0x7e: {  	_ =	shalt  }
0x7f: {  	_ =	shalt  }
0x80: {  	_ =	shalt  }
0x81: {  	_ =	shalt  }
0x82: {  	_ =	shalt  }
0x83: {  	_ =	shalt  }
0x84: {  	_ =	shalt  }
0x85: {  	_ =	shalt  }
0x86: {  	_ =	shalt  }
0x87: {  	_ =	shalt  }
.Lfunc_end0:
.L_simem_size_0:
called_computation.3_lowered:
.L_overlay_start_0:
0x88: {  	s2 =	sld [smem:$0x3FD9]  }
0x89: {  	s3 =	sld [smem:$0x3FFE];
	_ =	sdelay $0x1  }
0x8a: {  	s1 =	srdreg.scid  }
0x8b: {  	s0 =	sand.u32 $0x1, s1  }
0x8c: {  	s16 =	sshll.u32 s0, $0xA;
	s2 =	sadd.s32 s3, s2  }
0x8d: {  	s2 =	sadd.s32 s2, s16  }
0x8e: {  	[smem:$0x3FBD] =	sst s2  }
0x8f: {  	_ = 	snop  }
0x90: {  	(tm) =	ssettm $0x1  }
0x91: {  	s17 =	sld [smem:$0x3FFB];
	_ =	sdelay $0x3  }
0x92: {  	_ =	strace s17  }
0x93: {  	s2 =	sld [smem:$0x3FFC];
	_ =	sdelay $0x3  }
0x94: {  	_ =	strace s2  }
0x95: {  	s2 =	sld [smem:$0x3FFD];
	_ =	sdelay $0x3  }
0x96: {  	_ =	strace s2  }
0x97: {  	_ =	strace $0x8FFFFFFF  }
0x98: {  	s18 =	sld [smem:$0x3FDB];
	_ =	sdelay $0x1  }
0x99: {  	s19 =	simm.s32 $_scs_section_size  }
0x9a: {  	s4 =	simm.s32 $_size__tile_overlayer_lowered;
	s5 =	simm.s32 $_tile_overlayer_lowered  }
0x9b: {  	s22 =	simm.s32 $0x1BFF;
	s21 =	sshll.u32 s5, $0x1;
	s2 =	sadd.s32 s19, s18  }
0x9c: {  	s6 =	simm.s32 $0x0;
	s20 =	sshll.u32 s4, $0x1;
	s4 =	sadd.s32 s21, s2  }
0x9d: {  	[timem:s6], [sflag:s22] =	dma.local [hbm:s4], s20  }
0x9e: {  	_ =	swait.ge [sflag:s22], s20  }
0x9f: {  	s3 =	ssub.s32 $0x0, s20;
	[sflag:s22] =	ssyncset.done $0x0  }
0xa0: {  	[sflag:s22] =	ssyncadd.s32 s3;
	_ =	sdelay $0x1  }
0xa1: {  	s23 =	simm.s32 $0x1B8B  }
0xa2: {  	_ =	swait.ge [sflag:s23], $0x1  }
0xa3: {  	[sflag:s23] =	ssyncset.done $0x0  }
0xa4: {  	s25 =	simm.s32 $0x1B8E;
	s24 =	sld [smem:$0x3FFE];
	[sflag:s23] =	ssyncadd.s32 $0xFFFFFFFF  }
0xa5: {  	s26 =	simm.s32 $execute0_lowered;
	[smem:$0x3FD2] =	sst s25  }
0xa6: {  	s4 =	sshll.u32 s26, $0x1;
	_ =	strace $0x80000046;
	[dreg:$0x1] =	wrdreg $0xFFFFFFFF  }
0xa7: {  	s28 =	simm.s32 $_size_execute0_lowered;
	s2 =	sadd.s32 s2, s4;
	[dreg:$0x0] =	wrdreg $0x0  }
0xa8: {  	s4 =	sshll.u32 s28, $0x1;
	[dreg:$0x2] =	wrdreg s2  }
0xa9: {  	[dreg:$0x3] =	wrdreg s4  }
0xaa: {  	[dreg:$0x4] =	wrdreg $0xC0  }
0xab: {  	_ =	task [dreg:s6], $0x5FFFF  }
0xac: {  	[dreg:$0x1] =	wrdreg $0xFFFFFFFF  }
0xad: {  	[dreg:$0x0] =	wrdreg $0x60  }
0xae: {  	[dreg:$0x2] =	wrdreg s24  }
0xaf: {  	[dreg:$0x3] =	wrdreg $0xC  }
0xb0: {  	_ =	task.clear_ibuf [dreg:s6], $0x4FFFF;
	_ =	strace $0x90000046  }
0xb1: {  	s29 =	simm.s32 $0xC;
	_ =	strace $0x80000048  }
0xb2: {  	_ =	swait.ge [sflag:s29], $0x1  }
0xb3: {  	[sflag:s29] =	ssyncadd.s32 $0xFFFFFFFF  }
0xb4: {  	_ =	strace $0x90000048  }
0xb5: {  	_ =	sfence  }
0xb6: {  	s30 =	sld [smem:$0x0];
	_ =	sdelay $0x2  }
0xb7: {  	s31 =	sshll.u32 s1, $0xD;
	s1 =	sshrl.u32 s1, $0x2  }
0xb8: {  	s3 =	sand.u32 $0x4000, s31;
	s1 =	sadd.s32 s1, s30  }
0xb9: {  	s0 =	sor.u32 s3, s0;
	s1 =	sshll.u32 s1, $0x11  }
0xba: {  	s0 =	sor.u32 s1, s0  }
0xbb: {  	s0 =	sadd.s32 $0x8F2B, s0  }
0xbc: {  	[sflag:s0] =	ssyncadd.remote.s32 $0x1  }
0xbd: {  	_ =	sfence.sel $0xFFFF  }
0xbe: {  	[dreg:$0x0] =	wrdreg $0xFFFFFFFF;
	(pc) =	sbr.abs _section_cstart, $3  }
0xbf: {  	[dreg:$0x1] =	wrdreg $0xFFFFFFFF  }
0xc0: {  	_ =	task.clear_ibuf [dreg:s6], $0x2FFFF;
	_ =	strace $0x9FFFFFFF  }
0xc1: {  	(tm) =	ssettm $0x7FFFFFFF  }
tec
execute0_lowered:
.L_overlay_start_1:
0x0: {  	(tag) =	ssettag $0x1  }
0x1: {  	s4 =	rddreg [dreg:$0x0]  }
0x2: {  	s0 =	rddreg [dreg:$0x1]  }
0x3: {  	s3 =	srdreg.scid;
	s2 =	simm.s32 $0x0;
	s1 =	stileid.u32  }
0x4: {  	s16 =	simm.s32 $0x5000;
	s17 =	simm.s32 $0x1;
	s18 =	simm.s32 $0x100  }
0x5: {  	s19 =	simm.s32 $0x9000;
	s20 =	simm.s32 $0x180;
	s21 =	simm.s32 $0xD000  }
0x6: {  	s22 =	simm.s32 $0x2;
	s23 =	simm.s32 $0x0;
	s9 =	sand.u32 $0x1, s3  }
0x7: {  	[smem:$0x7FF] =	sst s2;
	s26 =	sshll.u32 s1, $0xD;
	s3 =	sadd.s32 $0x321E00, s4  }
0x8: {  	s10 =	sadd.s32 $0x14600, s4;
	s11 =	sadd.s32 $0x4A8A00, s4;
	s15 =	sshll.u32 s1, $0x11  }
0x9: {  	s5 =	sshll.u32 s9, $0xC;
	_ =	strace $0x80000047;
	s7 =	ssub.s32 $0x2, s9  }
0xa: {  	s29 =	sshll.u32 s9, $0x10;
	s5 =	sor.u32 s5, s26;
	s28 =	sshrl.u32 s7, $0x1  }
0xb: {  	s6 =	sshrl.u32 s5, $0x3;
	s12 =	ssub.s32 s7, s28;
	s13 =	sshll.u32 s5, $0x4  }
0xc: {  	s8 =	sadd.s32 s6, s4;
	s5 =	sadd.s32 s10, s13;
	s14 =	sor.u32 $0x1000, s13  }
0xd: {  	s4 =	sadd.s32 $0x10600, s8;
	s6 =	sadd.s32 s10, s14;
	s7 =	sadd.s32 $0xC600, s8  }
0xe: {  	s8 =	sadd.s32 s11, s13;
	s10 =	sadd.s32 s15, s10;
	s9 =	sadd.s32 s11, s14  }
0xf: {  	s15 =	sadd.s32 s15, s11;
	s13 =	simm.s32 $0x3;
	s14 =	simm.s32 $0x80  }
0x10: {  	s30 =	sadd.s32 s29, s10;
	s10 =	smax.u32 s12, $0x1;
	s31 =	sadd.s32 s29, s15  }
0x11: {  	s15 =	simm.s32 $0x1000;
	s11 =	sadd.s32 $0x2000, s30;
	s12 =	sadd.s32 $0x2000, s31  }
.LBB2_1:
0x12: {  	[tilespmem:s2], [sflag:$0x3] =	stream.linear.gather [hbm4b:s4+s2], $0x1000, $0x38;
	[tilespmem:$0x11000] =	vst v63  }
0x13: {  	_ =	swait.ge [sflag:s13], $0x1000  }
0x14: {  	[sflag:s13] =	ssyncset.done $0x0  }
0x15: {  	[sflag:s13] =	ssyncadd.s32 $0xFFFFF000  }
0x16: {  	[tilespmem:s15], [sflag:$0x1] =	stream.indirect.gather [hbm4b:s3+s14], $0x80, s2, s14, $0xb8;
	[tilespmem:$0x11000] =	vst v63  }
0x17: {  	_ = 	snop  }
0x18: {  	[tilespmem:s16], [sflag:$0x1] =	stream.indirect.gather [hbm4b:s3+s14], $0x80, s14, s14, $0xb8;
	[tilespmem:$0x11000] =	vst v63  }
0x19: {  	_ =	swait.ge [sflag:s17], $0x4000  }
0x1a: {  	[sflag:s17] =	ssyncset.done $0x0  }
0x1b: {  	[sflag:s17] =	ssyncadd.s32 $0xFFFFC000  }
0x1c: {  	_ =	swait.ge [sflag:s17], $0x4000  }
0x1d: {  	[sflag:s17] =	ssyncset.done $0x0  }
0x1e: {  	[sflag:s17] =	ssyncadd.s32 $0xFFFFC000  }
0x1f: {  	[hbm4b:s5+s2] =	stream.linear.scatter [tilespmem:s15], [sflag:$0x2], $0x8000, $0x38;
	[tilespmem:$0x11000] =	vst v63  }
0x20: {  	_ = 	snop  }
0x21: {  	[tilespmem:s19], [sflag:$0x1] =	stream.indirect.gather [hbm4b:s3+s14], $0x80, s18, s14, $0xb8;
	[tilespmem:$0x11000] =	vst v63  }
0x22: {  	_ = 	snop  }
0x23: {  	[tilespmem:s21], [sflag:$0x1] =	stream.indirect.gather [hbm4b:s3+s14], $0x80, s20, s14, $0xb8;
	[tilespmem:$0x11000] =	vst v63  }
0x24: {  	_ =	swait.ge [sflag:s17], $0x4000  }
0x25: {  	[sflag:s17] =	ssyncset.done $0x0  }
0x26: {  	[sflag:s17] =	ssyncadd.s32 $0xFFFFC000  }
0x27: {  	_ =	swait.ge [sflag:s17], $0x4000  }
0x28: {  	[sflag:s17] =	ssyncset.done $0x0  }
0x29: {  	[sflag:s17] =	ssyncadd.s32 $0xFFFFC000  }
0x2a: {  	[hbm4b:s6+s2] =	stream.linear.scatter [tilespmem:s19], [sflag:$0x2], $0x8000, $0x38;
	[tilespmem:$0x11000] =	vst v63  }
0x2b: {  	s24 =	simm.s32 $0x10000;
	_ =	swait.ge [sflag:s22], $0x8000  }
0x2c: {  	s25 =	sand.u32 $0x8000, s24;
	[sflag:s22] =	ssyncset.done $0x0  }
0x2d: {  	s26 =	simm.s32 $0x200;
	s24 =	sor.u32 $0x1000, s25;
	[sflag:s22] =	ssyncadd.s32 $0xFFFF8000  }
0x2e: {  	[tilespmem:s24], [sflag:$0x1] =	stream.indirect.gather [hbm4b:s3+s14], $0x80, s26, s14, $0xb8;
	[tilespmem:$0x11000] =	vst v63  }
0x2f: {  	s31 =	simm.s32 $0x280;
	s25 =	sor.u32 $0x5000, s25  }
0x30: {  	[tilespmem:s25], [sflag:$0x1] =	stream.indirect.gather [hbm4b:s3+s14], $0x80, s31, s14, $0xb8;
	[tilespmem:$0x11000] =	vst v63  }
0x31: {  	_ =	swait.ge [sflag:s17], $0x4000  }
0x32: {  	[sflag:s17] =	ssyncset.done $0x0  }
0x33: {  	[sflag:s17] =	ssyncadd.s32 $0xFFFFC000  }
0x34: {  	_ =	swait.ge [sflag:s17], $0x4000  }
0x35: {  	s28 =	simm.s32 $0x380;
	s29 =	smov.u32 s11;
	[sflag:s17] =	ssyncset.done $0x0  }
0x36: {  	s26 =	sadd.s32 $0x1000, s11;
	s25 =	simm.s32 $0x60000;
	[sflag:s17] =	ssyncadd.s32 $0xFFFFC000  }
.LBB2_2:
0x37: {  	[hbm4b:s29+s2] =	stream.linear.scatter [tilespmem:s24], [sflag:$0x2], $0x8000, $0x38;
	[tilespmem:$0x11000] =	vst v63  }
0x38: {  	s24 =	sshrl.u32 s25, $0x2;
	p0 =	sne.s32 s25, $0x1E0000;
	_ =	swait.ge [sflag:s22], $0x8000  }
0x39: {  	s25 =	sadd.s32 $0x20000, s25;
	s29 =	sand.u32 $0x8000, s24;
	[sflag:s22] =	ssyncset.done $0x0  }
0x3a: {  	s30 =	sadd.s32 $0xFFFFFF80, s28;
	s24 =	sor.u32 $0x1000, s29;
	[sflag:s22] =	ssyncadd.s32 $0xFFFF8000  }
0x3b: {  	[tilespmem:s24], [sflag:$0x1] =	stream.indirect.gather [hbm4b:s3+s14], $0x80, s30, s14, $0xb8;
	[tilespmem:$0x11000] =	vst v63  }
0x3c: {  	s30 =	sor.u32 $0x5000, s29;
	s29 =	smov.u32 s26  }
0x3d: {  	[tilespmem:s30], [sflag:$0x1] =	stream.indirect.gather [hbm4b:s3+s14], $0x80, s28, s14, $0xb8;
	[tilespmem:$0x11000] =	vst v63  }
0x3e: {  	_ =	swait.ge [sflag:s17], $0x4000  }
.Ltmp0:
0x3f: {  	[sflag:s17] =	ssyncset.done $0x0;
	(pc) =	sbr.rel @p0 .LBB2_2-.Ltmp0, $4  }
0x40: {  	[sflag:s17] =	ssyncadd.s32 $0xFFFFC000  }
0x41: {  	_ =	swait.ge [sflag:s17], $0x4000  }
0x42: {  	[sflag:s17] =	ssyncset.done $0x0  }
0x43: {  	s26 =	sadd.s32 $0x1000, s26;
	s28 =	sadd.s32 $0x100, s28;
	[sflag:s17] =	ssyncadd.s32 $0xFFFFC000  }
0x44: {  	[hbm4b:s29+s2] =	stream.linear.scatter [tilespmem:s24], [sflag:$0x2], $0x8000, $0x38;
	[tilespmem:$0x11000] =	vst v63  }
0x45: {  	_ =	swait.ge [sflag:s22], $0x8000  }
0x46: {  	[sflag:s22] =	ssyncset.done $0x0  }
0x47: {  	[sflag:s22] =	ssyncadd.s32 $0xFFFF8000  }
0x48: {  	_ =	swait.ge [sflag:s22], $0x8000  }
0x49: {  	[sflag:s22] =	ssyncset.done $0x0  }
0x4a: {  	[sflag:s22] =	ssyncadd.s32 $0xFFFF8000  }
0x4b: {  	[tilespmem:s2], [sflag:$0x3] =	stream.linear.gather [hbm4b:s7+s2], $0x1000, $0x38;
	[tilespmem:$0x11000] =	vst v63  }
0x4c: {  	_ =	swait.ge [sflag:s13], $0x1000  }
0x4d: {  	[sflag:s13] =	ssyncset.done $0x0  }
0x4e: {  	[sflag:s13] =	ssyncadd.s32 $0xFFFFF000  }
0x4f: {  	[tilespmem:s15], [sflag:$0x1] =	stream.indirect.gather [hbm4b:s3+s14], $0x80, s2, s14, $0xb8;
	[tilespmem:$0x11000] =	vst v63  }
0x50: {  	_ = 	snop  }
0x51: {  	[tilespmem:s16], [sflag:$0x1] =	stream.indirect.gather [hbm4b:s3+s14], $0x80, s14, s14, $0xb8;
	[tilespmem:$0x11000] =	vst v63  }
0x52: {  	_ =	swait.ge [sflag:s17], $0x4000  }
0x53: {  	[sflag:s17] =	ssyncset.done $0x0  }
0x54: {  	[sflag:s17] =	ssyncadd.s32 $0xFFFFC000  }
0x55: {  	_ =	swait.ge [sflag:s17], $0x4000  }
0x56: {  	[sflag:s17] =	ssyncset.done $0x0  }
0x57: {  	[sflag:s17] =	ssyncadd.s32 $0xFFFFC000  }
0x58: {  	[hbm4b:s8+s2] =	stream.linear.scatter [tilespmem:s15], [sflag:$0x2], $0x8000, $0x38;
	[tilespmem:$0x11000] =	vst v63  }
0x59: {  	_ = 	snop  }
0x5a: {  	[tilespmem:s19], [sflag:$0x1] =	stream.indirect.gather [hbm4b:s3+s14], $0x80, s18, s14, $0xb8;
	[tilespmem:$0x11000] =	vst v63  }
0x5b: {  	_ = 	snop  }
0x5c: {  	[tilespmem:s21], [sflag:$0x1] =	stream.indirect.gather [hbm4b:s3+s14], $0x80, s20, s14, $0xb8;
	[tilespmem:$0x11000] =	vst v63  }
0x5d: {  	_ =	swait.ge [sflag:s17], $0x4000  }
0x5e: {  	[sflag:s17] =	ssyncset.done $0x0  }
0x5f: {  	[sflag:s17] =	ssyncadd.s32 $0xFFFFC000  }
0x60: {  	_ =	swait.ge [sflag:s17], $0x4000  }
0x61: {  	[sflag:s17] =	ssyncset.done $0x0  }
0x62: {  	[sflag:s17] =	ssyncadd.s32 $0xFFFFC000  }
0x63: {  	[hbm4b:s9+s2] =	stream.linear.scatter [tilespmem:s19], [sflag:$0x2], $0x8000, $0x38;
	[tilespmem:$0x11000] =	vst v63  }
0x64: {  	s30 =	simm.s32 $0x10000;
	_ =	swait.ge [sflag:s22], $0x8000  }
0x65: {  	s25 =	sand.u32 $0x8000, s30;
	[sflag:s22] =	ssyncset.done $0x0  }
0x66: {  	s26 =	simm.s32 $0x200;
	s24 =	sor.u32 $0x1000, s25;
	[sflag:s22] =	ssyncadd.s32 $0xFFFF8000  }
0x67: {  	[tilespmem:s24], [sflag:$0x1] =	stream.indirect.gather [hbm4b:s3+s14], $0x80, s26, s14, $0xb8;
	[tilespmem:$0x11000] =	vst v63  }
0x68: {  	s31 =	simm.s32 $0x280;
	s25 =	sor.u32 $0x5000, s25  }
0x69: {  	[tilespmem:s25], [sflag:$0x1] =	stream.indirect.gather [hbm4b:s3+s14], $0x80, s31, s14, $0xb8;
	[tilespmem:$0x11000] =	vst v63  }
0x6a: {  	_ =	swait.ge [sflag:s17], $0x4000  }
0x6b: {  	[sflag:s17] =	ssyncset.done $0x0  }
0x6c: {  	[sflag:s17] =	ssyncadd.s32 $0xFFFFC000  }
0x6d: {  	_ =	swait.ge [sflag:s17], $0x4000  }
0x6e: {  	s28 =	simm.s32 $0x380;
	s29 =	smov.u32 s12;
	[sflag:s17] =	ssyncset.done $0x0  }
0x6f: {  	s26 =	sadd.s32 $0x1000, s12;
	s25 =	simm.s32 $0x60000;
	[sflag:s17] =	ssyncadd.s32 $0xFFFFC000  }
.LBB2_4:
0x70: {  	[hbm4b:s29+s2] =	stream.linear.scatter [tilespmem:s24], [sflag:$0x2], $0x8000, $0x38;
	[tilespmem:$0x11000] =	vst v63  }
0x71: {  	s24 =	sshrl.u32 s25, $0x2;
	p0 =	sne.s32 s25, $0x1E0000;
	_ =	swait.ge [sflag:s22], $0x8000  }
0x72: {  	s25 =	sadd.s32 $0x20000, s25;
	s29 =	sand.u32 $0x8000, s24;
	[sflag:s22] =	ssyncset.done $0x0  }
0x73: {  	s30 =	sadd.s32 $0xFFFFFF80, s28;
	s24 =	sor.u32 $0x1000, s29;
	[sflag:s22] =	ssyncadd.s32 $0xFFFF8000  }
0x74: {  	[tilespmem:s24], [sflag:$0x1] =	stream.indirect.gather [hbm4b:s3+s14], $0x80, s30, s14, $0xb8;
	[tilespmem:$0x11000] =	vst v63  }
0x75: {  	s30 =	sor.u32 $0x5000, s29;
	s29 =	smov.u32 s26  }
0x76: {  	[tilespmem:s30], [sflag:$0x1] =	stream.indirect.gather [hbm4b:s3+s14], $0x80, s28, s14, $0xb8;
	[tilespmem:$0x11000] =	vst v63  }
0x77: {  	_ =	swait.ge [sflag:s17], $0x4000  }
.Ltmp1:
0x78: {  	[sflag:s17] =	ssyncset.done $0x0;
	(pc) =	sbr.rel @p0 .LBB2_4-.Ltmp1, $4  }
0x79: {  	[sflag:s17] =	ssyncadd.s32 $0xFFFFC000  }
0x7a: {  	_ =	swait.ge [sflag:s17], $0x4000  }
0x7b: {  	[sflag:s17] =	ssyncset.done $0x0  }
0x7c: {  	s26 =	sadd.s32 $0x1000, s26;
	s28 =	sadd.s32 $0x100, s28;
	[sflag:s17] =	ssyncadd.s32 $0xFFFFC000  }
0x7d: {  	[hbm4b:s29+s2] =	stream.linear.scatter [tilespmem:s24], [sflag:$0x2], $0x8000, $0x38;
	[tilespmem:$0x11000] =	vst v63  }
0x7e: {  	s23 =	sadd.s32 $0x1, s23  }
0x7f: {  	_ =	swait.ge [sflag:s22], $0x8000;
	p0 =	sne.s32 s23, s10  }
.Ltmp2:
0x80: {  	[sflag:s22] =	ssyncset.done $0x0;
	(pc) =	sbr.rel @p0 .LBB2_1-.Ltmp2, $4  }
0x81: {  	[sflag:s22] =	ssyncadd.s32 $0xFFFF8000  }
0x82: {  	_ =	swait.ge [sflag:s22], $0x8000  }
0x83: {  	[sflag:s22] =	ssyncset.done $0x0  }
0x84: {  	[sflag:s22] =	ssyncadd.s32 $0xFFFF8000  }
0x85: {  	_ =	sfence.sel $0x180000  }
0x86: {  	[bflag:$0x0] =	sbarrier.arrive $0xFFFF  }
0x87: {  	p0 =	sne.s32 s1, $0x0;
	_ =	strace $0x90000047  }
0x88: {  	s0 =	sadd.s32 @!p0 $0x100000, s0;
	[bflag:$0x2] =	sbarrier.arrive $0xFFFF  }
0x89: {  	[sflag:s0] =	ssyncadd.tile.s32 @!p0 $0x1;
	_ =	shalt  }
.Lfunc_end2:
_tile_overlayer_lowered:
.L_overlay_start_2:
0x8a: {  	(tag) =	ssettag $0x2  }
0x8b: {  	s0 =	rddreg [dreg:$0x0];
	s2 =	stileid.u32  }
0x8c: {  	s1 =	rddreg [dreg:$0x1];
	p0 =	sne.s32 s2, $0x0  }
0x8d: {  	s3 =	rddreg [dreg:$0x2];
	[bflag:$0x3] =	sbarrier.arrive $0xFFFF;
	s2 =	simm.s32 @!p0 $0x1C03  }
0x8e: {  	[timem:s3], [sflag:s2] =	dma.local @!p0 [hbm:s0], s1  }
0x8f: {  	s0 =	simm.s32 @!p0 $0x3  }
0x90: {  	_ =	swait.ge @!p0 [sflag:s0], s1  }
0x91: {  	s1 =	ssub.s32 @!p0 $0x0, s1;
	[sflag:s0] =	ssyncset.done @!p0 $0x0  }
0x92: {  	[sflag:s0] =	ssyncadd.s32 @!p0 s1  }
0x93: {  	[bflag:$0x3] =	sbarrier.arrive $0xFFFF  }
0x94: {  	_ =	shalt  }

</sc_bundles>
